<compile_context>
chip_gen: v7x
topology: tpu7x:2x2x1
jax: 0.10.2.dev20260603
libtpu: 0.0.44.dev20260713+nightly
codegen_flags: <defaults>
</compile_context>

<pallas_src>
import functools

import jax
import jax.numpy as jnp
from jax import lax
from jax.experimental import pallas as pl
from jax.experimental.pallas import tpu as pltpu
from jax.experimental.pallas import tpu_sc as plsc

NC = 2
NS = 16
NW = NC * NS
LANE = 128
K = 8


def _node_pad(n):
    return ((n + 1 + 2047) // 2048) * 2048



def _make_edge_pass(ncols, gather, rows, np_):
    zb = np_ // NS
    rpw = rows // NW
    nblk = rpw // K

    mesh = plsc.VectorSubcoreMesh(
        core_axis_name="c", subcore_axis_name="s", num_cores=NC,
        num_subcores=NS)

    scratch = [pltpu.VMEM((K, LANE), jnp.int32)]
    if gather:
        scratch.append(pltpu.VMEM((K, LANE), jnp.int32))
        scratch += [pltpu.VMEM((K, LANE), jnp.float32) for _ in range(ncols)]
    else:
        scratch.append(pltpu.VMEM((LANE,), jnp.float32))
    scratch.append(pltpu.VMEM((zb,), jnp.float32))
    scratch += [pltpu.VMEM_SHARED((np_,), jnp.float32) for _ in range(ncols)]
    scratch += [pltpu.SemaphoreType.DMA] * 3

    def body(*refs):
        pos = 0
        dst_r = refs[pos]; pos += 1
        if gather:
            src_r = refs[pos]; pos += 1
            tables = refs[pos:pos + ncols]; pos += ncols
        out_r = refs[pos]; pos += 1
        dst_buf = refs[pos]; pos += 1
        if gather:
            src_buf = refs[pos]; pos += 1
            val_bufs = refs[pos:pos + ncols]; pos += ncols
        else:
            ones_buf = refs[pos]; pos += 1
        zbuf = refs[pos]; pos += 1
        accs = refs[pos:pos + ncols]; pos += ncols
        sem_i, sem_g, sem_s = refs[pos:pos + 3]

        cid = lax.axis_index("c")
        sid = lax.axis_index("s")
        wid = sid * NC + cid

        def zfill(i, _):
            zbuf[pl.ds(i * 16, 16)] = jnp.zeros((16,), jnp.float32)
            return 0
        lax.fori_loop(0, zb // 16, zfill, 0)
        if not gather:
            for j in range(LANE // 16):
                ones_buf[pl.ds(j * 16, 16)] = jnp.ones((16,), jnp.float32)
        for acc in accs:
            pltpu.sync_copy(zbuf, acc.at[pl.ds(sid * zb, zb)])
        plsc.subcore_barrier()

        base = wid * rpw

        def blk(b, _):
            row0 = base + b * K
            cps = [pltpu.async_copy(dst_r.at[pl.ds(row0, K)], dst_buf, sem_i)]
            if gather:
                cps.append(
                    pltpu.async_copy(src_r.at[pl.ds(row0, K)], src_buf, sem_i))
            for cp in cps:
                cp.wait()
            if gather:
                gs = []
                for t, vb in zip(tables, val_bufs):
                    for j in range(K):
                        gs.append(pltpu.async_copy(
                            t.at[src_buf.at[j]], vb.at[j], sem_g))
                for g in gs:
                    g.wait()
                srcs = val_bufs
            else:
                srcs = [None]
            ss = []
            for acc, vb in zip(accs, srcs):
                for j in range(K):
                    v = ones_buf if vb is None else vb.at[j]
                    ss.append(pltpu.async_copy(
                        v, acc.at[dst_buf.at[j]], sem_s, add=True))
            for s_ in ss:
                s_.wait()
            return 0
        lax.fori_loop(0, nblk, blk, 0)

        plsc.subcore_barrier()
        for ci, acc in enumerate(accs):
            off = (cid * ncols + ci) * np_ + sid * zb
            pltpu.sync_copy(acc.at[pl.ds(sid * zb, zb)],
                            out_r.at[pl.ds(off, zb)])

    return pl.kernel(
        body,
        out_type=jax.ShapeDtypeStruct((NC * ncols * np_,), jnp.float32),
        mesh=mesh,
        scratch_types=scratch,
    )



def _tc1_body(degp_ref, xt_ref, dinv_ref, g0_ref, g1_ref, g2_ref):
    deg = degp_ref[0, 0] + degp_ref[1, 0] + 1.0
    dinv = lax.rsqrt(deg)
    dinv_ref[...] = dinv
    g0_ref[...] = xt_ref[0] * dinv
    g1_ref[...] = xt_ref[1] * dinv
    g2_ref[...] = xt_ref[2] * dinv


def _tc2_body(accp_ref, g0_ref, g1_ref, g2_ref, dinv_ref, w1_ref, b1_ref,
              w2_ref, o0_ref, o1_ref):
    dinv = dinv_ref[...]
    gs = (g0_ref[...], g1_ref[...], g2_ref[...])
    a = [dinv * (accp_ref[0, c] + accp_ref[1, c] + gs[c]) for c in range(3)]
    hs = []
    for j in range(8):
        v = a[0] * w1_ref[0, j] + a[1] * w1_ref[1, j] + a[2] * w1_ref[2, j]
        hs.append(jnp.maximum(v + b1_ref[j], 0.0))
    for kk, oref in enumerate((o0_ref, o1_ref)):
        z = hs[0] * w2_ref[0, kk]
        for j in range(1, 8):
            z = z + hs[j] * w2_ref[j, kk]
        oref[...] = z * dinv


def _tc3_body(accp_ref, g0_ref, g1_ref, dinv_ref, b2_ref, out_ref):
    dinv = dinv_ref[...]
    gs = (g0_ref[...], g1_ref[...])
    for kk in range(2):
        out_ref[kk] = dinv * (accp_ref[0, kk] + accp_ref[1, kk] + gs[kk]) \
            + b2_ref[kk]


def _vspec():
    return pl.BlockSpec(memory_space=pltpu.VMEM)


def _sspec():
    return pl.BlockSpec(memory_space=pltpu.SMEM)



def kernel(x, edge_index, W1, b1, W2, b2):
    n = x.shape[0]
    e = edge_index.shape[1]
    np_ = _node_pad(n)
    nr = np_ // 128
    unit = NW * K * LANE
    e_pad = ((e + unit - 1) // unit) * unit
    rows = e_pad // LANE

    src = edge_index[0]
    dst = edge_index[1]
    pad = e_pad - e
    srcp = jnp.concatenate(
        [src, jnp.zeros((pad,), jnp.int32)]).reshape(rows, LANE)
    dstp = jnp.concatenate(
        [dst, jnp.full((pad,), n, jnp.int32)]).reshape(rows, LANE)
    xt = jnp.concatenate(
        [x, jnp.zeros((np_ - n, 3), x.dtype)]).T.reshape(3, nr, 128)

    deg_pass = _make_edge_pass(1, False, rows, np_)
    agg3_pass = _make_edge_pass(3, True, rows, np_)
    agg2_pass = _make_edge_pass(2, True, rows, np_)

    degp = deg_pass(dstp)

    shp = jax.ShapeDtypeStruct((nr, 128), jnp.float32)
    dinv, g10, g11, g12 = pl.pallas_call(
        _tc1_body,
        out_shape=[shp, shp, shp, shp],
        in_specs=[_vspec(), _vspec()],
        out_specs=[_vspec()] * 4,
    )(degp.reshape(NC, 1, nr, 128), xt)

    acc1 = agg3_pass(dstp, srcp, g10.reshape(np_), g11.reshape(np_),
                     g12.reshape(np_))

    g20, g21 = pl.pallas_call(
        _tc2_body,
        out_shape=[shp, shp],
        in_specs=[_vspec()] * 5 + [_sspec()] * 3,
        out_specs=[_vspec()] * 2,
    )(acc1.reshape(NC, 3, nr, 128), g10, g11, g12, dinv, W1, b1, W2)

    acc2 = agg2_pass(dstp, srcp, g20.reshape(np_), g21.reshape(np_))

    outp = pl.pallas_call(
        _tc3_body,
        out_shape=jax.ShapeDtypeStruct((2, nr, 128), jnp.float32),
        in_specs=[_vspec()] * 4 + [_sspec()],
        out_specs=_vspec(),
    )(acc2.reshape(NC, 2, nr, 128), g20, g21, dinv, b2)

    return outp.reshape(2, np_)[:, :n].T

# --- scband reference (transcript-rebuilt; emitter-appended) ---
"""Pipeline reference for scband-gcn-4526895529990 (READ-ONLY COPY).

The authoritative reference and input builder live on the scoring server;
editing this copy changes nothing except your own understanding.
"""

import jax, jax.numpy as jnp
import numpy as np

N_NODES = 100000
N_EDGES = 6400000


def gcn_conv(x, ei, W, b):
    # torch_geometric-style GCNConv: add self-loops, symmetric normalization,
    # linear transform, scatter-add aggregation, bias.
    N = x.shape[0]
    loop = jnp.arange(N, dtype=ei.dtype)
    src = jnp.concatenate([ei[0], loop])
    dst = jnp.concatenate([ei[1], loop])
    deg = jax.ops.segment_sum(jnp.ones_like(src, dtype=x.dtype), dst, num_segments=N)
    dinv = jnp.where(deg > 0, jax.lax.rsqrt(jnp.maximum(deg, 1e-12)), 0.0)
    norm = dinv[src] * dinv[dst]
    h = x @ W
    msg = h[src] * norm[:, None]
    out = jax.ops.segment_sum(msg, dst, num_segments=N)
    return out + b


def setup_inputs(seed: int = 0) -> dict:
    key = jax.random.key(seed)
    k1, k2, k3, k4, k5, k6 = jax.random.split(key, 6)
    x = jax.random.normal(k1, (N_NODES, 3), dtype=jnp.float32)
    edge_index = jax.random.randint(k2, (2, N_EDGES), 0, N_NODES, dtype=jnp.int32)
    # GCNConv(3, 8)
    W1 = jax.random.normal(k3, (3, 8), dtype=jnp.float32) * (1.0 / np.sqrt(3.0))
    b1 = jnp.zeros((8,), dtype=jnp.float32)
    # GCNConv(8, 2)
    W2 = jax.random.normal(k4, (8, 2), dtype=jnp.float32) * (1.0 / np.sqrt(8.0))
    b2 = jnp.zeros((2,), dtype=jnp.float32)
    return {"x": x, "edge_index": edge_index, "W1": W1, "b1": b1, "W2": W2, "b2": b2}


def reference(x, edge_index, W1, b1, W2, b2):
    h = jax.nn.relu(gcn_conv(x, edge_index, W1, b1))
    out = gcn_conv(h, edge_index, W2, b2)
    return out

if __name__ == "__main__":
    import jax
    _d = setup_inputs()
    print(jax.jit(kernel)(*tuple(_d.values())))

</pallas_src>

<mosaic_0001>
#map = affine_map<(d0, d1) -> (0, 0)>
#map1 = affine_map<(d0, d1) -> (0)>
module attributes {stable_mosaic.version = 14 : i64} {
  func.func @body(%arg0: i32, %arg1: i32, %arg2: memref<50176x128xi32, #tpu.memory_space<hbm>>, %arg3: memref<200704xf32, #tpu.memory_space<hbm>>, %arg4: memref<8x128xi32, #tpu.memory_space<vmem>>, %arg5: memref<128xf32, #tpu.memory_space<vmem>>, %arg6: memref<6272xf32, #tpu.memory_space<vmem>>, %arg7: memref<100352xf32, #tpu.memory_space<vmem_shared>>, %arg8: memref<!tpu.dma_semaphore, #tpu.memory_space<semaphore_mem>>, %arg9: memref<!tpu.dma_semaphore, #tpu.memory_space<semaphore_mem>>, %arg10: memref<!tpu.dma_semaphore, #tpu.memory_space<semaphore_mem>>) attributes {dimension_semantics = [#tpu.dimension_semantics<core_parallel>, #tpu.dimension_semantics<subcore_parallel>], iteration_bounds = array<i64: 2, 16>, scalar_prefetch = 0 : i64, scratch_operands = 7 : i64, tpu.core_type = #tpu.core_type<sc_vector_subcore>, window_params = [{transform_indices = #map}, {transform_indices = #map1}]} {
    %mul3A = arith.constant 2 : i32
    %mul3A_0 = arith.muli %arg1, %mul3A : i32
    %add3A = arith.addi %mul3A_0, %arg0 : i32
    %scan3A = arith.constant 0 : i32
    %scan3A_1 = arith.constant 0 : i32
    %scan3A_2 = arith.constant 392 : i32
    %scan3A_3 = arith.addi %scan3A_1, %scan3A_2 : i32
    %scan3A_4 = arith.constant 1 : i32
    %scan3A_5 = scf.for %scan3A_76 = %scan3A_1 to %scan3A_3 step %scan3A_4 iter_args(%scan3A_77 = %scan3A) -> (i32)  : i32 {
      %broadcast_in_dim3A_78 = arith.constant 0.000000e+00 : f32
      %broadcast_in_dim3A_79 = vector.broadcast %broadcast_in_dim3A_78 : f32 to vector<16xf32>
      %mul3A_80 = arith.constant 16 : i32
      %mul3A_81 = arith.muli %scan3A_76, %mul3A_80 : i32
      %swap3A_82 = arith.index_cast %mul3A_81 : i32 to index
      %swap3A_83 = tpu.vector_load %arg6[%swap3A_82] {strides = array<i32>} : memref<6272xf32, #tpu.memory_space<vmem>>, vector<16xf32>,
      %swap3A_84 = vector.shape_cast %swap3A_83 : vector<16xf32> to vector<16xf32>
      %swap3A_85 = vector.shape_cast %broadcast_in_dim3A_79 : vector<16xf32> to vector<16xf32>
      tpu.vector_store %arg6[%swap3A_82], %swap3A_85 {strides = array<i32>} : memref<6272xf32, #tpu.memory_space<vmem>>, vector<16xf32>,
      %scan3A_86 = arith.constant 0 : i32
      scf.yield %scan3A_86 : i32
    }
    %scan3A_6 = arith.constant 392 : i32
    %broadcast_in_dim3A = arith.constant 1.000000e+00 : f32
    %broadcast_in_dim3A_7 = vector.broadcast %broadcast_in_dim3A : f32 to vector<16xf32>
    %swap3A = arith.constant 0 : index
    %swap3A_8 = tpu.vector_load %arg5[%swap3A] {strides = array<i32>} : memref<128xf32, #tpu.memory_space<vmem>>, vector<16xf32>,
    %swap3A_9 = vector.shape_cast %swap3A_8 : vector<16xf32> to vector<16xf32>
    %swap3A_10 = vector.shape_cast %broadcast_in_dim3A_7 : vector<16xf32> to vector<16xf32>
    tpu.vector_store %arg5[%swap3A], %swap3A_10 {strides = array<i32>} : memref<128xf32, #tpu.memory_space<vmem>>, vector<16xf32>,
    %broadcast_in_dim3A_11 = arith.constant 1.000000e+00 : f32
    %broadcast_in_dim3A_12 = vector.broadcast %broadcast_in_dim3A_11 : f32 to vector<16xf32>
    %swap3A_13 = arith.constant 16 : index
    %swap3A_14 = tpu.vector_load %arg5[%swap3A_13] {strides = array<i32>} : memref<128xf32, #tpu.memory_space<vmem>>, vector<16xf32>,
    %swap3A_15 = vector.shape_cast %swap3A_14 : vector<16xf32> to vector<16xf32>
    %swap3A_16 = vector.shape_cast %broadcast_in_dim3A_12 : vector<16xf32> to vector<16xf32>
    tpu.vector_store %arg5[%swap3A_13], %swap3A_16 {strides = array<i32>} : memref<128xf32, #tpu.memory_space<vmem>>, vector<16xf32>,
    %broadcast_in_dim3A_17 = arith.constant 1.000000e+00 : f32
    %broadcast_in_dim3A_18 = vector.broadcast %broadcast_in_dim3A_17 : f32 to vector<16xf32>
    %swap3A_19 = arith.constant 32 : index
    %swap3A_20 = tpu.vector_load %arg5[%swap3A_19] {strides = array<i32>} : memref<128xf32, #tpu.memory_space<vmem>>, vector<16xf32>,
    %swap3A_21 = vector.shape_cast %swap3A_20 : vector<16xf32> to vector<16xf32>
    %swap3A_22 = vector.shape_cast %broadcast_in_dim3A_18 : vector<16xf32> to vector<16xf32>
    tpu.vector_store %arg5[%swap3A_19], %swap3A_22 {strides = array<i32>} : memref<128xf32, #tpu.memory_space<vmem>>, vector<16xf32>,
    %broadcast_in_dim3A_23 = arith.constant 1.000000e+00 : f32
    %broadcast_in_dim3A_24 = vector.broadcast %broadcast_in_dim3A_23 : f32 to vector<16xf32>
    %swap3A_25 = arith.constant 48 : index
    %swap3A_26 = tpu.vector_load %arg5[%swap3A_25] {strides = array<i32>} : memref<128xf32, #tpu.memory_space<vmem>>, vector<16xf32>,
    %swap3A_27 = vector.shape_cast %swap3A_26 : vector<16xf32> to vector<16xf32>
    %swap3A_28 = vector.shape_cast %broadcast_in_dim3A_24 : vector<16xf32> to vector<16xf32>
    tpu.vector_store %arg5[%swap3A_25], %swap3A_28 {strides = array<i32>} : memref<128xf32, #tpu.memory_space<vmem>>, vector<16xf32>,
    %broadcast_in_dim3A_29 = arith.constant 1.000000e+00 : f32
    %broadcast_in_dim3A_30 = vector.broadcast %broadcast_in_dim3A_29 : f32 to vector<16xf32>
    %swap3A_31 = arith.constant 64 : index
    %swap3A_32 = tpu.vector_load %arg5[%swap3A_31] {strides = array<i32>} : memref<128xf32, #tpu.memory_space<vmem>>, vector<16xf32>,
    %swap3A_33 = vector.shape_cast %swap3A_32 : vector<16xf32> to vector<16xf32>
    %swap3A_34 = vector.shape_cast %broadcast_in_dim3A_30 : vector<16xf32> to vector<16xf32>
    tpu.vector_store %arg5[%swap3A_31], %swap3A_34 {strides = array<i32>} : memref<128xf32, #tpu.memory_space<vmem>>, vector<16xf32>,
    %broadcast_in_dim3A_35 = arith.constant 1.000000e+00 : f32
    %broadcast_in_dim3A_36 = vector.broadcast %broadcast_in_dim3A_35 : f32 to vector<16xf32>
    %swap3A_37 = arith.constant 80 : index
    %swap3A_38 = tpu.vector_load %arg5[%swap3A_37] {strides = array<i32>} : memref<128xf32, #tpu.memory_space<vmem>>, vector<16xf32>,
    %swap3A_39 = vector.shape_cast %swap3A_38 : vector<16xf32> to vector<16xf32>
    %swap3A_40 = vector.shape_cast %broadcast_in_dim3A_36 : vector<16xf32> to vector<16xf32>
    tpu.vector_store %arg5[%swap3A_37], %swap3A_40 {strides = array<i32>} : memref<128xf32, #tpu.memory_space<vmem>>, vector<16xf32>,
    %broadcast_in_dim3A_41 = arith.constant 1.000000e+00 : f32
    %broadcast_in_dim3A_42 = vector.broadcast %broadcast_in_dim3A_41 : f32 to vector<16xf32>
    %swap3A_43 = arith.constant 96 : index
    %swap3A_44 = tpu.vector_load %arg5[%swap3A_43] {strides = array<i32>} : memref<128xf32, #tpu.memory_space<vmem>>, vector<16xf32>,
    %swap3A_45 = vector.shape_cast %swap3A_44 : vector<16xf32> to vector<16xf32>
    %swap3A_46 = vector.shape_cast %broadcast_in_dim3A_42 : vector<16xf32> to vector<16xf32>
    tpu.vector_store %arg5[%swap3A_43], %swap3A_46 {strides = array<i32>} : memref<128xf32, #tpu.memory_space<vmem>>, vector<16xf32>,
    %broadcast_in_dim3A_47 = arith.constant 1.000000e+00 : f32
    %broadcast_in_dim3A_48 = vector.broadcast %broadcast_in_dim3A_47 : f32 to vector<16xf32>
    %swap3A_49 = arith.constant 112 : index
    %swap3A_50 = tpu.vector_load %arg5[%swap3A_49] {strides = array<i32>} : memref<128xf32, #tpu.memory_space<vmem>>, vector<16xf32>,
    %swap3A_51 = vector.shape_cast %swap3A_50 : vector<16xf32> to vector<16xf32>
    %swap3A_52 = vector.shape_cast %broadcast_in_dim3A_48 : vector<16xf32> to vector<16xf32>
    tpu.vector_store %arg5[%swap3A_49], %swap3A_52 {strides = array<i32>} : memref<128xf32, #tpu.memory_space<vmem>>, vector<16xf32>,
    %mul3A_53 = arith.constant 6272 : i32
    %mul3A_54 = arith.muli %arg1, %mul3A_53 : i32
    "tpu.region"() ({
      %run_scoped3A = tpu.sem_alloc : memref<!tpu.dma_semaphore, #tpu.memory_space<semaphore_mem>>
      %dma_start3A = tpu.memref_slice %arg7[%mul3A_54] : memref<100352xf32, #tpu.memory_space<vmem_shared>> -> memref<6272xf32, #tpu.memory_space<vmem_shared>>
      %dma_start3A_76 = tpu.memref_slice %arg7[%mul3A_54] : memref<100352xf32, #tpu.memory_space<vmem_shared>> -> memref<6272xf32, #tpu.memory_space<vmem_shared>>
      tpu.enqueue_dma source(%arg6 : memref<6272xf32, #tpu.memory_space<vmem>>) target(%dma_start3A_76 : memref<6272xf32, #tpu.memory_space<vmem_shared>>) target_semaphore(%run_scoped3A : memref<!tpu.dma_semaphore, #tpu.memory_space<semaphore_mem>>)
      %dma_wait3A = tpu.memref_slice %arg7[%mul3A_54] : memref<100352xf32, #tpu.memory_space<vmem_shared>> -> memref<6272xf32, #tpu.memory_space<vmem_shared>>
      %dma_wait3A_77 = tpu.memref_slice %arg7[%mul3A_54] : memref<100352xf32, #tpu.memory_space<vmem_shared>> -> memref<6272xf32, #tpu.memory_space<vmem_shared>>
      tpu.wait_dma2 semaphore(%run_scoped3A : memref<!tpu.dma_semaphore, #tpu.memory_space<semaphore_mem>>) src(%arg6 : memref<6272xf32, #tpu.memory_space<vmem>>) dst(%dma_wait3A_77 : memref<6272xf32, #tpu.memory_space<vmem_shared>>)
      tpu.yield
    }) : () -> ()
    %barrier3A = arith.constant 0 : index
    tpu.barrier barrier_id(%barrier3A)
    %mul3A_55 = arith.constant 1568 : i32
    %mul3A_56 = arith.muli %add3A, %mul3A_55 : i32
    %scan3A_57 = arith.constant 0 : i32
    %scan3A_58 = arith.constant 0 : i32
    %scan3A_59 = arith.constant 196 : i32
    %scan3A_60 = arith.addi %scan3A_58, %scan3A_59 : i32
    %scan3A_61 = arith.constant 1 : i32
    %scan3A_62 = scf.for %scan3A_76 = %scan3A_58 to %scan3A_60 step %scan3A_61 iter_args(%scan3A_77 = %scan3A_57) -> (i32)  : i32 {
      %mul3A_78 = arith.constant 8 : i32
      %mul3A_79 = arith.muli %scan3A_76, %mul3A_78 : i32
      %add3A_80 = arith.addi %mul3A_56, %mul3A_79 : i32
      %dma_start3A = arith.constant 0 : i32
      %dma_start3A_81 = tpu.memref_slice %arg2[%add3A_80, %dma_start3A] : memref<50176x128xi32, #tpu.memory_space<hbm>> -> memref<8x128xi32, #tpu.memory_space<hbm>>
      %dma_start3A_82 = arith.constant 0 : i32
      %dma_start3A_83 = tpu.memref_slice %arg2[%add3A_80, %dma_start3A_82] : memref<50176x128xi32, #tpu.memory_space<hbm>> -> memref<8x128xi32, #tpu.memory_space<hbm>>
      tpu.enqueue_dma source(%dma_start3A_83 : memref<8x128xi32, #tpu.memory_space<hbm>>) target(%arg4 : memref<8x128xi32, #tpu.memory_space<vmem>>) target_semaphore(%arg8 : memref<!tpu.dma_semaphore, #tpu.memory_space<semaphore_mem>>)
      %dma_wait3A = arith.constant 0 : i32
      %dma_wait3A_84 = tpu.memref_slice %arg2[%add3A_80, %dma_wait3A] : memref<50176x128xi32, #tpu.memory_space<hbm>> -> memref<8x128xi32, #tpu.memory_space<hbm>>
      %dma_wait3A_85 = arith.constant 0 : i32
      %dma_wait3A_86 = tpu.memref_slice %arg2[%add3A_80, %dma_wait3A_85] : memref<50176x128xi32, #tpu.memory_space<hbm>> -> memref<8x128xi32, #tpu.memory_space<hbm>>
      tpu.wait_dma2 semaphore(%arg8 : memref<!tpu.dma_semaphore, #tpu.memory_space<semaphore_mem>>) src(%dma_wait3A_86 : memref<8x128xi32, #tpu.memory_space<hbm>>) dst(%arg4 : memref<8x128xi32, #tpu.memory_space<vmem>>)
      %dma_start3A_87 = arith.constant 0 : i32
      %dma_start3A_88 = arith.constant 0 : i32
      %dma_start3A_89 = tpu.memref_slice %arg4[%dma_start3A_87, %dma_start3A_88] : memref<8x128xi32, #tpu.memory_space<vmem>> -> memref<1x128xi32, #tpu.memory_space<vmem>>
      %dma_start3A_90 = tpu.memref_squeeze %dma_start3A_89 : memref<1x128xi32, #tpu.memory_space<vmem>> -> memref<128xi32, #tpu.memory_space<vmem>>
      %dma_start3A_91 = arith.constant 0 : i32
      %dma_start3A_92 = tpu.memref_slice %arg7[%dma_start3A_91] : memref<100352xf32, #tpu.memory_space<vmem_shared>> -> memref<100352xf32, #tpu.memory_space<vmem_shared>>
      tpu.enqueue_indirect_dma source(%arg5 : memref<128xf32, #tpu.memory_space<vmem>>) target(%dma_start3A_92 : memref<100352xf32, #tpu.memory_space<vmem_shared>>) offsets(%dma_start3A_90 : memref<128xi32, #tpu.memory_space<vmem>>) semaphore(%arg10 : memref<!tpu.dma_semaphore, #tpu.memory_space<semaphore_mem>>) {add = true}
      %dma_start3A_93 = arith.constant 1 : i32
      %dma_start3A_94 = arith.constant 0 : i32
      %dma_start3A_95 = tpu.memref_slice %arg4[%dma_start3A_93, %dma_start3A_94] : memref<8x128xi32, #tpu.memory_space<vmem>> -> memref<1x128xi32, #tpu.memory_space<vmem>>
      %dma_start3A_96 = tpu.memref_squeeze %dma_start3A_95 : memref<1x128xi32, #tpu.memory_space<vmem>> -> memref<128xi32, #tpu.memory_space<vmem>>
      %dma_start3A_97 = arith.constant 0 : i32
      %dma_start3A_98 = tpu.memref_slice %arg7[%dma_start3A_97] : memref<100352xf32, #tpu.memory_space<vmem_shared>> -> memref<100352xf32, #tpu.memory_space<vmem_shared>>
      tpu.enqueue_indirect_dma source(%arg5 : memref<128xf32, #tpu.memory_space<vmem>>) target(%dma_start3A_98 : memref<100352xf32, #tpu.memory_space<vmem_shared>>) offsets(%dma_start3A_96 : memref<128xi32, #tpu.memory_space<vmem>>) semaphore(%arg10 : memref<!tpu.dma_semaphore, #tpu.memory_space<semaphore_mem>>) {add = true}
      %dma_start3A_99 = arith.constant 2 : i32
      %dma_start3A_100 = arith.constant 0 : i32
      %dma_start3A_101 = tpu.memref_slice %arg4[%dma_start3A_99, %dma_start3A_100] : memref<8x128xi32, #tpu.memory_space<vmem>> -> memref<1x128xi32, #tpu.memory_space<vmem>>
      %dma_start3A_102 = tpu.memref_squeeze %dma_start3A_101 : memref<1x128xi32, #tpu.memory_space<vmem>> -> memref<128xi32, #tpu.memory_space<vmem>>
      %dma_start3A_103 = arith.constant 0 : i32
      %dma_start3A_104 = tpu.memref_slice %arg7[%dma_start3A_103] : memref<100352xf32, #tpu.memory_space<vmem_shared>> -> memref<100352xf32, #tpu.memory_space<vmem_shared>>
      tpu.enqueue_indirect_dma source(%arg5 : memref<128xf32, #tpu.memory_space<vmem>>) target(%dma_start3A_104 : memref<100352xf32, #tpu.memory_space<vmem_shared>>) offsets(%dma_start3A_102 : memref<128xi32, #tpu.memory_space<vmem>>) semaphore(%arg10 : memref<!tpu.dma_semaphore, #tpu.memory_space<semaphore_mem>>) {add = true}
      %dma_start3A_105 = arith.constant 3 : i32
      %dma_start3A_106 = arith.constant 0 : i32
      %dma_start3A_107 = tpu.memref_slice %arg4[%dma_start3A_105, %dma_start3A_106] : memref<8x128xi32, #tpu.memory_space<vmem>> -> memref<1x128xi32, #tpu.memory_space<vmem>>
      %dma_start3A_108 = tpu.memref_squeeze %dma_start3A_107 : memref<1x128xi32, #tpu.memory_space<vmem>> -> memref<128xi32, #tpu.memory_space<vmem>>
      %dma_start3A_109 = arith.constant 0 : i32
      %dma_start3A_110 = tpu.memref_slice %arg7[%dma_start3A_109] : memref<100352xf32, #tpu.memory_space<vmem_shared>> -> memref<100352xf32, #tpu.memory_space<vmem_shared>>
      tpu.enqueue_indirect_dma source(%arg5 : memref<128xf32, #tpu.memory_space<vmem>>) target(%dma_start3A_110 : memref<100352xf32, #tpu.memory_space<vmem_shared>>) offsets(%dma_start3A_108 : memref<128xi32, #tpu.memory_space<vmem>>) semaphore(%arg10 : memref<!tpu.dma_semaphore, #tpu.memory_space<semaphore_mem>>) {add = true}
      %dma_start3A_111 = arith.constant 4 : i32
      %dma_start3A_112 = arith.constant 0 : i32
      %dma_start3A_113 = tpu.memref_slice %arg4[%dma_start3A_111, %dma_start3A_112] : memref<8x128xi32, #tpu.memory_space<vmem>> -> memref<1x128xi32, #tpu.memory_space<vmem>>
      %dma_start3A_114 = tpu.memref_squeeze %dma_start3A_113 : memref<1x128xi32, #tpu.memory_space<vmem>> -> memref<128xi32, #tpu.memory_space<vmem>>
      %dma_start3A_115 = arith.constant 0 : i32
      %dma_start3A_116 = tpu.memref_slice %arg7[%dma_start3A_115] : memref<100352xf32, #tpu.memory_space<vmem_shared>> -> memref<100352xf32, #tpu.memory_space<vmem_shared>>
      tpu.enqueue_indirect_dma source(%arg5 : memref<128xf32, #tpu.memory_space<vmem>>) target(%dma_start3A_116 : memref<100352xf32, #tpu.memory_space<vmem_shared>>) offsets(%dma_start3A_114 : memref<128xi32, #tpu.memory_space<vmem>>) semaphore(%arg10 : memref<!tpu.dma_semaphore, #tpu.memory_space<semaphore_mem>>) {add = true}
      %dma_start3A_117 = arith.constant 5 : i32
      %dma_start3A_118 = arith.constant 0 : i32
      %dma_start3A_119 = tpu.memref_slice %arg4[%dma_start3A_117, %dma_start3A_118] : memref<8x128xi32, #tpu.memory_space<vmem>> -> memref<1x128xi32, #tpu.memory_space<vmem>>
      %dma_start3A_120 = tpu.memref_squeeze %dma_start3A_119 : memref<1x128xi32, #tpu.memory_space<vmem>> -> memref<128xi32, #tpu.memory_space<vmem>>
      %dma_start3A_121 = arith.constant 0 : i32
      %dma_start3A_122 = tpu.memref_slice %arg7[%dma_start3A_121] : memref<100352xf32, #tpu.memory_space<vmem_shared>> -> memref<100352xf32, #tpu.memory_space<vmem_shared>>
      tpu.enqueue_indirect_dma source(%arg5 : memref<128xf32, #tpu.memory_space<vmem>>) target(%dma_start3A_122 : memref<100352xf32, #tpu.memory_space<vmem_shared>>) offsets(%dma_start3A_120 : memref<128xi32, #tpu.memory_space<vmem>>) semaphore(%arg10 : memref<!tpu.dma_semaphore, #tpu.memory_space<semaphore_mem>>) {add = true}
      %dma_start3A_123 = arith.constant 6 : i32
      %dma_start3A_124 = arith.constant 0 : i32
      %dma_start3A_125 = tpu.memref_slice %arg4[%dma_start3A_123, %dma_start3A_124] : memref<8x128xi32, #tpu.memory_space<vmem>> -> memref<1x128xi32, #tpu.memory_space<vmem>>
      %dma_start3A_126 = tpu.memref_squeeze %dma_start3A_125 : memref<1x128xi32, #tpu.memory_space<vmem>> -> memref<128xi32, #tpu.memory_space<vmem>>
      %dma_start3A_127 = arith.constant 0 : i32
      %dma_start3A_128 = tpu.memref_slice %arg7[%dma_start3A_127] : memref<100352xf32, #tpu.memory_space<vmem_shared>> -> memref<100352xf32, #tpu.memory_space<vmem_shared>>
      tpu.enqueue_indirect_dma source(%arg5 : memref<128xf32, #tpu.memory_space<vmem>>) target(%dma_start3A_128 : memref<100352xf32, #tpu.memory_space<vmem_shared>>) offsets(%dma_start3A_126 : memref<128xi32, #tpu.memory_space<vmem>>) semaphore(%arg10 : memref<!tpu.dma_semaphore, #tpu.memory_space<semaphore_mem>>) {add = true}
      %dma_start3A_129 = arith.constant 7 : i32
      %dma_start3A_130 = arith.constant 0 : i32
      %dma_start3A_131 = tpu.memref_slice %arg4[%dma_start3A_129, %dma_start3A_130] : memref<8x128xi32, #tpu.memory_space<vmem>> -> memref<1x128xi32, #tpu.memory_space<vmem>>
      %dma_start3A_132 = tpu.memref_squeeze %dma_start3A_131 : memref<1x128xi32, #tpu.memory_space<vmem>> -> memref<128xi32, #tpu.memory_space<vmem>>
      %dma_start3A_133 = arith.constant 0 : i32
      %dma_start3A_134 = tpu.memref_slice %arg7[%dma_start3A_133] : memref<100352xf32, #tpu.memory_space<vmem_shared>> -> memref<100352xf32, #tpu.memory_space<vmem_shared>>
      tpu.enqueue_indirect_dma source(%arg5 : memref<128xf32, #tpu.memory_space<vmem>>) target(%dma_start3A_134 : memref<100352xf32, #tpu.memory_space<vmem_shared>>) offsets(%dma_start3A_132 : memref<128xi32, #tpu.memory_space<vmem>>) semaphore(%arg10 : memref<!tpu.dma_semaphore, #tpu.memory_space<semaphore_mem>>) {add = true}
      %dma_wait3A_135 = arith.constant 0 : i32
      %dma_wait3A_136 = arith.constant 0 : i32
      %dma_wait3A_137 = tpu.memref_slice %arg4[%dma_wait3A_135, %dma_wait3A_136] : memref<8x128xi32, #tpu.memory_space<vmem>> -> memref<1x128xi32, #tpu.memory_space<vmem>>
      %dma_wait3A_138 = tpu.memref_squeeze %dma_wait3A_137 : memref<1x128xi32, #tpu.memory_space<vmem>> -> memref<128xi32, #tpu.memory_space<vmem>>
      %dma_wait3A_139 = arith.constant 0 : i32
      %dma_wait3A_140 = tpu.memref_slice %arg7[%dma_wait3A_139] : memref<100352xf32, #tpu.memory_space<vmem_shared>> -> memref<100352xf32, #tpu.memory_space<vmem_shared>>
      tpu.wait_indirect_dma semaphore(%arg10 : memref<!tpu.dma_semaphore, #tpu.memory_space<semaphore_mem>>) src(%arg5 : memref<128xf32, #tpu.memory_space<vmem>>) dst(%dma_wait3A_140 : memref<100352xf32, #tpu.memory_space<vmem_shared>>)
      %dma_wait3A_141 = arith.constant 1 : i32
      %dma_wait3A_142 = arith.constant 0 : i32
      %dma_wait3A_143 = tpu.memref_slice %arg4[%dma_wait3A_141, %dma_wait3A_142] : memref<8x128xi32, #tpu.memory_space<vmem>> -> memref<1x128xi32, #tpu.memory_space<vmem>>
      %dma_wait3A_144 = tpu.memref_squeeze %dma_wait3A_143 : memref<1x128xi32, #tpu.memory_space<vmem>> -> memref<128xi32, #tpu.memory_space<vmem>>
      %dma_wait3A_145 = arith.constant 0 : i32
      %dma_wait3A_146 = tpu.memref_slice %arg7[%dma_wait3A_145] : memref<100352xf32, #tpu.memory_space<vmem_shared>> -> memref<100352xf32, #tpu.memory_space<vmem_shared>>
      tpu.wait_indirect_dma semaphore(%arg10 : memref<!tpu.dma_semaphore, #tpu.memory_space<semaphore_mem>>) src(%arg5 : memref<128xf32, #tpu.memory_space<vmem>>) dst(%dma_wait3A_146 : memref<100352xf32, #tpu.memory_space<vmem_shared>>)
      %dma_wait3A_147 = arith.constant 2 : i32
      %dma_wait3A_148 = arith.constant 0 : i32
      %dma_wait3A_149 = tpu.memref_slice %arg4[%dma_wait3A_147, %dma_wait3A_148] : memref<8x128xi32, #tpu.memory_space<vmem>> -> memref<1x128xi32, #tpu.memory_space<vmem>>
      %dma_wait3A_150 = tpu.memref_squeeze %dma_wait3A_149 : memref<1x128xi32, #tpu.memory_space<vmem>> -> memref<128xi32, #tpu.memory_space<vmem>>
      %dma_wait3A_151 = arith.constant 0 : i32
      %dma_wait3A_152 = tpu.memref_slice %arg7[%dma_wait3A_151] : memref<100352xf32, #tpu.memory_space<vmem_shared>> -> memref<100352xf32, #tpu.memory_space<vmem_shared>>
      tpu.wait_indirect_dma semaphore(%arg10 : memref<!tpu.dma_semaphore, #tpu.memory_space<semaphore_mem>>) src(%arg5 : memref<128xf32, #tpu.memory_space<vmem>>) dst(%dma_wait3A_152 : memref<100352xf32, #tpu.memory_space<vmem_shared>>)
      %dma_wait3A_153 = arith.constant 3 : i32
      %dma_wait3A_154 = arith.constant 0 : i32
      %dma_wait3A_155 = tpu.memref_slice %arg4[%dma_wait3A_153, %dma_wait3A_154] : memref<8x128xi32, #tpu.memory_space<vmem>> -> memref<1x128xi32, #tpu.memory_space<vmem>>
      %dma_wait3A_156 = tpu.memref_squeeze %dma_wait3A_155 : memref<1x128xi32, #tpu.memory_space<vmem>> -> memref<128xi32, #tpu.memory_space<vmem>>
      %dma_wait3A_157 = arith.constant 0 : i32
      %dma_wait3A_158 = tpu.memref_slice %arg7[%dma_wait3A_157] : memref<100352xf32, #tpu.memory_space<vmem_shared>> -> memref<100352xf32, #tpu.memory_space<vmem_shared>>
      tpu.wait_indirect_dma semaphore(%arg10 : memref<!tpu.dma_semaphore, #tpu.memory_space<semaphore_mem>>) src(%arg5 : memref<128xf32, #tpu.memory_space<vmem>>) dst(%dma_wait3A_158 : memref<100352xf32, #tpu.memory_space<vmem_shared>>)
      %dma_wait3A_159 = arith.constant 4 : i32
      %dma_wait3A_160 = arith.constant 0 : i32
      %dma_wait3A_161 = tpu.memref_slice %arg4[%dma_wait3A_159, %dma_wait3A_160] : memref<8x128xi32, #tpu.memory_space<vmem>> -> memref<1x128xi32, #tpu.memory_space<vmem>>
      %dma_wait3A_162 = tpu.memref_squeeze %dma_wait3A_161 : memref<1x128xi32, #tpu.memory_space<vmem>> -> memref<128xi32, #tpu.memory_space<vmem>>
      %dma_wait3A_163 = arith.constant 0 : i32
      %dma_wait3A_164 = tpu.memref_slice %arg7[%dma_wait3A_163] : memref<100352xf32, #tpu.memory_space<vmem_shared>> -> memref<100352xf32, #tpu.memory_space<vmem_shared>>
      tpu.wait_indirect_dma semaphore(%arg10 : memref<!tpu.dma_semaphore, #tpu.memory_space<semaphore_mem>>) src(%arg5 : memref<128xf32, #tpu.memory_space<vmem>>) dst(%dma_wait3A_164 : memref<100352xf32, #tpu.memory_space<vmem_shared>>)
      %dma_wait3A_165 = arith.constant 5 : i32
      %dma_wait3A_166 = arith.constant 0 : i32
      %dma_wait3A_167 = tpu.memref_slice %arg4[%dma_wait3A_165, %dma_wait3A_166] : memref<8x128xi32, #tpu.memory_space<vmem>> -> memref<1x128xi32, #tpu.memory_space<vmem>>
      %dma_wait3A_168 = tpu.memref_squeeze %dma_wait3A_167 : memref<1x128xi32, #tpu.memory_space<vmem>> -> memref<128xi32, #tpu.memory_space<vmem>>
      %dma_wait3A_169 = arith.constant 0 : i32
      %dma_wait3A_170 = tpu.memref_slice %arg7[%dma_wait3A_169] : memref<100352xf32, #tpu.memory_space<vmem_shared>> -> memref<100352xf32, #tpu.memory_space<vmem_shared>>
      tpu.wait_indirect_dma semaphore(%arg10 : memref<!tpu.dma_semaphore, #tpu.memory_space<semaphore_mem>>) src(%arg5 : memref<128xf32, #tpu.memory_space<vmem>>) dst(%dma_wait3A_170 : memref<100352xf32, #tpu.memory_space<vmem_shared>>)
      %dma_wait3A_171 = arith.constant 6 : i32
      %dma_wait3A_172 = arith.constant 0 : i32
      %dma_wait3A_173 = tpu.memref_slice %arg4[%dma_wait3A_171, %dma_wait3A_172] : memref<8x128xi32, #tpu.memory_space<vmem>> -> memref<1x128xi32, #tpu.memory_space<vmem>>
      %dma_wait3A_174 = tpu.memref_squeeze %dma_wait3A_173 : memref<1x128xi32, #tpu.memory_space<vmem>> -> memref<128xi32, #tpu.memory_space<vmem>>
      %dma_wait3A_175 = arith.constant 0 : i32
      %dma_wait3A_176 = tpu.memref_slice %arg7[%dma_wait3A_175] : memref<100352xf32, #tpu.memory_space<vmem_shared>> -> memref<100352xf32, #tpu.memory_space<vmem_shared>>
      tpu.wait_indirect_dma semaphore(%arg10 : memref<!tpu.dma_semaphore, #tpu.memory_space<semaphore_mem>>) src(%arg5 : memref<128xf32, #tpu.memory_space<vmem>>) dst(%dma_wait3A_176 : memref<100352xf32, #tpu.memory_space<vmem_shared>>)
      %dma_wait3A_177 = arith.constant 7 : i32
      %dma_wait3A_178 = arith.constant 0 : i32
      %dma_wait3A_179 = tpu.memref_slice %arg4[%dma_wait3A_177, %dma_wait3A_178] : memref<8x128xi32, #tpu.memory_space<vmem>> -> memref<1x128xi32, #tpu.memory_space<vmem>>
      %dma_wait3A_180 = tpu.memref_squeeze %dma_wait3A_179 : memref<1x128xi32, #tpu.memory_space<vmem>> -> memref<128xi32, #tpu.memory_space<vmem>>
      %dma_wait3A_181 = arith.constant 0 : i32
      %dma_wait3A_182 = tpu.memref_slice %arg7[%dma_wait3A_181] : memref<100352xf32, #tpu.memory_space<vmem_shared>> -> memref<100352xf32, #tpu.memory_space<vmem_shared>>
      tpu.wait_indirect_dma semaphore(%arg10 : memref<!tpu.dma_semaphore, #tpu.memory_space<semaphore_mem>>) src(%arg5 : memref<128xf32, #tpu.memory_space<vmem>>) dst(%dma_wait3A_182 : memref<100352xf32, #tpu.memory_space<vmem_shared>>)
      %scan3A_183 = arith.constant 0 : i32
      scf.yield %scan3A_183 : i32
    }
    %scan3A_63 = arith.constant 196 : i32
    %barrier3A_64 = arith.constant 0 : index
    tpu.barrier barrier_id(%barrier3A_64)
    %mul3A_65 = arith.constant 1 : i32
    %mul3A_66 = arith.muli %arg0, %mul3A_65 : i32
    %add3A_67 = arith.constant 0 : i32
    %add3A_68 = arith.addi %mul3A_66, %add3A_67 : i32
    %mul3A_69 = arith.constant 100352 : i32
    %mul3A_70 = arith.muli %add3A_68, %mul3A_69 : i32
    %mul3A_71 = arith.constant 6272 : i32
    %mul3A_72 = arith.muli %arg1, %mul3A_71 : i32
    %add3A_73 = arith.addi %mul3A_70, %mul3A_72 : i32
    %mul3A_74 = arith.constant 6272 : i32
    %mul3A_75 = arith.muli %arg1, %mul3A_74 : i32
    "tpu.region"() ({
      %run_scoped3A = tpu.sem_alloc : memref<!tpu.dma_semaphore, #tpu.memory_space<semaphore_mem>>
      %dma_start3A = tpu.memref_slice %arg3[%add3A_73] : memref<200704xf32, #tpu.memory_space<hbm>> -> memref<6272xf32, #tpu.memory_space<hbm>>
      %dma_start3A_76 = tpu.memref_slice %arg7[%mul3A_75] : memref<100352xf32, #tpu.memory_space<vmem_shared>> -> memref<6272xf32, #tpu.memory_space<vmem_shared>>
      tpu.enqueue_dma source(%dma_start3A_76 : memref<6272xf32, #tpu.memory_space<vmem_shared>>) target(%dma_start3A : memref<6272xf32, #tpu.memory_space<hbm>>) target_semaphore(%run_scoped3A : memref<!tpu.dma_semaphore, #tpu.memory_space<semaphore_mem>>)
      %dma_wait3A = tpu.memref_slice %arg3[%add3A_73] : memref<200704xf32, #tpu.memory_space<hbm>> -> memref<6272xf32, #tpu.memory_space<hbm>>
      %dma_wait3A_77 = tpu.memref_slice %arg7[%mul3A_75] : memref<100352xf32, #tpu.memory_space<vmem_shared>> -> memref<6272xf32, #tpu.memory_space<vmem_shared>>
      tpu.wait_dma2 semaphore(%run_scoped3A : memref<!tpu.dma_semaphore, #tpu.memory_space<semaphore_mem>>) src(%dma_wait3A_77 : memref<6272xf32, #tpu.memory_space<vmem_shared>>) dst(%dma_wait3A : memref<6272xf32, #tpu.memory_space<hbm>>)
      tpu.yield
    }) : () -> ()
    return
  }
}

#map = affine_map<(d0, d1) -> (0, 0)>
#map1 = affine_map<(d0, d1) -> (0)>
module attributes {stable_mosaic.version = 14 : i64} {
  func.func @body(%arg0: i32, %arg1: i32, %arg2: memref<50176x128xi32, #tpu.memory_space<hbm>>, %arg3: memref<50176x128xi32, #tpu.memory_space<hbm>>, %arg4: memref<100352xf32, #tpu.memory_space<hbm>>, %arg5: memref<100352xf32, #tpu.memory_space<hbm>>, %arg6: memref<100352xf32, #tpu.memory_space<hbm>>, %arg7: memref<602112xf32, #tpu.memory_space<hbm>>, %arg8: memref<8x128xi32, #tpu.memory_space<vmem>>, %arg9: memref<8x128xi32, #tpu.memory_space<vmem>>, %arg10: memref<8x128xf32, #tpu.memory_space<vmem>>, %arg11: memref<8x128xf32, #tpu.memory_space<vmem>>, %arg12: memref<8x128xf32, #tpu.memory_space<vmem>>, %arg13: memref<6272xf32, #tpu.memory_space<vmem>>, %arg14: memref<100352xf32, #tpu.memory_space<vmem_shared>>, %arg15: memref<100352xf32, #tpu.memory_space<vmem_shared>>, %arg16: memref<100352xf32, #tpu.memory_space<vmem_shared>>, %arg17: memref<!tpu.dma_semaphore, #tpu.memory_space<semaphore_mem>>, %arg18: memref<!tpu.dma_semaphore, #tpu.memory_space<semaphore_mem>>, %arg19: memref<!tpu.dma_semaphore, #tpu.memory_space<semaphore_mem>>) attributes {dimension_semantics = [#tpu.dimension_semantics<core_parallel>, #tpu.dimension_semantics<subcore_parallel>], iteration_bounds = array<i64: 2, 16>, scalar_prefetch = 0 : i64, scratch_operands = 12 : i64, tpu.core_type = #tpu.core_type<sc_vector_subcore>, window_params = [{transform_indices = #map}, {transform_indices = #map}, {transform_indices = #map1}, {transform_indices = #map1}, {transform_indices = #map1}, {transform_indices = #map1}]} {
    %mul3A = arith.constant 2 : i32
    %mul3A_0 = arith.muli %arg1, %mul3A : i32
    %add3A = arith.addi %mul3A_0, %arg0 : i32
    %scan3A = arith.constant 0 : i32
    %scan3A_1 = arith.constant 0 : i32
    %scan3A_2 = arith.constant 392 : i32
    %scan3A_3 = arith.addi %scan3A_1, %scan3A_2 : i32
    %scan3A_4 = arith.constant 1 : i32
    %scan3A_5 = scf.for %scan3A_56 = %scan3A_1 to %scan3A_3 step %scan3A_4 iter_args(%scan3A_57 = %scan3A) -> (i32)  : i32 {
      %broadcast_in_dim3A = arith.constant 0.000000e+00 : f32
      %broadcast_in_dim3A_58 = vector.broadcast %broadcast_in_dim3A : f32 to vector<16xf32>
      %mul3A_59 = arith.constant 16 : i32
      %mul3A_60 = arith.muli %scan3A_56, %mul3A_59 : i32
      %swap3A = arith.index_cast %mul3A_60 : i32 to index
      %swap3A_61 = tpu.vector_load %arg13[%swap3A] {strides = array<i32>} : memref<6272xf32, #tpu.memory_space<vmem>>, vector<16xf32>,
      %swap3A_62 = vector.shape_cast %swap3A_61 : vector<16xf32> to vector<16xf32>
      %swap3A_63 = vector.shape_cast %broadcast_in_dim3A_58 : vector<16xf32> to vector<16xf32>
      tpu.vector_store %arg13[%swap3A], %swap3A_63 {strides = array<i32>} : memref<6272xf32, #tpu.memory_space<vmem>>, vector<16xf32>,
      %scan3A_64 = arith.constant 0 : i32
      scf.yield %scan3A_64 : i32
    }
    %scan3A_6 = arith.constant 392 : i32
    %mul3A_7 = arith.constant 6272 : i32
    %mul3A_8 = arith.muli %arg1, %mul3A_7 : i32
    "tpu.region"() ({
      %run_scoped3A = tpu.sem_alloc : memref<!tpu.dma_semaphore, #tpu.memory_space<semaphore_mem>>
      %dma_start3A = tpu.memref_slice %arg14[%mul3A_8] : memref<100352xf32, #tpu.memory_space<vmem_shared>> -> memref<6272xf32, #tpu.memory_space<vmem_shared>>
      %dma_start3A_56 = tpu.memref_slice %arg14[%mul3A_8] : memref<100352xf32, #tpu.memory_space<vmem_shared>> -> memref<6272xf32, #tpu.memory_space<vmem_shared>>
      tpu.enqueue_dma source(%arg13 : memref<6272xf32, #tpu.memory_space<vmem>>) target(%dma_start3A_56 : memref<6272xf32, #tpu.memory_space<vmem_shared>>) target_semaphore(%run_scoped3A : memref<!tpu.dma_semaphore, #tpu.memory_space<semaphore_mem>>)
      %dma_wait3A = tpu.memref_slice %arg14[%mul3A_8] : memref<100352xf32, #tpu.memory_space<vmem_shared>> -> memref<6272xf32, #tpu.memory_space<vmem_shared>>
      %dma_wait3A_57 = tpu.memref_slice %arg14[%mul3A_8] : memref<100352xf32, #tpu.memory_space<vmem_shared>> -> memref<6272xf32, #tpu.memory_space<vmem_shared>>
      tpu.wait_dma2 semaphore(%run_scoped3A : memref<!tpu.dma_semaphore, #tpu.memory_space<semaphore_mem>>) src(%arg13 : memref<6272xf32, #tpu.memory_space<vmem>>) dst(%dma_wait3A_57 : memref<6272xf32, #tpu.memory_space<vmem_shared>>)
      tpu.yield
    }) : () -> ()
    %mul3A_9 = arith.constant 6272 : i32
    %mul3A_10 = arith.muli %arg1, %mul3A_9 : i32
    "tpu.region"() ({
      %run_scoped3A = tpu.sem_alloc : memref<!tpu.dma_semaphore, #tpu.memory_space<semaphore_mem>>
      %dma_start3A = tpu.memref_slice %arg15[%mul3A_10] : memref<100352xf32, #tpu.memory_space<vmem_shared>> -> memref<6272xf32, #tpu.memory_space<vmem_shared>>
      %dma_start3A_56 = tpu.memref_slice %arg15[%mul3A_10] : memref<100352xf32, #tpu.memory_space<vmem_shared>> -> memref<6272xf32, #tpu.memory_space<vmem_shared>>
      tpu.enqueue_dma source(%arg13 : memref<6272xf32, #tpu.memory_space<vmem>>) target(%dma_start3A_56 : memref<6272xf32, #tpu.memory_space<vmem_shared>>) target_semaphore(%run_scoped3A : memref<!tpu.dma_semaphore, #tpu.memory_space<semaphore_mem>>)
      %dma_wait3A = tpu.memref_slice %arg15[%mul3A_10] : memref<100352xf32, #tpu.memory_space<vmem_shared>> -> memref<6272xf32, #tpu.memory_space<vmem_shared>>
      %dma_wait3A_57 = tpu.memref_slice %arg15[%mul3A_10] : memref<100352xf32, #tpu.memory_space<vmem_shared>> -> memref<6272xf32, #tpu.memory_space<vmem_shared>>
      tpu.wait_dma2 semaphore(%run_scoped3A : memref<!tpu.dma_semaphore, #tpu.memory_space<semaphore_mem>>) src(%arg13 : memref<6272xf32, #tpu.memory_space<vmem>>) dst(%dma_wait3A_57 : memref<6272xf32, #tpu.memory_space<vmem_shared>>)
      tpu.yield
    }) : () -> ()
    %mul3A_11 = arith.constant 6272 : i32
    %mul3A_12 = arith.muli %arg1, %mul3A_11 : i32
    "tpu.region"() ({
      %run_scoped3A = tpu.sem_alloc : memref<!tpu.dma_semaphore, #tpu.memory_space<semaphore_mem>>
      %dma_start3A = tpu.memref_slice %arg16[%mul3A_12] : memref<100352xf32, #tpu.memory_space<vmem_shared>> -> memref<6272xf32, #tpu.memory_space<vmem_shared>>
      %dma_start3A_56 = tpu.memref_slice %arg16[%mul3A_12] : memref<100352xf32, #tpu.memory_space<vmem_shared>> -> memref<6272xf32, #tpu.memory_space<vmem_shared>>
      tpu.enqueue_dma source(%arg13 : memref<6272xf32, #tpu.memory_space<vmem>>) target(%dma_start3A_56 : memref<6272xf32, #tpu.memory_space<vmem_shared>>) target_semaphore(%run_scoped3A : memref<!tpu.dma_semaphore, #tpu.memory_space<semaphore_mem>>)
      %dma_wait3A = tpu.memref_slice %arg16[%mul3A_12] : memref<100352xf32, #tpu.memory_space<vmem_shared>> -> memref<6272xf32, #tpu.memory_space<vmem_shared>>
      %dma_wait3A_57 = tpu.memref_slice %arg16[%mul3A_12] : memref<100352xf32, #tpu.memory_space<vmem_shared>> -> memref<6272xf32, #tpu.memory_space<vmem_shared>>
      tpu.wait_dma2 semaphore(%run_scoped3A : memref<!tpu.dma_semaphore, #tpu.memory_space<semaphore_mem>>) src(%arg13 : memref<6272xf32, #tpu.memory_space<vmem>>) dst(%dma_wait3A_57 : memref<6272xf32, #tpu.memory_space<vmem_shared>>)
      tpu.yield
    }) : () -> ()
    %barrier3A = arith.constant 0 : index
    tpu.barrier barrier_id(%barrier3A)
    %mul3A_13 = arith.constant 1568 : i32
    %mul3A_14 = arith.muli %add3A, %mul3A_13 : i32
    %scan3A_15 = arith.constant 0 : i32
    %scan3A_16 = arith.constant 0 : i32
    %scan3A_17 = arith.constant 196 : i32
    %scan3A_18 = arith.addi %scan3A_16, %scan3A_17 : i32
    %scan3A_19 = arith.constant 1 : i32
    %scan3A_20 = scf.for %scan3A_56 = %scan3A_16 to %scan3A_18 step %scan3A_19 iter_args(%scan3A_57 = %scan3A_15) -> (i32)  : i32 {
      %mul3A_58 = arith.constant 8 : i32
      %mul3A_59 = arith.muli %scan3A_56, %mul3A_58 : i32
      %add3A_60 = arith.addi %mul3A_14, %mul3A_59 : i32
      %dma_start3A = arith.constant 0 : i32
      %dma_start3A_61 = tpu.memref_slice %arg2[%add3A_60, %dma_start3A] : memref<50176x128xi32, #tpu.memory_space<hbm>> -> memref<8x128xi32, #tpu.memory_space<hbm>>
      %dma_start3A_62 = arith.constant 0 : i32
      %dma_start3A_63 = tpu.memref_slice %arg2[%add3A_60, %dma_start3A_62] : memref<50176x128xi32, #tpu.memory_space<hbm>> -> memref<8x128xi32, #tpu.memory_space<hbm>>
      tpu.enqueue_dma source(%dma_start3A_63 : memref<8x128xi32, #tpu.memory_space<hbm>>) target(%arg8 : memref<8x128xi32, #tpu.memory_space<vmem>>) target_semaphore(%arg17 : memref<!tpu.dma_semaphore, #tpu.memory_space<semaphore_mem>>)
      %dma_start3A_64 = arith.constant 0 : i32
      %dma_start3A_65 = tpu.memref_slice %arg3[%add3A_60, %dma_start3A_64] : memref<50176x128xi32, #tpu.memory_space<hbm>> -> memref<8x128xi32, #tpu.memory_space<hbm>>
      %dma_start3A_66 = arith.constant 0 : i32
      %dma_start3A_67 = tpu.memref_slice %arg3[%add3A_60, %dma_start3A_66] : memref<50176x128xi32, #tpu.memory_space<hbm>> -> memref<8x128xi32, #tpu.memory_space<hbm>>
      tpu.enqueue_dma source(%dma_start3A_67 : memref<8x128xi32, #tpu.memory_space<hbm>>) target(%arg9 : memref<8x128xi32, #tpu.memory_space<vmem>>) target_semaphore(%arg17 : memref<!tpu.dma_semaphore, #tpu.memory_space<semaphore_mem>>)
      %dma_wait3A = arith.constant 0 : i32
      %dma_wait3A_68 = tpu.memref_slice %arg2[%add3A_60, %dma_wait3A] : memref<50176x128xi32, #tpu.memory_space<hbm>> -> memref<8x128xi32, #tpu.memory_space<hbm>>
      %dma_wait3A_69 = arith.constant 0 : i32
      %dma_wait3A_70 = tpu.memref_slice %arg2[%add3A_60, %dma_wait3A_69] : memref<50176x128xi32, #tpu.memory_space<hbm>> -> memref<8x128xi32, #tpu.memory_space<hbm>>
      tpu.wait_dma2 semaphore(%arg17 : memref<!tpu.dma_semaphore, #tpu.memory_space<semaphore_mem>>) src(%dma_wait3A_70 : memref<8x128xi32, #tpu.memory_space<hbm>>) dst(%arg8 : memref<8x128xi32, #tpu.memory_space<vmem>>)
      %dma_wait3A_71 = arith.constant 0 : i32
      %dma_wait3A_72 = tpu.memref_slice %arg3[%add3A_60, %dma_wait3A_71] : memref<50176x128xi32, #tpu.memory_space<hbm>> -> memref<8x128xi32, #tpu.memory_space<hbm>>
      %dma_wait3A_73 = arith.constant 0 : i32
      %dma_wait3A_74 = tpu.memref_slice %arg3[%add3A_60, %dma_wait3A_73] : memref<50176x128xi32, #tpu.memory_space<hbm>> -> memref<8x128xi32, #tpu.memory_space<hbm>>
      tpu.wait_dma2 semaphore(%arg17 : memref<!tpu.dma_semaphore, #tpu.memory_space<semaphore_mem>>) src(%dma_wait3A_74 : memref<8x128xi32, #tpu.memory_space<hbm>>) dst(%arg9 : memref<8x128xi32, #tpu.memory_space<vmem>>)
      %dma_start3A_75 = arith.constant 0 : i32
      %dma_start3A_76 = arith.constant 0 : i32
      %dma_start3A_77 = arith.constant 0 : i32
      %dma_start3A_78 = tpu.memref_slice %arg10[%dma_start3A_76, %dma_start3A_77] : memref<8x128xf32, #tpu.memory_space<vmem>> -> memref<1x128xf32, #tpu.memory_space<vmem>>
      %dma_start3A_79 = tpu.memref_squeeze %dma_start3A_78 : memref<1x128xf32, #tpu.memory_space<vmem>> -> memref<128xf32, #tpu.memory_space<vmem>>
      %dma_start3A_80 = arith.constant 0 : i32
      %dma_start3A_81 = tpu.memref_slice %arg9[%dma_start3A_75, %dma_start3A_80] : memref<8x128xi32, #tpu.memory_space<vmem>> -> memref<1x128xi32, #tpu.memory_space<vmem>>
      %dma_start3A_82 = tpu.memref_squeeze %dma_start3A_81 : memref<1x128xi32, #tpu.memory_space<vmem>> -> memref<128xi32, #tpu.memory_space<vmem>>
      %dma_start3A_83 = arith.constant 0 : i32
      %dma_start3A_84 = tpu.memref_slice %arg4[%dma_start3A_83] : memref<100352xf32, #tpu.memory_space<hbm>> -> memref<100352xf32, #tpu.memory_space<hbm>>
      tpu.enqueue_indirect_dma source(%dma_start3A_84 : memref<100352xf32, #tpu.memory_space<hbm>>) target(%dma_start3A_79 : memref<128xf32, #tpu.memory_space<vmem>>) offsets(%dma_start3A_82 : memref<128xi32, #tpu.memory_space<vmem>>) semaphore(%arg18 : memref<!tpu.dma_semaphore, #tpu.memory_space<semaphore_mem>>)
      %dma_start3A_85 = arith.constant 1 : i32
      %dma_start3A_86 = arith.constant 1 : i32
      %dma_start3A_87 = arith.constant 0 : i32
      %dma_start3A_88 = tpu.memref_slice %arg10[%dma_start3A_86, %dma_start3A_87] : memref<8x128xf32, #tpu.memory_space<vmem>> -> memref<1x128xf32, #tpu.memory_space<vmem>>
      %dma_start3A_89 = tpu.memref_squeeze %dma_start3A_88 : memref<1x128xf32, #tpu.memory_space<vmem>> -> memref<128xf32, #tpu.memory_space<vmem>>
      %dma_start3A_90 = arith.constant 0 : i32
      %dma_start3A_91 = tpu.memref_slice %arg9[%dma_start3A_85, %dma_start3A_90] : memref<8x128xi32, #tpu.memory_space<vmem>> -> memref<1x128xi32, #tpu.memory_space<vmem>>
      %dma_start3A_92 = tpu.memref_squeeze %dma_start3A_91 : memref<1x128xi32, #tpu.memory_space<vmem>> -> memref<128xi32, #tpu.memory_space<vmem>>
      %dma_start3A_93 = arith.constant 0 : i32
      %dma_start3A_94 = tpu.memref_slice %arg4[%dma_start3A_93] : memref<100352xf32, #tpu.memory_space<hbm>> -> memref<100352xf32, #tpu.memory_space<hbm>>
      tpu.enqueue_indirect_dma source(%dma_start3A_94 : memref<100352xf32, #tpu.memory_space<hbm>>) target(%dma_start3A_89 : memref<128xf32, #tpu.memory_space<vmem>>) offsets(%dma_start3A_92 : memref<128xi32, #tpu.memory_space<vmem>>) semaphore(%arg18 : memref<!tpu.dma_semaphore, #tpu.memory_space<semaphore_mem>>)
      %dma_start3A_95 = arith.constant 2 : i32
      %dma_start3A_96 = arith.constant 2 : i32
      %dma_start3A_97 = arith.constant 0 : i32
      %dma_start3A_98 = tpu.memref_slice %arg10[%dma_start3A_96, %dma_start3A_97] : memref<8x128xf32, #tpu.memory_space<vmem>> -> memref<1x128xf32, #tpu.memory_space<vmem>>
      %dma_start3A_99 = tpu.memref_squeeze %dma_start3A_98 : memref<1x128xf32, #tpu.memory_space<vmem>> -> memref<128xf32, #tpu.memory_space<vmem>>
      %dma_start3A_100 = arith.constant 0 : i32
      %dma_start3A_101 = tpu.memref_slice %arg9[%dma_start3A_95, %dma_start3A_100] : memref<8x128xi32, #tpu.memory_space<vmem>> -> memref<1x128xi32, #tpu.memory_space<vmem>>
      %dma_start3A_102 = tpu.memref_squeeze %dma_start3A_101 : memref<1x128xi32, #tpu.memory_space<vmem>> -> memref<128xi32, #tpu.memory_space<vmem>>
      %dma_start3A_103 = arith.constant 0 : i32
      %dma_start3A_104 = tpu.memref_slice %arg4[%dma_start3A_103] : memref<100352xf32, #tpu.memory_space<hbm>> -> memref<100352xf32, #tpu.memory_space<hbm>>
      tpu.enqueue_indirect_dma source(%dma_start3A_104 : memref<100352xf32, #tpu.memory_space<hbm>>) target(%dma_start3A_99 : memref<128xf32, #tpu.memory_space<vmem>>) offsets(%dma_start3A_102 : memref<128xi32, #tpu.memory_space<vmem>>) semaphore(%arg18 : memref<!tpu.dma_semaphore, #tpu.memory_space<semaphore_mem>>)
      %dma_start3A_105 = arith.constant 3 : i32
      %dma_start3A_106 = arith.constant 3 : i32
      %dma_start3A_107 = arith.constant 0 : i32
      %dma_start3A_108 = tpu.memref_slice %arg10[%dma_start3A_106, %dma_start3A_107] : memref<8x128xf32, #tpu.memory_space<vmem>> -> memref<1x128xf32, #tpu.memory_space<vmem>>
      %dma_start3A_109 = tpu.memref_squeeze %dma_start3A_108 : memref<1x128xf32, #tpu.memory_space<vmem>> -> memref<128xf32, #tpu.memory_space<vmem>>
      %dma_start3A_110 = arith.constant 0 : i32
      %dma_start3A_111 = tpu.memref_slice %arg9[%dma_start3A_105, %dma_start3A_110] : memref<8x128xi32, #tpu.memory_space<vmem>> -> memref<1x128xi32, #tpu.memory_space<vmem>>
      %dma_start3A_112 = tpu.memref_squeeze %dma_start3A_111 : memref<1x128xi32, #tpu.memory_space<vmem>> -> memref<128xi32, #tpu.memory_space<vmem>>
      %dma_start3A_113 = arith.constant 0 : i32
      %dma_start3A_114 = tpu.memref_slice %arg4[%dma_start3A_113] : memref<100352xf32, #tpu.memory_space<hbm>> -> memref<100352xf32, #tpu.memory_space<hbm>>
      tpu.enqueue_indirect_dma source(%dma_start3A_114 : memref<100352xf32, #tpu.memory_space<hbm>>) target(%dma_start3A_109 : memref<128xf32, #tpu.memory_space<vmem>>) offsets(%dma_start3A_112 : memref<128xi32, #tpu.memory_space<vmem>>) semaphore(%arg18 : memref<!tpu.dma_semaphore, #tpu.memory_space<semaphore_mem>>)
      %dma_start3A_115 = arith.constant 4 : i32
      %dma_start3A_116 = arith.constant 4 : i32
      %dma_start3A_117 = arith.constant 0 : i32
      %dma_start3A_118 = tpu.memref_slice %arg10[%dma_start3A_116, %dma_start3A_117] : memref<8x128xf32, #tpu.memory_space<vmem>> -> memref<1x128xf32, #tpu.memory_space<vmem>>
      %dma_start3A_119 = tpu.memref_squeeze %dma_start3A_118 : memref<1x128xf32, #tpu.memory_space<vmem>> -> memref<128xf32, #tpu.memory_space<vmem>>
      %dma_start3A_120 = arith.constant 0 : i32
      %dma_start3A_121 = tpu.memref_slice %arg9[%dma_start3A_115, %dma_start3A_120] : memref<8x128xi32, #tpu.memory_space<vmem>> -> memref<1x128xi32, #tpu.memory_space<vmem>>
      %dma_start3A_122 = tpu.memref_squeeze %dma_start3A_121 : memref<1x128xi32, #tpu.memory_space<vmem>> -> memref<128xi32, #tpu.memory_space<vmem>>
      %dma_start3A_123 = arith.constant 0 : i32
      %dma_start3A_124 = tpu.memref_slice %arg4[%dma_start3A_123] : memref<100352xf32, #tpu.memory_space<hbm>> -> memref<100352xf32, #tpu.memory_space<hbm>>
      tpu.enqueue_indirect_dma source(%dma_start3A_124 : memref<100352xf32, #tpu.memory_space<hbm>>) target(%dma_start3A_119 : memref<128xf32, #tpu.memory_space<vmem>>) offsets(%dma_start3A_122 : memref<128xi32, #tpu.memory_space<vmem>>) semaphore(%arg18 : memref<!tpu.dma_semaphore, #tpu.memory_space<semaphore_mem>>)
      %dma_start3A_125 = arith.constant 5 : i32
      %dma_start3A_126 = arith.constant 5 : i32
      %dma_start3A_127 = arith.constant 0 : i32
      %dma_start3A_128 = tpu.memref_slice %arg10[%dma_start3A_126, %dma_start3A_127] : memref<8x128xf32, #tpu.memory_space<vmem>> -> memref<1x128xf32, #tpu.memory_space<vmem>>
      %dma_start3A_129 = tpu.memref_squeeze %dma_start3A_128 : memref<1x128xf32, #tpu.memory_space<vmem>> -> memref<128xf32, #tpu.memory_space<vmem>>
      %dma_start3A_130 = arith.constant 0 : i32
      %dma_start3A_131 = tpu.memref_slice %arg9[%dma_start3A_125, %dma_start3A_130] : memref<8x128xi32, #tpu.memory_space<vmem>> -> memref<1x128xi32, #tpu.memory_space<vmem>>
      %dma_start3A_132 = tpu.memref_squeeze %dma_start3A_131 : memref<1x128xi32, #tpu.memory_space<vmem>> -> memref<128xi32, #tpu.memory_space<vmem>>
      %dma_start3A_133 = arith.constant 0 : i32
      %dma_start3A_134 = tpu.memref_slice %arg4[%dma_start3A_133] : memref<100352xf32, #tpu.memory_space<hbm>> -> memref<100352xf32, #tpu.memory_space<hbm>>
      tpu.enqueue_indirect_dma source(%dma_start3A_134 : memref<100352xf32, #tpu.memory_space<hbm>>) target(%dma_start3A_129 : memref<128xf32, #tpu.memory_space<vmem>>) offsets(%dma_start3A_132 : memref<128xi32, #tpu.memory_space<vmem>>) semaphore(%arg18 : memref<!tpu.dma_semaphore, #tpu.memory_space<semaphore_mem>>)
      %dma_start3A_135 = arith.constant 6 : i32
      %dma_start3A_136 = arith.constant 6 : i32
      %dma_start3A_137 = arith.constant 0 : i32
      %dma_start3A_138 = tpu.memref_slice %arg10[%dma_start3A_136, %dma_start3A_137] : memref<8x128xf32, #tpu.memory_space<vmem>> -> memref<1x128xf32, #tpu.memory_space<vmem>>
      %dma_start3A_139 = tpu.memref_squeeze %dma_start3A_138 : memref<1x128xf32, #tpu.memory_space<vmem>> -> memref<128xf32, #tpu.memory_space<vmem>>
      %dma_start3A_140 = arith.constant 0 : i32
      %dma_start3A_141 = tpu.memref_slice %arg9[%dma_start3A_135, %dma_start3A_140] : memref<8x128xi32, #tpu.memory_space<vmem>> -> memref<1x128xi32, #tpu.memory_space<vmem>>
      %dma_start3A_142 = tpu.memref_squeeze %dma_start3A_141 : memref<1x128xi32, #tpu.memory_space<vmem>> -> memref<128xi32, #tpu.memory_space<vmem>>
      %dma_start3A_143 = arith.constant 0 : i32
      %dma_start3A_144 = tpu.memref_slice %arg4[%dma_start3A_143] : memref<100352xf32, #tpu.memory_space<hbm>> -> memref<100352xf32, #tpu.memory_space<hbm>>
      tpu.enqueue_indirect_dma source(%dma_start3A_144 : memref<100352xf32, #tpu.memory_space<hbm>>) target(%dma_start3A_139 : memref<128xf32, #tpu.memory_space<vmem>>) offsets(%dma_start3A_142 : memref<128xi32, #tpu.memory_space<vmem>>) semaphore(%arg18 : memref<!tpu.dma_semaphore, #tpu.memory_space<semaphore_mem>>)
      %dma_start3A_145 = arith.constant 7 : i32
      %dma_start3A_146 = arith.constant 7 : i32
      %dma_start3A_147 = arith.constant 0 : i32
      %dma_start3A_148 = tpu.memref_slice %arg10[%dma_start3A_146, %dma_start3A_147] : memref<8x128xf32, #tpu.memory_space<vmem>> -> memref<1x128xf32, #tpu.memory_space<vmem>>
      %dma_start3A_149 = tpu.memref_squeeze %dma_start3A_148 : memref<1x128xf32, #tpu.memory_space<vmem>> -> memref<128xf32, #tpu.memory_space<vmem>>
      %dma_start3A_150 = arith.constant 0 : i32
      %dma_start3A_151 = tpu.memref_slice %arg9[%dma_start3A_145, %dma_start3A_150] : memref<8x128xi32, #tpu.memory_space<vmem>> -> memref<1x128xi32, #tpu.memory_space<vmem>>
      %dma_start3A_152 = tpu.memref_squeeze %dma_start3A_151 : memref<1x128xi32, #tpu.memory_space<vmem>> -> memref<128xi32, #tpu.memory_space<vmem>>
      %dma_start3A_153 = arith.constant 0 : i32
      %dma_start3A_154 = tpu.memref_slice %arg4[%dma_start3A_153] : memref<100352xf32, #tpu.memory_space<hbm>> -> memref<100352xf32, #tpu.memory_space<hbm>>
      tpu.enqueue_indirect_dma source(%dma_start3A_154 : memref<100352xf32, #tpu.memory_space<hbm>>) target(%dma_start3A_149 : memref<128xf32, #tpu.memory_space<vmem>>) offsets(%dma_start3A_152 : memref<128xi32, #tpu.memory_space<vmem>>) semaphore(%arg18 : memref<!tpu.dma_semaphore, #tpu.memory_space<semaphore_mem>>)
      %dma_start3A_155 = arith.constant 0 : i32
      %dma_start3A_156 = arith.constant 0 : i32
      %dma_start3A_157 = arith.constant 0 : i32
      %dma_start3A_158 = tpu.memref_slice %arg11[%dma_start3A_156, %dma_start3A_157] : memref<8x128xf32, #tpu.memory_space<vmem>> -> memref<1x128xf32, #tpu.memory_space<vmem>>
      %dma_start3A_159 = tpu.memref_squeeze %dma_start3A_158 : memref<1x128xf32, #tpu.memory_space<vmem>> -> memref<128xf32, #tpu.memory_space<vmem>>
      %dma_start3A_160 = arith.constant 0 : i32
      %dma_start3A_161 = tpu.memref_slice %arg9[%dma_start3A_155, %dma_start3A_160] : memref<8x128xi32, #tpu.memory_space<vmem>> -> memref<1x128xi32, #tpu.memory_space<vmem>>
      %dma_start3A_162 = tpu.memref_squeeze %dma_start3A_161 : memref<1x128xi32, #tpu.memory_space<vmem>> -> memref<128xi32, #tpu.memory_space<vmem>>
      %dma_start3A_163 = arith.constant 0 : i32
      %dma_start3A_164 = tpu.memref_slice %arg5[%dma_start3A_163] : memref<100352xf32, #tpu.memory_space<hbm>> -> memref<100352xf32, #tpu.memory_space<hbm>>
      tpu.enqueue_indirect_dma source(%dma_start3A_164 : memref<100352xf32, #tpu.memory_space<hbm>>) target(%dma_start3A_159 : memref<128xf32, #tpu.memory_space<vmem>>) offsets(%dma_start3A_162 : memref<128xi32, #tpu.memory_space<vmem>>) semaphore(%arg18 : memref<!tpu.dma_semaphore, #tpu.memory_space<semaphore_mem>>)
      %dma_start3A_165 = arith.constant 1 : i32
      %dma_start3A_166 = arith.constant 1 : i32
      %dma_start3A_167 = arith.constant 0 : i32
      %dma_start3A_168 = tpu.memref_slice %arg11[%dma_start3A_166, %dma_start3A_167] : memref<8x128xf32, #tpu.memory_space<vmem>> -> memref<1x128xf32, #tpu.memory_space<vmem>>
      %dma_start3A_169 = tpu.memref_squeeze %dma_start3A_168 : memref<1x128xf32, #tpu.memory_space<vmem>> -> memref<128xf32, #tpu.memory_space<vmem>>
      %dma_start3A_170 = arith.constant 0 : i32
      %dma_start3A_171 = tpu.memref_slice %arg9[%dma_start3A_165, %dma_start3A_170] : memref<8x128xi32, #tpu.memory_space<vmem>> -> memref<1x128xi32, #tpu.memory_space<vmem>>
      %dma_start3A_172 = tpu.memref_squeeze %dma_start3A_171 : memref<1x128xi32, #tpu.memory_space<vmem>> -> memref<128xi32, #tpu.memory_space<vmem>>
      %dma_start3A_173 = arith.constant 0 : i32
      %dma_start3A_174 = tpu.memref_slice %arg5[%dma_start3A_173] : memref<100352xf32, #tpu.memory_space<hbm>> -> memref<100352xf32, #tpu.memory_space<hbm>>
      tpu.enqueue_indirect_dma source(%dma_start3A_174 : memref<100352xf32, #tpu.memory_space<hbm>>) target(%dma_start3A_169 : memref<128xf32, #tpu.memory_space<vmem>>) offsets(%dma_start3A_172 : memref<128xi32, #tpu.memory_space<vmem>>) semaphore(%arg18 : memref<!tpu.dma_semaphore, #tpu.memory_space<semaphore_mem>>)
      %dma_start3A_175 = arith.constant 2 : i32
      %dma_start3A_176 = arith.constant 2 : i32
      %dma_start3A_177 = arith.constant 0 : i32
      %dma_start3A_178 = tpu.memref_slice %arg11[%dma_start3A_176, %dma_start3A_177] : memref<8x128xf32, #tpu.memory_space<vmem>> -> memref<1x128xf32, #tpu.memory_space<vmem>>
      %dma_start3A_179 = tpu.memref_squeeze %dma_start3A_178 : memref<1x128xf32, #tpu.memory_space<vmem>> -> memref<128xf32, #tpu.memory_space<vmem>>
      %dma_start3A_180 = arith.constant 0 : i32
      %dma_start3A_181 = tpu.memref_slice %arg9[%dma_start3A_175, %dma_start3A_180] : memref<8x128xi32, #tpu.memory_space<vmem>> -> memref<1x128xi32, #tpu.memory_space<vmem>>
      %dma_start3A_182 = tpu.memref_squeeze %dma_start3A_181 : memref<1x128xi32, #tpu.memory_space<vmem>> -> memref<128xi32, #tpu.memory_space<vmem>>
      %dma_start3A_183 = arith.constant 0 : i32
      %dma_start3A_184 = tpu.memref_slice %arg5[%dma_start3A_183] : memref<100352xf32, #tpu.memory_space<hbm>> -> memref<100352xf32, #tpu.memory_space<hbm>>
      tpu.enqueue_indirect_dma source(%dma_start3A_184 : memref<100352xf32, #tpu.memory_space<hbm>>) target(%dma_start3A_179 : memref<128xf32, #tpu.memory_space<vmem>>) offsets(%dma_start3A_182 : memref<128xi32, #tpu.memory_space<vmem>>) semaphore(%arg18 : memref<!tpu.dma_semaphore, #tpu.memory_space<semaphore_mem>>)
      %dma_start3A_185 = arith.constant 3 : i32
      %dma_start3A_186 = arith.constant 3 : i32
      %dma_start3A_187 = arith.constant 0 : i32
      %dma_start3A_188 = tpu.memref_slice %arg11[%dma_start3A_186, %dma_start3A_187] : memref<8x128xf32, #tpu.memory_space<vmem>> -> memref<1x128xf32, #tpu.memory_space<vmem>>
      %dma_start3A_189 = tpu.memref_squeeze %dma_start3A_188 : memref<1x128xf32, #tpu.memory_space<vmem>> -> memref<128xf32, #tpu.memory_space<vmem>>
      %dma_start3A_190 = arith.constant 0 : i32
      %dma_start3A_191 = tpu.memref_slice %arg9[%dma_start3A_185, %dma_start3A_190] : memref<8x128xi32, #tpu.memory_space<vmem>> -> memref<1x128xi32, #tpu.memory_space<vmem>>
      %dma_start3A_192 = tpu.memref_squeeze %dma_start3A_191 : memref<1x128xi32, #tpu.memory_space<vmem>> -> memref<128xi32, #tpu.memory_space<vmem>>
      %dma_start3A_193 = arith.constant 0 : i32
      %dma_start3A_194 = tpu.memref_slice %arg5[%dma_start3A_193] : memref<100352xf32, #tpu.memory_space<hbm>> -> memref<100352xf32, #tpu.memory_space<hbm>>
      tpu.enqueue_indirect_dma source(%dma_start3A_194 : memref<100352xf32, #tpu.memory_space<hbm>>) target(%dma_start3A_189 : memref<128xf32, #tpu.memory_space<vmem>>) offsets(%dma_start3A_192 : memref<128xi32, #tpu.memory_space<vmem>>) semaphore(%arg18 : memref<!tpu.dma_semaphore, #tpu.memory_space<semaphore_mem>>)
      %dma_start3A_195 = arith.constant 4 : i32
      %dma_start3A_196 = arith.constant 4 : i32
      %dma_start3A_197 = arith.constant 0 : i32
      %dma_start3A_198 = tpu.memref_slice %arg11[%dma_start3A_196, %dma_start3A_197] : memref<8x128xf32, #tpu.memory_space<vmem>> -> memref<1x128xf32, #tpu.memory_space<vmem>>
      %dma_start3A_199 = tpu.memref_squeeze %dma_start3A_198 : memref<1x128xf32, #tpu.memory_space<vmem>> -> memref<128xf32, #tpu.memory_space<vmem>>
      %dma_start3A_200 = arith.constant 0 : i32
      %dma_start3A_201 = tpu.memref_slice %arg9[%dma_start3A_195, %dma_start3A_200] : memref<8x128xi32, #tpu.memory_space<vmem>> -> memref<1x128xi32, #tpu.memory_space<vmem>>
      %dma_start3A_202 = tpu.memref_squeeze %dma_start3A_201 : memref<1x128xi32, #tpu.memory_space<vmem>> -> memref<128xi32, #tpu.memory_space<vmem>>
      %dma_start3A_203 = arith.constant 0 : i32
      %dma_start3A_204 = tpu.memref_slice %arg5[%dma_start3A_203] : memref<100352xf32, #tpu.memory_space<hbm>> -> memref<100352xf32, #tpu.memory_space<hbm>>
      tpu.enqueue_indirect_dma source(%dma_start3A_204 : memref<100352xf32, #tpu.memory_space<hbm>>) target(%dma_start3A_199 : memref<128xf32, #tpu.memory_space<vmem>>) offsets(%dma_start3A_202 : memref<128xi32, #tpu.memory_space<vmem>>) semaphore(%arg18 : memref<!tpu.dma_semaphore, #tpu.memory_space<semaphore_mem>>)
      %dma_start3A_205 = arith.constant 5 : i32
      %dma_start3A_206 = arith.constant 5 : i32
      %dma_start3A_207 = arith.constant 0 : i32
      %dma_start3A_208 = tpu.memref_slice %arg11[%dma_start3A_206, %dma_start3A_207] : memref<8x128xf32, #tpu.memory_space<vmem>> -> memref<1x128xf32, #tpu.memory_space<vmem>>
      %dma_start3A_209 = tpu.memref_squeeze %dma_start3A_208 : memref<1x128xf32, #tpu.memory_space<vmem>> -> memref<128xf32, #tpu.memory_space<vmem>>
      %dma_start3A_210 = arith.constant 0 : i32
      %dma_start3A_211 = tpu.memref_slice %arg9[%dma_start3A_205, %dma_start3A_210] : memref<8x128xi32, #tpu.memory_space<vmem>> -> memref<1x128xi32, #tpu.memory_space<vmem>>
      %dma_start3A_212 = tpu.memref_squeeze %dma_start3A_211 : memref<1x128xi32, #tpu.memory_space<vmem>> -> memref<128xi32, #tpu.memory_space<vmem>>
      %dma_start3A_213 = arith.constant 0 : i32
      %dma_start3A_214 = tpu.memref_slice %arg5[%dma_start3A_213] : memref<100352xf32, #tpu.memory_space<hbm>> -> memref<100352xf32, #tpu.memory_space<hbm>>
      tpu.enqueue_indirect_dma source(%dma_start3A_214 : memref<100352xf32, #tpu.memory_space<hbm>>) target(%dma_start3A_209 : memref<128xf32, #tpu.memory_space<vmem>>) offsets(%dma_start3A_212 : memref<128xi32, #tpu.memory_space<vmem>>) semaphore(%arg18 : memref<!tpu.dma_semaphore, #tpu.memory_space<semaphore_mem>>)
      %dma_start3A_215 = arith.constant 6 : i32
      %dma_start3A_216 = arith.constant 6 : i32
      %dma_start3A_217 = arith.constant 0 : i32
      %dma_start3A_218 = tpu.memref_slice %arg11[%dma_start3A_216, %dma_start3A_217] : memref<8x128xf32, #tpu.memory_space<vmem>> -> memref<1x128xf32, #tpu.memory_space<vmem>>
      %dma_start3A_219 = tpu.memref_squeeze %dma_start3A_218 : memref<1x128xf32, #tpu.memory_space<vmem>> -> memref<128xf32, #tpu.memory_space<vmem>>
      %dma_start3A_220 = arith.constant 0 : i32
      %dma_start3A_221 = tpu.memref_slice %arg9[%dma_start3A_215, %dma_start3A_220] : memref<8x128xi32, #tpu.memory_space<vmem>> -> memref<1x128xi32, #tpu.memory_space<vmem>>
      %dma_start3A_222 = tpu.memref_squeeze %dma_start3A_221 : memref<1x128xi32, #tpu.memory_space<vmem>> -> memref<128xi32, #tpu.memory_space<vmem>>
      %dma_start3A_223 = arith.constant 0 : i32
      %dma_start3A_224 = tpu.memref_slice %arg5[%dma_start3A_223] : memref<100352xf32, #tpu.memory_space<hbm>> -> memref<100352xf32, #tpu.memory_space<hbm>>
      tpu.enqueue_indirect_dma source(%dma_start3A_224 : memref<100352xf32, #tpu.memory_space<hbm>>) target(%dma_start3A_219 : memref<128xf32, #tpu.memory_space<vmem>>) offsets(%dma_start3A_222 : memref<128xi32, #tpu.memory_space<vmem>>) semaphore(%arg18 : memref<!tpu.dma_semaphore, #tpu.memory_space<semaphore_mem>>)
      %dma_start3A_225 = arith.constant 7 : i32
      %dma_start3A_226 = arith.constant 7 : i32
      %dma_start3A_227 = arith.constant 0 : i32
      %dma_start3A_228 = tpu.memref_slice %arg11[%dma_start3A_226, %dma_start3A_227] : memref<8x128xf32, #tpu.memory_space<vmem>> -> memref<1x128xf32, #tpu.memory_space<vmem>>
      %dma_start3A_229 = tpu.memref_squeeze %dma_start3A_228 : memref<1x128xf32, #tpu.memory_space<vmem>> -> memref<128xf32, #tpu.memory_space<vmem>>
      %dma_start3A_230 = arith.constant 0 : i32
      %dma_start3A_231 = tpu.memref_slice %arg9[%dma_start3A_225, %dma_start3A_230] : memref<8x128xi32, #tpu.memory_space<vmem>> -> memref<1x128xi32, #tpu.memory_space<vmem>>
      %dma_start3A_232 = tpu.memref_squeeze %dma_start3A_231 : memref<1x128xi32, #tpu.memory_space<vmem>> -> memref<128xi32, #tpu.memory_space<vmem>>
      %dma_start3A_233 = arith.constant 0 : i32
      %dma_start3A_234 = tpu.memref_slice %arg5[%dma_start3A_233] : memref<100352xf32, #tpu.memory_space<hbm>> -> memref<100352xf32, #tpu.memory_space<hbm>>
      tpu.enqueue_indirect_dma source(%dma_start3A_234 : memref<100352xf32, #tpu.memory_space<hbm>>) target(%dma_start3A_229 : memref<128xf32, #tpu.memory_space<vmem>>) offsets(%dma_start3A_232 : memref<128xi32, #tpu.memory_space<vmem>>) semaphore(%arg18 : memref<!tpu.dma_semaphore, #tpu.memory_space<semaphore_mem>>)
      %dma_start3A_235 = arith.constant 0 : i32
      %dma_start3A_236 = arith.constant 0 : i32
      %dma_start3A_237 = arith.constant 0 : i32
      %dma_start3A_238 = tpu.memref_slice %arg12[%dma_start3A_236, %dma_start3A_237] : memref<8x128xf32, #tpu.memory_space<vmem>> -> memref<1x128xf32, #tpu.memory_space<vmem>>
      %dma_start3A_239 = tpu.memref_squeeze %dma_start3A_238 : memref<1x128xf32, #tpu.memory_space<vmem>> -> memref<128xf32, #tpu.memory_space<vmem>>
      %dma_start3A_240 = arith.constant 0 : i32
      %dma_start3A_241 = tpu.memref_slice %arg9[%dma_start3A_235, %dma_start3A_240] : memref<8x128xi32, #tpu.memory_space<vmem>> -> memref<1x128xi32, #tpu.memory_space<vmem>>
      %dma_start3A_242 = tpu.memref_squeeze %dma_start3A_241 : memref<1x128xi32, #tpu.memory_space<vmem>> -> memref<128xi32, #tpu.memory_space<vmem>>
      %dma_start3A_243 = arith.constant 0 : i32
      %dma_start3A_244 = tpu.memref_slice %arg6[%dma_start3A_243] : memref<100352xf32, #tpu.memory_space<hbm>> -> memref<100352xf32, #tpu.memory_space<hbm>>
      tpu.enqueue_indirect_dma source(%dma_start3A_244 : memref<100352xf32, #tpu.memory_space<hbm>>) target(%dma_start3A_239 : memref<128xf32, #tpu.memory_space<vmem>>) offsets(%dma_start3A_242 : memref<128xi32, #tpu.memory_space<vmem>>) semaphore(%arg18 : memref<!tpu.dma_semaphore, #tpu.memory_space<semaphore_mem>>)
      %dma_start3A_245 = arith.constant 1 : i32
      %dma_start3A_246 = arith.constant 1 : i32
      %dma_start3A_247 = arith.constant 0 : i32
      %dma_start3A_248 = tpu.memref_slice %arg12[%dma_start3A_246, %dma_start3A_247] : memref<8x128xf32, #tpu.memory_space<vmem>> -> memref<1x128xf32, #tpu.memory_space<vmem>>
      %dma_start3A_249 = tpu.memref_squeeze %dma_start3A_248 : memref<1x128xf32, #tpu.memory_space<vmem>> -> memref<128xf32, #tpu.memory_space<vmem>>
      %dma_start3A_250 = arith.constant 0 : i32
      %dma_start3A_251 = tpu.memref_slice %arg9[%dma_start3A_245, %dma_start3A_250] : memref<8x128xi32, #tpu.memory_space<vmem>> -> memref<1x128xi32, #tpu.memory_space<vmem>>
      %dma_start3A_252 = tpu.memref_squeeze %dma_start3A_251 : memref<1x128xi32, #tpu.memory_space<vmem>> -> memref<128xi32, #tpu.memory_space<vmem>>
      %dma_start3A_253 = arith.constant 0 : i32
      %dma_start3A_254 = tpu.memref_slice %arg6[%dma_start3A_253] : memref<100352xf32, #tpu.memory_space<hbm>> -> memref<100352xf32, #tpu.memory_space<hbm>>
      tpu.enqueue_indirect_dma source(%dma_start3A_254 : memref<100352xf32, #tpu.memory_space<hbm>>) target(%dma_start3A_249 : memref<128xf32, #tpu.memory_space<vmem>>) offsets(%dma_start3A_252 : memref<128xi32, #tpu.memory_space<vmem>>) semaphore(%arg18 : memref<!tpu.dma_semaphore, #tpu.memory_space<semaphore_mem>>)
      %dma_start3A_255 = arith.constant 2 : i32
      %dma_start3A_256 = arith.constant 2 : i32
      %dma_start3A_257 = arith.constant 0 : i32
      %dma_start3A_258 = tpu.memref_slice %arg12[%dma_start3A_256, %dma_start3A_257] : memref<8x128xf32, #tpu.memory_space<vmem>> -> memref<1x128xf32, #tpu.memory_space<vmem>>
      %dma_start3A_259 = tpu.memref_squeeze %dma_start3A_258 : memref<1x128xf32, #tpu.memory_space<vmem>> -> memref<128xf32, #tpu.memory_space<vmem>>
      %dma_start3A_260 = arith.constant 0 : i32
      %dma_start3A_261 = tpu.memref_slice %arg9[%dma_start3A_255, %dma_start3A_260] : memref<8x128xi32, #tpu.memory_space<vmem>> -> memref<1x128xi32, #tpu.memory_space<vmem>>
      %dma_start3A_262 = tpu.memref_squeeze %dma_start3A_261 : memref<1x128xi32, #tpu.memory_space<vmem>> -> memref<128xi32, #tpu.memory_space<vmem>>
      %dma_start3A_263 = arith.constant 0 : i32
      %dma_start3A_264 = tpu.memref_slice %arg6[%dma_start3A_263] : memref<100352xf32, #tpu.memory_space<hbm>> -> memref<100352xf32, #tpu.memory_space<hbm>>
      tpu.enqueue_indirect_dma source(%dma_start3A_264 : memref<100352xf32, #tpu.memory_space<hbm>>) target(%dma_start3A_259 : memref<128xf32, #tpu.memory_space<vmem>>) offsets(%dma_start3A_262 : memref<128xi32, #tpu.memory_space<vmem>>) semaphore(%arg18 : memref<!tpu.dma_semaphore, #tpu.memory_space<semaphore_mem>>)
      %dma_start3A_265 = arith.constant 3 : i32
      %dma_start3A_266 = arith.constant 3 : i32
      %dma_start3A_267 = arith.constant 0 : i32
      %dma_start3A_268 = tpu.memref_slice %arg12[%dma_start3A_266, %dma_start3A_267] : memref<8x128xf32, #tpu.memory_space<vmem>> -> memref<1x128xf32, #tpu.memory_space<vmem>>
      %dma_start3A_269 = tpu.memref_squeeze %dma_start3A_268 : memref<1x128xf32, #tpu.memory_space<vmem>> -> memref<128xf32, #tpu.memory_space<vmem>>
      %dma_start3A_270 = arith.constant 0 : i32
      %dma_start3A_271 = tpu.memref_slice %arg9[%dma_start3A_265, %dma_start3A_270] : memref<8x128xi32, #tpu.memory_space<vmem>> -> memref<1x128xi32, #tpu.memory_space<vmem>>
      %dma_start3A_272 = tpu.memref_squeeze %dma_start3A_271 : memref<1x128xi32, #tpu.memory_space<vmem>> -> memref<128xi32, #tpu.memory_space<vmem>>
      %dma_start3A_273 = arith.constant 0 : i32
      %dma_start3A_274 = tpu.memref_slice %arg6[%dma_start3A_273] : memref<100352xf32, #tpu.memory_space<hbm>> -> memref<100352xf32, #tpu.memory_space<hbm>>
      tpu.enqueue_indirect_dma source(%dma_start3A_274 : memref<100352xf32, #tpu.memory_space<hbm>>) target(%dma_start3A_269 : memref<128xf32, #tpu.memory_space<vmem>>) offsets(%dma_start3A_272 : memref<128xi32, #tpu.memory_space<vmem>>) semaphore(%arg18 : memref<!tpu.dma_semaphore, #tpu.memory_space<semaphore_mem>>)
      %dma_start3A_275 = arith.constant 4 : i32
      %dma_start3A_276 = arith.constant 4 : i32
      %dma_start3A_277 = arith.constant 0 : i32
      %dma_start3A_278 = tpu.memref_slice %arg12[%dma_start3A_276, %dma_start3A_277] : memref<8x128xf32, #tpu.memory_space<vmem>> -> memref<1x128xf32, #tpu.memory_space<vmem>>
      %dma_start3A_279 = tpu.memref_squeeze %dma_start3A_278 : memref<1x128xf32, #tpu.memory_space<vmem>> -> memref<128xf32, #tpu.memory_space<vmem>>
      %dma_start3A_280 = arith.constant 0 : i32
      %dma_start3A_281 = tpu.memref_slice %arg9[%dma_start3A_275, %dma_start3A_280] : memref<8x128xi32, #tpu.memory_space<vmem>> -> memref<1x128xi32, #tpu.memory_space<vmem>>
      %dma_start3A_282 = tpu.memref_squeeze %dma_start3A_281 : memref<1x128xi32, #tpu.memory_space<vmem>> -> memref<128xi32, #tpu.memory_space<vmem>>
      %dma_start3A_283 = arith.constant 0 : i32
      %dma_start3A_284 = tpu.memref_slice %arg6[%dma_start3A_283] : memref<100352xf32, #tpu.memory_space<hbm>> -> memref<100352xf32, #tpu.memory_space<hbm>>
      tpu.enqueue_indirect_dma source(%dma_start3A_284 : memref<100352xf32, #tpu.memory_space<hbm>>) target(%dma_start3A_279 : memref<128xf32, #tpu.memory_space<vmem>>) offsets(%dma_start3A_282 : memref<128xi32, #tpu.memory_space<vmem>>) semaphore(%arg18 : memref<!tpu.dma_semaphore, #tpu.memory_space<semaphore_mem>>)
      %dma_start3A_285 = arith.constant 5 : i32
      %dma_start3A_286 = arith.constant 5 : i32
      %dma_start3A_287 = arith.constant 0 : i32
      %dma_start3A_288 = tpu.memref_slice %arg12[%dma_start3A_286, %dma_start3A_287] : memref<8x128xf32, #tpu.memory_space<vmem>> -> memref<1x128xf32, #tpu.memory_space<vmem>>
      %dma_start3A_289 = tpu.memref_squeeze %dma_start3A_288 : memref<1x128xf32, #tpu.memory_space<vmem>> -> memref<128xf32, #tpu.memory_space<vmem>>
      %dma_start3A_290 = arith.constant 0 : i32
      %dma_start3A_291 = tpu.memref_slice %arg9[%dma_start3A_285, %dma_start3A_290] : memref<8x128xi32, #tpu.memory_space<vmem>> -> memref<1x128xi32, #tpu.memory_space<vmem>>
      %dma_start3A_292 = tpu.memref_squeeze %dma_start3A_291 : memref<1x128xi32, #tpu.memory_space<vmem>> -> memref<128xi32, #tpu.memory_space<vmem>>
      %dma_start3A_293 = arith.constant 0 : i32
      %dma_start3A_294 = tpu.memref_slice %arg6[%dma_start3A_293] : memref<100352xf32, #tpu.memory_space<hbm>> -> memref<100352xf32, #tpu.memory_space<hbm>>
      tpu.enqueue_indirect_dma source(%dma_start3A_294 : memref<100352xf32, #tpu.memory_space<hbm>>) target(%dma_start3A_289 : memref<128xf32, #tpu.memory_space<vmem>>) offsets(%dma_start3A_292 : memref<128xi32, #tpu.memory_space<vmem>>) semaphore(%arg18 : memref<!tpu.dma_semaphore, #tpu.memory_space<semaphore_mem>>)
      %dma_start3A_295 = arith.constant 6 : i32
      %dma_start3A_296 = arith.constant 6 : i32
      %dma_start3A_297 = arith.constant 0 : i32
      %dma_start3A_298 = tpu.memref_slice %arg12[%dma_start3A_296, %dma_start3A_297] : memref<8x128xf32, #tpu.memory_space<vmem>> -> memref<1x128xf32, #tpu.memory_space<vmem>>
      %dma_start3A_299 = tpu.memref_squeeze %dma_start3A_298 : memref<1x128xf32, #tpu.memory_space<vmem>> -> memref<128xf32, #tpu.memory_space<vmem>>
      %dma_start3A_300 = arith.constant 0 : i32
      %dma_start3A_301 = tpu.memref_slice %arg9[%dma_start3A_295, %dma_start3A_300] : memref<8x128xi32, #tpu.memory_space<vmem>> -> memref<1x128xi32, #tpu.memory_space<vmem>>
      %dma_start3A_302 = tpu.memref_squeeze %dma_start3A_301 : memref<1x128xi32, #tpu.memory_space<vmem>> -> memref<128xi32, #tpu.memory_space<vmem>>
      %dma_start3A_303 = arith.constant 0 : i32
      %dma_start3A_304 = tpu.memref_slice %arg6[%dma_start3A_303] : memref<100352xf32, #tpu.memory_space<hbm>> -> memref<100352xf32, #tpu.memory_space<hbm>>
      tpu.enqueue_indirect_dma source(%dma_start3A_304 : memref<100352xf32, #tpu.memory_space<hbm>>) target(%dma_start3A_299 : memref<128xf32, #tpu.memory_space<vmem>>) offsets(%dma_start3A_302 : memref<128xi32, #tpu.memory_space<vmem>>) semaphore(%arg18 : memref<!tpu.dma_semaphore, #tpu.memory_space<semaphore_mem>>)
      %dma_start3A_305 = arith.constant 7 : i32
      %dma_start3A_306 = arith.constant 7 : i32
      %dma_start3A_307 = arith.constant 0 : i32
      %dma_start3A_308 = tpu.memref_slice %arg12[%dma_start3A_306, %dma_start3A_307] : memref<8x128xf32, #tpu.memory_space<vmem>> -> memref<1x128xf32, #tpu.memory_space<vmem>>
      %dma_start3A_309 = tpu.memref_squeeze %dma_start3A_308 : memref<1x128xf32, #tpu.memory_space<vmem>> -> memref<128xf32, #tpu.memory_space<vmem>>
      %dma_start3A_310 = arith.constant 0 : i32
      %dma_start3A_311 = tpu.memref_slice %arg9[%dma_start3A_305, %dma_start3A_310] : memref<8x128xi32, #tpu.memory_space<vmem>> -> memref<1x128xi32, #tpu.memory_space<vmem>>
      %dma_start3A_312 = tpu.memref_squeeze %dma_start3A_311 : memref<1x128xi32, #tpu.memory_space<vmem>> -> memref<128xi32, #tpu.memory_space<vmem>>
      %dma_start3A_313 = arith.constant 0 : i32
      %dma_start3A_314 = tpu.memref_slice %arg6[%dma_start3A_313] : memref<100352xf32, #tpu.memory_space<hbm>> -> memref<100352xf32, #tpu.memory_space<hbm>>
      tpu.enqueue_indirect_dma source(%dma_start3A_314 : memref<100352xf32, #tpu.memory_space<hbm>>) target(%dma_start3A_309 : memref<128xf32, #tpu.memory_space<vmem>>) offsets(%dma_start3A_312 : memref<128xi32, #tpu.memory_space<vmem>>) semaphore(%arg18 : memref<!tpu.dma_semaphore, #tpu.memory_space<semaphore_mem>>)
      %dma_wait3A_315 = arith.constant 0 : i32
      %dma_wait3A_316 = arith.constant 0 : i32
      %dma_wait3A_317 = arith.constant 0 : i32
      %dma_wait3A_318 = tpu.memref_slice %arg10[%dma_wait3A_316, %dma_wait3A_317] : memref<8x128xf32, #tpu.memory_space<vmem>> -> memref<1x128xf32, #tpu.memory_space<vmem>>
      %dma_wait3A_319 = tpu.memref_squeeze %dma_wait3A_318 : memref<1x128xf32, #tpu.memory_space<vmem>> -> memref<128xf32, #tpu.memory_space<vmem>>
      %dma_wait3A_320 = arith.constant 0 : i32
      %dma_wait3A_321 = tpu.memref_slice %arg9[%dma_wait3A_315, %dma_wait3A_320] : memref<8x128xi32, #tpu.memory_space<vmem>> -> memref<1x128xi32, #tpu.memory_space<vmem>>
      %dma_wait3A_322 = tpu.memref_squeeze %dma_wait3A_321 : memref<1x128xi32, #tpu.memory_space<vmem>> -> memref<128xi32, #tpu.memory_space<vmem>>
      %dma_wait3A_323 = arith.constant 0 : i32
      %dma_wait3A_324 = tpu.memref_slice %arg4[%dma_wait3A_323] : memref<100352xf32, #tpu.memory_space<hbm>> -> memref<100352xf32, #tpu.memory_space<hbm>>
      tpu.wait_indirect_dma semaphore(%arg18 : memref<!tpu.dma_semaphore, #tpu.memory_space<semaphore_mem>>) src(%dma_wait3A_324 : memref<100352xf32, #tpu.memory_space<hbm>>) dst(%dma_wait3A_319 : memref<128xf32, #tpu.memory_space<vmem>>)
      %dma_wait3A_325 = arith.constant 1 : i32
      %dma_wait3A_326 = arith.constant 1 : i32
      %dma_wait3A_327 = arith.constant 0 : i32
      %dma_wait3A_328 = tpu.memref_slice %arg10[%dma_wait3A_326, %dma_wait3A_327] : memref<8x128xf32, #tpu.memory_space<vmem>> -> memref<1x128xf32, #tpu.memory_space<vmem>>
      %dma_wait3A_329 = tpu.memref_squeeze %dma_wait3A_328 : memref<1x128xf32, #tpu.memory_space<vmem>> -> memref<128xf32, #tpu.memory_space<vmem>>
      %dma_wait3A_330 = arith.constant 0 : i32
      %dma_wait3A_331 = tpu.memref_slice %arg9[%dma_wait3A_325, %dma_wait3A_330] : memref<8x128xi32, #tpu.memory_space<vmem>> -> memref<1x128xi32, #tpu.memory_space<vmem>>
      %dma_wait3A_332 = tpu.memref_squeeze %dma_wait3A_331 : memref<1x128xi32, #tpu.memory_space<vmem>> -> memref<128xi32, #tpu.memory_space<vmem>>
      %dma_wait3A_333 = arith.constant 0 : i32
      %dma_wait3A_334 = tpu.memref_slice %arg4[%dma_wait3A_333] : memref<100352xf32, #tpu.memory_space<hbm>> -> memref<100352xf32, #tpu.memory_space<hbm>>
      tpu.wait_indirect_dma semaphore(%arg18 : memref<!tpu.dma_semaphore, #tpu.memory_space<semaphore_mem>>) src(%dma_wait3A_334 : memref<100352xf32, #tpu.memory_space<hbm>>) dst(%dma_wait3A_329 : memref<128xf32, #tpu.memory_space<vmem>>)
      %dma_wait3A_335 = arith.constant 2 : i32
      %dma_wait3A_336 = arith.constant 2 : i32
      %dma_wait3A_337 = arith.constant 0 : i32
      %dma_wait3A_338 = tpu.memref_slice %arg10[%dma_wait3A_336, %dma_wait3A_337] : memref<8x128xf32, #tpu.memory_space<vmem>> -> memref<1x128xf32, #tpu.memory_space<vmem>>
      %dma_wait3A_339 = tpu.memref_squeeze %dma_wait3A_338 : memref<1x128xf32, #tpu.memory_space<vmem>> -> memref<128xf32, #tpu.memory_space<vmem>>
      %dma_wait3A_340 = arith.constant 0 : i32
      %dma_wait3A_341 = tpu.memref_slice %arg9[%dma_wait3A_335, %dma_wait3A_340] : memref<8x128xi32, #tpu.memory_space<vmem>> -> memref<1x128xi32, #tpu.memory_space<vmem>>
      %dma_wait3A_342 = tpu.memref_squeeze %dma_wait3A_341 : memref<1x128xi32, #tpu.memory_space<vmem>> -> memref<128xi32, #tpu.memory_space<vmem>>
      %dma_wait3A_343 = arith.constant 0 : i32
      %dma_wait3A_344 = tpu.memref_slice %arg4[%dma_wait3A_343] : memref<100352xf32, #tpu.memory_space<hbm>> -> memref<100352xf32, #tpu.memory_space<hbm>>
      tpu.wait_indirect_dma semaphore(%arg18 : memref<!tpu.dma_semaphore, #tpu.memory_space<semaphore_mem>>) src(%dma_wait3A_344 : memref<100352xf32, #tpu.memory_space<hbm>>) dst(%dma_wait3A_339 : memref<128xf32, #tpu.memory_space<vmem>>)
      %dma_wait3A_345 = arith.constant 3 : i32
      %dma_wait3A_346 = arith.constant 3 : i32
      %dma_wait3A_347 = arith.constant 0 : i32
      %dma_wait3A_348 = tpu.memref_slice %arg10[%dma_wait3A_346, %dma_wait3A_347] : memref<8x128xf32, #tpu.memory_space<vmem>> -> memref<1x128xf32, #tpu.memory_space<vmem>>
      %dma_wait3A_349 = tpu.memref_squeeze %dma_wait3A_348 : memref<1x128xf32, #tpu.memory_space<vmem>> -> memref<128xf32, #tpu.memory_space<vmem>>
      %dma_wait3A_350 = arith.constant 0 : i32
      %dma_wait3A_351 = tpu.memref_slice %arg9[%dma_wait3A_345, %dma_wait3A_350] : memref<8x128xi32, #tpu.memory_space<vmem>> -> memref<1x128xi32, #tpu.memory_space<vmem>>
      %dma_wait3A_352 = tpu.memref_squeeze %dma_wait3A_351 : memref<1x128xi32, #tpu.memory_space<vmem>> -> memref<128xi32, #tpu.memory_space<vmem>>
      %dma_wait3A_353 = arith.constant 0 : i32
      %dma_wait3A_354 = tpu.memref_slice %arg4[%dma_wait3A_353] : memref<100352xf32, #tpu.memory_space<hbm>> -> memref<100352xf32, #tpu.memory_space<hbm>>
      tpu.wait_indirect_dma semaphore(%arg18 : memref<!tpu.dma_semaphore, #tpu.memory_space<semaphore_mem>>) src(%dma_wait3A_354 : memref<100352xf32, #tpu.memory_space<hbm>>) dst(%dma_wait3A_349 : memref<128xf32, #tpu.memory_space<vmem>>)
      %dma_wait3A_355 = arith.constant 4 : i32
      %dma_wait3A_356 = arith.constant 4 : i32
      %dma_wait3A_357 = arith.constant 0 : i32
      %dma_wait3A_358 = tpu.memref_slice %arg10[%dma_wait3A_356, %dma_wait3A_357] : memref<8x128xf32, #tpu.memory_space<vmem>> -> memref<1x128xf32, #tpu.memory_space<vmem>>
      %dma_wait3A_359 = tpu.memref_squeeze %dma_wait3A_358 : memref<1x128xf32, #tpu.memory_space<vmem>> -> memref<128xf32, #tpu.memory_space<vmem>>
      %dma_wait3A_360 = arith.constant 0 : i32
      %dma_wait3A_361 = tpu.memref_slice %arg9[%dma_wait3A_355, %dma_wait3A_360] : memref<8x128xi32, #tpu.memory_space<vmem>> -> memref<1x128xi32, #tpu.memory_space<vmem>>
      %dma_wait3A_362 = tpu.memref_squeeze %dma_wait3A_361 : memref<1x128xi32, #tpu.memory_space<vmem>> -> memref<128xi32, #tpu.memory_space<vmem>>
      %dma_wait3A_363 = arith.constant 0 : i32
      %dma_wait3A_364 = tpu.memref_slice %arg4[%dma_wait3A_363] : memref<100352xf32, #tpu.memory_space<hbm>> -> memref<100352xf32, #tpu.memory_space<hbm>>
      tpu.wait_indirect_dma semaphore(%arg18 : memref<!tpu.dma_semaphore, #tpu.memory_space<semaphore_mem>>) src(%dma_wait3A_364 : memref<100352xf32, #tpu.memory_space<hbm>>) dst(%dma_wait3A_359 : memref<128xf32, #tpu.memory_space<vmem>>)
      %dma_wait3A_365 = arith.constant 5 : i32
      %dma_wait3A_366 = arith.constant 5 : i32
      %dma_wait3A_367 = arith.constant 0 : i32
      %dma_wait3A_368 = tpu.memref_slice %arg10[%dma_wait3A_366, %dma_wait3A_367] : memref<8x128xf32, #tpu.memory_space<vmem>> -> memref<1x128xf32, #tpu.memory_space<vmem>>
      %dma_wait3A_369 = tpu.memref_squeeze %dma_wait3A_368 : memref<1x128xf32, #tpu.memory_space<vmem>> -> memref<128xf32, #tpu.memory_space<vmem>>
      %dma_wait3A_370 = arith.constant 0 : i32
      %dma_wait3A_371 = tpu.memref_slice %arg9[%dma_wait3A_365, %dma_wait3A_370] : memref<8x128xi32, #tpu.memory_space<vmem>> -> memref<1x128xi32, #tpu.memory_space<vmem>>
      %dma_wait3A_372 = tpu.memref_squeeze %dma_wait3A_371 : memref<1x128xi32, #tpu.memory_space<vmem>> -> memref<128xi32, #tpu.memory_space<vmem>>
      %dma_wait3A_373 = arith.constant 0 : i32
      %dma_wait3A_374 = tpu.memref_slice %arg4[%dma_wait3A_373] : memref<100352xf32, #tpu.memory_space<hbm>> -> memref<100352xf32, #tpu.memory_space<hbm>>
      tpu.wait_indirect_dma semaphore(%arg18 : memref<!tpu.dma_semaphore, #tpu.memory_space<semaphore_mem>>) src(%dma_wait3A_374 : memref<100352xf32, #tpu.memory_space<hbm>>) dst(%dma_wait3A_369 : memref<128xf32, #tpu.memory_space<vmem>>)
      %dma_wait3A_375 = arith.constant 6 : i32
      %dma_wait3A_376 = arith.constant 6 : i32
      %dma_wait3A_377 = arith.constant 0 : i32
      %dma_wait3A_378 = tpu.memref_slice %arg10[%dma_wait3A_376, %dma_wait3A_377] : memref<8x128xf32, #tpu.memory_space<vmem>> -> memref<1x128xf32, #tpu.memory_space<vmem>>
      %dma_wait3A_379 = tpu.memref_squeeze %dma_wait3A_378 : memref<1x128xf32, #tpu.memory_space<vmem>> -> memref<128xf32, #tpu.memory_space<vmem>>
      %dma_wait3A_380 = arith.constant 0 : i32
      %dma_wait3A_381 = tpu.memref_slice %arg9[%dma_wait3A_375, %dma_wait3A_380] : memref<8x128xi32, #tpu.memory_space<vmem>> -> memref<1x128xi32, #tpu.memory_space<vmem>>
      %dma_wait3A_382 = tpu.memref_squeeze %dma_wait3A_381 : memref<1x128xi32, #tpu.memory_space<vmem>> -> memref<128xi32, #tpu.memory_space<vmem>>
      %dma_wait3A_383 = arith.constant 0 : i32
      %dma_wait3A_384 = tpu.memref_slice %arg4[%dma_wait3A_383] : memref<100352xf32, #tpu.memory_space<hbm>> -> memref<100352xf32, #tpu.memory_space<hbm>>
      tpu.wait_indirect_dma semaphore(%arg18 : memref<!tpu.dma_semaphore, #tpu.memory_space<semaphore_mem>>) src(%dma_wait3A_384 : memref<100352xf32, #tpu.memory_space<hbm>>) dst(%dma_wait3A_379 : memref<128xf32, #tpu.memory_space<vmem>>)
      %dma_wait3A_385 = arith.constant 7 : i32
      %dma_wait3A_386 = arith.constant 7 : i32
      %dma_wait3A_387 = arith.constant 0 : i32
      %dma_wait3A_388 = tpu.memref_slice %arg10[%dma_wait3A_386, %dma_wait3A_387] : memref<8x128xf32, #tpu.memory_space<vmem>> -> memref<1x128xf32, #tpu.memory_space<vmem>>
      %dma_wait3A_389 = tpu.memref_squeeze %dma_wait3A_388 : memref<1x128xf32, #tpu.memory_space<vmem>> -> memref<128xf32, #tpu.memory_space<vmem>>
      %dma_wait3A_390 = arith.constant 0 : i32
      %dma_wait3A_391 = tpu.memref_slice %arg9[%dma_wait3A_385, %dma_wait3A_390] : memref<8x128xi32, #tpu.memory_space<vmem>> -> memref<1x128xi32, #tpu.memory_space<vmem>>
      %dma_wait3A_392 = tpu.memref_squeeze %dma_wait3A_391 : memref<1x128xi32, #tpu.memory_space<vmem>> -> memref<128xi32, #tpu.memory_space<vmem>>
      %dma_wait3A_393 = arith.constant 0 : i32
      %dma_wait3A_394 = tpu.memref_slice %arg4[%dma_wait3A_393] : memref<100352xf32, #tpu.memory_space<hbm>> -> memref<100352xf32, #tpu.memory_space<hbm>>
      tpu.wait_indirect_dma semaphore(%arg18 : memref<!tpu.dma_semaphore, #tpu.memory_space<semaphore_mem>>) src(%dma_wait3A_394 : memref<100352xf32, #tpu.memory_space<hbm>>) dst(%dma_wait3A_389 : memref<128xf32, #tpu.memory_space<vmem>>)
      %dma_wait3A_395 = arith.constant 0 : i32
      %dma_wait3A_396 = arith.constant 0 : i32
      %dma_wait3A_397 = arith.constant 0 : i32
      %dma_wait3A_398 = tpu.memref_slice %arg11[%dma_wait3A_396, %dma_wait3A_397] : memref<8x128xf32, #tpu.memory_space<vmem>> -> memref<1x128xf32, #tpu.memory_space<vmem>>
      %dma_wait3A_399 = tpu.memref_squeeze %dma_wait3A_398 : memref<1x128xf32, #tpu.memory_space<vmem>> -> memref<128xf32, #tpu.memory_space<vmem>>
      %dma_wait3A_400 = arith.constant 0 : i32
      %dma_wait3A_401 = tpu.memref_slice %arg9[%dma_wait3A_395, %dma_wait3A_400] : memref<8x128xi32, #tpu.memory_space<vmem>> -> memref<1x128xi32, #tpu.memory_space<vmem>>
      %dma_wait3A_402 = tpu.memref_squeeze %dma_wait3A_401 : memref<1x128xi32, #tpu.memory_space<vmem>> -> memref<128xi32, #tpu.memory_space<vmem>>
      %dma_wait3A_403 = arith.constant 0 : i32
      %dma_wait3A_404 = tpu.memref_slice %arg5[%dma_wait3A_403] : memref<100352xf32, #tpu.memory_space<hbm>> -> memref<100352xf32, #tpu.memory_space<hbm>>
      tpu.wait_indirect_dma semaphore(%arg18 : memref<!tpu.dma_semaphore, #tpu.memory_space<semaphore_mem>>) src(%dma_wait3A_404 : memref<100352xf32, #tpu.memory_space<hbm>>) dst(%dma_wait3A_399 : memref<128xf32, #tpu.memory_space<vmem>>)
      %dma_wait3A_405 = arith.constant 1 : i32
      %dma_wait3A_406 = arith.constant 1 : i32
      %dma_wait3A_407 = arith.constant 0 : i32
      %dma_wait3A_408 = tpu.memref_slice %arg11[%dma_wait3A_406, %dma_wait3A_407] : memref<8x128xf32, #tpu.memory_space<vmem>> -> memref<1x128xf32, #tpu.memory_space<vmem>>
      %dma_wait3A_409 = tpu.memref_squeeze %dma_wait3A_408 : memref<1x128xf32, #tpu.memory_space<vmem>> -> memref<128xf32, #tpu.memory_space<vmem>>
      %dma_wait3A_410 = arith.constant 0 : i32
      %dma_wait3A_411 = tpu.memref_slice %arg9[%dma_wait3A_405, %dma_wait3A_410] : memref<8x128xi32, #tpu.memory_space<vmem>> -> memref<1x128xi32, #tpu.memory_space<vmem>>
      %dma_wait3A_412 = tpu.memref_squeeze %dma_wait3A_411 : memref<1x128xi32, #tpu.memory_space<vmem>> -> memref<128xi32, #tpu.memory_space<vmem>>
      %dma_wait3A_413 = arith.constant 0 : i32
      %dma_wait3A_414 = tpu.memref_slice %arg5[%dma_wait3A_413] : memref<100352xf32, #tpu.memory_space<hbm>> -> memref<100352xf32, #tpu.memory_space<hbm>>
      tpu.wait_indirect_dma semaphore(%arg18 : memref<!tpu.dma_semaphore, #tpu.memory_space<semaphore_mem>>) src(%dma_wait3A_414 : memref<100352xf32, #tpu.memory_space<hbm>>) dst(%dma_wait3A_409 : memref<128xf32, #tpu.memory_space<vmem>>)
      %dma_wait3A_415 = arith.constant 2 : i32
      %dma_wait3A_416 = arith.constant 2 : i32
      %dma_wait3A_417 = arith.constant 0 : i32
      %dma_wait3A_418 = tpu.memref_slice %arg11[%dma_wait3A_416, %dma_wait3A_417] : memref<8x128xf32, #tpu.memory_space<vmem>> -> memref<1x128xf32, #tpu.memory_space<vmem>>
      %dma_wait3A_419 = tpu.memref_squeeze %dma_wait3A_418 : memref<1x128xf32, #tpu.memory_space<vmem>> -> memref<128xf32, #tpu.memory_space<vmem>>
      %dma_wait3A_420 = arith.constant 0 : i32
      %dma_wait3A_421 = tpu.memref_slice %arg9[%dma_wait3A_415, %dma_wait3A_420] : memref<8x128xi32, #tpu.memory_space<vmem>> -> memref<1x128xi32, #tpu.memory_space<vmem>>
      %dma_wait3A_422 = tpu.memref_squeeze %dma_wait3A_421 : memref<1x128xi32, #tpu.memory_space<vmem>> -> memref<128xi32, #tpu.memory_space<vmem>>
      %dma_wait3A_423 = arith.constant 0 : i32
      %dma_wait3A_424 = tpu.memref_slice %arg5[%dma_wait3A_423] : memref<100352xf32, #tpu.memory_space<hbm>> -> memref<100352xf32, #tpu.memory_space<hbm>>
      tpu.wait_indirect_dma semaphore(%arg18 : memref<!tpu.dma_semaphore, #tpu.memory_space<semaphore_mem>>) src(%dma_wait3A_424 : memref<100352xf32, #tpu.memory_space<hbm>>) dst(%dma_wait3A_419 : memref<128xf32, #tpu.memory_space<vmem>>)
      %dma_wait3A_425 = arith.constant 3 : i32
      %dma_wait3A_426 = arith.constant 3 : i32
      %dma_wait3A_427 = arith.constant 0 : i32
      %dma_wait3A_428 = tpu.memref_slice %arg11[%dma_wait3A_426, %dma_wait3A_427] : memref<8x128xf32, #tpu.memory_space<vmem>> -> memref<1x128xf32, #tpu.memory_space<vmem>>
      %dma_wait3A_429 = tpu.memref_squeeze %dma_wait3A_428 : memref<1x128xf32, #tpu.memory_space<vmem>> -> memref<128xf32, #tpu.memory_space<vmem>>
      %dma_wait3A_430 = arith.constant 0 : i32
      %dma_wait3A_431 = tpu.memref_slice %arg9[%dma_wait3A_425, %dma_wait3A_430] : memref<8x128xi32, #tpu.memory_space<vmem>> -> memref<1x128xi32, #tpu.memory_space<vmem>>
      %dma_wait3A_432 = tpu.memref_squeeze %dma_wait3A_431 : memref<1x128xi32, #tpu.memory_space<vmem>> -> memref<128xi32, #tpu.memory_space<vmem>>
      %dma_wait3A_433 = arith.constant 0 : i32
      %dma_wait3A_434 = tpu.memref_slice %arg5[%dma_wait3A_433] : memref<100352xf32, #tpu.memory_space<hbm>> -> memref<100352xf32, #tpu.memory_space<hbm>>
      tpu.wait_indirect_dma semaphore(%arg18 : memref<!tpu.dma_semaphore, #tpu.memory_space<semaphore_mem>>) src(%dma_wait3A_434 : memref<100352xf32, #tpu.memory_space<hbm>>) dst(%dma_wait3A_429 : memref<128xf32, #tpu.memory_space<vmem>>)
      %dma_wait3A_435 = arith.constant 4 : i32
      %dma_wait3A_436 = arith.constant 4 : i32
      %dma_wait3A_437 = arith.constant 0 : i32
      %dma_wait3A_438 = tpu.memref_slice %arg11[%dma_wait3A_436, %dma_wait3A_437] : memref<8x128xf32, #tpu.memory_space<vmem>> -> memref<1x128xf32, #tpu.memory_space<vmem>>
      %dma_wait3A_439 = tpu.memref_squeeze %dma_wait3A_438 : memref<1x128xf32, #tpu.memory_space<vmem>> -> memref<128xf32, #tpu.memory_space<vmem>>
      %dma_wait3A_440 = arith.constant 0 : i32
      %dma_wait3A_441 = tpu.memref_slice %arg9[%dma_wait3A_435, %dma_wait3A_440] : memref<8x128xi32, #tpu.memory_space<vmem>> -> memref<1x128xi32, #tpu.memory_space<vmem>>
      %dma_wait3A_442 = tpu.memref_squeeze %dma_wait3A_441 : memref<1x128xi32, #tpu.memory_space<vmem>> -> memref<128xi32, #tpu.memory_space<vmem>>
      %dma_wait3A_443 = arith.constant 0 : i32
      %dma_wait3A_444 = tpu.memref_slice %arg5[%dma_wait3A_443] : memref<100352xf32, #tpu.memory_space<hbm>> -> memref<100352xf32, #tpu.memory_space<hbm>>
      tpu.wait_indirect_dma semaphore(%arg18 : memref<!tpu.dma_semaphore, #tpu.memory_space<semaphore_mem>>) src(%dma_wait3A_444 : memref<100352xf32, #tpu.memory_space<hbm>>) dst(%dma_wait3A_439 : memref<128xf32, #tpu.memory_space<vmem>>)
      %dma_wait3A_445 = arith.constant 5 : i32
      %dma_wait3A_446 = arith.constant 5 : i32
      %dma_wait3A_447 = arith.constant 0 : i32
      %dma_wait3A_448 = tpu.memref_slice %arg11[%dma_wait3A_446, %dma_wait3A_447] : memref<8x128xf32, #tpu.memory_space<vmem>> -> memref<1x128xf32, #tpu.memory_space<vmem>>
      %dma_wait3A_449 = tpu.memref_squeeze %dma_wait3A_448 : memref<1x128xf32, #tpu.memory_space<vmem>> -> memref<128xf32, #tpu.memory_space<vmem>>
      %dma_wait3A_450 = arith.constant 0 : i32
      %dma_wait3A_451 = tpu.memref_slice %arg9[%dma_wait3A_445, %dma_wait3A_450] : memref<8x128xi32, #tpu.memory_space<vmem>> -> memref<1x128xi32, #tpu.memory_space<vmem>>
      %dma_wait3A_452 = tpu.memref_squeeze %dma_wait3A_451 : memref<1x128xi32, #tpu.memory_space<vmem>> -> memref<128xi32, #tpu.memory_space<vmem>>
      %dma_wait3A_453 = arith.constant 0 : i32
      %dma_wait3A_454 = tpu.memref_slice %arg5[%dma_wait3A_453] : memref<100352xf32, #tpu.memory_space<hbm>> -> memref<100352xf32, #tpu.memory_space<hbm>>
      tpu.wait_indirect_dma semaphore(%arg18 : memref<!tpu.dma_semaphore, #tpu.memory_space<semaphore_mem>>) src(%dma_wait3A_454 : memref<100352xf32, #tpu.memory_space<hbm>>) dst(%dma_wait3A_449 : memref<128xf32, #tpu.memory_space<vmem>>)
      %dma_wait3A_455 = arith.constant 6 : i32
      %dma_wait3A_456 = arith.constant 6 : i32
      %dma_wait3A_457 = arith.constant 0 : i32
      %dma_wait3A_458 = tpu.memref_slice %arg11[%dma_wait3A_456, %dma_wait3A_457] : memref<8x128xf32, #tpu.memory_space<vmem>> -> memref<1x128xf32, #tpu.memory_space<vmem>>
      %dma_wait3A_459 = tpu.memref_squeeze %dma_wait3A_458 : memref<1x128xf32, #tpu.memory_space<vmem>> -> memref<128xf32, #tpu.memory_space<vmem>>
      %dma_wait3A_460 = arith.constant 0 : i32
      %dma_wait3A_461 = tpu.memref_slice %arg9[%dma_wait3A_455, %dma_wait3A_460] : memref<8x128xi32, #tpu.memory_space<vmem>> -> memref<1x128xi32, #tpu.memory_space<vmem>>
      %dma_wait3A_462 = tpu.memref_squeeze %dma_wait3A_461 : memref<1x128xi32, #tpu.memory_space<vmem>> -> memref<128xi32, #tpu.memory_space<vmem>>
      %dma_wait3A_463 = arith.constant 0 : i32
      %dma_wait3A_464 = tpu.memref_slice %arg5[%dma_wait3A_463] : memref<100352xf32, #tpu.memory_space<hbm>> -> memref<100352xf32, #tpu.memory_space<hbm>>
      tpu.wait_indirect_dma semaphore(%arg18 : memref<!tpu.dma_semaphore, #tpu.memory_space<semaphore_mem>>) src(%dma_wait3A_464 : memref<100352xf32, #tpu.memory_space<hbm>>) dst(%dma_wait3A_459 : memref<128xf32, #tpu.memory_space<vmem>>)
      %dma_wait3A_465 = arith.constant 7 : i32
      %dma_wait3A_466 = arith.constant 7 : i32
      %dma_wait3A_467 = arith.constant 0 : i32
      %dma_wait3A_468 = tpu.memref_slice %arg11[%dma_wait3A_466, %dma_wait3A_467] : memref<8x128xf32, #tpu.memory_space<vmem>> -> memref<1x128xf32, #tpu.memory_space<vmem>>
      %dma_wait3A_469 = tpu.memref_squeeze %dma_wait3A_468 : memref<1x128xf32, #tpu.memory_space<vmem>> -> memref<128xf32, #tpu.memory_space<vmem>>
      %dma_wait3A_470 = arith.constant 0 : i32
      %dma_wait3A_471 = tpu.memref_slice %arg9[%dma_wait3A_465, %dma_wait3A_470] : memref<8x128xi32, #tpu.memory_space<vmem>> -> memref<1x128xi32, #tpu.memory_space<vmem>>
      %dma_wait3A_472 = tpu.memref_squeeze %dma_wait3A_471 : memref<1x128xi32, #tpu.memory_space<vmem>> -> memref<128xi32, #tpu.memory_space<vmem>>
      %dma_wait3A_473 = arith.constant 0 : i32
      %dma_wait3A_474 = tpu.memref_slice %arg5[%dma_wait3A_473] : memref<100352xf32, #tpu.memory_space<hbm>> -> memref<100352xf32, #tpu.memory_space<hbm>>
      tpu.wait_indirect_dma semaphore(%arg18 : memref<!tpu.dma_semaphore, #tpu.memory_space<semaphore_mem>>) src(%dma_wait3A_474 : memref<100352xf32, #tpu.memory_space<hbm>>) dst(%dma_wait3A_469 : memref<128xf32, #tpu.memory_space<vmem>>)
      %dma_wait3A_475 = arith.constant 0 : i32
      %dma_wait3A_476 = arith.constant 0 : i32
      %dma_wait3A_477 = arith.constant 0 : i32
      %dma_wait3A_478 = tpu.memref_slice %arg12[%dma_wait3A_476, %dma_wait3A_477] : memref<8x128xf32, #tpu.memory_space<vmem>> -> memref<1x128xf32, #tpu.memory_space<vmem>>
      %dma_wait3A_479 = tpu.memref_squeeze %dma_wait3A_478 : memref<1x128xf32, #tpu.memory_space<vmem>> -> memref<128xf32, #tpu.memory_space<vmem>>
      %dma_wait3A_480 = arith.constant 0 : i32
      %dma_wait3A_481 = tpu.memref_slice %arg9[%dma_wait3A_475, %dma_wait3A_480] : memref<8x128xi32, #tpu.memory_space<vmem>> -> memref<1x128xi32, #tpu.memory_space<vmem>>
      %dma_wait3A_482 = tpu.memref_squeeze %dma_wait3A_481 : memref<1x128xi32, #tpu.memory_space<vmem>> -> memref<128xi32, #tpu.memory_space<vmem>>
      %dma_wait3A_483 = arith.constant 0 : i32
      %dma_wait3A_484 = tpu.memref_slice %arg6[%dma_wait3A_483] : memref<100352xf32, #tpu.memory_space<hbm>> -> memref<100352xf32, #tpu.memory_space<hbm>>
      tpu.wait_indirect_dma semaphore(%arg18 : memref<!tpu.dma_semaphore, #tpu.memory_space<semaphore_mem>>) src(%dma_wait3A_484 : memref<100352xf32, #tpu.memory_space<hbm>>) dst(%dma_wait3A_479 : memref<128xf32, #tpu.memory_space<vmem>>)
      %dma_wait3A_485 = arith.constant 1 : i32
      %dma_wait3A_486 = arith.constant 1 : i32
      %dma_wait3A_487 = arith.constant 0 : i32
      %dma_wait3A_488 = tpu.memref_slice %arg12[%dma_wait3A_486, %dma_wait3A_487] : memref<8x128xf32, #tpu.memory_space<vmem>> -> memref<1x128xf32, #tpu.memory_space<vmem>>
      %dma_wait3A_489 = tpu.memref_squeeze %dma_wait3A_488 : memref<1x128xf32, #tpu.memory_space<vmem>> -> memref<128xf32, #tpu.memory_space<vmem>>
      %dma_wait3A_490 = arith.constant 0 : i32
      %dma_wait3A_491 = tpu.memref_slice %arg9[%dma_wait3A_485, %dma_wait3A_490] : memref<8x128xi32, #tpu.memory_space<vmem>> -> memref<1x128xi32, #tpu.memory_space<vmem>>
      %dma_wait3A_492 = tpu.memref_squeeze %dma_wait3A_491 : memref<1x128xi32, #tpu.memory_space<vmem>> -> memref<128xi32, #tpu.memory_space<vmem>>
      %dma_wait3A_493 = arith.constant 0 : i32
      %dma_wait3A_494 = tpu.memref_slice %arg6[%dma_wait3A_493] : memref<100352xf32, #tpu.memory_space<hbm>> -> memref<100352xf32, #tpu.memory_space<hbm>>
      tpu.wait_indirect_dma semaphore(%arg18 : memref<!tpu.dma_semaphore, #tpu.memory_space<semaphore_mem>>) src(%dma_wait3A_494 : memref<100352xf32, #tpu.memory_space<hbm>>) dst(%dma_wait3A_489 : memref<128xf32, #tpu.memory_space<vmem>>)
      %dma_wait3A_495 = arith.constant 2 : i32
      %dma_wait3A_496 = arith.constant 2 : i32
      %dma_wait3A_497 = arith.constant 0 : i32
      %dma_wait3A_498 = tpu.memref_slice %arg12[%dma_wait3A_496, %dma_wait3A_497] : memref<8x128xf32, #tpu.memory_space<vmem>> -> memref<1x128xf32, #tpu.memory_space<vmem>>
      %dma_wait3A_499 = tpu.memref_squeeze %dma_wait3A_498 : memref<1x128xf32, #tpu.memory_space<vmem>> -> memref<128xf32, #tpu.memory_space<vmem>>
      %dma_wait3A_500 = arith.constant 0 : i32
      %dma_wait3A_501 = tpu.memref_slice %arg9[%dma_wait3A_495, %dma_wait3A_500] : memref<8x128xi32, #tpu.memory_space<vmem>> -> memref<1x128xi32, #tpu.memory_space<vmem>>
      %dma_wait3A_502 = tpu.memref_squeeze %dma_wait3A_501 : memref<1x128xi32, #tpu.memory_space<vmem>> -> memref<128xi32, #tpu.memory_space<vmem>>
      %dma_wait3A_503 = arith.constant 0 : i32
      %dma_wait3A_504 = tpu.memref_slice %arg6[%dma_wait3A_503] : memref<100352xf32, #tpu.memory_space<hbm>> -> memref<100352xf32, #tpu.memory_space<hbm>>
      tpu.wait_indirect_dma semaphore(%arg18 : memref<!tpu.dma_semaphore, #tpu.memory_space<semaphore_mem>>) src(%dma_wait3A_504 : memref<100352xf32, #tpu.memory_space<hbm>>) dst(%dma_wait3A_499 : memref<128xf32, #tpu.memory_space<vmem>>)
      %dma_wait3A_505 = arith.constant 3 : i32
      %dma_wait3A_506 = arith.constant 3 : i32
      %dma_wait3A_507 = arith.constant 0 : i32
      %dma_wait3A_508 = tpu.memref_slice %arg12[%dma_wait3A_506, %dma_wait3A_507] : memref<8x128xf32, #tpu.memory_space<vmem>> -> memref<1x128xf32, #tpu.memory_space<vmem>>
      %dma_wait3A_509 = tpu.memref_squeeze %dma_wait3A_508 : memref<1x128xf32, #tpu.memory_space<vmem>> -> memref<128xf32, #tpu.memory_space<vmem>>
      %dma_wait3A_510 = arith.constant 0 : i32
      %dma_wait3A_511 = tpu.memref_slice %arg9[%dma_wait3A_505, %dma_wait3A_510] : memref<8x128xi32, #tpu.memory_space<vmem>> -> memref<1x128xi32, #tpu.memory_space<vmem>>
      %dma_wait3A_512 = tpu.memref_squeeze %dma_wait3A_511 : memref<1x128xi32, #tpu.memory_space<vmem>> -> memref<128xi32, #tpu.memory_space<vmem>>
      %dma_wait3A_513 = arith.constant 0 : i32
      %dma_wait3A_514 = tpu.memref_slice %arg6[%dma_wait3A_513] : memref<100352xf32, #tpu.memory_space<hbm>> -> memref<100352xf32, #tpu.memory_space<hbm>>
      tpu.wait_indirect_dma semaphore(%arg18 : memref<!tpu.dma_semaphore, #tpu.memory_space<semaphore_mem>>) src(%dma_wait3A_514 : memref<100352xf32, #tpu.memory_space<hbm>>) dst(%dma_wait3A_509 : memref<128xf32, #tpu.memory_space<vmem>>)
      %dma_wait3A_515 = arith.constant 4 : i32
      %dma_wait3A_516 = arith.constant 4 : i32
      %dma_wait3A_517 = arith.constant 0 : i32
      %dma_wait3A_518 = tpu.memref_slice %arg12[%dma_wait3A_516, %dma_wait3A_517] : memref<8x128xf32, #tpu.memory_space<vmem>> -> memref<1x128xf32, #tpu.memory_space<vmem>>
      %dma_wait3A_519 = tpu.memref_squeeze %dma_wait3A_518 : memref<1x128xf32, #tpu.memory_space<vmem>> -> memref<128xf32, #tpu.memory_space<vmem>>
      %dma_wait3A_520 = arith.constant 0 : i32
      %dma_wait3A_521 = tpu.memref_slice %arg9[%dma_wait3A_515, %dma_wait3A_520] : memref<8x128xi32, #tpu.memory_space<vmem>> -> memref<1x128xi32, #tpu.memory_space<vmem>>
      %dma_wait3A_522 = tpu.memref_squeeze %dma_wait3A_521 : memref<1x128xi32, #tpu.memory_space<vmem>> -> memref<128xi32, #tpu.memory_space<vmem>>
      %dma_wait3A_523 = arith.constant 0 : i32
      %dma_wait3A_524 = tpu.memref_slice %arg6[%dma_wait3A_523] : memref<100352xf32, #tpu.memory_space<hbm>> -> memref<100352xf32, #tpu.memory_space<hbm>>
      tpu.wait_indirect_dma semaphore(%arg18 : memref<!tpu.dma_semaphore, #tpu.memory_space<semaphore_mem>>) src(%dma_wait3A_524 : memref<100352xf32, #tpu.memory_space<hbm>>) dst(%dma_wait3A_519 : memref<128xf32, #tpu.memory_space<vmem>>)
      %dma_wait3A_525 = arith.constant 5 : i32
      %dma_wait3A_526 = arith.constant 5 : i32
      %dma_wait3A_527 = arith.constant 0 : i32
      %dma_wait3A_528 = tpu.memref_slice %arg12[%dma_wait3A_526, %dma_wait3A_527] : memref<8x128xf32, #tpu.memory_space<vmem>> -> memref<1x128xf32, #tpu.memory_space<vmem>>
      %dma_wait3A_529 = tpu.memref_squeeze %dma_wait3A_528 : memref<1x128xf32, #tpu.memory_space<vmem>> -> memref<128xf32, #tpu.memory_space<vmem>>
      %dma_wait3A_530 = arith.constant 0 : i32
      %dma_wait3A_531 = tpu.memref_slice %arg9[%dma_wait3A_525, %dma_wait3A_530] : memref<8x128xi32, #tpu.memory_space<vmem>> -> memref<1x128xi32, #tpu.memory_space<vmem>>
      %dma_wait3A_532 = tpu.memref_squeeze %dma_wait3A_531 : memref<1x128xi32, #tpu.memory_space<vmem>> -> memref<128xi32, #tpu.memory_space<vmem>>
      %dma_wait3A_533 = arith.constant 0 : i32
      %dma_wait3A_534 = tpu.memref_slice %arg6[%dma_wait3A_533] : memref<100352xf32, #tpu.memory_space<hbm>> -> memref<100352xf32, #tpu.memory_space<hbm>>
      tpu.wait_indirect_dma semaphore(%arg18 : memref<!tpu.dma_semaphore, #tpu.memory_space<semaphore_mem>>) src(%dma_wait3A_534 : memref<100352xf32, #tpu.memory_space<hbm>>) dst(%dma_wait3A_529 : memref<128xf32, #tpu.memory_space<vmem>>)
      %dma_wait3A_535 = arith.constant 6 : i32
      %dma_wait3A_536 = arith.constant 6 : i32
      %dma_wait3A_537 = arith.constant 0 : i32
      %dma_wait3A_538 = tpu.memref_slice %arg12[%dma_wait3A_536, %dma_wait3A_537] : memref<8x128xf32, #tpu.memory_space<vmem>> -> memref<1x128xf32, #tpu.memory_space<vmem>>
      %dma_wait3A_539 = tpu.memref_squeeze %dma_wait3A_538 : memref<1x128xf32, #tpu.memory_space<vmem>> -> memref<128xf32, #tpu.memory_space<vmem>>
      %dma_wait3A_540 = arith.constant 0 : i32
      %dma_wait3A_541 = tpu.memref_slice %arg9[%dma_wait3A_535, %dma_wait3A_540] : memref<8x128xi32, #tpu.memory_space<vmem>> -> memref<1x128xi32, #tpu.memory_space<vmem>>
      %dma_wait3A_542 = tpu.memref_squeeze %dma_wait3A_541 : memref<1x128xi32, #tpu.memory_space<vmem>> -> memref<128xi32, #tpu.memory_space<vmem>>
      %dma_wait3A_543 = arith.constant 0 : i32
      %dma_wait3A_544 = tpu.memref_slice %arg6[%dma_wait3A_543] : memref<100352xf32, #tpu.memory_space<hbm>> -> memref<100352xf32, #tpu.memory_space<hbm>>
      tpu.wait_indirect_dma semaphore(%arg18 : memref<!tpu.dma_semaphore, #tpu.memory_space<semaphore_mem>>) src(%dma_wait3A_544 : memref<100352xf32, #tpu.memory_space<hbm>>) dst(%dma_wait3A_539 : memref<128xf32, #tpu.memory_space<vmem>>)
      %dma_wait3A_545 = arith.constant 7 : i32
      %dma_wait3A_546 = arith.constant 7 : i32
      %dma_wait3A_547 = arith.constant 0 : i32
      %dma_wait3A_548 = tpu.memref_slice %arg12[%dma_wait3A_546, %dma_wait3A_547] : memref<8x128xf32, #tpu.memory_space<vmem>> -> memref<1x128xf32, #tpu.memory_space<vmem>>
      %dma_wait3A_549 = tpu.memref_squeeze %dma_wait3A_548 : memref<1x128xf32, #tpu.memory_space<vmem>> -> memref<128xf32, #tpu.memory_space<vmem>>
      %dma_wait3A_550 = arith.constant 0 : i32
      %dma_wait3A_551 = tpu.memref_slice %arg9[%dma_wait3A_545, %dma_wait3A_550] : memref<8x128xi32, #tpu.memory_space<vmem>> -> memref<1x128xi32, #tpu.memory_space<vmem>>
      %dma_wait3A_552 = tpu.memref_squeeze %dma_wait3A_551 : memref<1x128xi32, #tpu.memory_space<vmem>> -> memref<128xi32, #tpu.memory_space<vmem>>
      %dma_wait3A_553 = arith.constant 0 : i32
      %dma_wait3A_554 = tpu.memref_slice %arg6[%dma_wait3A_553] : memref<100352xf32, #tpu.memory_space<hbm>> -> memref<100352xf32, #tpu.memory_space<hbm>>
      tpu.wait_indirect_dma semaphore(%arg18 : memref<!tpu.dma_semaphore, #tpu.memory_space<semaphore_mem>>) src(%dma_wait3A_554 : memref<100352xf32, #tpu.memory_space<hbm>>) dst(%dma_wait3A_549 : memref<128xf32, #tpu.memory_space<vmem>>)
      %dma_start3A_555 = arith.constant 0 : i32
      %dma_start3A_556 = arith.constant 0 : i32
      %dma_start3A_557 = arith.constant 0 : i32
      %dma_start3A_558 = tpu.memref_slice %arg10[%dma_start3A_555, %dma_start3A_557] : memref<8x128xf32, #tpu.memory_space<vmem>> -> memref<1x128xf32, #tpu.memory_space<vmem>>
      %dma_start3A_559 = tpu.memref_squeeze %dma_start3A_558 : memref<1x128xf32, #tpu.memory_space<vmem>> -> memref<128xf32, #tpu.memory_space<vmem>>
      %dma_start3A_560 = arith.constant 0 : i32
      %dma_start3A_561 = tpu.memref_slice %arg8[%dma_start3A_556, %dma_start3A_560] : memref<8x128xi32, #tpu.memory_space<vmem>> -> memref<1x128xi32, #tpu.memory_space<vmem>>
      %dma_start3A_562 = tpu.memref_squeeze %dma_start3A_561 : memref<1x128xi32, #tpu.memory_space<vmem>> -> memref<128xi32, #tpu.memory_space<vmem>>
      %dma_start3A_563 = arith.constant 0 : i32
      %dma_start3A_564 = tpu.memref_slice %arg14[%dma_start3A_563] : memref<100352xf32, #tpu.memory_space<vmem_shared>> -> memref<100352xf32, #tpu.memory_space<vmem_shared>>
      tpu.enqueue_indirect_dma source(%dma_start3A_559 : memref<128xf32, #tpu.memory_space<vmem>>) target(%dma_start3A_564 : memref<100352xf32, #tpu.memory_space<vmem_shared>>) offsets(%dma_start3A_562 : memref<128xi32, #tpu.memory_space<vmem>>) semaphore(%arg19 : memref<!tpu.dma_semaphore, #tpu.memory_space<semaphore_mem>>) {add = true}
      %dma_start3A_565 = arith.constant 1 : i32
      %dma_start3A_566 = arith.constant 1 : i32
      %dma_start3A_567 = arith.constant 0 : i32
      %dma_start3A_568 = tpu.memref_slice %arg10[%dma_start3A_565, %dma_start3A_567] : memref<8x128xf32, #tpu.memory_space<vmem>> -> memref<1x128xf32, #tpu.memory_space<vmem>>
      %dma_start3A_569 = tpu.memref_squeeze %dma_start3A_568 : memref<1x128xf32, #tpu.memory_space<vmem>> -> memref<128xf32, #tpu.memory_space<vmem>>
      %dma_start3A_570 = arith.constant 0 : i32
      %dma_start3A_571 = tpu.memref_slice %arg8[%dma_start3A_566, %dma_start3A_570] : memref<8x128xi32, #tpu.memory_space<vmem>> -> memref<1x128xi32, #tpu.memory_space<vmem>>
      %dma_start3A_572 = tpu.memref_squeeze %dma_start3A_571 : memref<1x128xi32, #tpu.memory_space<vmem>> -> memref<128xi32, #tpu.memory_space<vmem>>
      %dma_start3A_573 = arith.constant 0 : i32
      %dma_start3A_574 = tpu.memref_slice %arg14[%dma_start3A_573] : memref<100352xf32, #tpu.memory_space<vmem_shared>> -> memref<100352xf32, #tpu.memory_space<vmem_shared>>
      tpu.enqueue_indirect_dma source(%dma_start3A_569 : memref<128xf32, #tpu.memory_space<vmem>>) target(%dma_start3A_574 : memref<100352xf32, #tpu.memory_space<vmem_shared>>) offsets(%dma_start3A_572 : memref<128xi32, #tpu.memory_space<vmem>>) semaphore(%arg19 : memref<!tpu.dma_semaphore, #tpu.memory_space<semaphore_mem>>) {add = true}
      %dma_start3A_575 = arith.constant 2 : i32
      %dma_start3A_576 = arith.constant 2 : i32
      %dma_start3A_577 = arith.constant 0 : i32
      %dma_start3A_578 = tpu.memref_slice %arg10[%dma_start3A_575, %dma_start3A_577] : memref<8x128xf32, #tpu.memory_space<vmem>> -> memref<1x128xf32, #tpu.memory_space<vmem>>
      %dma_start3A_579 = tpu.memref_squeeze %dma_start3A_578 : memref<1x128xf32, #tpu.memory_space<vmem>> -> memref<128xf32, #tpu.memory_space<vmem>>
      %dma_start3A_580 = arith.constant 0 : i32
      %dma_start3A_581 = tpu.memref_slice %arg8[%dma_start3A_576, %dma_start3A_580] : memref<8x128xi32, #tpu.memory_space<vmem>> -> memref<1x128xi32, #tpu.memory_space<vmem>>
      %dma_start3A_582 = tpu.memref_squeeze %dma_start3A_581 : memref<1x128xi32, #tpu.memory_space<vmem>> -> memref<128xi32, #tpu.memory_space<vmem>>
      %dma_start3A_583 = arith.constant 0 : i32
      %dma_start3A_584 = tpu.memref_slice %arg14[%dma_start3A_583] : memref<100352xf32, #tpu.memory_space<vmem_shared>> -> memref<100352xf32, #tpu.memory_space<vmem_shared>>
      tpu.enqueue_indirect_dma source(%dma_start3A_579 : memref<128xf32, #tpu.memory_space<vmem>>) target(%dma_start3A_584 : memref<100352xf32, #tpu.memory_space<vmem_shared>>) offsets(%dma_start3A_582 : memref<128xi32, #tpu.memory_space<vmem>>) semaphore(%arg19 : memref<!tpu.dma_semaphore, #tpu.memory_space<semaphore_mem>>) {add = true}
      %dma_start3A_585 = arith.constant 3 : i32
      %dma_start3A_586 = arith.constant 3 : i32
      %dma_start3A_587 = arith.constant 0 : i32
      %dma_start3A_588 = tpu.memref_slice %arg10[%dma_start3A_585, %dma_start3A_587] : memref<8x128xf32, #tpu.memory_space<vmem>> -> memref<1x128xf32, #tpu.memory_space<vmem>>
      %dma_start3A_589 = tpu.memref_squeeze %dma_start3A_588 : memref<1x128xf32, #tpu.memory_space<vmem>> -> memref<128xf32, #tpu.memory_space<vmem>>
      %dma_start3A_590 = arith.constant 0 : i32
      %dma_start3A_591 = tpu.memref_slice %arg8[%dma_start3A_586, %dma_start3A_590] : memref<8x128xi32, #tpu.memory_space<vmem>> -> memref<1x128xi32, #tpu.memory_space<vmem>>
      %dma_start3A_592 = tpu.memref_squeeze %dma_start3A_591 : memref<1x128xi32, #tpu.memory_space<vmem>> -> memref<128xi32, #tpu.memory_space<vmem>>
      %dma_start3A_593 = arith.constant 0 : i32
      %dma_start3A_594 = tpu.memref_slice %arg14[%dma_start3A_593] : memref<100352xf32, #tpu.memory_space<vmem_shared>> -> memref<100352xf32, #tpu.memory_space<vmem_shared>>
      tpu.enqueue_indirect_dma source(%dma_start3A_589 : memref<128xf32, #tpu.memory_space<vmem>>) target(%dma_start3A_594 : memref<100352xf32, #tpu.memory_space<vmem_shared>>) offsets(%dma_start3A_592 : memref<128xi32, #tpu.memory_space<vmem>>) semaphore(%arg19 : memref<!tpu.dma_semaphore, #tpu.memory_space<semaphore_mem>>) {add = true}
      %dma_start3A_595 = arith.constant 4 : i32
      %dma_start3A_596 = arith.constant 4 : i32
      %dma_start3A_597 = arith.constant 0 : i32
      %dma_start3A_598 = tpu.memref_slice %arg10[%dma_start3A_595, %dma_start3A_597] : memref<8x128xf32, #tpu.memory_space<vmem>> -> memref<1x128xf32, #tpu.memory_space<vmem>>
      %dma_start3A_599 = tpu.memref_squeeze %dma_start3A_598 : memref<1x128xf32, #tpu.memory_space<vmem>> -> memref<128xf32, #tpu.memory_space<vmem>>
      %dma_start3A_600 = arith.constant 0 : i32
      %dma_start3A_601 = tpu.memref_slice %arg8[%dma_start3A_596, %dma_start3A_600] : memref<8x128xi32, #tpu.memory_space<vmem>> -> memref<1x128xi32, #tpu.memory_space<vmem>>
      %dma_start3A_602 = tpu.memref_squeeze %dma_start3A_601 : memref<1x128xi32, #tpu.memory_space<vmem>> -> memref<128xi32, #tpu.memory_space<vmem>>
      %dma_start3A_603 = arith.constant 0 : i32
      %dma_start3A_604 = tpu.memref_slice %arg14[%dma_start3A_603] : memref<100352xf32, #tpu.memory_space<vmem_shared>> -> memref<100352xf32, #tpu.memory_space<vmem_shared>>
      tpu.enqueue_indirect_dma source(%dma_start3A_599 : memref<128xf32, #tpu.memory_space<vmem>>) target(%dma_start3A_604 : memref<100352xf32, #tpu.memory_space<vmem_shared>>) offsets(%dma_start3A_602 : memref<128xi32, #tpu.memory_space<vmem>>) semaphore(%arg19 : memref<!tpu.dma_semaphore, #tpu.memory_space<semaphore_mem>>) {add = true}
      %dma_start3A_605 = arith.constant 5 : i32
      %dma_start3A_606 = arith.constant 5 : i32
      %dma_start3A_607 = arith.constant 0 : i32
      %dma_start3A_608 = tpu.memref_slice %arg10[%dma_start3A_605, %dma_start3A_607] : memref<8x128xf32, #tpu.memory_space<vmem>> -> memref<1x128xf32, #tpu.memory_space<vmem>>
      %dma_start3A_609 = tpu.memref_squeeze %dma_start3A_608 : memref<1x128xf32, #tpu.memory_space<vmem>> -> memref<128xf32, #tpu.memory_space<vmem>>
      %dma_start3A_610 = arith.constant 0 : i32
      %dma_start3A_611 = tpu.memref_slice %arg8[%dma_start3A_606, %dma_start3A_610] : memref<8x128xi32, #tpu.memory_space<vmem>> -> memref<1x128xi32, #tpu.memory_space<vmem>>
      %dma_start3A_612 = tpu.memref_squeeze %dma_start3A_611 : memref<1x128xi32, #tpu.memory_space<vmem>> -> memref<128xi32, #tpu.memory_space<vmem>>
      %dma_start3A_613 = arith.constant 0 : i32
      %dma_start3A_614 = tpu.memref_slice %arg14[%dma_start3A_613] : memref<100352xf32, #tpu.memory_space<vmem_shared>> -> memref<100352xf32, #tpu.memory_space<vmem_shared>>
      tpu.enqueue_indirect_dma source(%dma_start3A_609 : memref<128xf32, #tpu.memory_space<vmem>>) target(%dma_start3A_614 : memref<100352xf32, #tpu.memory_space<vmem_shared>>) offsets(%dma_start3A_612 : memref<128xi32, #tpu.memory_space<vmem>>) semaphore(%arg19 : memref<!tpu.dma_semaphore, #tpu.memory_space<semaphore_mem>>) {add = true}
      %dma_start3A_615 = arith.constant 6 : i32
      %dma_start3A_616 = arith.constant 6 : i32
      %dma_start3A_617 = arith.constant 0 : i32
      %dma_start3A_618 = tpu.memref_slice %arg10[%dma_start3A_615, %dma_start3A_617] : memref<8x128xf32, #tpu.memory_space<vmem>> -> memref<1x128xf32, #tpu.memory_space<vmem>>
      %dma_start3A_619 = tpu.memref_squeeze %dma_start3A_618 : memref<1x128xf32, #tpu.memory_space<vmem>> -> memref<128xf32, #tpu.memory_space<vmem>>
      %dma_start3A_620 = arith.constant 0 : i32
      %dma_start3A_621 = tpu.memref_slice %arg8[%dma_start3A_616, %dma_start3A_620] : memref<8x128xi32, #tpu.memory_space<vmem>> -> memref<1x128xi32, #tpu.memory_space<vmem>>
      %dma_start3A_622 = tpu.memref_squeeze %dma_start3A_621 : memref<1x128xi32, #tpu.memory_space<vmem>> -> memref<128xi32, #tpu.memory_space<vmem>>
      %dma_start3A_623 = arith.constant 0 : i32
      %dma_start3A_624 = tpu.memref_slice %arg14[%dma_start3A_623] : memref<100352xf32, #tpu.memory_space<vmem_shared>> -> memref<100352xf32, #tpu.memory_space<vmem_shared>>
      tpu.enqueue_indirect_dma source(%dma_start3A_619 : memref<128xf32, #tpu.memory_space<vmem>>) target(%dma_start3A_624 : memref<100352xf32, #tpu.memory_space<vmem_shared>>) offsets(%dma_start3A_622 : memref<128xi32, #tpu.memory_space<vmem>>) semaphore(%arg19 : memref<!tpu.dma_semaphore, #tpu.memory_space<semaphore_mem>>) {add = true}
      %dma_start3A_625 = arith.constant 7 : i32
      %dma_start3A_626 = arith.constant 7 : i32
      %dma_start3A_627 = arith.constant 0 : i32
      %dma_start3A_628 = tpu.memref_slice %arg10[%dma_start3A_625, %dma_start3A_627] : memref<8x128xf32, #tpu.memory_space<vmem>> -> memref<1x128xf32, #tpu.memory_space<vmem>>
      %dma_start3A_629 = tpu.memref_squeeze %dma_start3A_628 : memref<1x128xf32, #tpu.memory_space<vmem>> -> memref<128xf32, #tpu.memory_space<vmem>>
      %dma_start3A_630 = arith.constant 0 : i32
      %dma_start3A_631 = tpu.memref_slice %arg8[%dma_start3A_626, %dma_start3A_630] : memref<8x128xi32, #tpu.memory_space<vmem>> -> memref<1x128xi32, #tpu.memory_space<vmem>>
      %dma_start3A_632 = tpu.memref_squeeze %dma_start3A_631 : memref<1x128xi32, #tpu.memory_space<vmem>> -> memref<128xi32, #tpu.memory_space<vmem>>
      %dma_start3A_633 = arith.constant 0 : i32
      %dma_start3A_634 = tpu.memref_slice %arg14[%dma_start3A_633] : memref<100352xf32, #tpu.memory_space<vmem_shared>> -> memref<100352xf32, #tpu.memory_space<vmem_shared>>
      tpu.enqueue_indirect_dma source(%dma_start3A_629 : memref<128xf32, #tpu.memory_space<vmem>>) target(%dma_start3A_634 : memref<100352xf32, #tpu.memory_space<vmem_shared>>) offsets(%dma_start3A_632 : memref<128xi32, #tpu.memory_space<vmem>>) semaphore(%arg19 : memref<!tpu.dma_semaphore, #tpu.memory_space<semaphore_mem>>) {add = true}
      %dma_start3A_635 = arith.constant 0 : i32
      %dma_start3A_636 = arith.constant 0 : i32
      %dma_start3A_637 = arith.constant 0 : i32
      %dma_start3A_638 = tpu.memref_slice %arg11[%dma_start3A_635, %dma_start3A_637] : memref<8x128xf32, #tpu.memory_space<vmem>> -> memref<1x128xf32, #tpu.memory_space<vmem>>
      %dma_start3A_639 = tpu.memref_squeeze %dma_start3A_638 : memref<1x128xf32, #tpu.memory_space<vmem>> -> memref<128xf32, #tpu.memory_space<vmem>>
      %dma_start3A_640 = arith.constant 0 : i32
      %dma_start3A_641 = tpu.memref_slice %arg8[%dma_start3A_636, %dma_start3A_640] : memref<8x128xi32, #tpu.memory_space<vmem>> -> memref<1x128xi32, #tpu.memory_space<vmem>>
      %dma_start3A_642 = tpu.memref_squeeze %dma_start3A_641 : memref<1x128xi32, #tpu.memory_space<vmem>> -> memref<128xi32, #tpu.memory_space<vmem>>
      %dma_start3A_643 = arith.constant 0 : i32
      %dma_start3A_644 = tpu.memref_slice %arg15[%dma_start3A_643] : memref<100352xf32, #tpu.memory_space<vmem_shared>> -> memref<100352xf32, #tpu.memory_space<vmem_shared>>
      tpu.enqueue_indirect_dma source(%dma_start3A_639 : memref<128xf32, #tpu.memory_space<vmem>>) target(%dma_start3A_644 : memref<100352xf32, #tpu.memory_space<vmem_shared>>) offsets(%dma_start3A_642 : memref<128xi32, #tpu.memory_space<vmem>>) semaphore(%arg19 : memref<!tpu.dma_semaphore, #tpu.memory_space<semaphore_mem>>) {add = true}
      %dma_start3A_645 = arith.constant 1 : i32
      %dma_start3A_646 = arith.constant 1 : i32
      %dma_start3A_647 = arith.constant 0 : i32
      %dma_start3A_648 = tpu.memref_slice %arg11[%dma_start3A_645, %dma_start3A_647] : memref<8x128xf32, #tpu.memory_space<vmem>> -> memref<1x128xf32, #tpu.memory_space<vmem>>
      %dma_start3A_649 = tpu.memref_squeeze %dma_start3A_648 : memref<1x128xf32, #tpu.memory_space<vmem>> -> memref<128xf32, #tpu.memory_space<vmem>>
      %dma_start3A_650 = arith.constant 0 : i32
      %dma_start3A_651 = tpu.memref_slice %arg8[%dma_start3A_646, %dma_start3A_650] : memref<8x128xi32, #tpu.memory_space<vmem>> -> memref<1x128xi32, #tpu.memory_space<vmem>>
      %dma_start3A_652 = tpu.memref_squeeze %dma_start3A_651 : memref<1x128xi32, #tpu.memory_space<vmem>> -> memref<128xi32, #tpu.memory_space<vmem>>
      %dma_start3A_653 = arith.constant 0 : i32
      %dma_start3A_654 = tpu.memref_slice %arg15[%dma_start3A_653] : memref<100352xf32, #tpu.memory_space<vmem_shared>> -> memref<100352xf32, #tpu.memory_space<vmem_shared>>
      tpu.enqueue_indirect_dma source(%dma_start3A_649 : memref<128xf32, #tpu.memory_space<vmem>>) target(%dma_start3A_654 : memref<100352xf32, #tpu.memory_space<vmem_shared>>) offsets(%dma_start3A_652 : memref<128xi32, #tpu.memory_space<vmem>>) semaphore(%arg19 : memref<!tpu.dma_semaphore, #tpu.memory_space<semaphore_mem>>) {add = true}
      %dma_start3A_655 = arith.constant 2 : i32
      %dma_start3A_656 = arith.constant 2 : i32
      %dma_start3A_657 = arith.constant 0 : i32
      %dma_start3A_658 = tpu.memref_slice %arg11[%dma_start3A_655, %dma_start3A_657] : memref<8x128xf32, #tpu.memory_space<vmem>> -> memref<1x128xf32, #tpu.memory_space<vmem>>
      %dma_start3A_659 = tpu.memref_squeeze %dma_start3A_658 : memref<1x128xf32, #tpu.memory_space<vmem>> -> memref<128xf32, #tpu.memory_space<vmem>>
      %dma_start3A_660 = arith.constant 0 : i32
      %dma_start3A_661 = tpu.memref_slice %arg8[%dma_start3A_656, %dma_start3A_660] : memref<8x128xi32, #tpu.memory_space<vmem>> -> memref<1x128xi32, #tpu.memory_space<vmem>>
      %dma_start3A_662 = tpu.memref_squeeze %dma_start3A_661 : memref<1x128xi32, #tpu.memory_space<vmem>> -> memref<128xi32, #tpu.memory_space<vmem>>
      %dma_start3A_663 = arith.constant 0 : i32
      %dma_start3A_664 = tpu.memref_slice %arg15[%dma_start3A_663] : memref<100352xf32, #tpu.memory_space<vmem_shared>> -> memref<100352xf32, #tpu.memory_space<vmem_shared>>
      tpu.enqueue_indirect_dma source(%dma_start3A_659 : memref<128xf32, #tpu.memory_space<vmem>>) target(%dma_start3A_664 : memref<100352xf32, #tpu.memory_space<vmem_shared>>) offsets(%dma_start3A_662 : memref<128xi32, #tpu.memory_space<vmem>>) semaphore(%arg19 : memref<!tpu.dma_semaphore, #tpu.memory_space<semaphore_mem>>) {add = true}
      %dma_start3A_665 = arith.constant 3 : i32
      %dma_start3A_666 = arith.constant 3 : i32
      %dma_start3A_667 = arith.constant 0 : i32
      %dma_start3A_668 = tpu.memref_slice %arg11[%dma_start3A_665, %dma_start3A_667] : memref<8x128xf32, #tpu.memory_space<vmem>> -> memref<1x128xf32, #tpu.memory_space<vmem>>
      %dma_start3A_669 = tpu.memref_squeeze %dma_start3A_668 : memref<1x128xf32, #tpu.memory_space<vmem>> -> memref<128xf32, #tpu.memory_space<vmem>>
      %dma_start3A_670 = arith.constant 0 : i32
      %dma_start3A_671 = tpu.memref_slice %arg8[%dma_start3A_666, %dma_start3A_670] : memref<8x128xi32, #tpu.memory_space<vmem>> -> memref<1x128xi32, #tpu.memory_space<vmem>>
      %dma_start3A_672 = tpu.memref_squeeze %dma_start3A_671 : memref<1x128xi32, #tpu.memory_space<vmem>> -> memref<128xi32, #tpu.memory_space<vmem>>
      %dma_start3A_673 = arith.constant 0 : i32
      %dma_start3A_674 = tpu.memref_slice %arg15[%dma_start3A_673] : memref<100352xf32, #tpu.memory_space<vmem_shared>> -> memref<100352xf32, #tpu.memory_space<vmem_shared>>
      tpu.enqueue_indirect_dma source(%dma_start3A_669 : memref<128xf32, #tpu.memory_space<vmem>>) target(%dma_start3A_674 : memref<100352xf32, #tpu.memory_space<vmem_shared>>) offsets(%dma_start3A_672 : memref<128xi32, #tpu.memory_space<vmem>>) semaphore(%arg19 : memref<!tpu.dma_semaphore, #tpu.memory_space<semaphore_mem>>) {add = true}
      %dma_start3A_675 = arith.constant 4 : i32
      %dma_start3A_676 = arith.constant 4 : i32
      %dma_start3A_677 = arith.constant 0 : i32
      %dma_start3A_678 = tpu.memref_slice %arg11[%dma_start3A_675, %dma_start3A_677] : memref<8x128xf32, #tpu.memory_space<vmem>> -> memref<1x128xf32, #tpu.memory_space<vmem>>
      %dma_start3A_679 = tpu.memref_squeeze %dma_start3A_678 : memref<1x128xf32, #tpu.memory_space<vmem>> -> memref<128xf32, #tpu.memory_space<vmem>>
      %dma_start3A_680 = arith.constant 0 : i32
      %dma_start3A_681 = tpu.memref_slice %arg8[%dma_start3A_676, %dma_start3A_680] : memref<8x128xi32, #tpu.memory_space<vmem>> -> memref<1x128xi32, #tpu.memory_space<vmem>>
      %dma_start3A_682 = tpu.memref_squeeze %dma_start3A_681 : memref<1x128xi32, #tpu.memory_space<vmem>> -> memref<128xi32, #tpu.memory_space<vmem>>
      %dma_start3A_683 = arith.constant 0 : i32
      %dma_start3A_684 = tpu.memref_slice %arg15[%dma_start3A_683] : memref<100352xf32, #tpu.memory_space<vmem_shared>> -> memref<100352xf32, #tpu.memory_space<vmem_shared>>
      tpu.enqueue_indirect_dma source(%dma_start3A_679 : memref<128xf32, #tpu.memory_space<vmem>>) target(%dma_start3A_684 : memref<100352xf32, #tpu.memory_space<vmem_shared>>) offsets(%dma_start3A_682 : memref<128xi32, #tpu.memory_space<vmem>>) semaphore(%arg19 : memref<!tpu.dma_semaphore, #tpu.memory_space<semaphore_mem>>) {add = true}
      %dma_start3A_685 = arith.constant 5 : i32
      %dma_start3A_686 = arith.constant 5 : i32
      %dma_start3A_687 = arith.constant 0 : i32
      %dma_start3A_688 = tpu.memref_slice %arg11[%dma_start3A_685, %dma_start3A_687] : memref<8x128xf32, #tpu.memory_space<vmem>> -> memref<1x128xf32, #tpu.memory_space<vmem>>
      %dma_start3A_689 = tpu.memref_squeeze %dma_start3A_688 : memref<1x128xf32, #tpu.memory_space<vmem>> -> memref<128xf32, #tpu.memory_space<vmem>>
      %dma_start3A_690 = arith.constant 0 : i32
      %dma_start3A_691 = tpu.memref_slice %arg8[%dma_start3A_686, %dma_start3A_690] : memref<8x128xi32, #tpu.memory_space<vmem>> -> memref<1x128xi32, #tpu.memory_space<vmem>>
      %dma_start3A_692 = tpu.memref_squeeze %dma_start3A_691 : memref<1x128xi32, #tpu.memory_space<vmem>> -> memref<128xi32, #tpu.memory_space<vmem>>
      %dma_start3A_693 = arith.constant 0 : i32
      %dma_start3A_694 = tpu.memref_slice %arg15[%dma_start3A_693] : memref<100352xf32, #tpu.memory_space<vmem_shared>> -> memref<100352xf32, #tpu.memory_space<vmem_shared>>
      tpu.enqueue_indirect_dma source(%dma_start3A_689 : memref<128xf32, #tpu.memory_space<vmem>>) target(%dma_start3A_694 : memref<100352xf32, #tpu.memory_space<vmem_shared>>) offsets(%dma_start3A_692 : memref<128xi32, #tpu.memory_space<vmem>>) semaphore(%arg19 : memref<!tpu.dma_semaphore, #tpu.memory_space<semaphore_mem>>) {add = true}
      %dma_start3A_695 = arith.constant 6 : i32
      %dma_start3A_696 = arith.constant 6 : i32
      %dma_start3A_697 = arith.constant 0 : i32
      %dma_start3A_698 = tpu.memref_slice %arg11[%dma_start3A_695, %dma_start3A_697] : memref<8x128xf32, #tpu.memory_space<vmem>> -> memref<1x128xf32, #tpu.memory_space<vmem>>
      %dma_start3A_699 = tpu.memref_squeeze %dma_start3A_698 : memref<1x128xf32, #tpu.memory_space<vmem>> -> memref<128xf32, #tpu.memory_space<vmem>>
      %dma_start3A_700 = arith.constant 0 : i32
      %dma_start3A_701 = tpu.memref_slice %arg8[%dma_start3A_696, %dma_start3A_700] : memref<8x128xi32, #tpu.memory_space<vmem>> -> memref<1x128xi32, #tpu.memory_space<vmem>>
      %dma_start3A_702 = tpu.memref_squeeze %dma_start3A_701 : memref<1x128xi32, #tpu.memory_space<vmem>> -> memref<128xi32, #tpu.memory_space<vmem>>
      %dma_start3A_703 = arith.constant 0 : i32
      %dma_start3A_704 = tpu.memref_slice %arg15[%dma_start3A_703] : memref<100352xf32, #tpu.memory_space<vmem_shared>> -> memref<100352xf32, #tpu.memory_space<vmem_shared>>
      tpu.enqueue_indirect_dma source(%dma_start3A_699 : memref<128xf32, #tpu.memory_space<vmem>>) target(%dma_start3A_704 : memref<100352xf32, #tpu.memory_space<vmem_shared>>) offsets(%dma_start3A_702 : memref<128xi32, #tpu.memory_space<vmem>>) semaphore(%arg19 : memref<!tpu.dma_semaphore, #tpu.memory_space<semaphore_mem>>) {add = true}
      %dma_start3A_705 = arith.constant 7 : i32
      %dma_start3A_706 = arith.constant 7 : i32
      %dma_start3A_707 = arith.constant 0 : i32
      %dma_start3A_708 = tpu.memref_slice %arg11[%dma_start3A_705, %dma_start3A_707] : memref<8x128xf32, #tpu.memory_space<vmem>> -> memref<1x128xf32, #tpu.memory_space<vmem>>
      %dma_start3A_709 = tpu.memref_squeeze %dma_start3A_708 : memref<1x128xf32, #tpu.memory_space<vmem>> -> memref<128xf32, #tpu.memory_space<vmem>>
      %dma_start3A_710 = arith.constant 0 : i32
      %dma_start3A_711 = tpu.memref_slice %arg8[%dma_start3A_706, %dma_start3A_710] : memref<8x128xi32, #tpu.memory_space<vmem>> -> memref<1x128xi32, #tpu.memory_space<vmem>>
      %dma_start3A_712 = tpu.memref_squeeze %dma_start3A_711 : memref<1x128xi32, #tpu.memory_space<vmem>> -> memref<128xi32, #tpu.memory_space<vmem>>
      %dma_start3A_713 = arith.constant 0 : i32
      %dma_start3A_714 = tpu.memref_slice %arg15[%dma_start3A_713] : memref<100352xf32, #tpu.memory_space<vmem_shared>> -> memref<100352xf32, #tpu.memory_space<vmem_shared>>
      tpu.enqueue_indirect_dma source(%dma_start3A_709 : memref<128xf32, #tpu.memory_space<vmem>>) target(%dma_start3A_714 : memref<100352xf32, #tpu.memory_space<vmem_shared>>) offsets(%dma_start3A_712 : memref<128xi32, #tpu.memory_space<vmem>>) semaphore(%arg19 : memref<!tpu.dma_semaphore, #tpu.memory_space<semaphore_mem>>) {add = true}
      %dma_start3A_715 = arith.constant 0 : i32
      %dma_start3A_716 = arith.constant 0 : i32
      %dma_start3A_717 = arith.constant 0 : i32
      %dma_start3A_718 = tpu.memref_slice %arg12[%dma_start3A_715, %dma_start3A_717] : memref<8x128xf32, #tpu.memory_space<vmem>> -> memref<1x128xf32, #tpu.memory_space<vmem>>
      %dma_start3A_719 = tpu.memref_squeeze %dma_start3A_718 : memref<1x128xf32, #tpu.memory_space<vmem>> -> memref<128xf32, #tpu.memory_space<vmem>>
      %dma_start3A_720 = arith.constant 0 : i32
      %dma_start3A_721 = tpu.memref_slice %arg8[%dma_start3A_716, %dma_start3A_720] : memref<8x128xi32, #tpu.memory_space<vmem>> -> memref<1x128xi32, #tpu.memory_space<vmem>>
      %dma_start3A_722 = tpu.memref_squeeze %dma_start3A_721 : memref<1x128xi32, #tpu.memory_space<vmem>> -> memref<128xi32, #tpu.memory_space<vmem>>
      %dma_start3A_723 = arith.constant 0 : i32
      %dma_start3A_724 = tpu.memref_slice %arg16[%dma_start3A_723] : memref<100352xf32, #tpu.memory_space<vmem_shared>> -> memref<100352xf32, #tpu.memory_space<vmem_shared>>
      tpu.enqueue_indirect_dma source(%dma_start3A_719 : memref<128xf32, #tpu.memory_space<vmem>>) target(%dma_start3A_724 : memref<100352xf32, #tpu.memory_space<vmem_shared>>) offsets(%dma_start3A_722 : memref<128xi32, #tpu.memory_space<vmem>>) semaphore(%arg19 : memref<!tpu.dma_semaphore, #tpu.memory_space<semaphore_mem>>) {add = true}
      %dma_start3A_725 = arith.constant 1 : i32
      %dma_start3A_726 = arith.constant 1 : i32
      %dma_start3A_727 = arith.constant 0 : i32
      %dma_start3A_728 = tpu.memref_slice %arg12[%dma_start3A_725, %dma_start3A_727] : memref<8x128xf32, #tpu.memory_space<vmem>> -> memref<1x128xf32, #tpu.memory_space<vmem>>
      %dma_start3A_729 = tpu.memref_squeeze %dma_start3A_728 : memref<1x128xf32, #tpu.memory_space<vmem>> -> memref<128xf32, #tpu.memory_space<vmem>>
      %dma_start3A_730 = arith.constant 0 : i32
      %dma_start3A_731 = tpu.memref_slice %arg8[%dma_start3A_726, %dma_start3A_730] : memref<8x128xi32, #tpu.memory_space<vmem>> -> memref<1x128xi32, #tpu.memory_space<vmem>>
      %dma_start3A_732 = tpu.memref_squeeze %dma_start3A_731 : memref<1x128xi32, #tpu.memory_space<vmem>> -> memref<128xi32, #tpu.memory_space<vmem>>
      %dma_start3A_733 = arith.constant 0 : i32
      %dma_start3A_734 = tpu.memref_slice %arg16[%dma_start3A_733] : memref<100352xf32, #tpu.memory_space<vmem_shared>> -> memref<100352xf32, #tpu.memory_space<vmem_shared>>
      tpu.enqueue_indirect_dma source(%dma_start3A_729 : memref<128xf32, #tpu.memory_space<vmem>>) target(%dma_start3A_734 : memref<100352xf32, #tpu.memory_space<vmem_shared>>) offsets(%dma_start3A_732 : memref<128xi32, #tpu.memory_space<vmem>>) semaphore(%arg19 : memref<!tpu.dma_semaphore, #tpu.memory_space<semaphore_mem>>) {add = true}
      %dma_start3A_735 = arith.constant 2 : i32
      %dma_start3A_736 = arith.constant 2 : i32
      %dma_start3A_737 = arith.constant 0 : i32
      %dma_start3A_738 = tpu.memref_slice %arg12[%dma_start3A_735, %dma_start3A_737] : memref<8x128xf32, #tpu.memory_space<vmem>> -> memref<1x128xf32, #tpu.memory_space<vmem>>
      %dma_start3A_739 = tpu.memref_squeeze %dma_start3A_738 : memref<1x128xf32, #tpu.memory_space<vmem>> -> memref<128xf32, #tpu.memory_space<vmem>>
      %dma_start3A_740 = arith.constant 0 : i32
      %dma_start3A_741 = tpu.memref_slice %arg8[%dma_start3A_736, %dma_start3A_740] : memref<8x128xi32, #tpu.memory_space<vmem>> -> memref<1x128xi32, #tpu.memory_space<vmem>>
      %dma_start3A_742 = tpu.memref_squeeze %dma_start3A_741 : memref<1x128xi32, #tpu.memory_space<vmem>> -> memref<128xi32, #tpu.memory_space<vmem>>
      %dma_start3A_743 = arith.constant 0 : i32
      %dma_start3A_744 = tpu.memref_slice %arg16[%dma_start3A_743] : memref<100352xf32, #tpu.memory_space<vmem_shared>> -> memref<100352xf32, #tpu.memory_space<vmem_shared>>
      tpu.enqueue_indirect_dma source(%dma_start3A_739 : memref<128xf32, #tpu.memory_space<vmem>>) target(%dma_start3A_744 : memref<100352xf32, #tpu.memory_space<vmem_shared>>) offsets(%dma_start3A_742 : memref<128xi32, #tpu.memory_space<vmem>>) semaphore(%arg19 : memref<!tpu.dma_semaphore, #tpu.memory_space<semaphore_mem>>) {add = true}
      %dma_start3A_745 = arith.constant 3 : i32
      %dma_start3A_746 = arith.constant 3 : i32
      %dma_start3A_747 = arith.constant 0 : i32
      %dma_start3A_748 = tpu.memref_slice %arg12[%dma_start3A_745, %dma_start3A_747] : memref<8x128xf32, #tpu.memory_space<vmem>> -> memref<1x128xf32, #tpu.memory_space<vmem>>
      %dma_start3A_749 = tpu.memref_squeeze %dma_start3A_748 : memref<1x128xf32, #tpu.memory_space<vmem>> -> memref<128xf32, #tpu.memory_space<vmem>>
      %dma_start3A_750 = arith.constant 0 : i32
      %dma_start3A_751 = tpu.memref_slice %arg8[%dma_start3A_746, %dma_start3A_750] : memref<8x128xi32, #tpu.memory_space<vmem>> -> memref<1x128xi32, #tpu.memory_space<vmem>>
      %dma_start3A_752 = tpu.memref_squeeze %dma_start3A_751 : memref<1x128xi32, #tpu.memory_space<vmem>> -> memref<128xi32, #tpu.memory_space<vmem>>
      %dma_start3A_753 = arith.constant 0 : i32
      %dma_start3A_754 = tpu.memref_slice %arg16[%dma_start3A_753] : memref<100352xf32, #tpu.memory_space<vmem_shared>> -> memref<100352xf32, #tpu.memory_space<vmem_shared>>
      tpu.enqueue_indirect_dma source(%dma_start3A_749 : memref<128xf32, #tpu.memory_space<vmem>>) target(%dma_start3A_754 : memref<100352xf32, #tpu.memory_space<vmem_shared>>) offsets(%dma_start3A_752 : memref<128xi32, #tpu.memory_space<vmem>>) semaphore(%arg19 : memref<!tpu.dma_semaphore, #tpu.memory_space<semaphore_mem>>) {add = true}
      %dma_start3A_755 = arith.constant 4 : i32
      %dma_start3A_756 = arith.constant 4 : i32
      %dma_start3A_757 = arith.constant 0 : i32
      %dma_start3A_758 = tpu.memref_slice %arg12[%dma_start3A_755, %dma_start3A_757] : memref<8x128xf32, #tpu.memory_space<vmem>> -> memref<1x128xf32, #tpu.memory_space<vmem>>
      %dma_start3A_759 = tpu.memref_squeeze %dma_start3A_758 : memref<1x128xf32, #tpu.memory_space<vmem>> -> memref<128xf32, #tpu.memory_space<vmem>>
      %dma_start3A_760 = arith.constant 0 : i32
      %dma_start3A_761 = tpu.memref_slice %arg8[%dma_start3A_756, %dma_start3A_760] : memref<8x128xi32, #tpu.memory_space<vmem>> -> memref<1x128xi32, #tpu.memory_space<vmem>>
      %dma_start3A_762 = tpu.memref_squeeze %dma_start3A_761 : memref<1x128xi32, #tpu.memory_space<vmem>> -> memref<128xi32, #tpu.memory_space<vmem>>
      %dma_start3A_763 = arith.constant 0 : i32
      %dma_start3A_764 = tpu.memref_slice %arg16[%dma_start3A_763] : memref<100352xf32, #tpu.memory_space<vmem_shared>> -> memref<100352xf32, #tpu.memory_space<vmem_shared>>
      tpu.enqueue_indirect_dma source(%dma_start3A_759 : memref<128xf32, #tpu.memory_space<vmem>>) target(%dma_start3A_764 : memref<100352xf32, #tpu.memory_space<vmem_shared>>) offsets(%dma_start3A_762 : memref<128xi32, #tpu.memory_space<vmem>>) semaphore(%arg19 : memref<!tpu.dma_semaphore, #tpu.memory_space<semaphore_mem>>) {add = true}
      %dma_start3A_765 = arith.constant 5 : i32
      %dma_start3A_766 = arith.constant 5 : i32
      %dma_start3A_767 = arith.constant 0 : i32
      %dma_start3A_768 = tpu.memref_slice %arg12[%dma_start3A_765, %dma_start3A_767] : memref<8x128xf32, #tpu.memory_space<vmem>> -> memref<1x128xf32, #tpu.memory_space<vmem>>
      %dma_start3A_769 = tpu.memref_squeeze %dma_start3A_768 : memref<1x128xf32, #tpu.memory_space<vmem>> -> memref<128xf32, #tpu.memory_space<vmem>>
      %dma_start3A_770 = arith.constant 0 : i32
      %dma_start3A_771 = tpu.memref_slice %arg8[%dma_start3A_766, %dma_start3A_770] : memref<8x128xi32, #tpu.memory_space<vmem>> -> memref<1x128xi32, #tpu.memory_space<vmem>>
      %dma_start3A_772 = tpu.memref_squeeze %dma_start3A_771 : memref<1x128xi32, #tpu.memory_space<vmem>> -> memref<128xi32, #tpu.memory_space<vmem>>
      %dma_start3A_773 = arith.constant 0 : i32
      %dma_start3A_774 = tpu.memref_slice %arg16[%dma_start3A_773] : memref<100352xf32, #tpu.memory_space<vmem_shared>> -> memref<100352xf32, #tpu.memory_space<vmem_shared>>
      tpu.enqueue_indirect_dma source(%dma_start3A_769 : memref<128xf32, #tpu.memory_space<vmem>>) target(%dma_start3A_774 : memref<100352xf32, #tpu.memory_space<vmem_shared>>) offsets(%dma_start3A_772 : memref<128xi32, #tpu.memory_space<vmem>>) semaphore(%arg19 : memref<!tpu.dma_semaphore, #tpu.memory_space<semaphore_mem>>) {add = true}
      %dma_start3A_775 = arith.constant 6 : i32
      %dma_start3A_776 = arith.constant 6 : i32
      %dma_start3A_777 = arith.constant 0 : i32
      %dma_start3A_778 = tpu.memref_slice %arg12[%dma_start3A_775, %dma_start3A_777] : memref<8x128xf32, #tpu.memory_space<vmem>> -> memref<1x128xf32, #tpu.memory_space<vmem>>
      %dma_start3A_779 = tpu.memref_squeeze %dma_start3A_778 : memref<1x128xf32, #tpu.memory_space<vmem>> -> memref<128xf32, #tpu.memory_space<vmem>>
      %dma_start3A_780 = arith.constant 0 : i32
      %dma_start3A_781 = tpu.memref_slice %arg8[%dma_start3A_776, %dma_start3A_780] : memref<8x128xi32, #tpu.memory_space<vmem>> -> memref<1x128xi32, #tpu.memory_space<vmem>>
      %dma_start3A_782 = tpu.memref_squeeze %dma_start3A_781 : memref<1x128xi32, #tpu.memory_space<vmem>> -> memref<128xi32, #tpu.memory_space<vmem>>
      %dma_start3A_783 = arith.constant 0 : i32
      %dma_start3A_784 = tpu.memref_slice %arg16[%dma_start3A_783] : memref<100352xf32, #tpu.memory_space<vmem_shared>> -> memref<100352xf32, #tpu.memory_space<vmem_shared>>
      tpu.enqueue_indirect_dma source(%dma_start3A_779 : memref<128xf32, #tpu.memory_space<vmem>>) target(%dma_start3A_784 : memref<100352xf32, #tpu.memory_space<vmem_shared>>) offsets(%dma_start3A_782 : memref<128xi32, #tpu.memory_space<vmem>>) semaphore(%arg19 : memref<!tpu.dma_semaphore, #tpu.memory_space<semaphore_mem>>) {add = true}
      %dma_start3A_785 = arith.constant 7 : i32
      %dma_start3A_786 = arith.constant 7 : i32
      %dma_start3A_787 = arith.constant 0 : i32
      %dma_start3A_788 = tpu.memref_slice %arg12[%dma_start3A_785, %dma_start3A_787] : memref<8x128xf32, #tpu.memory_space<vmem>> -> memref<1x128xf32, #tpu.memory_space<vmem>>
      %dma_start3A_789 = tpu.memref_squeeze %dma_start3A_788 : memref<1x128xf32, #tpu.memory_space<vmem>> -> memref<128xf32, #tpu.memory_space<vmem>>
      %dma_start3A_790 = arith.constant 0 : i32
      %dma_start3A_791 = tpu.memref_slice %arg8[%dma_start3A_786, %dma_start3A_790] : memref<8x128xi32, #tpu.memory_space<vmem>> -> memref<1x128xi32, #tpu.memory_space<vmem>>
      %dma_start3A_792 = tpu.memref_squeeze %dma_start3A_791 : memref<1x128xi32, #tpu.memory_space<vmem>> -> memref<128xi32, #tpu.memory_space<vmem>>
      %dma_start3A_793 = arith.constant 0 : i32
      %dma_start3A_794 = tpu.memref_slice %arg16[%dma_start3A_793] : memref<100352xf32, #tpu.memory_space<vmem_shared>> -> memref<100352xf32, #tpu.memory_space<vmem_shared>>
      tpu.enqueue_indirect_dma source(%dma_start3A_789 : memref<128xf32, #tpu.memory_space<vmem>>) target(%dma_start3A_794 : memref<100352xf32, #tpu.memory_space<vmem_shared>>) offsets(%dma_start3A_792 : memref<128xi32, #tpu.memory_space<vmem>>) semaphore(%arg19 : memref<!tpu.dma_semaphore, #tpu.memory_space<semaphore_mem>>) {add = true}
      %dma_wait3A_795 = arith.constant 0 : i32
      %dma_wait3A_796 = arith.constant 0 : i32
      %dma_wait3A_797 = arith.constant 0 : i32
      %dma_wait3A_798 = tpu.memref_slice %arg10[%dma_wait3A_795, %dma_wait3A_797] : memref<8x128xf32, #tpu.memory_space<vmem>> -> memref<1x128xf32, #tpu.memory_space<vmem>>
      %dma_wait3A_799 = tpu.memref_squeeze %dma_wait3A_798 : memref<1x128xf32, #tpu.memory_space<vmem>> -> memref<128xf32, #tpu.memory_space<vmem>>
      %dma_wait3A_800 = arith.constant 0 : i32
      %dma_wait3A_801 = tpu.memref_slice %arg8[%dma_wait3A_796, %dma_wait3A_800] : memref<8x128xi32, #tpu.memory_space<vmem>> -> memref<1x128xi32, #tpu.memory_space<vmem>>
      %dma_wait3A_802 = tpu.memref_squeeze %dma_wait3A_801 : memref<1x128xi32, #tpu.memory_space<vmem>> -> memref<128xi32, #tpu.memory_space<vmem>>
      %dma_wait3A_803 = arith.constant 0 : i32
      %dma_wait3A_804 = tpu.memref_slice %arg14[%dma_wait3A_803] : memref<100352xf32, #tpu.memory_space<vmem_shared>> -> memref<100352xf32, #tpu.memory_space<vmem_shared>>
      tpu.wait_indirect_dma semaphore(%arg19 : memref<!tpu.dma_semaphore, #tpu.memory_space<semaphore_mem>>) src(%dma_wait3A_799 : memref<128xf32, #tpu.memory_space<vmem>>) dst(%dma_wait3A_804 : memref<100352xf32, #tpu.memory_space<vmem_shared>>)
      %dma_wait3A_805 = arith.constant 1 : i32
      %dma_wait3A_806 = arith.constant 1 : i32
      %dma_wait3A_807 = arith.constant 0 : i32
      %dma_wait3A_808 = tpu.memref_slice %arg10[%dma_wait3A_805, %dma_wait3A_807] : memref<8x128xf32, #tpu.memory_space<vmem>> -> memref<1x128xf32, #tpu.memory_space<vmem>>
      %dma_wait3A_809 = tpu.memref_squeeze %dma_wait3A_808 : memref<1x128xf32, #tpu.memory_space<vmem>> -> memref<128xf32, #tpu.memory_space<vmem>>
      %dma_wait3A_810 = arith.constant 0 : i32
      %dma_wait3A_811 = tpu.memref_slice %arg8[%dma_wait3A_806, %dma_wait3A_810] : memref<8x128xi32, #tpu.memory_space<vmem>> -> memref<1x128xi32, #tpu.memory_space<vmem>>
      %dma_wait3A_812 = tpu.memref_squeeze %dma_wait3A_811 : memref<1x128xi32, #tpu.memory_space<vmem>> -> memref<128xi32, #tpu.memory_space<vmem>>
      %dma_wait3A_813 = arith.constant 0 : i32
      %dma_wait3A_814 = tpu.memref_slice %arg14[%dma_wait3A_813] : memref<100352xf32, #tpu.memory_space<vmem_shared>> -> memref<100352xf32, #tpu.memory_space<vmem_shared>>
      tpu.wait_indirect_dma semaphore(%arg19 : memref<!tpu.dma_semaphore, #tpu.memory_space<semaphore_mem>>) src(%dma_wait3A_809 : memref<128xf32, #tpu.memory_space<vmem>>) dst(%dma_wait3A_814 : memref<100352xf32, #tpu.memory_space<vmem_shared>>)
      %dma_wait3A_815 = arith.constant 2 : i32
      %dma_wait3A_816 = arith.constant 2 : i32
      %dma_wait3A_817 = arith.constant 0 : i32
      %dma_wait3A_818 = tpu.memref_slice %arg10[%dma_wait3A_815, %dma_wait3A_817] : memref<8x128xf32, #tpu.memory_space<vmem>> -> memref<1x128xf32, #tpu.memory_space<vmem>>
      %dma_wait3A_819 = tpu.memref_squeeze %dma_wait3A_818 : memref<1x128xf32, #tpu.memory_space<vmem>> -> memref<128xf32, #tpu.memory_space<vmem>>
      %dma_wait3A_820 = arith.constant 0 : i32
      %dma_wait3A_821 = tpu.memref_slice %arg8[%dma_wait3A_816, %dma_wait3A_820] : memref<8x128xi32, #tpu.memory_space<vmem>> -> memref<1x128xi32, #tpu.memory_space<vmem>>
      %dma_wait3A_822 = tpu.memref_squeeze %dma_wait3A_821 : memref<1x128xi32, #tpu.memory_space<vmem>> -> memref<128xi32, #tpu.memory_space<vmem>>
      %dma_wait3A_823 = arith.constant 0 : i32
      %dma_wait3A_824 = tpu.memref_slice %arg14[%dma_wait3A_823] : memref<100352xf32, #tpu.memory_space<vmem_shared>> -> memref<100352xf32, #tpu.memory_space<vmem_shared>>
      tpu.wait_indirect_dma semaphore(%arg19 : memref<!tpu.dma_semaphore, #tpu.memory_space<semaphore_mem>>) src(%dma_wait3A_819 : memref<128xf32, #tpu.memory_space<vmem>>) dst(%dma_wait3A_824 : memref<100352xf32, #tpu.memory_space<vmem_shared>>)
      %dma_wait3A_825 = arith.constant 3 : i32
      %dma_wait3A_826 = arith.constant 3 : i32
      %dma_wait3A_827 = arith.constant 0 : i32
      %dma_wait3A_828 = tpu.memref_slice %arg10[%dma_wait3A_825, %dma_wait3A_827] : memref<8x128xf32, #tpu.memory_space<vmem>> -> memref<1x128xf32, #tpu.memory_space<vmem>>
      %dma_wait3A_829 = tpu.memref_squeeze %dma_wait3A_828 : memref<1x128xf32, #tpu.memory_space<vmem>> -> memref<128xf32, #tpu.memory_space<vmem>>
      %dma_wait3A_830 = arith.constant 0 : i32
      %dma_wait3A_831 = tpu.memref_slice %arg8[%dma_wait3A_826, %dma_wait3A_830] : memref<8x128xi32, #tpu.memory_space<vmem>> -> memref<1x128xi32, #tpu.memory_space<vmem>>
      %dma_wait3A_832 = tpu.memref_squeeze %dma_wait3A_831 : memref<1x128xi32, #tpu.memory_space<vmem>> -> memref<128xi32, #tpu.memory_space<vmem>>
      %dma_wait3A_833 = arith.constant 0 : i32
      %dma_wait3A_834 = tpu.memref_slice %arg14[%dma_wait3A_833] : memref<100352xf32, #tpu.memory_space<vmem_shared>> -> memref<100352xf32, #tpu.memory_space<vmem_shared>>
      tpu.wait_indirect_dma semaphore(%arg19 : memref<!tpu.dma_semaphore, #tpu.memory_space<semaphore_mem>>) src(%dma_wait3A_829 : memref<128xf32, #tpu.memory_space<vmem>>) dst(%dma_wait3A_834 : memref<100352xf32, #tpu.memory_space<vmem_shared>>)
      %dma_wait3A_835 = arith.constant 4 : i32
      %dma_wait3A_836 = arith.constant 4 : i32
      %dma_wait3A_837 = arith.constant 0 : i32
      %dma_wait3A_838 = tpu.memref_slice %arg10[%dma_wait3A_835, %dma_wait3A_837] : memref<8x128xf32, #tpu.memory_space<vmem>> -> memref<1x128xf32, #tpu.memory_space<vmem>>
      %dma_wait3A_839 = tpu.memref_squeeze %dma_wait3A_838 : memref<1x128xf32, #tpu.memory_space<vmem>> -> memref<128xf32, #tpu.memory_space<vmem>>
      %dma_wait3A_840 = arith.constant 0 : i32
      %dma_wait3A_841 = tpu.memref_slice %arg8[%dma_wait3A_836, %dma_wait3A_840] : memref<8x128xi32, #tpu.memory_space<vmem>> -> memref<1x128xi32, #tpu.memory_space<vmem>>
      %dma_wait3A_842 = tpu.memref_squeeze %dma_wait3A_841 : memref<1x128xi32, #tpu.memory_space<vmem>> -> memref<128xi32, #tpu.memory_space<vmem>>
      %dma_wait3A_843 = arith.constant 0 : i32
      %dma_wait3A_844 = tpu.memref_slice %arg14[%dma_wait3A_843] : memref<100352xf32, #tpu.memory_space<vmem_shared>> -> memref<100352xf32, #tpu.memory_space<vmem_shared>>
      tpu.wait_indirect_dma semaphore(%arg19 : memref<!tpu.dma_semaphore, #tpu.memory_space<semaphore_mem>>) src(%dma_wait3A_839 : memref<128xf32, #tpu.memory_space<vmem>>) dst(%dma_wait3A_844 : memref<100352xf32, #tpu.memory_space<vmem_shared>>)
      %dma_wait3A_845 = arith.constant 5 : i32
      %dma_wait3A_846 = arith.constant 5 : i32
      %dma_wait3A_847 = arith.constant 0 : i32
      %dma_wait3A_848 = tpu.memref_slice %arg10[%dma_wait3A_845, %dma_wait3A_847] : memref<8x128xf32, #tpu.memory_space<vmem>> -> memref<1x128xf32, #tpu.memory_space<vmem>>
      %dma_wait3A_849 = tpu.memref_squeeze %dma_wait3A_848 : memref<1x128xf32, #tpu.memory_space<vmem>> -> memref<128xf32, #tpu.memory_space<vmem>>
      %dma_wait3A_850 = arith.constant 0 : i32
      %dma_wait3A_851 = tpu.memref_slice %arg8[%dma_wait3A_846, %dma_wait3A_850] : memref<8x128xi32, #tpu.memory_space<vmem>> -> memref<1x128xi32, #tpu.memory_space<vmem>>
      %dma_wait3A_852 = tpu.memref_squeeze %dma_wait3A_851 : memref<1x128xi32, #tpu.memory_space<vmem>> -> memref<128xi32, #tpu.memory_space<vmem>>
      %dma_wait3A_853 = arith.constant 0 : i32
      %dma_wait3A_854 = tpu.memref_slice %arg14[%dma_wait3A_853] : memref<100352xf32, #tpu.memory_space<vmem_shared>> -> memref<100352xf32, #tpu.memory_space<vmem_shared>>
      tpu.wait_indirect_dma semaphore(%arg19 : memref<!tpu.dma_semaphore, #tpu.memory_space<semaphore_mem>>) src(%dma_wait3A_849 : memref<128xf32, #tpu.memory_space<vmem>>) dst(%dma_wait3A_854 : memref<100352xf32, #tpu.memory_space<vmem_shared>>)
      %dma_wait3A_855 = arith.constant 6 : i32
      %dma_wait3A_856 = arith.constant 6 : i32
      %dma_wait3A_857 = arith.constant 0 : i32
      %dma_wait3A_858 = tpu.memref_slice %arg10[%dma_wait3A_855, %dma_wait3A_857] : memref<8x128xf32, #tpu.memory_space<vmem>> -> memref<1x128xf32, #tpu.memory_space<vmem>>
      %dma_wait3A_859 = tpu.memref_squeeze %dma_wait3A_858 : memref<1x128xf32, #tpu.memory_space<vmem>> -> memref<128xf32, #tpu.memory_space<vmem>>
      %dma_wait3A_860 = arith.constant 0 : i32
      %dma_wait3A_861 = tpu.memref_slice %arg8[%dma_wait3A_856, %dma_wait3A_860] : memref<8x128xi32, #tpu.memory_space<vmem>> -> memref<1x128xi32, #tpu.memory_space<vmem>>
      %dma_wait3A_862 = tpu.memref_squeeze %dma_wait3A_861 : memref<1x128xi32, #tpu.memory_space<vmem>> -> memref<128xi32, #tpu.memory_space<vmem>>
      %dma_wait3A_863 = arith.constant 0 : i32
      %dma_wait3A_864 = tpu.memref_slice %arg14[%dma_wait3A_863] : memref<100352xf32, #tpu.memory_space<vmem_shared>> -> memref<100352xf32, #tpu.memory_space<vmem_shared>>
      tpu.wait_indirect_dma semaphore(%arg19 : memref<!tpu.dma_semaphore, #tpu.memory_space<semaphore_mem>>) src(%dma_wait3A_859 : memref<128xf32, #tpu.memory_space<vmem>>) dst(%dma_wait3A_864 : memref<100352xf32, #tpu.memory_space<vmem_shared>>)
      %dma_wait3A_865 = arith.constant 7 : i32
      %dma_wait3A_866 = arith.constant 7 : i32
      %dma_wait3A_867 = arith.constant 0 : i32
      %dma_wait3A_868 = tpu.memref_slice %arg10[%dma_wait3A_865, %dma_wait3A_867] : memref<8x128xf32, #tpu.memory_space<vmem>> -> memref<1x128xf32, #tpu.memory_space<vmem>>
      %dma_wait3A_869 = tpu.memref_squeeze %dma_wait3A_868 : memref<1x128xf32, #tpu.memory_space<vmem>> -> memref<128xf32, #tpu.memory_space<vmem>>
      %dma_wait3A_870 = arith.constant 0 : i32
      %dma_wait3A_871 = tpu.memref_slice %arg8[%dma_wait3A_866, %dma_wait3A_870] : memref<8x128xi32, #tpu.memory_space<vmem>> -> memref<1x128xi32, #tpu.memory_space<vmem>>
      %dma_wait3A_872 = tpu.memref_squeeze %dma_wait3A_871 : memref<1x128xi32, #tpu.memory_space<vmem>> -> memref<128xi32, #tpu.memory_space<vmem>>
      %dma_wait3A_873 = arith.constant 0 : i32
      %dma_wait3A_874 = tpu.memref_slice %arg14[%dma_wait3A_873] : memref<100352xf32, #tpu.memory_space<vmem_shared>> -> memref<100352xf32, #tpu.memory_space<vmem_shared>>
      tpu.wait_indirect_dma semaphore(%arg19 : memref<!tpu.dma_semaphore, #tpu.memory_space<semaphore_mem>>) src(%dma_wait3A_869 : memref<128xf32, #tpu.memory_space<vmem>>) dst(%dma_wait3A_874 : memref<100352xf32, #tpu.memory_space<vmem_shared>>)
      %dma_wait3A_875 = arith.constant 0 : i32
      %dma_wait3A_876 = arith.constant 0 : i32
      %dma_wait3A_877 = arith.constant 0 : i32
      %dma_wait3A_878 = tpu.memref_slice %arg11[%dma_wait3A_875, %dma_wait3A_877] : memref<8x128xf32, #tpu.memory_space<vmem>> -> memref<1x128xf32, #tpu.memory_space<vmem>>
      %dma_wait3A_879 = tpu.memref_squeeze %dma_wait3A_878 : memref<1x128xf32, #tpu.memory_space<vmem>> -> memref<128xf32, #tpu.memory_space<vmem>>
      %dma_wait3A_880 = arith.constant 0 : i32
      %dma_wait3A_881 = tpu.memref_slice %arg8[%dma_wait3A_876, %dma_wait3A_880] : memref<8x128xi32, #tpu.memory_space<vmem>> -> memref<1x128xi32, #tpu.memory_space<vmem>>
      %dma_wait3A_882 = tpu.memref_squeeze %dma_wait3A_881 : memref<1x128xi32, #tpu.memory_space<vmem>> -> memref<128xi32, #tpu.memory_space<vmem>>
      %dma_wait3A_883 = arith.constant 0 : i32
      %dma_wait3A_884 = tpu.memref_slice %arg15[%dma_wait3A_883] : memref<100352xf32, #tpu.memory_space<vmem_shared>> -> memref<100352xf32, #tpu.memory_space<vmem_shared>>
      tpu.wait_indirect_dma semaphore(%arg19 : memref<!tpu.dma_semaphore, #tpu.memory_space<semaphore_mem>>) src(%dma_wait3A_879 : memref<128xf32, #tpu.memory_space<vmem>>) dst(%dma_wait3A_884 : memref<100352xf32, #tpu.memory_space<vmem_shared>>)
      %dma_wait3A_885 = arith.constant 1 : i32
      %dma_wait3A_886 = arith.constant 1 : i32
      %dma_wait3A_887 = arith.constant 0 : i32
      %dma_wait3A_888 = tpu.memref_slice %arg11[%dma_wait3A_885, %dma_wait3A_887] : memref<8x128xf32, #tpu.memory_space<vmem>> -> memref<1x128xf32, #tpu.memory_space<vmem>>
      %dma_wait3A_889 = tpu.memref_squeeze %dma_wait3A_888 : memref<1x128xf32, #tpu.memory_space<vmem>> -> memref<128xf32, #tpu.memory_space<vmem>>
      %dma_wait3A_890 = arith.constant 0 : i32
      %dma_wait3A_891 = tpu.memref_slice %arg8[%dma_wait3A_886, %dma_wait3A_890] : memref<8x128xi32, #tpu.memory_space<vmem>> -> memref<1x128xi32, #tpu.memory_space<vmem>>
      %dma_wait3A_892 = tpu.memref_squeeze %dma_wait3A_891 : memref<1x128xi32, #tpu.memory_space<vmem>> -> memref<128xi32, #tpu.memory_space<vmem>>
      %dma_wait3A_893 = arith.constant 0 : i32
      %dma_wait3A_894 = tpu.memref_slice %arg15[%dma_wait3A_893] : memref<100352xf32, #tpu.memory_space<vmem_shared>> -> memref<100352xf32, #tpu.memory_space<vmem_shared>>
      tpu.wait_indirect_dma semaphore(%arg19 : memref<!tpu.dma_semaphore, #tpu.memory_space<semaphore_mem>>) src(%dma_wait3A_889 : memref<128xf32, #tpu.memory_space<vmem>>) dst(%dma_wait3A_894 : memref<100352xf32, #tpu.memory_space<vmem_shared>>)
      %dma_wait3A_895 = arith.constant 2 : i32
      %dma_wait3A_896 = arith.constant 2 : i32
      %dma_wait3A_897 = arith.constant 0 : i32
      %dma_wait3A_898 = tpu.memref_slice %arg11[%dma_wait3A_895, %dma_wait3A_897] : memref<8x128xf32, #tpu.memory_space<vmem>> -> memref<1x128xf32, #tpu.memory_space<vmem>>
      %dma_wait3A_899 = tpu.memref_squeeze %dma_wait3A_898 : memref<1x128xf32, #tpu.memory_space<vmem>> -> memref<128xf32, #tpu.memory_space<vmem>>
      %dma_wait3A_900 = arith.constant 0 : i32
      %dma_wait3A_901 = tpu.memref_slice %arg8[%dma_wait3A_896, %dma_wait3A_900] : memref<8x128xi32, #tpu.memory_space<vmem>> -> memref<1x128xi32, #tpu.memory_space<vmem>>
      %dma_wait3A_902 = tpu.memref_squeeze %dma_wait3A_901 : memref<1x128xi32, #tpu.memory_space<vmem>> -> memref<128xi32, #tpu.memory_space<vmem>>
      %dma_wait3A_903 = arith.constant 0 : i32
      %dma_wait3A_904 = tpu.memref_slice %arg15[%dma_wait3A_903] : memref<100352xf32, #tpu.memory_space<vmem_shared>> -> memref<100352xf32, #tpu.memory_space<vmem_shared>>
      tpu.wait_indirect_dma semaphore(%arg19 : memref<!tpu.dma_semaphore, #tpu.memory_space<semaphore_mem>>) src(%dma_wait3A_899 : memref<128xf32, #tpu.memory_space<vmem>>) dst(%dma_wait3A_904 : memref<100352xf32, #tpu.memory_space<vmem_shared>>)
      %dma_wait3A_905 = arith.constant 3 : i32
      %dma_wait3A_906 = arith.constant 3 : i32
      %dma_wait3A_907 = arith.constant 0 : i32
      %dma_wait3A_908 = tpu.memref_slice %arg11[%dma_wait3A_905, %dma_wait3A_907] : memref<8x128xf32, #tpu.memory_space<vmem>> -> memref<1x128xf32, #tpu.memory_space<vmem>>
      %dma_wait3A_909 = tpu.memref_squeeze %dma_wait3A_908 : memref<1x128xf32, #tpu.memory_space<vmem>> -> memref<128xf32, #tpu.memory_space<vmem>>
      %dma_wait3A_910 = arith.constant 0 : i32
      %dma_wait3A_911 = tpu.memref_slice %arg8[%dma_wait3A_906, %dma_wait3A_910] : memref<8x128xi32, #tpu.memory_space<vmem>> -> memref<1x128xi32, #tpu.memory_space<vmem>>
      %dma_wait3A_912 = tpu.memref_squeeze %dma_wait3A_911 : memref<1x128xi32, #tpu.memory_space<vmem>> -> memref<128xi32, #tpu.memory_space<vmem>>
      %dma_wait3A_913 = arith.constant 0 : i32
      %dma_wait3A_914 = tpu.memref_slice %arg15[%dma_wait3A_913] : memref<100352xf32, #tpu.memory_space<vmem_shared>> -> memref<100352xf32, #tpu.memory_space<vmem_shared>>
      tpu.wait_indirect_dma semaphore(%arg19 : memref<!tpu.dma_semaphore, #tpu.memory_space<semaphore_mem>>) src(%dma_wait3A_909 : memref<128xf32, #tpu.memory_space<vmem>>) dst(%dma_wait3A_914 : memref<100352xf32, #tpu.memory_space<vmem_shared>>)
      %dma_wait3A_915 = arith.constant 4 : i32
      %dma_wait3A_916 = arith.constant 4 : i32
      %dma_wait3A_917 = arith.constant 0 : i32
      %dma_wait3A_918 = tpu.memref_slice %arg11[%dma_wait3A_915, %dma_wait3A_917] : memref<8x128xf32, #tpu.memory_space<vmem>> -> memref<1x128xf32, #tpu.memory_space<vmem>>
      %dma_wait3A_919 = tpu.memref_squeeze %dma_wait3A_918 : memref<1x128xf32, #tpu.memory_space<vmem>> -> memref<128xf32, #tpu.memory_space<vmem>>
      %dma_wait3A_920 = arith.constant 0 : i32
      %dma_wait3A_921 = tpu.memref_slice %arg8[%dma_wait3A_916, %dma_wait3A_920] : memref<8x128xi32, #tpu.memory_space<vmem>> -> memref<1x128xi32, #tpu.memory_space<vmem>>
      %dma_wait3A_922 = tpu.memref_squeeze %dma_wait3A_921 : memref<1x128xi32, #tpu.memory_space<vmem>> -> memref<128xi32, #tpu.memory_space<vmem>>
      %dma_wait3A_923 = arith.constant 0 : i32
      %dma_wait3A_924 = tpu.memref_slice %arg15[%dma_wait3A_923] : memref<100352xf32, #tpu.memory_space<vmem_shared>> -> memref<100352xf32, #tpu.memory_space<vmem_shared>>
      tpu.wait_indirect_dma semaphore(%arg19 : memref<!tpu.dma_semaphore, #tpu.memory_space<semaphore_mem>>) src(%dma_wait3A_919 : memref<128xf32, #tpu.memory_space<vmem>>) dst(%dma_wait3A_924 : memref<100352xf32, #tpu.memory_space<vmem_shared>>)
      %dma_wait3A_925 = arith.constant 5 : i32
      %dma_wait3A_926 = arith.constant 5 : i32
      %dma_wait3A_927 = arith.constant 0 : i32
      %dma_wait3A_928 = tpu.memref_slice %arg11[%dma_wait3A_925, %dma_wait3A_927] : memref<8x128xf32, #tpu.memory_space<vmem>> -> memref<1x128xf32, #tpu.memory_space<vmem>>
      %dma_wait3A_929 = tpu.memref_squeeze %dma_wait3A_928 : memref<1x128xf32, #tpu.memory_space<vmem>> -> memref<128xf32, #tpu.memory_space<vmem>>
      %dma_wait3A_930 = arith.constant 0 : i32
      %dma_wait3A_931 = tpu.memref_slice %arg8[%dma_wait3A_926, %dma_wait3A_930] : memref<8x128xi32, #tpu.memory_space<vmem>> -> memref<1x128xi32, #tpu.memory_space<vmem>>
      %dma_wait3A_932 = tpu.memref_squeeze %dma_wait3A_931 : memref<1x128xi32, #tpu.memory_space<vmem>> -> memref<128xi32, #tpu.memory_space<vmem>>
      %dma_wait3A_933 = arith.constant 0 : i32
      %dma_wait3A_934 = tpu.memref_slice %arg15[%dma_wait3A_933] : memref<100352xf32, #tpu.memory_space<vmem_shared>> -> memref<100352xf32, #tpu.memory_space<vmem_shared>>
      tpu.wait_indirect_dma semaphore(%arg19 : memref<!tpu.dma_semaphore, #tpu.memory_space<semaphore_mem>>) src(%dma_wait3A_929 : memref<128xf32, #tpu.memory_space<vmem>>) dst(%dma_wait3A_934 : memref<100352xf32, #tpu.memory_space<vmem_shared>>)
      %dma_wait3A_935 = arith.constant 6 : i32
      %dma_wait3A_936 = arith.constant 6 : i32
      %dma_wait3A_937 = arith.constant 0 : i32
      %dma_wait3A_938 = tpu.memref_slice %arg11[%dma_wait3A_935, %dma_wait3A_937] : memref<8x128xf32, #tpu.memory_space<vmem>> -> memref<1x128xf32, #tpu.memory_space<vmem>>
      %dma_wait3A_939 = tpu.memref_squeeze %dma_wait3A_938 : memref<1x128xf32, #tpu.memory_space<vmem>> -> memref<128xf32, #tpu.memory_space<vmem>>
      %dma_wait3A_940 = arith.constant 0 : i32
      %dma_wait3A_941 = tpu.memref_slice %arg8[%dma_wait3A_936, %dma_wait3A_940] : memref<8x128xi32, #tpu.memory_space<vmem>> -> memref<1x128xi32, #tpu.memory_space<vmem>>
      %dma_wait3A_942 = tpu.memref_squeeze %dma_wait3A_941 : memref<1x128xi32, #tpu.memory_space<vmem>> -> memref<128xi32, #tpu.memory_space<vmem>>
      %dma_wait3A_943 = arith.constant 0 : i32
      %dma_wait3A_944 = tpu.memref_slice %arg15[%dma_wait3A_943] : memref<100352xf32, #tpu.memory_space<vmem_shared>> -> memref<100352xf32, #tpu.memory_space<vmem_shared>>
      tpu.wait_indirect_dma semaphore(%arg19 : memref<!tpu.dma_semaphore, #tpu.memory_space<semaphore_mem>>) src(%dma_wait3A_939 : memref<128xf32, #tpu.memory_space<vmem>>) dst(%dma_wait3A_944 : memref<100352xf32, #tpu.memory_space<vmem_shared>>)
      %dma_wait3A_945 = arith.constant 7 : i32
      %dma_wait3A_946 = arith.constant 7 : i32
      %dma_wait3A_947 = arith.constant 0 : i32
      %dma_wait3A_948 = tpu.memref_slice %arg11[%dma_wait3A_945, %dma_wait3A_947] : memref<8x128xf32, #tpu.memory_space<vmem>> -> memref<1x128xf32, #tpu.memory_space<vmem>>
      %dma_wait3A_949 = tpu.memref_squeeze %dma_wait3A_948 : memref<1x128xf32, #tpu.memory_space<vmem>> -> memref<128xf32, #tpu.memory_space<vmem>>
      %dma_wait3A_950 = arith.constant 0 : i32
      %dma_wait3A_951 = tpu.memref_slice %arg8[%dma_wait3A_946, %dma_wait3A_950] : memref<8x128xi32, #tpu.memory_space<vmem>> -> memref<1x128xi32, #tpu.memory_space<vmem>>
      %dma_wait3A_952 = tpu.memref_squeeze %dma_wait3A_951 : memref<1x128xi32, #tpu.memory_space<vmem>> -> memref<128xi32, #tpu.memory_space<vmem>>
      %dma_wait3A_953 = arith.constant 0 : i32
      %dma_wait3A_954 = tpu.memref_slice %arg15[%dma_wait3A_953] : memref<100352xf32, #tpu.memory_space<vmem_shared>> -> memref<100352xf32, #tpu.memory_space<vmem_shared>>
      tpu.wait_indirect_dma semaphore(%arg19 : memref<!tpu.dma_semaphore, #tpu.memory_space<semaphore_mem>>) src(%dma_wait3A_949 : memref<128xf32, #tpu.memory_space<vmem>>) dst(%dma_wait3A_954 : memref<100352xf32, #tpu.memory_space<vmem_shared>>)
      %dma_wait3A_955 = arith.constant 0 : i32
      %dma_wait3A_956 = arith.constant 0 : i32
      %dma_wait3A_957 = arith.constant 0 : i32
      %dma_wait3A_958 = tpu.memref_slice %arg12[%dma_wait3A_955, %dma_wait3A_957] : memref<8x128xf32, #tpu.memory_space<vmem>> -> memref<1x128xf32, #tpu.memory_space<vmem>>
      %dma_wait3A_959 = tpu.memref_squeeze %dma_wait3A_958 : memref<1x128xf32, #tpu.memory_space<vmem>> -> memref<128xf32, #tpu.memory_space<vmem>>
      %dma_wait3A_960 = arith.constant 0 : i32
      %dma_wait3A_961 = tpu.memref_slice %arg8[%dma_wait3A_956, %dma_wait3A_960] : memref<8x128xi32, #tpu.memory_space<vmem>> -> memref<1x128xi32, #tpu.memory_space<vmem>>
      %dma_wait3A_962 = tpu.memref_squeeze %dma_wait3A_961 : memref<1x128xi32, #tpu.memory_space<vmem>> -> memref<128xi32, #tpu.memory_space<vmem>>
      %dma_wait3A_963 = arith.constant 0 : i32
      %dma_wait3A_964 = tpu.memref_slice %arg16[%dma_wait3A_963] : memref<100352xf32, #tpu.memory_space<vmem_shared>> -> memref<100352xf32, #tpu.memory_space<vmem_shared>>
      tpu.wait_indirect_dma semaphore(%arg19 : memref<!tpu.dma_semaphore, #tpu.memory_space<semaphore_mem>>) src(%dma_wait3A_959 : memref<128xf32, #tpu.memory_space<vmem>>) dst(%dma_wait3A_964 : memref<100352xf32, #tpu.memory_space<vmem_shared>>)
      %dma_wait3A_965 = arith.constant 1 : i32
      %dma_wait3A_966 = arith.constant 1 : i32
      %dma_wait3A_967 = arith.constant 0 : i32
      %dma_wait3A_968 = tpu.memref_slice %arg12[%dma_wait3A_965, %dma_wait3A_967] : memref<8x128xf32, #tpu.memory_space<vmem>> -> memref<1x128xf32, #tpu.memory_space<vmem>>
      %dma_wait3A_969 = tpu.memref_squeeze %dma_wait3A_968 : memref<1x128xf32, #tpu.memory_space<vmem>> -> memref<128xf32, #tpu.memory_space<vmem>>
      %dma_wait3A_970 = arith.constant 0 : i32
      %dma_wait3A_971 = tpu.memref_slice %arg8[%dma_wait3A_966, %dma_wait3A_970] : memref<8x128xi32, #tpu.memory_space<vmem>> -> memref<1x128xi32, #tpu.memory_space<vmem>>
      %dma_wait3A_972 = tpu.memref_squeeze %dma_wait3A_971 : memref<1x128xi32, #tpu.memory_space<vmem>> -> memref<128xi32, #tpu.memory_space<vmem>>
      %dma_wait3A_973 = arith.constant 0 : i32
      %dma_wait3A_974 = tpu.memref_slice %arg16[%dma_wait3A_973] : memref<100352xf32, #tpu.memory_space<vmem_shared>> -> memref<100352xf32, #tpu.memory_space<vmem_shared>>
      tpu.wait_indirect_dma semaphore(%arg19 : memref<!tpu.dma_semaphore, #tpu.memory_space<semaphore_mem>>) src(%dma_wait3A_969 : memref<128xf32, #tpu.memory_space<vmem>>) dst(%dma_wait3A_974 : memref<100352xf32, #tpu.memory_space<vmem_shared>>)
      %dma_wait3A_975 = arith.constant 2 : i32
      %dma_wait3A_976 = arith.constant 2 : i32
      %dma_wait3A_977 = arith.constant 0 : i32
      %dma_wait3A_978 = tpu.memref_slice %arg12[%dma_wait3A_975, %dma_wait3A_977] : memref<8x128xf32, #tpu.memory_space<vmem>> -> memref<1x128xf32, #tpu.memory_space<vmem>>
      %dma_wait3A_979 = tpu.memref_squeeze %dma_wait3A_978 : memref<1x128xf32, #tpu.memory_space<vmem>> -> memref<128xf32, #tpu.memory_space<vmem>>
      %dma_wait3A_980 = arith.constant 0 : i32
      %dma_wait3A_981 = tpu.memref_slice %arg8[%dma_wait3A_976, %dma_wait3A_980] : memref<8x128xi32, #tpu.memory_space<vmem>> -> memref<1x128xi32, #tpu.memory_space<vmem>>
      %dma_wait3A_982 = tpu.memref_squeeze %dma_wait3A_981 : memref<1x128xi32, #tpu.memory_space<vmem>> -> memref<128xi32, #tpu.memory_space<vmem>>
      %dma_wait3A_983 = arith.constant 0 : i32
      %dma_wait3A_984 = tpu.memref_slice %arg16[%dma_wait3A_983] : memref<100352xf32, #tpu.memory_space<vmem_shared>> -> memref<100352xf32, #tpu.memory_space<vmem_shared>>
      tpu.wait_indirect_dma semaphore(%arg19 : memref<!tpu.dma_semaphore, #tpu.memory_space<semaphore_mem>>) src(%dma_wait3A_979 : memref<128xf32, #tpu.memory_space<vmem>>) dst(%dma_wait3A_984 : memref<100352xf32, #tpu.memory_space<vmem_shared>>)
      %dma_wait3A_985 = arith.constant 3 : i32
      %dma_wait3A_986 = arith.constant 3 : i32
      %dma_wait3A_987 = arith.constant 0 : i32
      %dma_wait3A_988 = tpu.memref_slice %arg12[%dma_wait3A_985, %dma_wait3A_987] : memref<8x128xf32, #tpu.memory_space<vmem>> -> memref<1x128xf32, #tpu.memory_space<vmem>>
      %dma_wait3A_989 = tpu.memref_squeeze %dma_wait3A_988 : memref<1x128xf32, #tpu.memory_space<vmem>> -> memref<128xf32, #tpu.memory_space<vmem>>
      %dma_wait3A_990 = arith.constant 0 : i32
      %dma_wait3A_991 = tpu.memref_slice %arg8[%dma_wait3A_986, %dma_wait3A_990] : memref<8x128xi32, #tpu.memory_space<vmem>> -> memref<1x128xi32, #tpu.memory_space<vmem>>
      %dma_wait3A_992 = tpu.memref_squeeze %dma_wait3A_991 : memref<1x128xi32, #tpu.memory_space<vmem>> -> memref<128xi32, #tpu.memory_space<vmem>>
      %dma_wait3A_993 = arith.constant 0 : i32
      %dma_wait3A_994 = tpu.memref_slice %arg16[%dma_wait3A_993] : memref<100352xf32, #tpu.memory_space<vmem_shared>> -> memref<100352xf32, #tpu.memory_space<vmem_shared>>
      tpu.wait_indirect_dma semaphore(%arg19 : memref<!tpu.dma_semaphore, #tpu.memory_space<semaphore_mem>>) src(%dma_wait3A_989 : memref<128xf32, #tpu.memory_space<vmem>>) dst(%dma_wait3A_994 : memref<100352xf32, #tpu.memory_space<vmem_shared>>)
      %dma_wait3A_995 = arith.constant 4 : i32
      %dma_wait3A_996 = arith.constant 4 : i32
      %dma_wait3A_997 = arith.constant 0 : i32
      %dma_wait3A_998 = tpu.memref_slice %arg12[%dma_wait3A_995, %dma_wait3A_997] : memref<8x128xf32, #tpu.memory_space<vmem>> -> memref<1x128xf32, #tpu.memory_space<vmem>>
      %dma_wait3A_999 = tpu.memref_squeeze %dma_wait3A_998 : memref<1x128xf32, #tpu.memory_space<vmem>> -> memref<128xf32, #tpu.memory_space<vmem>>
      %dma_wait3A_1000 = arith.constant 0 : i32
      %dma_wait3A_1001 = tpu.memref_slice %arg8[%dma_wait3A_996, %dma_wait3A_1000] : memref<8x128xi32, #tpu.memory_space<vmem>> -> memref<1x128xi32, #tpu.memory_space<vmem>>
      %dma_wait3A_1002 = tpu.memref_squeeze %dma_wait3A_1001 : memref<1x128xi32, #tpu.memory_space<vmem>> -> memref<128xi32, #tpu.memory_space<vmem>>
      %dma_wait3A_1003 = arith.constant 0 : i32
      %dma_wait3A_1004 = tpu.memref_slice %arg16[%dma_wait3A_1003] : memref<100352xf32, #tpu.memory_space<vmem_shared>> -> memref<100352xf32, #tpu.memory_space<vmem_shared>>
      tpu.wait_indirect_dma semaphore(%arg19 : memref<!tpu.dma_semaphore, #tpu.memory_space<semaphore_mem>>) src(%dma_wait3A_999 : memref<128xf32, #tpu.memory_space<vmem>>) dst(%dma_wait3A_1004 : memref<100352xf32, #tpu.memory_space<vmem_shared>>)
      %dma_wait3A_1005 = arith.constant 5 : i32
      %dma_wait3A_1006 = arith.constant 5 : i32
      %dma_wait3A_1007 = arith.constant 0 : i32
      %dma_wait3A_1008 = tpu.memref_slice %arg12[%dma_wait3A_1005, %dma_wait3A_1007] : memref<8x128xf32, #tpu.memory_space<vmem>> -> memref<1x128xf32, #tpu.memory_space<vmem>>
      %dma_wait3A_1009 = tpu.memref_squeeze %dma_wait3A_1008 : memref<1x128xf32, #tpu.memory_space<vmem>> -> memref<128xf32, #tpu.memory_space<vmem>>
      %dma_wait3A_1010 = arith.constant 0 : i32
      %dma_wait3A_1011 = tpu.memref_slice %arg8[%dma_wait3A_1006, %dma_wait3A_1010] : memref<8x128xi32, #tpu.memory_space<vmem>> -> memref<1x128xi32, #tpu.memory_space<vmem>>
      %dma_wait3A_1012 = tpu.memref_squeeze %dma_wait3A_1011 : memref<1x128xi32, #tpu.memory_space<vmem>> -> memref<128xi32, #tpu.memory_space<vmem>>
      %dma_wait3A_1013 = arith.constant 0 : i32
      %dma_wait3A_1014 = tpu.memref_slice %arg16[%dma_wait3A_1013] : memref<100352xf32, #tpu.memory_space<vmem_shared>> -> memref<100352xf32, #tpu.memory_space<vmem_shared>>
      tpu.wait_indirect_dma semaphore(%arg19 : memref<!tpu.dma_semaphore, #tpu.memory_space<semaphore_mem>>) src(%dma_wait3A_1009 : memref<128xf32, #tpu.memory_space<vmem>>) dst(%dma_wait3A_1014 : memref<100352xf32, #tpu.memory_space<vmem_shared>>)
      %dma_wait3A_1015 = arith.constant 6 : i32
      %dma_wait3A_1016 = arith.constant 6 : i32
      %dma_wait3A_1017 = arith.constant 0 : i32
      %dma_wait3A_1018 = tpu.memref_slice %arg12[%dma_wait3A_1015, %dma_wait3A_1017] : memref<8x128xf32, #tpu.memory_space<vmem>> -> memref<1x128xf32, #tpu.memory_space<vmem>>
      %dma_wait3A_1019 = tpu.memref_squeeze %dma_wait3A_1018 : memref<1x128xf32, #tpu.memory_space<vmem>> -> memref<128xf32, #tpu.memory_space<vmem>>
      %dma_wait3A_1020 = arith.constant 0 : i32
      %dma_wait3A_1021 = tpu.memref_slice %arg8[%dma_wait3A_1016, %dma_wait3A_1020] : memref<8x128xi32, #tpu.memory_space<vmem>> -> memref<1x128xi32, #tpu.memory_space<vmem>>
      %dma_wait3A_1022 = tpu.memref_squeeze %dma_wait3A_1021 : memref<1x128xi32, #tpu.memory_space<vmem>> -> memref<128xi32, #tpu.memory_space<vmem>>
      %dma_wait3A_1023 = arith.constant 0 : i32
      %dma_wait3A_1024 = tpu.memref_slice %arg16[%dma_wait3A_1023] : memref<100352xf32, #tpu.memory_space<vmem_shared>> -> memref<100352xf32, #tpu.memory_space<vmem_shared>>
      tpu.wait_indirect_dma semaphore(%arg19 : memref<!tpu.dma_semaphore, #tpu.memory_space<semaphore_mem>>) src(%dma_wait3A_1019 : memref<128xf32, #tpu.memory_space<vmem>>) dst(%dma_wait3A_1024 : memref<100352xf32, #tpu.memory_space<vmem_shared>>)
      %dma_wait3A_1025 = arith.constant 7 : i32
      %dma_wait3A_1026 = arith.constant 7 : i32
      %dma_wait3A_1027 = arith.constant 0 : i32
      %dma_wait3A_1028 = tpu.memref_slice %arg12[%dma_wait3A_1025, %dma_wait3A_1027] : memref<8x128xf32, #tpu.memory_space<vmem>> -> memref<1x128xf32, #tpu.memory_space<vmem>>
      %dma_wait3A_1029 = tpu.memref_squeeze %dma_wait3A_1028 : memref<1x128xf32, #tpu.memory_space<vmem>> -> memref<128xf32, #tpu.memory_space<vmem>>
      %dma_wait3A_1030 = arith.constant 0 : i32
      %dma_wait3A_1031 = tpu.memref_slice %arg8[%dma_wait3A_1026, %dma_wait3A_1030] : memref<8x128xi32, #tpu.memory_space<vmem>> -> memref<1x128xi32, #tpu.memory_space<vmem>>
      %dma_wait3A_1032 = tpu.memref_squeeze %dma_wait3A_1031 : memref<1x128xi32, #tpu.memory_space<vmem>> -> memref<128xi32, #tpu.memory_space<vmem>>
      %dma_wait3A_1033 = arith.constant 0 : i32
      %dma_wait3A_1034 = tpu.memref_slice %arg16[%dma_wait3A_1033] : memref<100352xf32, #tpu.memory_space<vmem_shared>> -> memref<100352xf32, #tpu.memory_space<vmem_shared>>
      tpu.wait_indirect_dma semaphore(%arg19 : memref<!tpu.dma_semaphore, #tpu.memory_space<semaphore_mem>>) src(%dma_wait3A_1029 : memref<128xf32, #tpu.memory_space<vmem>>) dst(%dma_wait3A_1034 : memref<100352xf32, #tpu.memory_space<vmem_shared>>)
      %scan3A_1035 = arith.constant 0 : i32
      scf.yield %scan3A_1035 : i32
    }
    %scan3A_21 = arith.constant 196 : i32
    %barrier3A_22 = arith.constant 0 : index
    tpu.barrier barrier_id(%barrier3A_22)
    %mul3A_23 = arith.constant 3 : i32
    %mul3A_24 = arith.muli %arg0, %mul3A_23 : i32
    %add3A_25 = arith.constant 0 : i32
    %add3A_26 = arith.addi %mul3A_24, %add3A_25 : i32
    %mul3A_27 = arith.constant 100352 : i32
    %mul3A_28 = arith.muli %add3A_26, %mul3A_27 : i32
    %mul3A_29 = arith.constant 6272 : i32
    %mul3A_30 = arith.muli %arg1, %mul3A_29 : i32
    %add3A_31 = arith.addi %mul3A_28, %mul3A_30 : i32
    %mul3A_32 = arith.constant 6272 : i32
    %mul3A_33 = arith.muli %arg1, %mul3A_32 : i32
    "tpu.region"() ({
      %run_scoped3A = tpu.sem_alloc : memref<!tpu.dma_semaphore, #tpu.memory_space<semaphore_mem>>
      %dma_start3A = tpu.memref_slice %arg7[%add3A_31] : memref<602112xf32, #tpu.memory_space<hbm>> -> memref<6272xf32, #tpu.memory_space<hbm>>
      %dma_start3A_56 = tpu.memref_slice %arg14[%mul3A_33] : memref<100352xf32, #tpu.memory_space<vmem_shared>> -> memref<6272xf32, #tpu.memory_space<vmem_shared>>
      tpu.enqueue_dma source(%dma_start3A_56 : memref<6272xf32, #tpu.memory_space<vmem_shared>>) target(%dma_start3A : memref<6272xf32, #tpu.memory_space<hbm>>) target_semaphore(%run_scoped3A : memref<!tpu.dma_semaphore, #tpu.memory_space<semaphore_mem>>)
      %dma_wait3A = tpu.memref_slice %arg7[%add3A_31] : memref<602112xf32, #tpu.memory_space<hbm>> -> memref<6272xf32, #tpu.memory_space<hbm>>
      %dma_wait3A_57 = tpu.memref_slice %arg14[%mul3A_33] : memref<100352xf32, #tpu.memory_space<vmem_shared>> -> memref<6272xf32, #tpu.memory_space<vmem_shared>>
      tpu.wait_dma2 semaphore(%run_scoped3A : memref<!tpu.dma_semaphore, #tpu.memory_space<semaphore_mem>>) src(%dma_wait3A_57 : memref<6272xf32, #tpu.memory_space<vmem_shared>>) dst(%dma_wait3A : memref<6272xf32, #tpu.memory_space<hbm>>)
      tpu.yield
    }) : () -> ()
    %mul3A_34 = arith.constant 3 : i32
    %mul3A_35 = arith.muli %arg0, %mul3A_34 : i32
    %add3A_36 = arith.constant 1 : i32
    %add3A_37 = arith.addi %mul3A_35, %add3A_36 : i32
    %mul3A_38 = arith.constant 100352 : i32
    %mul3A_39 = arith.muli %add3A_37, %mul3A_38 : i32
    %mul3A_40 = arith.constant 6272 : i32
    %mul3A_41 = arith.muli %arg1, %mul3A_40 : i32
    %add3A_42 = arith.addi %mul3A_39, %mul3A_41 : i32
    %mul3A_43 = arith.constant 6272 : i32
    %mul3A_44 = arith.muli %arg1, %mul3A_43 : i32
    "tpu.region"() ({
      %run_scoped3A = tpu.sem_alloc : memref<!tpu.dma_semaphore, #tpu.memory_space<semaphore_mem>>
      %dma_start3A = tpu.memref_slice %arg7[%add3A_42] : memref<602112xf32, #tpu.memory_space<hbm>> -> memref<6272xf32, #tpu.memory_space<hbm>>
      %dma_start3A_56 = tpu.memref_slice %arg15[%mul3A_44] : memref<100352xf32, #tpu.memory_space<vmem_shared>> -> memref<6272xf32, #tpu.memory_space<vmem_shared>>
      tpu.enqueue_dma source(%dma_start3A_56 : memref<6272xf32, #tpu.memory_space<vmem_shared>>) target(%dma_start3A : memref<6272xf32, #tpu.memory_space<hbm>>) target_semaphore(%run_scoped3A : memref<!tpu.dma_semaphore, #tpu.memory_space<semaphore_mem>>)
      %dma_wait3A = tpu.memref_slice %arg7[%add3A_42] : memref<602112xf32, #tpu.memory_space<hbm>> -> memref<6272xf32, #tpu.memory_space<hbm>>
      %dma_wait3A_57 = tpu.memref_slice %arg15[%mul3A_44] : memref<100352xf32, #tpu.memory_space<vmem_shared>> -> memref<6272xf32, #tpu.memory_space<vmem_shared>>
      tpu.wait_dma2 semaphore(%run_scoped3A : memref<!tpu.dma_semaphore, #tpu.memory_space<semaphore_mem>>) src(%dma_wait3A_57 : memref<6272xf32, #tpu.memory_space<vmem_shared>>) dst(%dma_wait3A : memref<6272xf32, #tpu.memory_space<hbm>>)
      tpu.yield
    }) : () -> ()
    %mul3A_45 = arith.constant 3 : i32
    %mul3A_46 = arith.muli %arg0, %mul3A_45 : i32
    %add3A_47 = arith.constant 2 : i32
    %add3A_48 = arith.addi %mul3A_46, %add3A_47 : i32
    %mul3A_49 = arith.constant 100352 : i32
    %mul3A_50 = arith.muli %add3A_48, %mul3A_49 : i32
    %mul3A_51 = arith.constant 6272 : i32
    %mul3A_52 = arith.muli %arg1, %mul3A_51 : i32
    %add3A_53 = arith.addi %mul3A_50, %mul3A_52 : i32
    %mul3A_54 = arith.constant 6272 : i32
    %mul3A_55 = arith.muli %arg1, %mul3A_54 : i32
    "tpu.region"() ({
      %run_scoped3A = tpu.sem_alloc : memref<!tpu.dma_semaphore, #tpu.memory_space<semaphore_mem>>
      %dma_start3A = tpu.memref_slice %arg7[%add3A_53] : memref<602112xf32, #tpu.memory_space<hbm>> -> memref<6272xf32, #tpu.memory_space<hbm>>
      %dma_start3A_56 = tpu.memref_slice %arg16[%mul3A_55] : memref<100352xf32, #tpu.memory_space<vmem_shared>> -> memref<6272xf32, #tpu.memory_space<vmem_shared>>
      tpu.enqueue_dma source(%dma_start3A_56 : memref<6272xf32, #tpu.memory_space<vmem_shared>>) target(%dma_start3A : memref<6272xf32, #tpu.memory_space<hbm>>) target_semaphore(%run_scoped3A : memref<!tpu.dma_semaphore, #tpu.memory_space<semaphore_mem>>)
      %dma_wait3A = tpu.memref_slice %arg7[%add3A_53] : memref<602112xf32, #tpu.memory_space<hbm>> -> memref<6272xf32, #tpu.memory_space<hbm>>
      %dma_wait3A_57 = tpu.memref_slice %arg16[%mul3A_55] : memref<100352xf32, #tpu.memory_space<vmem_shared>> -> memref<6272xf32, #tpu.memory_space<vmem_shared>>
      tpu.wait_dma2 semaphore(%run_scoped3A : memref<!tpu.dma_semaphore, #tpu.memory_space<semaphore_mem>>) src(%dma_wait3A_57 : memref<6272xf32, #tpu.memory_space<vmem_shared>>) dst(%dma_wait3A : memref<6272xf32, #tpu.memory_space<hbm>>)
      tpu.yield
    }) : () -> ()
    return
  }
}

#map = affine_map<(d0, d1) -> (0, 0)>
#map1 = affine_map<(d0, d1) -> (0)>
module attributes {stable_mosaic.version = 14 : i64} {
  func.func @body(%arg0: i32, %arg1: i32, %arg2: memref<50176x128xi32, #tpu.memory_space<hbm>>, %arg3: memref<50176x128xi32, #tpu.memory_space<hbm>>, %arg4: memref<100352xf32, #tpu.memory_space<hbm>>, %arg5: memref<100352xf32, #tpu.memory_space<hbm>>, %arg6: memref<401408xf32, #tpu.memory_space<hbm>>, %arg7: memref<8x128xi32, #tpu.memory_space<vmem>>, %arg8: memref<8x128xi32, #tpu.memory_space<vmem>>, %arg9: memref<8x128xf32, #tpu.memory_space<vmem>>, %arg10: memref<8x128xf32, #tpu.memory_space<vmem>>, %arg11: memref<6272xf32, #tpu.memory_space<vmem>>, %arg12: memref<100352xf32, #tpu.memory_space<vmem_shared>>, %arg13: memref<100352xf32, #tpu.memory_space<vmem_shared>>, %arg14: memref<!tpu.dma_semaphore, #tpu.memory_space<semaphore_mem>>, %arg15: memref<!tpu.dma_semaphore, #tpu.memory_space<semaphore_mem>>, %arg16: memref<!tpu.dma_semaphore, #tpu.memory_space<semaphore_mem>>) attributes {dimension_semantics = [#tpu.dimension_semantics<core_parallel>, #tpu.dimension_semantics<subcore_parallel>], iteration_bounds = array<i64: 2, 16>, scalar_prefetch = 0 : i64, scratch_operands = 10 : i64, tpu.core_type = #tpu.core_type<sc_vector_subcore>, window_params = [{transform_indices = #map}, {transform_indices = #map}, {transform_indices = #map1}, {transform_indices = #map1}, {transform_indices = #map1}]} {
    %mul3A = arith.constant 2 : i32
    %mul3A_0 = arith.muli %arg1, %mul3A : i32
    %add3A = arith.addi %mul3A_0, %arg0 : i32
    %scan3A = arith.constant 0 : i32
    %scan3A_1 = arith.constant 0 : i32
    %scan3A_2 = arith.constant 392 : i32
    %scan3A_3 = arith.addi %scan3A_1, %scan3A_2 : i32
    %scan3A_4 = arith.constant 1 : i32
    %scan3A_5 = scf.for %scan3A_43 = %scan3A_1 to %scan3A_3 step %scan3A_4 iter_args(%scan3A_44 = %scan3A) -> (i32)  : i32 {
      %broadcast_in_dim3A = arith.constant 0.000000e+00 : f32
      %broadcast_in_dim3A_45 = vector.broadcast %broadcast_in_dim3A : f32 to vector<16xf32>
      %mul3A_46 = arith.constant 16 : i32
      %mul3A_47 = arith.muli %scan3A_43, %mul3A_46 : i32
      %swap3A = arith.index_cast %mul3A_47 : i32 to index
      %swap3A_48 = tpu.vector_load %arg11[%swap3A] {strides = array<i32>} : memref<6272xf32, #tpu.memory_space<vmem>>, vector<16xf32>,
      %swap3A_49 = vector.shape_cast %swap3A_48 : vector<16xf32> to vector<16xf32>
      %swap3A_50 = vector.shape_cast %broadcast_in_dim3A_45 : vector<16xf32> to vector<16xf32>
      tpu.vector_store %arg11[%swap3A], %swap3A_50 {strides = array<i32>} : memref<6272xf32, #tpu.memory_space<vmem>>, vector<16xf32>,
      %scan3A_51 = arith.constant 0 : i32
      scf.yield %scan3A_51 : i32
    }
    %scan3A_6 = arith.constant 392 : i32
    %mul3A_7 = arith.constant 6272 : i32
    %mul3A_8 = arith.muli %arg1, %mul3A_7 : i32
    "tpu.region"() ({
      %run_scoped3A = tpu.sem_alloc : memref<!tpu.dma_semaphore, #tpu.memory_space<semaphore_mem>>
      %dma_start3A = tpu.memref_slice %arg12[%mul3A_8] : memref<100352xf32, #tpu.memory_space<vmem_shared>> -> memref<6272xf32, #tpu.memory_space<vmem_shared>>
      %dma_start3A_43 = tpu.memref_slice %arg12[%mul3A_8] : memref<100352xf32, #tpu.memory_space<vmem_shared>> -> memref<6272xf32, #tpu.memory_space<vmem_shared>>
      tpu.enqueue_dma source(%arg11 : memref<6272xf32, #tpu.memory_space<vmem>>) target(%dma_start3A_43 : memref<6272xf32, #tpu.memory_space<vmem_shared>>) target_semaphore(%run_scoped3A : memref<!tpu.dma_semaphore, #tpu.memory_space<semaphore_mem>>)
      %dma_wait3A = tpu.memref_slice %arg12[%mul3A_8] : memref<100352xf32, #tpu.memory_space<vmem_shared>> -> memref<6272xf32, #tpu.memory_space<vmem_shared>>
      %dma_wait3A_44 = tpu.memref_slice %arg12[%mul3A_8] : memref<100352xf32, #tpu.memory_space<vmem_shared>> -> memref<6272xf32, #tpu.memory_space<vmem_shared>>
      tpu.wait_dma2 semaphore(%run_scoped3A : memref<!tpu.dma_semaphore, #tpu.memory_space<semaphore_mem>>) src(%arg11 : memref<6272xf32, #tpu.memory_space<vmem>>) dst(%dma_wait3A_44 : memref<6272xf32, #tpu.memory_space<vmem_shared>>)
      tpu.yield
    }) : () -> ()
    %mul3A_9 = arith.constant 6272 : i32
    %mul3A_10 = arith.muli %arg1, %mul3A_9 : i32
    "tpu.region"() ({
      %run_scoped3A = tpu.sem_alloc : memref<!tpu.dma_semaphore, #tpu.memory_space<semaphore_mem>>
      %dma_start3A = tpu.memref_slice %arg13[%mul3A_10] : memref<100352xf32, #tpu.memory_space<vmem_shared>> -> memref<6272xf32, #tpu.memory_space<vmem_shared>>
      %dma_start3A_43 = tpu.memref_slice %arg13[%mul3A_10] : memref<100352xf32, #tpu.memory_space<vmem_shared>> -> memref<6272xf32, #tpu.memory_space<vmem_shared>>
      tpu.enqueue_dma source(%arg11 : memref<6272xf32, #tpu.memory_space<vmem>>) target(%dma_start3A_43 : memref<6272xf32, #tpu.memory_space<vmem_shared>>) target_semaphore(%run_scoped3A : memref<!tpu.dma_semaphore, #tpu.memory_space<semaphore_mem>>)
      %dma_wait3A = tpu.memref_slice %arg13[%mul3A_10] : memref<100352xf32, #tpu.memory_space<vmem_shared>> -> memref<6272xf32, #tpu.memory_space<vmem_shared>>
      %dma_wait3A_44 = tpu.memref_slice %arg13[%mul3A_10] : memref<100352xf32, #tpu.memory_space<vmem_shared>> -> memref<6272xf32, #tpu.memory_space<vmem_shared>>
      tpu.wait_dma2 semaphore(%run_scoped3A : memref<!tpu.dma_semaphore, #tpu.memory_space<semaphore_mem>>) src(%arg11 : memref<6272xf32, #tpu.memory_space<vmem>>) dst(%dma_wait3A_44 : memref<6272xf32, #tpu.memory_space<vmem_shared>>)
      tpu.yield
    }) : () -> ()
    %barrier3A = arith.constant 0 : index
    tpu.barrier barrier_id(%barrier3A)
    %mul3A_11 = arith.constant 1568 : i32
    %mul3A_12 = arith.muli %add3A, %mul3A_11 : i32
    %scan3A_13 = arith.constant 0 : i32
    %scan3A_14 = arith.constant 0 : i32
    %scan3A_15 = arith.constant 196 : i32
    %scan3A_16 = arith.addi %scan3A_14, %scan3A_15 : i32
    %scan3A_17 = arith.constant 1 : i32
    %scan3A_18 = scf.for %scan3A_43 = %scan3A_14 to %scan3A_16 step %scan3A_17 iter_args(%scan3A_44 = %scan3A_13) -> (i32)  : i32 {
      %mul3A_45 = arith.constant 8 : i32
      %mul3A_46 = arith.muli %scan3A_43, %mul3A_45 : i32
      %add3A_47 = arith.addi %mul3A_12, %mul3A_46 : i32
      %dma_start3A = arith.constant 0 : i32
      %dma_start3A_48 = tpu.memref_slice %arg2[%add3A_47, %dma_start3A] : memref<50176x128xi32, #tpu.memory_space<hbm>> -> memref<8x128xi32, #tpu.memory_space<hbm>>
      %dma_start3A_49 = arith.constant 0 : i32
      %dma_start3A_50 = tpu.memref_slice %arg2[%add3A_47, %dma_start3A_49] : memref<50176x128xi32, #tpu.memory_space<hbm>> -> memref<8x128xi32, #tpu.memory_space<hbm>>
      tpu.enqueue_dma source(%dma_start3A_50 : memref<8x128xi32, #tpu.memory_space<hbm>>) target(%arg7 : memref<8x128xi32, #tpu.memory_space<vmem>>) target_semaphore(%arg14 : memref<!tpu.dma_semaphore, #tpu.memory_space<semaphore_mem>>)
      %dma_start3A_51 = arith.constant 0 : i32
      %dma_start3A_52 = tpu.memref_slice %arg3[%add3A_47, %dma_start3A_51] : memref<50176x128xi32, #tpu.memory_space<hbm>> -> memref<8x128xi32, #tpu.memory_space<hbm>>
      %dma_start3A_53 = arith.constant 0 : i32
      %dma_start3A_54 = tpu.memref_slice %arg3[%add3A_47, %dma_start3A_53] : memref<50176x128xi32, #tpu.memory_space<hbm>> -> memref<8x128xi32, #tpu.memory_space<hbm>>
      tpu.enqueue_dma source(%dma_start3A_54 : memref<8x128xi32, #tpu.memory_space<hbm>>) target(%arg8 : memref<8x128xi32, #tpu.memory_space<vmem>>) target_semaphore(%arg14 : memref<!tpu.dma_semaphore, #tpu.memory_space<semaphore_mem>>)
      %dma_wait3A = arith.constant 0 : i32
      %dma_wait3A_55 = tpu.memref_slice %arg2[%add3A_47, %dma_wait3A] : memref<50176x128xi32, #tpu.memory_space<hbm>> -> memref<8x128xi32, #tpu.memory_space<hbm>>
      %dma_wait3A_56 = arith.constant 0 : i32
      %dma_wait3A_57 = tpu.memref_slice %arg2[%add3A_47, %dma_wait3A_56] : memref<50176x128xi32, #tpu.memory_space<hbm>> -> memref<8x128xi32, #tpu.memory_space<hbm>>
      tpu.wait_dma2 semaphore(%arg14 : memref<!tpu.dma_semaphore, #tpu.memory_space<semaphore_mem>>) src(%dma_wait3A_57 : memref<8x128xi32, #tpu.memory_space<hbm>>) dst(%arg7 : memref<8x128xi32, #tpu.memory_space<vmem>>)
      %dma_wait3A_58 = arith.constant 0 : i32
      %dma_wait3A_59 = tpu.memref_slice %arg3[%add3A_47, %dma_wait3A_58] : memref<50176x128xi32, #tpu.memory_space<hbm>> -> memref<8x128xi32, #tpu.memory_space<hbm>>
      %dma_wait3A_60 = arith.constant 0 : i32
      %dma_wait3A_61 = tpu.memref_slice %arg3[%add3A_47, %dma_wait3A_60] : memref<50176x128xi32, #tpu.memory_space<hbm>> -> memref<8x128xi32, #tpu.memory_space<hbm>>
      tpu.wait_dma2 semaphore(%arg14 : memref<!tpu.dma_semaphore, #tpu.memory_space<semaphore_mem>>) src(%dma_wait3A_61 : memref<8x128xi32, #tpu.memory_space<hbm>>) dst(%arg8 : memref<8x128xi32, #tpu.memory_space<vmem>>)
      %dma_start3A_62 = arith.constant 0 : i32
      %dma_start3A_63 = arith.constant 0 : i32
      %dma_start3A_64 = arith.constant 0 : i32
      %dma_start3A_65 = tpu.memref_slice %arg9[%dma_start3A_63, %dma_start3A_64] : memref<8x128xf32, #tpu.memory_space<vmem>> -> memref<1x128xf32, #tpu.memory_space<vmem>>
      %dma_start3A_66 = tpu.memref_squeeze %dma_start3A_65 : memref<1x128xf32, #tpu.memory_space<vmem>> -> memref<128xf32, #tpu.memory_space<vmem>>
      %dma_start3A_67 = arith.constant 0 : i32
      %dma_start3A_68 = tpu.memref_slice %arg8[%dma_start3A_62, %dma_start3A_67] : memref<8x128xi32, #tpu.memory_space<vmem>> -> memref<1x128xi32, #tpu.memory_space<vmem>>
      %dma_start3A_69 = tpu.memref_squeeze %dma_start3A_68 : memref<1x128xi32, #tpu.memory_space<vmem>> -> memref<128xi32, #tpu.memory_space<vmem>>
      %dma_start3A_70 = arith.constant 0 : i32
      %dma_start3A_71 = tpu.memref_slice %arg4[%dma_start3A_70] : memref<100352xf32, #tpu.memory_space<hbm>> -> memref<100352xf32, #tpu.memory_space<hbm>>
      tpu.enqueue_indirect_dma source(%dma_start3A_71 : memref<100352xf32, #tpu.memory_space<hbm>>) target(%dma_start3A_66 : memref<128xf32, #tpu.memory_space<vmem>>) offsets(%dma_start3A_69 : memref<128xi32, #tpu.memory_space<vmem>>) semaphore(%arg15 : memref<!tpu.dma_semaphore, #tpu.memory_space<semaphore_mem>>)
      %dma_start3A_72 = arith.constant 1 : i32
      %dma_start3A_73 = arith.constant 1 : i32
      %dma_start3A_74 = arith.constant 0 : i32
      %dma_start3A_75 = tpu.memref_slice %arg9[%dma_start3A_73, %dma_start3A_74] : memref<8x128xf32, #tpu.memory_space<vmem>> -> memref<1x128xf32, #tpu.memory_space<vmem>>
      %dma_start3A_76 = tpu.memref_squeeze %dma_start3A_75 : memref<1x128xf32, #tpu.memory_space<vmem>> -> memref<128xf32, #tpu.memory_space<vmem>>
      %dma_start3A_77 = arith.constant 0 : i32
      %dma_start3A_78 = tpu.memref_slice %arg8[%dma_start3A_72, %dma_start3A_77] : memref<8x128xi32, #tpu.memory_space<vmem>> -> memref<1x128xi32, #tpu.memory_space<vmem>>
      %dma_start3A_79 = tpu.memref_squeeze %dma_start3A_78 : memref<1x128xi32, #tpu.memory_space<vmem>> -> memref<128xi32, #tpu.memory_space<vmem>>
      %dma_start3A_80 = arith.constant 0 : i32
      %dma_start3A_81 = tpu.memref_slice %arg4[%dma_start3A_80] : memref<100352xf32, #tpu.memory_space<hbm>> -> memref<100352xf32, #tpu.memory_space<hbm>>
      tpu.enqueue_indirect_dma source(%dma_start3A_81 : memref<100352xf32, #tpu.memory_space<hbm>>) target(%dma_start3A_76 : memref<128xf32, #tpu.memory_space<vmem>>) offsets(%dma_start3A_79 : memref<128xi32, #tpu.memory_space<vmem>>) semaphore(%arg15 : memref<!tpu.dma_semaphore, #tpu.memory_space<semaphore_mem>>)
      %dma_start3A_82 = arith.constant 2 : i32
      %dma_start3A_83 = arith.constant 2 : i32
      %dma_start3A_84 = arith.constant 0 : i32
      %dma_start3A_85 = tpu.memref_slice %arg9[%dma_start3A_83, %dma_start3A_84] : memref<8x128xf32, #tpu.memory_space<vmem>> -> memref<1x128xf32, #tpu.memory_space<vmem>>
      %dma_start3A_86 = tpu.memref_squeeze %dma_start3A_85 : memref<1x128xf32, #tpu.memory_space<vmem>> -> memref<128xf32, #tpu.memory_space<vmem>>
      %dma_start3A_87 = arith.constant 0 : i32
      %dma_start3A_88 = tpu.memref_slice %arg8[%dma_start3A_82, %dma_start3A_87] : memref<8x128xi32, #tpu.memory_space<vmem>> -> memref<1x128xi32, #tpu.memory_space<vmem>>
      %dma_start3A_89 = tpu.memref_squeeze %dma_start3A_88 : memref<1x128xi32, #tpu.memory_space<vmem>> -> memref<128xi32, #tpu.memory_space<vmem>>
      %dma_start3A_90 = arith.constant 0 : i32
      %dma_start3A_91 = tpu.memref_slice %arg4[%dma_start3A_90] : memref<100352xf32, #tpu.memory_space<hbm>> -> memref<100352xf32, #tpu.memory_space<hbm>>
      tpu.enqueue_indirect_dma source(%dma_start3A_91 : memref<100352xf32, #tpu.memory_space<hbm>>) target(%dma_start3A_86 : memref<128xf32, #tpu.memory_space<vmem>>) offsets(%dma_start3A_89 : memref<128xi32, #tpu.memory_space<vmem>>) semaphore(%arg15 : memref<!tpu.dma_semaphore, #tpu.memory_space<semaphore_mem>>)
      %dma_start3A_92 = arith.constant 3 : i32
      %dma_start3A_93 = arith.constant 3 : i32
      %dma_start3A_94 = arith.constant 0 : i32
      %dma_start3A_95 = tpu.memref_slice %arg9[%dma_start3A_93, %dma_start3A_94] : memref<8x128xf32, #tpu.memory_space<vmem>> -> memref<1x128xf32, #tpu.memory_space<vmem>>
      %dma_start3A_96 = tpu.memref_squeeze %dma_start3A_95 : memref<1x128xf32, #tpu.memory_space<vmem>> -> memref<128xf32, #tpu.memory_space<vmem>>
      %dma_start3A_97 = arith.constant 0 : i32
      %dma_start3A_98 = tpu.memref_slice %arg8[%dma_start3A_92, %dma_start3A_97] : memref<8x128xi32, #tpu.memory_space<vmem>> -> memref<1x128xi32, #tpu.memory_space<vmem>>
      %dma_start3A_99 = tpu.memref_squeeze %dma_start3A_98 : memref<1x128xi32, #tpu.memory_space<vmem>> -> memref<128xi32, #tpu.memory_space<vmem>>
      %dma_start3A_100 = arith.constant 0 : i32
      %dma_start3A_101 = tpu.memref_slice %arg4[%dma_start3A_100] : memref<100352xf32, #tpu.memory_space<hbm>> -> memref<100352xf32, #tpu.memory_space<hbm>>
      tpu.enqueue_indirect_dma source(%dma_start3A_101 : memref<100352xf32, #tpu.memory_space<hbm>>) target(%dma_start3A_96 : memref<128xf32, #tpu.memory_space<vmem>>) offsets(%dma_start3A_99 : memref<128xi32, #tpu.memory_space<vmem>>) semaphore(%arg15 : memref<!tpu.dma_semaphore, #tpu.memory_space<semaphore_mem>>)
      %dma_start3A_102 = arith.constant 4 : i32
      %dma_start3A_103 = arith.constant 4 : i32
      %dma_start3A_104 = arith.constant 0 : i32
      %dma_start3A_105 = tpu.memref_slice %arg9[%dma_start3A_103, %dma_start3A_104] : memref<8x128xf32, #tpu.memory_space<vmem>> -> memref<1x128xf32, #tpu.memory_space<vmem>>
      %dma_start3A_106 = tpu.memref_squeeze %dma_start3A_105 : memref<1x128xf32, #tpu.memory_space<vmem>> -> memref<128xf32, #tpu.memory_space<vmem>>
      %dma_start3A_107 = arith.constant 0 : i32
      %dma_start3A_108 = tpu.memref_slice %arg8[%dma_start3A_102, %dma_start3A_107] : memref<8x128xi32, #tpu.memory_space<vmem>> -> memref<1x128xi32, #tpu.memory_space<vmem>>
      %dma_start3A_109 = tpu.memref_squeeze %dma_start3A_108 : memref<1x128xi32, #tpu.memory_space<vmem>> -> memref<128xi32, #tpu.memory_space<vmem>>
      %dma_start3A_110 = arith.constant 0 : i32
      %dma_start3A_111 = tpu.memref_slice %arg4[%dma_start3A_110] : memref<100352xf32, #tpu.memory_space<hbm>> -> memref<100352xf32, #tpu.memory_space<hbm>>
      tpu.enqueue_indirect_dma source(%dma_start3A_111 : memref<100352xf32, #tpu.memory_space<hbm>>) target(%dma_start3A_106 : memref<128xf32, #tpu.memory_space<vmem>>) offsets(%dma_start3A_109 : memref<128xi32, #tpu.memory_space<vmem>>) semaphore(%arg15 : memref<!tpu.dma_semaphore, #tpu.memory_space<semaphore_mem>>)
      %dma_start3A_112 = arith.constant 5 : i32
      %dma_start3A_113 = arith.constant 5 : i32
      %dma_start3A_114 = arith.constant 0 : i32
      %dma_start3A_115 = tpu.memref_slice %arg9[%dma_start3A_113, %dma_start3A_114] : memref<8x128xf32, #tpu.memory_space<vmem>> -> memref<1x128xf32, #tpu.memory_space<vmem>>
      %dma_start3A_116 = tpu.memref_squeeze %dma_start3A_115 : memref<1x128xf32, #tpu.memory_space<vmem>> -> memref<128xf32, #tpu.memory_space<vmem>>
      %dma_start3A_117 = arith.constant 0 : i32
      %dma_start3A_118 = tpu.memref_slice %arg8[%dma_start3A_112, %dma_start3A_117] : memref<8x128xi32, #tpu.memory_space<vmem>> -> memref<1x128xi32, #tpu.memory_space<vmem>>
      %dma_start3A_119 = tpu.memref_squeeze %dma_start3A_118 : memref<1x128xi32, #tpu.memory_space<vmem>> -> memref<128xi32, #tpu.memory_space<vmem>>
      %dma_start3A_120 = arith.constant 0 : i32
      %dma_start3A_121 = tpu.memref_slice %arg4[%dma_start3A_120] : memref<100352xf32, #tpu.memory_space<hbm>> -> memref<100352xf32, #tpu.memory_space<hbm>>
      tpu.enqueue_indirect_dma source(%dma_start3A_121 : memref<100352xf32, #tpu.memory_space<hbm>>) target(%dma_start3A_116 : memref<128xf32, #tpu.memory_space<vmem>>) offsets(%dma_start3A_119 : memref<128xi32, #tpu.memory_space<vmem>>) semaphore(%arg15 : memref<!tpu.dma_semaphore, #tpu.memory_space<semaphore_mem>>)
      %dma_start3A_122 = arith.constant 6 : i32
      %dma_start3A_123 = arith.constant 6 : i32
      %dma_start3A_124 = arith.constant 0 : i32
      %dma_start3A_125 = tpu.memref_slice %arg9[%dma_start3A_123, %dma_start3A_124] : memref<8x128xf32, #tpu.memory_space<vmem>> -> memref<1x128xf32, #tpu.memory_space<vmem>>
      %dma_start3A_126 = tpu.memref_squeeze %dma_start3A_125 : memref<1x128xf32, #tpu.memory_space<vmem>> -> memref<128xf32, #tpu.memory_space<vmem>>
      %dma_start3A_127 = arith.constant 0 : i32
      %dma_start3A_128 = tpu.memref_slice %arg8[%dma_start3A_122, %dma_start3A_127] : memref<8x128xi32, #tpu.memory_space<vmem>> -> memref<1x128xi32, #tpu.memory_space<vmem>>
      %dma_start3A_129 = tpu.memref_squeeze %dma_start3A_128 : memref<1x128xi32, #tpu.memory_space<vmem>> -> memref<128xi32, #tpu.memory_space<vmem>>
      %dma_start3A_130 = arith.constant 0 : i32
      %dma_start3A_131 = tpu.memref_slice %arg4[%dma_start3A_130] : memref<100352xf32, #tpu.memory_space<hbm>> -> memref<100352xf32, #tpu.memory_space<hbm>>
      tpu.enqueue_indirect_dma source(%dma_start3A_131 : memref<100352xf32, #tpu.memory_space<hbm>>) target(%dma_start3A_126 : memref<128xf32, #tpu.memory_space<vmem>>) offsets(%dma_start3A_129 : memref<128xi32, #tpu.memory_space<vmem>>) semaphore(%arg15 : memref<!tpu.dma_semaphore, #tpu.memory_space<semaphore_mem>>)
      %dma_start3A_132 = arith.constant 7 : i32
      %dma_start3A_133 = arith.constant 7 : i32
      %dma_start3A_134 = arith.constant 0 : i32
      %dma_start3A_135 = tpu.memref_slice %arg9[%dma_start3A_133, %dma_start3A_134] : memref<8x128xf32, #tpu.memory_space<vmem>> -> memref<1x128xf32, #tpu.memory_space<vmem>>
      %dma_start3A_136 = tpu.memref_squeeze %dma_start3A_135 : memref<1x128xf32, #tpu.memory_space<vmem>> -> memref<128xf32, #tpu.memory_space<vmem>>
      %dma_start3A_137 = arith.constant 0 : i32
      %dma_start3A_138 = tpu.memref_slice %arg8[%dma_start3A_132, %dma_start3A_137] : memref<8x128xi32, #tpu.memory_space<vmem>> -> memref<1x128xi32, #tpu.memory_space<vmem>>
      %dma_start3A_139 = tpu.memref_squeeze %dma_start3A_138 : memref<1x128xi32, #tpu.memory_space<vmem>> -> memref<128xi32, #tpu.memory_space<vmem>>
      %dma_start3A_140 = arith.constant 0 : i32
      %dma_start3A_141 = tpu.memref_slice %arg4[%dma_start3A_140] : memref<100352xf32, #tpu.memory_space<hbm>> -> memref<100352xf32, #tpu.memory_space<hbm>>
      tpu.enqueue_indirect_dma source(%dma_start3A_141 : memref<100352xf32, #tpu.memory_space<hbm>>) target(%dma_start3A_136 : memref<128xf32, #tpu.memory_space<vmem>>) offsets(%dma_start3A_139 : memref<128xi32, #tpu.memory_space<vmem>>) semaphore(%arg15 : memref<!tpu.dma_semaphore, #tpu.memory_space<semaphore_mem>>)
      %dma_start3A_142 = arith.constant 0 : i32
      %dma_start3A_143 = arith.constant 0 : i32
      %dma_start3A_144 = arith.constant 0 : i32
      %dma_start3A_145 = tpu.memref_slice %arg10[%dma_start3A_143, %dma_start3A_144] : memref<8x128xf32, #tpu.memory_space<vmem>> -> memref<1x128xf32, #tpu.memory_space<vmem>>
      %dma_start3A_146 = tpu.memref_squeeze %dma_start3A_145 : memref<1x128xf32, #tpu.memory_space<vmem>> -> memref<128xf32, #tpu.memory_space<vmem>>
      %dma_start3A_147 = arith.constant 0 : i32
      %dma_start3A_148 = tpu.memref_slice %arg8[%dma_start3A_142, %dma_start3A_147] : memref<8x128xi32, #tpu.memory_space<vmem>> -> memref<1x128xi32, #tpu.memory_space<vmem>>
      %dma_start3A_149 = tpu.memref_squeeze %dma_start3A_148 : memref<1x128xi32, #tpu.memory_space<vmem>> -> memref<128xi32, #tpu.memory_space<vmem>>
      %dma_start3A_150 = arith.constant 0 : i32
      %dma_start3A_151 = tpu.memref_slice %arg5[%dma_start3A_150] : memref<100352xf32, #tpu.memory_space<hbm>> -> memref<100352xf32, #tpu.memory_space<hbm>>
      tpu.enqueue_indirect_dma source(%dma_start3A_151 : memref<100352xf32, #tpu.memory_space<hbm>>) target(%dma_start3A_146 : memref<128xf32, #tpu.memory_space<vmem>>) offsets(%dma_start3A_149 : memref<128xi32, #tpu.memory_space<vmem>>) semaphore(%arg15 : memref<!tpu.dma_semaphore, #tpu.memory_space<semaphore_mem>>)
      %dma_start3A_152 = arith.constant 1 : i32
      %dma_start3A_153 = arith.constant 1 : i32
      %dma_start3A_154 = arith.constant 0 : i32
      %dma_start3A_155 = tpu.memref_slice %arg10[%dma_start3A_153, %dma_start3A_154] : memref<8x128xf32, #tpu.memory_space<vmem>> -> memref<1x128xf32, #tpu.memory_space<vmem>>
      %dma_start3A_156 = tpu.memref_squeeze %dma_start3A_155 : memref<1x128xf32, #tpu.memory_space<vmem>> -> memref<128xf32, #tpu.memory_space<vmem>>
      %dma_start3A_157 = arith.constant 0 : i32
      %dma_start3A_158 = tpu.memref_slice %arg8[%dma_start3A_152, %dma_start3A_157] : memref<8x128xi32, #tpu.memory_space<vmem>> -> memref<1x128xi32, #tpu.memory_space<vmem>>
      %dma_start3A_159 = tpu.memref_squeeze %dma_start3A_158 : memref<1x128xi32, #tpu.memory_space<vmem>> -> memref<128xi32, #tpu.memory_space<vmem>>
      %dma_start3A_160 = arith.constant 0 : i32
      %dma_start3A_161 = tpu.memref_slice %arg5[%dma_start3A_160] : memref<100352xf32, #tpu.memory_space<hbm>> -> memref<100352xf32, #tpu.memory_space<hbm>>
      tpu.enqueue_indirect_dma source(%dma_start3A_161 : memref<100352xf32, #tpu.memory_space<hbm>>) target(%dma_start3A_156 : memref<128xf32, #tpu.memory_space<vmem>>) offsets(%dma_start3A_159 : memref<128xi32, #tpu.memory_space<vmem>>) semaphore(%arg15 : memref<!tpu.dma_semaphore, #tpu.memory_space<semaphore_mem>>)
      %dma_start3A_162 = arith.constant 2 : i32
      %dma_start3A_163 = arith.constant 2 : i32
      %dma_start3A_164 = arith.constant 0 : i32
      %dma_start3A_165 = tpu.memref_slice %arg10[%dma_start3A_163, %dma_start3A_164] : memref<8x128xf32, #tpu.memory_space<vmem>> -> memref<1x128xf32, #tpu.memory_space<vmem>>
      %dma_start3A_166 = tpu.memref_squeeze %dma_start3A_165 : memref<1x128xf32, #tpu.memory_space<vmem>> -> memref<128xf32, #tpu.memory_space<vmem>>
      %dma_start3A_167 = arith.constant 0 : i32
      %dma_start3A_168 = tpu.memref_slice %arg8[%dma_start3A_162, %dma_start3A_167] : memref<8x128xi32, #tpu.memory_space<vmem>> -> memref<1x128xi32, #tpu.memory_space<vmem>>
      %dma_start3A_169 = tpu.memref_squeeze %dma_start3A_168 : memref<1x128xi32, #tpu.memory_space<vmem>> -> memref<128xi32, #tpu.memory_space<vmem>>
      %dma_start3A_170 = arith.constant 0 : i32
      %dma_start3A_171 = tpu.memref_slice %arg5[%dma_start3A_170] : memref<100352xf32, #tpu.memory_space<hbm>> -> memref<100352xf32, #tpu.memory_space<hbm>>
      tpu.enqueue_indirect_dma source(%dma_start3A_171 : memref<100352xf32, #tpu.memory_space<hbm>>) target(%dma_start3A_166 : memref<128xf32, #tpu.memory_space<vmem>>) offsets(%dma_start3A_169 : memref<128xi32, #tpu.memory_space<vmem>>) semaphore(%arg15 : memref<!tpu.dma_semaphore, #tpu.memory_space<semaphore_mem>>)
      %dma_start3A_172 = arith.constant 3 : i32
      %dma_start3A_173 = arith.constant 3 : i32
      %dma_start3A_174 = arith.constant 0 : i32
      %dma_start3A_175 = tpu.memref_slice %arg10[%dma_start3A_173, %dma_start3A_174] : memref<8x128xf32, #tpu.memory_space<vmem>> -> memref<1x128xf32, #tpu.memory_space<vmem>>
      %dma_start3A_176 = tpu.memref_squeeze %dma_start3A_175 : memref<1x128xf32, #tpu.memory_space<vmem>> -> memref<128xf32, #tpu.memory_space<vmem>>
      %dma_start3A_177 = arith.constant 0 : i32
      %dma_start3A_178 = tpu.memref_slice %arg8[%dma_start3A_172, %dma_start3A_177] : memref<8x128xi32, #tpu.memory_space<vmem>> -> memref<1x128xi32, #tpu.memory_space<vmem>>
      %dma_start3A_179 = tpu.memref_squeeze %dma_start3A_178 : memref<1x128xi32, #tpu.memory_space<vmem>> -> memref<128xi32, #tpu.memory_space<vmem>>
      %dma_start3A_180 = arith.constant 0 : i32
      %dma_start3A_181 = tpu.memref_slice %arg5[%dma_start3A_180] : memref<100352xf32, #tpu.memory_space<hbm>> -> memref<100352xf32, #tpu.memory_space<hbm>>
      tpu.enqueue_indirect_dma source(%dma_start3A_181 : memref<100352xf32, #tpu.memory_space<hbm>>) target(%dma_start3A_176 : memref<128xf32, #tpu.memory_space<vmem>>) offsets(%dma_start3A_179 : memref<128xi32, #tpu.memory_space<vmem>>) semaphore(%arg15 : memref<!tpu.dma_semaphore, #tpu.memory_space<semaphore_mem>>)
      %dma_start3A_182 = arith.constant 4 : i32
      %dma_start3A_183 = arith.constant 4 : i32
      %dma_start3A_184 = arith.constant 0 : i32
      %dma_start3A_185 = tpu.memref_slice %arg10[%dma_start3A_183, %dma_start3A_184] : memref<8x128xf32, #tpu.memory_space<vmem>> -> memref<1x128xf32, #tpu.memory_space<vmem>>
      %dma_start3A_186 = tpu.memref_squeeze %dma_start3A_185 : memref<1x128xf32, #tpu.memory_space<vmem>> -> memref<128xf32, #tpu.memory_space<vmem>>
      %dma_start3A_187 = arith.constant 0 : i32
      %dma_start3A_188 = tpu.memref_slice %arg8[%dma_start3A_182, %dma_start3A_187] : memref<8x128xi32, #tpu.memory_space<vmem>> -> memref<1x128xi32, #tpu.memory_space<vmem>>
      %dma_start3A_189 = tpu.memref_squeeze %dma_start3A_188 : memref<1x128xi32, #tpu.memory_space<vmem>> -> memref<128xi32, #tpu.memory_space<vmem>>
      %dma_start3A_190 = arith.constant 0 : i32
      %dma_start3A_191 = tpu.memref_slice %arg5[%dma_start3A_190] : memref<100352xf32, #tpu.memory_space<hbm>> -> memref<100352xf32, #tpu.memory_space<hbm>>
      tpu.enqueue_indirect_dma source(%dma_start3A_191 : memref<100352xf32, #tpu.memory_space<hbm>>) target(%dma_start3A_186 : memref<128xf32, #tpu.memory_space<vmem>>) offsets(%dma_start3A_189 : memref<128xi32, #tpu.memory_space<vmem>>) semaphore(%arg15 : memref<!tpu.dma_semaphore, #tpu.memory_space<semaphore_mem>>)
      %dma_start3A_192 = arith.constant 5 : i32
      %dma_start3A_193 = arith.constant 5 : i32
      %dma_start3A_194 = arith.constant 0 : i32
      %dma_start3A_195 = tpu.memref_slice %arg10[%dma_start3A_193, %dma_start3A_194] : memref<8x128xf32, #tpu.memory_space<vmem>> -> memref<1x128xf32, #tpu.memory_space<vmem>>
      %dma_start3A_196 = tpu.memref_squeeze %dma_start3A_195 : memref<1x128xf32, #tpu.memory_space<vmem>> -> memref<128xf32, #tpu.memory_space<vmem>>
      %dma_start3A_197 = arith.constant 0 : i32
      %dma_start3A_198 = tpu.memref_slice %arg8[%dma_start3A_192, %dma_start3A_197] : memref<8x128xi32, #tpu.memory_space<vmem>> -> memref<1x128xi32, #tpu.memory_space<vmem>>
      %dma_start3A_199 = tpu.memref_squeeze %dma_start3A_198 : memref<1x128xi32, #tpu.memory_space<vmem>> -> memref<128xi32, #tpu.memory_space<vmem>>
      %dma_start3A_200 = arith.constant 0 : i32
      %dma_start3A_201 = tpu.memref_slice %arg5[%dma_start3A_200] : memref<100352xf32, #tpu.memory_space<hbm>> -> memref<100352xf32, #tpu.memory_space<hbm>>
      tpu.enqueue_indirect_dma source(%dma_start3A_201 : memref<100352xf32, #tpu.memory_space<hbm>>) target(%dma_start3A_196 : memref<128xf32, #tpu.memory_space<vmem>>) offsets(%dma_start3A_199 : memref<128xi32, #tpu.memory_space<vmem>>) semaphore(%arg15 : memref<!tpu.dma_semaphore, #tpu.memory_space<semaphore_mem>>)
      %dma_start3A_202 = arith.constant 6 : i32
      %dma_start3A_203 = arith.constant 6 : i32
      %dma_start3A_204 = arith.constant 0 : i32
      %dma_start3A_205 = tpu.memref_slice %arg10[%dma_start3A_203, %dma_start3A_204] : memref<8x128xf32, #tpu.memory_space<vmem>> -> memref<1x128xf32, #tpu.memory_space<vmem>>
      %dma_start3A_206 = tpu.memref_squeeze %dma_start3A_205 : memref<1x128xf32, #tpu.memory_space<vmem>> -> memref<128xf32, #tpu.memory_space<vmem>>
      %dma_start3A_207 = arith.constant 0 : i32
      %dma_start3A_208 = tpu.memref_slice %arg8[%dma_start3A_202, %dma_start3A_207] : memref<8x128xi32, #tpu.memory_space<vmem>> -> memref<1x128xi32, #tpu.memory_space<vmem>>
      %dma_start3A_209 = tpu.memref_squeeze %dma_start3A_208 : memref<1x128xi32, #tpu.memory_space<vmem>> -> memref<128xi32, #tpu.memory_space<vmem>>
      %dma_start3A_210 = arith.constant 0 : i32
      %dma_start3A_211 = tpu.memref_slice %arg5[%dma_start3A_210] : memref<100352xf32, #tpu.memory_space<hbm>> -> memref<100352xf32, #tpu.memory_space<hbm>>
      tpu.enqueue_indirect_dma source(%dma_start3A_211 : memref<100352xf32, #tpu.memory_space<hbm>>) target(%dma_start3A_206 : memref<128xf32, #tpu.memory_space<vmem>>) offsets(%dma_start3A_209 : memref<128xi32, #tpu.memory_space<vmem>>) semaphore(%arg15 : memref<!tpu.dma_semaphore, #tpu.memory_space<semaphore_mem>>)
      %dma_start3A_212 = arith.constant 7 : i32
      %dma_start3A_213 = arith.constant 7 : i32
      %dma_start3A_214 = arith.constant 0 : i32
      %dma_start3A_215 = tpu.memref_slice %arg10[%dma_start3A_213, %dma_start3A_214] : memref<8x128xf32, #tpu.memory_space<vmem>> -> memref<1x128xf32, #tpu.memory_space<vmem>>
      %dma_start3A_216 = tpu.memref_squeeze %dma_start3A_215 : memref<1x128xf32, #tpu.memory_space<vmem>> -> memref<128xf32, #tpu.memory_space<vmem>>
      %dma_start3A_217 = arith.constant 0 : i32
      %dma_start3A_218 = tpu.memref_slice %arg8[%dma_start3A_212, %dma_start3A_217] : memref<8x128xi32, #tpu.memory_space<vmem>> -> memref<1x128xi32, #tpu.memory_space<vmem>>
      %dma_start3A_219 = tpu.memref_squeeze %dma_start3A_218 : memref<1x128xi32, #tpu.memory_space<vmem>> -> memref<128xi32, #tpu.memory_space<vmem>>
      %dma_start3A_220 = arith.constant 0 : i32
      %dma_start3A_221 = tpu.memref_slice %arg5[%dma_start3A_220] : memref<100352xf32, #tpu.memory_space<hbm>> -> memref<100352xf32, #tpu.memory_space<hbm>>
      tpu.enqueue_indirect_dma source(%dma_start3A_221 : memref<100352xf32, #tpu.memory_space<hbm>>) target(%dma_start3A_216 : memref<128xf32, #tpu.memory_space<vmem>>) offsets(%dma_start3A_219 : memref<128xi32, #tpu.memory_space<vmem>>) semaphore(%arg15 : memref<!tpu.dma_semaphore, #tpu.memory_space<semaphore_mem>>)
      %dma_wait3A_222 = arith.constant 0 : i32
      %dma_wait3A_223 = arith.constant 0 : i32
      %dma_wait3A_224 = arith.constant 0 : i32
      %dma_wait3A_225 = tpu.memref_slice %arg9[%dma_wait3A_223, %dma_wait3A_224] : memref<8x128xf32, #tpu.memory_space<vmem>> -> memref<1x128xf32, #tpu.memory_space<vmem>>
      %dma_wait3A_226 = tpu.memref_squeeze %dma_wait3A_225 : memref<1x128xf32, #tpu.memory_space<vmem>> -> memref<128xf32, #tpu.memory_space<vmem>>
      %dma_wait3A_227 = arith.constant 0 : i32
      %dma_wait3A_228 = tpu.memref_slice %arg8[%dma_wait3A_222, %dma_wait3A_227] : memref<8x128xi32, #tpu.memory_space<vmem>> -> memref<1x128xi32, #tpu.memory_space<vmem>>
      %dma_wait3A_229 = tpu.memref_squeeze %dma_wait3A_228 : memref<1x128xi32, #tpu.memory_space<vmem>> -> memref<128xi32, #tpu.memory_space<vmem>>
      %dma_wait3A_230 = arith.constant 0 : i32
      %dma_wait3A_231 = tpu.memref_slice %arg4[%dma_wait3A_230] : memref<100352xf32, #tpu.memory_space<hbm>> -> memref<100352xf32, #tpu.memory_space<hbm>>
      tpu.wait_indirect_dma semaphore(%arg15 : memref<!tpu.dma_semaphore, #tpu.memory_space<semaphore_mem>>) src(%dma_wait3A_231 : memref<100352xf32, #tpu.memory_space<hbm>>) dst(%dma_wait3A_226 : memref<128xf32, #tpu.memory_space<vmem>>)
      %dma_wait3A_232 = arith.constant 1 : i32
      %dma_wait3A_233 = arith.constant 1 : i32
      %dma_wait3A_234 = arith.constant 0 : i32
      %dma_wait3A_235 = tpu.memref_slice %arg9[%dma_wait3A_233, %dma_wait3A_234] : memref<8x128xf32, #tpu.memory_space<vmem>> -> memref<1x128xf32, #tpu.memory_space<vmem>>
      %dma_wait3A_236 = tpu.memref_squeeze %dma_wait3A_235 : memref<1x128xf32, #tpu.memory_space<vmem>> -> memref<128xf32, #tpu.memory_space<vmem>>
      %dma_wait3A_237 = arith.constant 0 : i32
      %dma_wait3A_238 = tpu.memref_slice %arg8[%dma_wait3A_232, %dma_wait3A_237] : memref<8x128xi32, #tpu.memory_space<vmem>> -> memref<1x128xi32, #tpu.memory_space<vmem>>
      %dma_wait3A_239 = tpu.memref_squeeze %dma_wait3A_238 : memref<1x128xi32, #tpu.memory_space<vmem>> -> memref<128xi32, #tpu.memory_space<vmem>>
      %dma_wait3A_240 = arith.constant 0 : i32
      %dma_wait3A_241 = tpu.memref_slice %arg4[%dma_wait3A_240] : memref<100352xf32, #tpu.memory_space<hbm>> -> memref<100352xf32, #tpu.memory_space<hbm>>
      tpu.wait_indirect_dma semaphore(%arg15 : memref<!tpu.dma_semaphore, #tpu.memory_space<semaphore_mem>>) src(%dma_wait3A_241 : memref<100352xf32, #tpu.memory_space<hbm>>) dst(%dma_wait3A_236 : memref<128xf32, #tpu.memory_space<vmem>>)
      %dma_wait3A_242 = arith.constant 2 : i32
      %dma_wait3A_243 = arith.constant 2 : i32
      %dma_wait3A_244 = arith.constant 0 : i32
      %dma_wait3A_245 = tpu.memref_slice %arg9[%dma_wait3A_243, %dma_wait3A_244] : memref<8x128xf32, #tpu.memory_space<vmem>> -> memref<1x128xf32, #tpu.memory_space<vmem>>
      %dma_wait3A_246 = tpu.memref_squeeze %dma_wait3A_245 : memref<1x128xf32, #tpu.memory_space<vmem>> -> memref<128xf32, #tpu.memory_space<vmem>>
      %dma_wait3A_247 = arith.constant 0 : i32
      %dma_wait3A_248 = tpu.memref_slice %arg8[%dma_wait3A_242, %dma_wait3A_247] : memref<8x128xi32, #tpu.memory_space<vmem>> -> memref<1x128xi32, #tpu.memory_space<vmem>>
      %dma_wait3A_249 = tpu.memref_squeeze %dma_wait3A_248 : memref<1x128xi32, #tpu.memory_space<vmem>> -> memref<128xi32, #tpu.memory_space<vmem>>
      %dma_wait3A_250 = arith.constant 0 : i32
      %dma_wait3A_251 = tpu.memref_slice %arg4[%dma_wait3A_250] : memref<100352xf32, #tpu.memory_space<hbm>> -> memref<100352xf32, #tpu.memory_space<hbm>>
      tpu.wait_indirect_dma semaphore(%arg15 : memref<!tpu.dma_semaphore, #tpu.memory_space<semaphore_mem>>) src(%dma_wait3A_251 : memref<100352xf32, #tpu.memory_space<hbm>>) dst(%dma_wait3A_246 : memref<128xf32, #tpu.memory_space<vmem>>)
      %dma_wait3A_252 = arith.constant 3 : i32
      %dma_wait3A_253 = arith.constant 3 : i32
      %dma_wait3A_254 = arith.constant 0 : i32
      %dma_wait3A_255 = tpu.memref_slice %arg9[%dma_wait3A_253, %dma_wait3A_254] : memref<8x128xf32, #tpu.memory_space<vmem>> -> memref<1x128xf32, #tpu.memory_space<vmem>>
      %dma_wait3A_256 = tpu.memref_squeeze %dma_wait3A_255 : memref<1x128xf32, #tpu.memory_space<vmem>> -> memref<128xf32, #tpu.memory_space<vmem>>
      %dma_wait3A_257 = arith.constant 0 : i32
      %dma_wait3A_258 = tpu.memref_slice %arg8[%dma_wait3A_252, %dma_wait3A_257] : memref<8x128xi32, #tpu.memory_space<vmem>> -> memref<1x128xi32, #tpu.memory_space<vmem>>
      %dma_wait3A_259 = tpu.memref_squeeze %dma_wait3A_258 : memref<1x128xi32, #tpu.memory_space<vmem>> -> memref<128xi32, #tpu.memory_space<vmem>>
      %dma_wait3A_260 = arith.constant 0 : i32
      %dma_wait3A_261 = tpu.memref_slice %arg4[%dma_wait3A_260] : memref<100352xf32, #tpu.memory_space<hbm>> -> memref<100352xf32, #tpu.memory_space<hbm>>
      tpu.wait_indirect_dma semaphore(%arg15 : memref<!tpu.dma_semaphore, #tpu.memory_space<semaphore_mem>>) src(%dma_wait3A_261 : memref<100352xf32, #tpu.memory_space<hbm>>) dst(%dma_wait3A_256 : memref<128xf32, #tpu.memory_space<vmem>>)
      %dma_wait3A_262 = arith.constant 4 : i32
      %dma_wait3A_263 = arith.constant 4 : i32
      %dma_wait3A_264 = arith.constant 0 : i32
      %dma_wait3A_265 = tpu.memref_slice %arg9[%dma_wait3A_263, %dma_wait3A_264] : memref<8x128xf32, #tpu.memory_space<vmem>> -> memref<1x128xf32, #tpu.memory_space<vmem>>
      %dma_wait3A_266 = tpu.memref_squeeze %dma_wait3A_265 : memref<1x128xf32, #tpu.memory_space<vmem>> -> memref<128xf32, #tpu.memory_space<vmem>>
      %dma_wait3A_267 = arith.constant 0 : i32
      %dma_wait3A_268 = tpu.memref_slice %arg8[%dma_wait3A_262, %dma_wait3A_267] : memref<8x128xi32, #tpu.memory_space<vmem>> -> memref<1x128xi32, #tpu.memory_space<vmem>>
      %dma_wait3A_269 = tpu.memref_squeeze %dma_wait3A_268 : memref<1x128xi32, #tpu.memory_space<vmem>> -> memref<128xi32, #tpu.memory_space<vmem>>
      %dma_wait3A_270 = arith.constant 0 : i32
      %dma_wait3A_271 = tpu.memref_slice %arg4[%dma_wait3A_270] : memref<100352xf32, #tpu.memory_space<hbm>> -> memref<100352xf32, #tpu.memory_space<hbm>>
      tpu.wait_indirect_dma semaphore(%arg15 : memref<!tpu.dma_semaphore, #tpu.memory_space<semaphore_mem>>) src(%dma_wait3A_271 : memref<100352xf32, #tpu.memory_space<hbm>>) dst(%dma_wait3A_266 : memref<128xf32, #tpu.memory_space<vmem>>)
      %dma_wait3A_272 = arith.constant 5 : i32
      %dma_wait3A_273 = arith.constant 5 : i32
      %dma_wait3A_274 = arith.constant 0 : i32
      %dma_wait3A_275 = tpu.memref_slice %arg9[%dma_wait3A_273, %dma_wait3A_274] : memref<8x128xf32, #tpu.memory_space<vmem>> -> memref<1x128xf32, #tpu.memory_space<vmem>>
      %dma_wait3A_276 = tpu.memref_squeeze %dma_wait3A_275 : memref<1x128xf32, #tpu.memory_space<vmem>> -> memref<128xf32, #tpu.memory_space<vmem>>
      %dma_wait3A_277 = arith.constant 0 : i32
      %dma_wait3A_278 = tpu.memref_slice %arg8[%dma_wait3A_272, %dma_wait3A_277] : memref<8x128xi32, #tpu.memory_space<vmem>> -> memref<1x128xi32, #tpu.memory_space<vmem>>
      %dma_wait3A_279 = tpu.memref_squeeze %dma_wait3A_278 : memref<1x128xi32, #tpu.memory_space<vmem>> -> memref<128xi32, #tpu.memory_space<vmem>>
      %dma_wait3A_280 = arith.constant 0 : i32
      %dma_wait3A_281 = tpu.memref_slice %arg4[%dma_wait3A_280] : memref<100352xf32, #tpu.memory_space<hbm>> -> memref<100352xf32, #tpu.memory_space<hbm>>
      tpu.wait_indirect_dma semaphore(%arg15 : memref<!tpu.dma_semaphore, #tpu.memory_space<semaphore_mem>>) src(%dma_wait3A_281 : memref<100352xf32, #tpu.memory_space<hbm>>) dst(%dma_wait3A_276 : memref<128xf32, #tpu.memory_space<vmem>>)
      %dma_wait3A_282 = arith.constant 6 : i32
      %dma_wait3A_283 = arith.constant 6 : i32
      %dma_wait3A_284 = arith.constant 0 : i32
      %dma_wait3A_285 = tpu.memref_slice %arg9[%dma_wait3A_283, %dma_wait3A_284] : memref<8x128xf32, #tpu.memory_space<vmem>> -> memref<1x128xf32, #tpu.memory_space<vmem>>
      %dma_wait3A_286 = tpu.memref_squeeze %dma_wait3A_285 : memref<1x128xf32, #tpu.memory_space<vmem>> -> memref<128xf32, #tpu.memory_space<vmem>>
      %dma_wait3A_287 = arith.constant 0 : i32
      %dma_wait3A_288 = tpu.memref_slice %arg8[%dma_wait3A_282, %dma_wait3A_287] : memref<8x128xi32, #tpu.memory_space<vmem>> -> memref<1x128xi32, #tpu.memory_space<vmem>>
      %dma_wait3A_289 = tpu.memref_squeeze %dma_wait3A_288 : memref<1x128xi32, #tpu.memory_space<vmem>> -> memref<128xi32, #tpu.memory_space<vmem>>
      %dma_wait3A_290 = arith.constant 0 : i32
      %dma_wait3A_291 = tpu.memref_slice %arg4[%dma_wait3A_290] : memref<100352xf32, #tpu.memory_space<hbm>> -> memref<100352xf32, #tpu.memory_space<hbm>>
      tpu.wait_indirect_dma semaphore(%arg15 : memref<!tpu.dma_semaphore, #tpu.memory_space<semaphore_mem>>) src(%dma_wait3A_291 : memref<100352xf32, #tpu.memory_space<hbm>>) dst(%dma_wait3A_286 : memref<128xf32, #tpu.memory_space<vmem>>)
      %dma_wait3A_292 = arith.constant 7 : i32
      %dma_wait3A_293 = arith.constant 7 : i32
      %dma_wait3A_294 = arith.constant 0 : i32
      %dma_wait3A_295 = tpu.memref_slice %arg9[%dma_wait3A_293, %dma_wait3A_294] : memref<8x128xf32, #tpu.memory_space<vmem>> -> memref<1x128xf32, #tpu.memory_space<vmem>>
      %dma_wait3A_296 = tpu.memref_squeeze %dma_wait3A_295 : memref<1x128xf32, #tpu.memory_space<vmem>> -> memref<128xf32, #tpu.memory_space<vmem>>
      %dma_wait3A_297 = arith.constant 0 : i32
      %dma_wait3A_298 = tpu.memref_slice %arg8[%dma_wait3A_292, %dma_wait3A_297] : memref<8x128xi32, #tpu.memory_space<vmem>> -> memref<1x128xi32, #tpu.memory_space<vmem>>
      %dma_wait3A_299 = tpu.memref_squeeze %dma_wait3A_298 : memref<1x128xi32, #tpu.memory_space<vmem>> -> memref<128xi32, #tpu.memory_space<vmem>>
      %dma_wait3A_300 = arith.constant 0 : i32
      %dma_wait3A_301 = tpu.memref_slice %arg4[%dma_wait3A_300] : memref<100352xf32, #tpu.memory_space<hbm>> -> memref<100352xf32, #tpu.memory_space<hbm>>
      tpu.wait_indirect_dma semaphore(%arg15 : memref<!tpu.dma_semaphore, #tpu.memory_space<semaphore_mem>>) src(%dma_wait3A_301 : memref<100352xf32, #tpu.memory_space<hbm>>) dst(%dma_wait3A_296 : memref<128xf32, #tpu.memory_space<vmem>>)
      %dma_wait3A_302 = arith.constant 0 : i32
      %dma_wait3A_303 = arith.constant 0 : i32
      %dma_wait3A_304 = arith.constant 0 : i32
      %dma_wait3A_305 = tpu.memref_slice %arg10[%dma_wait3A_303, %dma_wait3A_304] : memref<8x128xf32, #tpu.memory_space<vmem>> -> memref<1x128xf32, #tpu.memory_space<vmem>>
      %dma_wait3A_306 = tpu.memref_squeeze %dma_wait3A_305 : memref<1x128xf32, #tpu.memory_space<vmem>> -> memref<128xf32, #tpu.memory_space<vmem>>
      %dma_wait3A_307 = arith.constant 0 : i32
      %dma_wait3A_308 = tpu.memref_slice %arg8[%dma_wait3A_302, %dma_wait3A_307] : memref<8x128xi32, #tpu.memory_space<vmem>> -> memref<1x128xi32, #tpu.memory_space<vmem>>
      %dma_wait3A_309 = tpu.memref_squeeze %dma_wait3A_308 : memref<1x128xi32, #tpu.memory_space<vmem>> -> memref<128xi32, #tpu.memory_space<vmem>>
      %dma_wait3A_310 = arith.constant 0 : i32
      %dma_wait3A_311 = tpu.memref_slice %arg5[%dma_wait3A_310] : memref<100352xf32, #tpu.memory_space<hbm>> -> memref<100352xf32, #tpu.memory_space<hbm>>
      tpu.wait_indirect_dma semaphore(%arg15 : memref<!tpu.dma_semaphore, #tpu.memory_space<semaphore_mem>>) src(%dma_wait3A_311 : memref<100352xf32, #tpu.memory_space<hbm>>) dst(%dma_wait3A_306 : memref<128xf32, #tpu.memory_space<vmem>>)
      %dma_wait3A_312 = arith.constant 1 : i32
      %dma_wait3A_313 = arith.constant 1 : i32
      %dma_wait3A_314 = arith.constant 0 : i32
      %dma_wait3A_315 = tpu.memref_slice %arg10[%dma_wait3A_313, %dma_wait3A_314] : memref<8x128xf32, #tpu.memory_space<vmem>> -> memref<1x128xf32, #tpu.memory_space<vmem>>
      %dma_wait3A_316 = tpu.memref_squeeze %dma_wait3A_315 : memref<1x128xf32, #tpu.memory_space<vmem>> -> memref<128xf32, #tpu.memory_space<vmem>>
      %dma_wait3A_317 = arith.constant 0 : i32
      %dma_wait3A_318 = tpu.memref_slice %arg8[%dma_wait3A_312, %dma_wait3A_317] : memref<8x128xi32, #tpu.memory_space<vmem>> -> memref<1x128xi32, #tpu.memory_space<vmem>>
      %dma_wait3A_319 = tpu.memref_squeeze %dma_wait3A_318 : memref<1x128xi32, #tpu.memory_space<vmem>> -> memref<128xi32, #tpu.memory_space<vmem>>
      %dma_wait3A_320 = arith.constant 0 : i32
      %dma_wait3A_321 = tpu.memref_slice %arg5[%dma_wait3A_320] : memref<100352xf32, #tpu.memory_space<hbm>> -> memref<100352xf32, #tpu.memory_space<hbm>>
      tpu.wait_indirect_dma semaphore(%arg15 : memref<!tpu.dma_semaphore, #tpu.memory_space<semaphore_mem>>) src(%dma_wait3A_321 : memref<100352xf32, #tpu.memory_space<hbm>>) dst(%dma_wait3A_316 : memref<128xf32, #tpu.memory_space<vmem>>)
      %dma_wait3A_322 = arith.constant 2 : i32
      %dma_wait3A_323 = arith.constant 2 : i32
      %dma_wait3A_324 = arith.constant 0 : i32
      %dma_wait3A_325 = tpu.memref_slice %arg10[%dma_wait3A_323, %dma_wait3A_324] : memref<8x128xf32, #tpu.memory_space<vmem>> -> memref<1x128xf32, #tpu.memory_space<vmem>>
      %dma_wait3A_326 = tpu.memref_squeeze %dma_wait3A_325 : memref<1x128xf32, #tpu.memory_space<vmem>> -> memref<128xf32, #tpu.memory_space<vmem>>
      %dma_wait3A_327 = arith.constant 0 : i32
      %dma_wait3A_328 = tpu.memref_slice %arg8[%dma_wait3A_322, %dma_wait3A_327] : memref<8x128xi32, #tpu.memory_space<vmem>> -> memref<1x128xi32, #tpu.memory_space<vmem>>
      %dma_wait3A_329 = tpu.memref_squeeze %dma_wait3A_328 : memref<1x128xi32, #tpu.memory_space<vmem>> -> memref<128xi32, #tpu.memory_space<vmem>>
      %dma_wait3A_330 = arith.constant 0 : i32
      %dma_wait3A_331 = tpu.memref_slice %arg5[%dma_wait3A_330] : memref<100352xf32, #tpu.memory_space<hbm>> -> memref<100352xf32, #tpu.memory_space<hbm>>
      tpu.wait_indirect_dma semaphore(%arg15 : memref<!tpu.dma_semaphore, #tpu.memory_space<semaphore_mem>>) src(%dma_wait3A_331 : memref<100352xf32, #tpu.memory_space<hbm>>) dst(%dma_wait3A_326 : memref<128xf32, #tpu.memory_space<vmem>>)
      %dma_wait3A_332 = arith.constant 3 : i32
      %dma_wait3A_333 = arith.constant 3 : i32
      %dma_wait3A_334 = arith.constant 0 : i32
      %dma_wait3A_335 = tpu.memref_slice %arg10[%dma_wait3A_333, %dma_wait3A_334] : memref<8x128xf32, #tpu.memory_space<vmem>> -> memref<1x128xf32, #tpu.memory_space<vmem>>
      %dma_wait3A_336 = tpu.memref_squeeze %dma_wait3A_335 : memref<1x128xf32, #tpu.memory_space<vmem>> -> memref<128xf32, #tpu.memory_space<vmem>>
      %dma_wait3A_337 = arith.constant 0 : i32
      %dma_wait3A_338 = tpu.memref_slice %arg8[%dma_wait3A_332, %dma_wait3A_337] : memref<8x128xi32, #tpu.memory_space<vmem>> -> memref<1x128xi32, #tpu.memory_space<vmem>>
      %dma_wait3A_339 = tpu.memref_squeeze %dma_wait3A_338 : memref<1x128xi32, #tpu.memory_space<vmem>> -> memref<128xi32, #tpu.memory_space<vmem>>
      %dma_wait3A_340 = arith.constant 0 : i32
      %dma_wait3A_341 = tpu.memref_slice %arg5[%dma_wait3A_340] : memref<100352xf32, #tpu.memory_space<hbm>> -> memref<100352xf32, #tpu.memory_space<hbm>>
      tpu.wait_indirect_dma semaphore(%arg15 : memref<!tpu.dma_semaphore, #tpu.memory_space<semaphore_mem>>) src(%dma_wait3A_341 : memref<100352xf32, #tpu.memory_space<hbm>>) dst(%dma_wait3A_336 : memref<128xf32, #tpu.memory_space<vmem>>)
      %dma_wait3A_342 = arith.constant 4 : i32
      %dma_wait3A_343 = arith.constant 4 : i32
      %dma_wait3A_344 = arith.constant 0 : i32
      %dma_wait3A_345 = tpu.memref_slice %arg10[%dma_wait3A_343, %dma_wait3A_344] : memref<8x128xf32, #tpu.memory_space<vmem>> -> memref<1x128xf32, #tpu.memory_space<vmem>>
      %dma_wait3A_346 = tpu.memref_squeeze %dma_wait3A_345 : memref<1x128xf32, #tpu.memory_space<vmem>> -> memref<128xf32, #tpu.memory_space<vmem>>
      %dma_wait3A_347 = arith.constant 0 : i32
      %dma_wait3A_348 = tpu.memref_slice %arg8[%dma_wait3A_342, %dma_wait3A_347] : memref<8x128xi32, #tpu.memory_space<vmem>> -> memref<1x128xi32, #tpu.memory_space<vmem>>
      %dma_wait3A_349 = tpu.memref_squeeze %dma_wait3A_348 : memref<1x128xi32, #tpu.memory_space<vmem>> -> memref<128xi32, #tpu.memory_space<vmem>>
      %dma_wait3A_350 = arith.constant 0 : i32
      %dma_wait3A_351 = tpu.memref_slice %arg5[%dma_wait3A_350] : memref<100352xf32, #tpu.memory_space<hbm>> -> memref<100352xf32, #tpu.memory_space<hbm>>
      tpu.wait_indirect_dma semaphore(%arg15 : memref<!tpu.dma_semaphore, #tpu.memory_space<semaphore_mem>>) src(%dma_wait3A_351 : memref<100352xf32, #tpu.memory_space<hbm>>) dst(%dma_wait3A_346 : memref<128xf32, #tpu.memory_space<vmem>>)
      %dma_wait3A_352 = arith.constant 5 : i32
      %dma_wait3A_353 = arith.constant 5 : i32
      %dma_wait3A_354 = arith.constant 0 : i32
      %dma_wait3A_355 = tpu.memref_slice %arg10[%dma_wait3A_353, %dma_wait3A_354] : memref<8x128xf32, #tpu.memory_space<vmem>> -> memref<1x128xf32, #tpu.memory_space<vmem>>
      %dma_wait3A_356 = tpu.memref_squeeze %dma_wait3A_355 : memref<1x128xf32, #tpu.memory_space<vmem>> -> memref<128xf32, #tpu.memory_space<vmem>>
      %dma_wait3A_357 = arith.constant 0 : i32
      %dma_wait3A_358 = tpu.memref_slice %arg8[%dma_wait3A_352, %dma_wait3A_357] : memref<8x128xi32, #tpu.memory_space<vmem>> -> memref<1x128xi32, #tpu.memory_space<vmem>>
      %dma_wait3A_359 = tpu.memref_squeeze %dma_wait3A_358 : memref<1x128xi32, #tpu.memory_space<vmem>> -> memref<128xi32, #tpu.memory_space<vmem>>
      %dma_wait3A_360 = arith.constant 0 : i32
      %dma_wait3A_361 = tpu.memref_slice %arg5[%dma_wait3A_360] : memref<100352xf32, #tpu.memory_space<hbm>> -> memref<100352xf32, #tpu.memory_space<hbm>>
      tpu.wait_indirect_dma semaphore(%arg15 : memref<!tpu.dma_semaphore, #tpu.memory_space<semaphore_mem>>) src(%dma_wait3A_361 : memref<100352xf32, #tpu.memory_space<hbm>>) dst(%dma_wait3A_356 : memref<128xf32, #tpu.memory_space<vmem>>)
      %dma_wait3A_362 = arith.constant 6 : i32
      %dma_wait3A_363 = arith.constant 6 : i32
      %dma_wait3A_364 = arith.constant 0 : i32
      %dma_wait3A_365 = tpu.memref_slice %arg10[%dma_wait3A_363, %dma_wait3A_364] : memref<8x128xf32, #tpu.memory_space<vmem>> -> memref<1x128xf32, #tpu.memory_space<vmem>>
      %dma_wait3A_366 = tpu.memref_squeeze %dma_wait3A_365 : memref<1x128xf32, #tpu.memory_space<vmem>> -> memref<128xf32, #tpu.memory_space<vmem>>
      %dma_wait3A_367 = arith.constant 0 : i32
      %dma_wait3A_368 = tpu.memref_slice %arg8[%dma_wait3A_362, %dma_wait3A_367] : memref<8x128xi32, #tpu.memory_space<vmem>> -> memref<1x128xi32, #tpu.memory_space<vmem>>
      %dma_wait3A_369 = tpu.memref_squeeze %dma_wait3A_368 : memref<1x128xi32, #tpu.memory_space<vmem>> -> memref<128xi32, #tpu.memory_space<vmem>>
      %dma_wait3A_370 = arith.constant 0 : i32
      %dma_wait3A_371 = tpu.memref_slice %arg5[%dma_wait3A_370] : memref<100352xf32, #tpu.memory_space<hbm>> -> memref<100352xf32, #tpu.memory_space<hbm>>
      tpu.wait_indirect_dma semaphore(%arg15 : memref<!tpu.dma_semaphore, #tpu.memory_space<semaphore_mem>>) src(%dma_wait3A_371 : memref<100352xf32, #tpu.memory_space<hbm>>) dst(%dma_wait3A_366 : memref<128xf32, #tpu.memory_space<vmem>>)
      %dma_wait3A_372 = arith.constant 7 : i32
      %dma_wait3A_373 = arith.constant 7 : i32
      %dma_wait3A_374 = arith.constant 0 : i32
      %dma_wait3A_375 = tpu.memref_slice %arg10[%dma_wait3A_373, %dma_wait3A_374] : memref<8x128xf32, #tpu.memory_space<vmem>> -> memref<1x128xf32, #tpu.memory_space<vmem>>
      %dma_wait3A_376 = tpu.memref_squeeze %dma_wait3A_375 : memref<1x128xf32, #tpu.memory_space<vmem>> -> memref<128xf32, #tpu.memory_space<vmem>>
      %dma_wait3A_377 = arith.constant 0 : i32
      %dma_wait3A_378 = tpu.memref_slice %arg8[%dma_wait3A_372, %dma_wait3A_377] : memref<8x128xi32, #tpu.memory_space<vmem>> -> memref<1x128xi32, #tpu.memory_space<vmem>>
      %dma_wait3A_379 = tpu.memref_squeeze %dma_wait3A_378 : memref<1x128xi32, #tpu.memory_space<vmem>> -> memref<128xi32, #tpu.memory_space<vmem>>
      %dma_wait3A_380 = arith.constant 0 : i32
      %dma_wait3A_381 = tpu.memref_slice %arg5[%dma_wait3A_380] : memref<100352xf32, #tpu.memory_space<hbm>> -> memref<100352xf32, #tpu.memory_space<hbm>>
      tpu.wait_indirect_dma semaphore(%arg15 : memref<!tpu.dma_semaphore, #tpu.memory_space<semaphore_mem>>) src(%dma_wait3A_381 : memref<100352xf32, #tpu.memory_space<hbm>>) dst(%dma_wait3A_376 : memref<128xf32, #tpu.memory_space<vmem>>)
      %dma_start3A_382 = arith.constant 0 : i32
      %dma_start3A_383 = arith.constant 0 : i32
      %dma_start3A_384 = arith.constant 0 : i32
      %dma_start3A_385 = tpu.memref_slice %arg9[%dma_start3A_382, %dma_start3A_384] : memref<8x128xf32, #tpu.memory_space<vmem>> -> memref<1x128xf32, #tpu.memory_space<vmem>>
      %dma_start3A_386 = tpu.memref_squeeze %dma_start3A_385 : memref<1x128xf32, #tpu.memory_space<vmem>> -> memref<128xf32, #tpu.memory_space<vmem>>
      %dma_start3A_387 = arith.constant 0 : i32
      %dma_start3A_388 = tpu.memref_slice %arg7[%dma_start3A_383, %dma_start3A_387] : memref<8x128xi32, #tpu.memory_space<vmem>> -> memref<1x128xi32, #tpu.memory_space<vmem>>
      %dma_start3A_389 = tpu.memref_squeeze %dma_start3A_388 : memref<1x128xi32, #tpu.memory_space<vmem>> -> memref<128xi32, #tpu.memory_space<vmem>>
      %dma_start3A_390 = arith.constant 0 : i32
      %dma_start3A_391 = tpu.memref_slice %arg12[%dma_start3A_390] : memref<100352xf32, #tpu.memory_space<vmem_shared>> -> memref<100352xf32, #tpu.memory_space<vmem_shared>>
      tpu.enqueue_indirect_dma source(%dma_start3A_386 : memref<128xf32, #tpu.memory_space<vmem>>) target(%dma_start3A_391 : memref<100352xf32, #tpu.memory_space<vmem_shared>>) offsets(%dma_start3A_389 : memref<128xi32, #tpu.memory_space<vmem>>) semaphore(%arg16 : memref<!tpu.dma_semaphore, #tpu.memory_space<semaphore_mem>>) {add = true}
      %dma_start3A_392 = arith.constant 1 : i32
      %dma_start3A_393 = arith.constant 1 : i32
      %dma_start3A_394 = arith.constant 0 : i32
      %dma_start3A_395 = tpu.memref_slice %arg9[%dma_start3A_392, %dma_start3A_394] : memref<8x128xf32, #tpu.memory_space<vmem>> -> memref<1x128xf32, #tpu.memory_space<vmem>>
      %dma_start3A_396 = tpu.memref_squeeze %dma_start3A_395 : memref<1x128xf32, #tpu.memory_space<vmem>> -> memref<128xf32, #tpu.memory_space<vmem>>
      %dma_start3A_397 = arith.constant 0 : i32
      %dma_start3A_398 = tpu.memref_slice %arg7[%dma_start3A_393, %dma_start3A_397] : memref<8x128xi32, #tpu.memory_space<vmem>> -> memref<1x128xi32, #tpu.memory_space<vmem>>
      %dma_start3A_399 = tpu.memref_squeeze %dma_start3A_398 : memref<1x128xi32, #tpu.memory_space<vmem>> -> memref<128xi32, #tpu.memory_space<vmem>>
      %dma_start3A_400 = arith.constant 0 : i32
      %dma_start3A_401 = tpu.memref_slice %arg12[%dma_start3A_400] : memref<100352xf32, #tpu.memory_space<vmem_shared>> -> memref<100352xf32, #tpu.memory_space<vmem_shared>>
      tpu.enqueue_indirect_dma source(%dma_start3A_396 : memref<128xf32, #tpu.memory_space<vmem>>) target(%dma_start3A_401 : memref<100352xf32, #tpu.memory_space<vmem_shared>>) offsets(%dma_start3A_399 : memref<128xi32, #tpu.memory_space<vmem>>) semaphore(%arg16 : memref<!tpu.dma_semaphore, #tpu.memory_space<semaphore_mem>>) {add = true}
      %dma_start3A_402 = arith.constant 2 : i32
      %dma_start3A_403 = arith.constant 2 : i32
      %dma_start3A_404 = arith.constant 0 : i32
      %dma_start3A_405 = tpu.memref_slice %arg9[%dma_start3A_402, %dma_start3A_404] : memref<8x128xf32, #tpu.memory_space<vmem>> -> memref<1x128xf32, #tpu.memory_space<vmem>>
      %dma_start3A_406 = tpu.memref_squeeze %dma_start3A_405 : memref<1x128xf32, #tpu.memory_space<vmem>> -> memref<128xf32, #tpu.memory_space<vmem>>
      %dma_start3A_407 = arith.constant 0 : i32
      %dma_start3A_408 = tpu.memref_slice %arg7[%dma_start3A_403, %dma_start3A_407] : memref<8x128xi32, #tpu.memory_space<vmem>> -> memref<1x128xi32, #tpu.memory_space<vmem>>
      %dma_start3A_409 = tpu.memref_squeeze %dma_start3A_408 : memref<1x128xi32, #tpu.memory_space<vmem>> -> memref<128xi32, #tpu.memory_space<vmem>>
      %dma_start3A_410 = arith.constant 0 : i32
      %dma_start3A_411 = tpu.memref_slice %arg12[%dma_start3A_410] : memref<100352xf32, #tpu.memory_space<vmem_shared>> -> memref<100352xf32, #tpu.memory_space<vmem_shared>>
      tpu.enqueue_indirect_dma source(%dma_start3A_406 : memref<128xf32, #tpu.memory_space<vmem>>) target(%dma_start3A_411 : memref<100352xf32, #tpu.memory_space<vmem_shared>>) offsets(%dma_start3A_409 : memref<128xi32, #tpu.memory_space<vmem>>) semaphore(%arg16 : memref<!tpu.dma_semaphore, #tpu.memory_space<semaphore_mem>>) {add = true}
      %dma_start3A_412 = arith.constant 3 : i32
      %dma_start3A_413 = arith.constant 3 : i32
      %dma_start3A_414 = arith.constant 0 : i32
      %dma_start3A_415 = tpu.memref_slice %arg9[%dma_start3A_412, %dma_start3A_414] : memref<8x128xf32, #tpu.memory_space<vmem>> -> memref<1x128xf32, #tpu.memory_space<vmem>>
      %dma_start3A_416 = tpu.memref_squeeze %dma_start3A_415 : memref<1x128xf32, #tpu.memory_space<vmem>> -> memref<128xf32, #tpu.memory_space<vmem>>
      %dma_start3A_417 = arith.constant 0 : i32
      %dma_start3A_418 = tpu.memref_slice %arg7[%dma_start3A_413, %dma_start3A_417] : memref<8x128xi32, #tpu.memory_space<vmem>> -> memref<1x128xi32, #tpu.memory_space<vmem>>
      %dma_start3A_419 = tpu.memref_squeeze %dma_start3A_418 : memref<1x128xi32, #tpu.memory_space<vmem>> -> memref<128xi32, #tpu.memory_space<vmem>>
      %dma_start3A_420 = arith.constant 0 : i32
      %dma_start3A_421 = tpu.memref_slice %arg12[%dma_start3A_420] : memref<100352xf32, #tpu.memory_space<vmem_shared>> -> memref<100352xf32, #tpu.memory_space<vmem_shared>>
      tpu.enqueue_indirect_dma source(%dma_start3A_416 : memref<128xf32, #tpu.memory_space<vmem>>) target(%dma_start3A_421 : memref<100352xf32, #tpu.memory_space<vmem_shared>>) offsets(%dma_start3A_419 : memref<128xi32, #tpu.memory_space<vmem>>) semaphore(%arg16 : memref<!tpu.dma_semaphore, #tpu.memory_space<semaphore_mem>>) {add = true}
      %dma_start3A_422 = arith.constant 4 : i32
      %dma_start3A_423 = arith.constant 4 : i32
      %dma_start3A_424 = arith.constant 0 : i32
      %dma_start3A_425 = tpu.memref_slice %arg9[%dma_start3A_422, %dma_start3A_424] : memref<8x128xf32, #tpu.memory_space<vmem>> -> memref<1x128xf32, #tpu.memory_space<vmem>>
      %dma_start3A_426 = tpu.memref_squeeze %dma_start3A_425 : memref<1x128xf32, #tpu.memory_space<vmem>> -> memref<128xf32, #tpu.memory_space<vmem>>
      %dma_start3A_427 = arith.constant 0 : i32
      %dma_start3A_428 = tpu.memref_slice %arg7[%dma_start3A_423, %dma_start3A_427] : memref<8x128xi32, #tpu.memory_space<vmem>> -> memref<1x128xi32, #tpu.memory_space<vmem>>
      %dma_start3A_429 = tpu.memref_squeeze %dma_start3A_428 : memref<1x128xi32, #tpu.memory_space<vmem>> -> memref<128xi32, #tpu.memory_space<vmem>>
      %dma_start3A_430 = arith.constant 0 : i32
      %dma_start3A_431 = tpu.memref_slice %arg12[%dma_start3A_430] : memref<100352xf32, #tpu.memory_space<vmem_shared>> -> memref<100352xf32, #tpu.memory_space<vmem_shared>>
      tpu.enqueue_indirect_dma source(%dma_start3A_426 : memref<128xf32, #tpu.memory_space<vmem>>) target(%dma_start3A_431 : memref<100352xf32, #tpu.memory_space<vmem_shared>>) offsets(%dma_start3A_429 : memref<128xi32, #tpu.memory_space<vmem>>) semaphore(%arg16 : memref<!tpu.dma_semaphore, #tpu.memory_space<semaphore_mem>>) {add = true}
      %dma_start3A_432 = arith.constant 5 : i32
      %dma_start3A_433 = arith.constant 5 : i32
      %dma_start3A_434 = arith.constant 0 : i32
      %dma_start3A_435 = tpu.memref_slice %arg9[%dma_start3A_432, %dma_start3A_434] : memref<8x128xf32, #tpu.memory_space<vmem>> -> memref<1x128xf32, #tpu.memory_space<vmem>>
      %dma_start3A_436 = tpu.memref_squeeze %dma_start3A_435 : memref<1x128xf32, #tpu.memory_space<vmem>> -> memref<128xf32, #tpu.memory_space<vmem>>
      %dma_start3A_437 = arith.constant 0 : i32
      %dma_start3A_438 = tpu.memref_slice %arg7[%dma_start3A_433, %dma_start3A_437] : memref<8x128xi32, #tpu.memory_space<vmem>> -> memref<1x128xi32, #tpu.memory_space<vmem>>
      %dma_start3A_439 = tpu.memref_squeeze %dma_start3A_438 : memref<1x128xi32, #tpu.memory_space<vmem>> -> memref<128xi32, #tpu.memory_space<vmem>>
      %dma_start3A_440 = arith.constant 0 : i32
      %dma_start3A_441 = tpu.memref_slice %arg12[%dma_start3A_440] : memref<100352xf32, #tpu.memory_space<vmem_shared>> -> memref<100352xf32, #tpu.memory_space<vmem_shared>>
      tpu.enqueue_indirect_dma source(%dma_start3A_436 : memref<128xf32, #tpu.memory_space<vmem>>) target(%dma_start3A_441 : memref<100352xf32, #tpu.memory_space<vmem_shared>>) offsets(%dma_start3A_439 : memref<128xi32, #tpu.memory_space<vmem>>) semaphore(%arg16 : memref<!tpu.dma_semaphore, #tpu.memory_space<semaphore_mem>>) {add = true}
      %dma_start3A_442 = arith.constant 6 : i32
      %dma_start3A_443 = arith.constant 6 : i32
      %dma_start3A_444 = arith.constant 0 : i32
      %dma_start3A_445 = tpu.memref_slice %arg9[%dma_start3A_442, %dma_start3A_444] : memref<8x128xf32, #tpu.memory_space<vmem>> -> memref<1x128xf32, #tpu.memory_space<vmem>>
      %dma_start3A_446 = tpu.memref_squeeze %dma_start3A_445 : memref<1x128xf32, #tpu.memory_space<vmem>> -> memref<128xf32, #tpu.memory_space<vmem>>
      %dma_start3A_447 = arith.constant 0 : i32
      %dma_start3A_448 = tpu.memref_slice %arg7[%dma_start3A_443, %dma_start3A_447] : memref<8x128xi32, #tpu.memory_space<vmem>> -> memref<1x128xi32, #tpu.memory_space<vmem>>
      %dma_start3A_449 = tpu.memref_squeeze %dma_start3A_448 : memref<1x128xi32, #tpu.memory_space<vmem>> -> memref<128xi32, #tpu.memory_space<vmem>>
      %dma_start3A_450 = arith.constant 0 : i32
      %dma_start3A_451 = tpu.memref_slice %arg12[%dma_start3A_450] : memref<100352xf32, #tpu.memory_space<vmem_shared>> -> memref<100352xf32, #tpu.memory_space<vmem_shared>>
      tpu.enqueue_indirect_dma source(%dma_start3A_446 : memref<128xf32, #tpu.memory_space<vmem>>) target(%dma_start3A_451 : memref<100352xf32, #tpu.memory_space<vmem_shared>>) offsets(%dma_start3A_449 : memref<128xi32, #tpu.memory_space<vmem>>) semaphore(%arg16 : memref<!tpu.dma_semaphore, #tpu.memory_space<semaphore_mem>>) {add = true}
      %dma_start3A_452 = arith.constant 7 : i32
      %dma_start3A_453 = arith.constant 7 : i32
      %dma_start3A_454 = arith.constant 0 : i32
      %dma_start3A_455 = tpu.memref_slice %arg9[%dma_start3A_452, %dma_start3A_454] : memref<8x128xf32, #tpu.memory_space<vmem>> -> memref<1x128xf32, #tpu.memory_space<vmem>>
      %dma_start3A_456 = tpu.memref_squeeze %dma_start3A_455 : memref<1x128xf32, #tpu.memory_space<vmem>> -> memref<128xf32, #tpu.memory_space<vmem>>
      %dma_start3A_457 = arith.constant 0 : i32
      %dma_start3A_458 = tpu.memref_slice %arg7[%dma_start3A_453, %dma_start3A_457] : memref<8x128xi32, #tpu.memory_space<vmem>> -> memref<1x128xi32, #tpu.memory_space<vmem>>
      %dma_start3A_459 = tpu.memref_squeeze %dma_start3A_458 : memref<1x128xi32, #tpu.memory_space<vmem>> -> memref<128xi32, #tpu.memory_space<vmem>>
      %dma_start3A_460 = arith.constant 0 : i32
      %dma_start3A_461 = tpu.memref_slice %arg12[%dma_start3A_460] : memref<100352xf32, #tpu.memory_space<vmem_shared>> -> memref<100352xf32, #tpu.memory_space<vmem_shared>>
      tpu.enqueue_indirect_dma source(%dma_start3A_456 : memref<128xf32, #tpu.memory_space<vmem>>) target(%dma_start3A_461 : memref<100352xf32, #tpu.memory_space<vmem_shared>>) offsets(%dma_start3A_459 : memref<128xi32, #tpu.memory_space<vmem>>) semaphore(%arg16 : memref<!tpu.dma_semaphore, #tpu.memory_space<semaphore_mem>>) {add = true}
      %dma_start3A_462 = arith.constant 0 : i32
      %dma_start3A_463 = arith.constant 0 : i32
      %dma_start3A_464 = arith.constant 0 : i32
      %dma_start3A_465 = tpu.memref_slice %arg10[%dma_start3A_462, %dma_start3A_464] : memref<8x128xf32, #tpu.memory_space<vmem>> -> memref<1x128xf32, #tpu.memory_space<vmem>>
      %dma_start3A_466 = tpu.memref_squeeze %dma_start3A_465 : memref<1x128xf32, #tpu.memory_space<vmem>> -> memref<128xf32, #tpu.memory_space<vmem>>
      %dma_start3A_467 = arith.constant 0 : i32
      %dma_start3A_468 = tpu.memref_slice %arg7[%dma_start3A_463, %dma_start3A_467] : memref<8x128xi32, #tpu.memory_space<vmem>> -> memref<1x128xi32, #tpu.memory_space<vmem>>
      %dma_start3A_469 = tpu.memref_squeeze %dma_start3A_468 : memref<1x128xi32, #tpu.memory_space<vmem>> -> memref<128xi32, #tpu.memory_space<vmem>>
      %dma_start3A_470 = arith.constant 0 : i32
      %dma_start3A_471 = tpu.memref_slice %arg13[%dma_start3A_470] : memref<100352xf32, #tpu.memory_space<vmem_shared>> -> memref<100352xf32, #tpu.memory_space<vmem_shared>>
      tpu.enqueue_indirect_dma source(%dma_start3A_466 : memref<128xf32, #tpu.memory_space<vmem>>) target(%dma_start3A_471 : memref<100352xf32, #tpu.memory_space<vmem_shared>>) offsets(%dma_start3A_469 : memref<128xi32, #tpu.memory_space<vmem>>) semaphore(%arg16 : memref<!tpu.dma_semaphore, #tpu.memory_space<semaphore_mem>>) {add = true}
      %dma_start3A_472 = arith.constant 1 : i32
      %dma_start3A_473 = arith.constant 1 : i32
      %dma_start3A_474 = arith.constant 0 : i32
      %dma_start3A_475 = tpu.memref_slice %arg10[%dma_start3A_472, %dma_start3A_474] : memref<8x128xf32, #tpu.memory_space<vmem>> -> memref<1x128xf32, #tpu.memory_space<vmem>>
      %dma_start3A_476 = tpu.memref_squeeze %dma_start3A_475 : memref<1x128xf32, #tpu.memory_space<vmem>> -> memref<128xf32, #tpu.memory_space<vmem>>
      %dma_start3A_477 = arith.constant 0 : i32
      %dma_start3A_478 = tpu.memref_slice %arg7[%dma_start3A_473, %dma_start3A_477] : memref<8x128xi32, #tpu.memory_space<vmem>> -> memref<1x128xi32, #tpu.memory_space<vmem>>
      %dma_start3A_479 = tpu.memref_squeeze %dma_start3A_478 : memref<1x128xi32, #tpu.memory_space<vmem>> -> memref<128xi32, #tpu.memory_space<vmem>>
      %dma_start3A_480 = arith.constant 0 : i32
      %dma_start3A_481 = tpu.memref_slice %arg13[%dma_start3A_480] : memref<100352xf32, #tpu.memory_space<vmem_shared>> -> memref<100352xf32, #tpu.memory_space<vmem_shared>>
      tpu.enqueue_indirect_dma source(%dma_start3A_476 : memref<128xf32, #tpu.memory_space<vmem>>) target(%dma_start3A_481 : memref<100352xf32, #tpu.memory_space<vmem_shared>>) offsets(%dma_start3A_479 : memref<128xi32, #tpu.memory_space<vmem>>) semaphore(%arg16 : memref<!tpu.dma_semaphore, #tpu.memory_space<semaphore_mem>>) {add = true}
      %dma_start3A_482 = arith.constant 2 : i32
      %dma_start3A_483 = arith.constant 2 : i32
      %dma_start3A_484 = arith.constant 0 : i32
      %dma_start3A_485 = tpu.memref_slice %arg10[%dma_start3A_482, %dma_start3A_484] : memref<8x128xf32, #tpu.memory_space<vmem>> -> memref<1x128xf32, #tpu.memory_space<vmem>>
      %dma_start3A_486 = tpu.memref_squeeze %dma_start3A_485 : memref<1x128xf32, #tpu.memory_space<vmem>> -> memref<128xf32, #tpu.memory_space<vmem>>
      %dma_start3A_487 = arith.constant 0 : i32
      %dma_start3A_488 = tpu.memref_slice %arg7[%dma_start3A_483, %dma_start3A_487] : memref<8x128xi32, #tpu.memory_space<vmem>> -> memref<1x128xi32, #tpu.memory_space<vmem>>
      %dma_start3A_489 = tpu.memref_squeeze %dma_start3A_488 : memref<1x128xi32, #tpu.memory_space<vmem>> -> memref<128xi32, #tpu.memory_space<vmem>>
      %dma_start3A_490 = arith.constant 0 : i32
      %dma_start3A_491 = tpu.memref_slice %arg13[%dma_start3A_490] : memref<100352xf32, #tpu.memory_space<vmem_shared>> -> memref<100352xf32, #tpu.memory_space<vmem_shared>>
      tpu.enqueue_indirect_dma source(%dma_start3A_486 : memref<128xf32, #tpu.memory_space<vmem>>) target(%dma_start3A_491 : memref<100352xf32, #tpu.memory_space<vmem_shared>>) offsets(%dma_start3A_489 : memref<128xi32, #tpu.memory_space<vmem>>) semaphore(%arg16 : memref<!tpu.dma_semaphore, #tpu.memory_space<semaphore_mem>>) {add = true}
      %dma_start3A_492 = arith.constant 3 : i32
      %dma_start3A_493 = arith.constant 3 : i32
      %dma_start3A_494 = arith.constant 0 : i32
      %dma_start3A_495 = tpu.memref_slice %arg10[%dma_start3A_492, %dma_start3A_494] : memref<8x128xf32, #tpu.memory_space<vmem>> -> memref<1x128xf32, #tpu.memory_space<vmem>>
      %dma_start3A_496 = tpu.memref_squeeze %dma_start3A_495 : memref<1x128xf32, #tpu.memory_space<vmem>> -> memref<128xf32, #tpu.memory_space<vmem>>
      %dma_start3A_497 = arith.constant 0 : i32
      %dma_start3A_498 = tpu.memref_slice %arg7[%dma_start3A_493, %dma_start3A_497] : memref<8x128xi32, #tpu.memory_space<vmem>> -> memref<1x128xi32, #tpu.memory_space<vmem>>
      %dma_start3A_499 = tpu.memref_squeeze %dma_start3A_498 : memref<1x128xi32, #tpu.memory_space<vmem>> -> memref<128xi32, #tpu.memory_space<vmem>>
      %dma_start3A_500 = arith.constant 0 : i32
      %dma_start3A_501 = tpu.memref_slice %arg13[%dma_start3A_500] : memref<100352xf32, #tpu.memory_space<vmem_shared>> -> memref<100352xf32, #tpu.memory_space<vmem_shared>>
      tpu.enqueue_indirect_dma source(%dma_start3A_496 : memref<128xf32, #tpu.memory_space<vmem>>) target(%dma_start3A_501 : memref<100352xf32, #tpu.memory_space<vmem_shared>>) offsets(%dma_start3A_499 : memref<128xi32, #tpu.memory_space<vmem>>) semaphore(%arg16 : memref<!tpu.dma_semaphore, #tpu.memory_space<semaphore_mem>>) {add = true}
      %dma_start3A_502 = arith.constant 4 : i32
      %dma_start3A_503 = arith.constant 4 : i32
      %dma_start3A_504 = arith.constant 0 : i32
      %dma_start3A_505 = tpu.memref_slice %arg10[%dma_start3A_502, %dma_start3A_504] : memref<8x128xf32, #tpu.memory_space<vmem>> -> memref<1x128xf32, #tpu.memory_space<vmem>>
      %dma_start3A_506 = tpu.memref_squeeze %dma_start3A_505 : memref<1x128xf32, #tpu.memory_space<vmem>> -> memref<128xf32, #tpu.memory_space<vmem>>
      %dma_start3A_507 = arith.constant 0 : i32
      %dma_start3A_508 = tpu.memref_slice %arg7[%dma_start3A_503, %dma_start3A_507] : memref<8x128xi32, #tpu.memory_space<vmem>> -> memref<1x128xi32, #tpu.memory_space<vmem>>
      %dma_start3A_509 = tpu.memref_squeeze %dma_start3A_508 : memref<1x128xi32, #tpu.memory_space<vmem>> -> memref<128xi32, #tpu.memory_space<vmem>>
      %dma_start3A_510 = arith.constant 0 : i32
      %dma_start3A_511 = tpu.memref_slice %arg13[%dma_start3A_510] : memref<100352xf32, #tpu.memory_space<vmem_shared>> -> memref<100352xf32, #tpu.memory_space<vmem_shared>>
      tpu.enqueue_indirect_dma source(%dma_start3A_506 : memref<128xf32, #tpu.memory_space<vmem>>) target(%dma_start3A_511 : memref<100352xf32, #tpu.memory_space<vmem_shared>>) offsets(%dma_start3A_509 : memref<128xi32, #tpu.memory_space<vmem>>) semaphore(%arg16 : memref<!tpu.dma_semaphore, #tpu.memory_space<semaphore_mem>>) {add = true}
      %dma_start3A_512 = arith.constant 5 : i32
      %dma_start3A_513 = arith.constant 5 : i32
      %dma_start3A_514 = arith.constant 0 : i32
      %dma_start3A_515 = tpu.memref_slice %arg10[%dma_start3A_512, %dma_start3A_514] : memref<8x128xf32, #tpu.memory_space<vmem>> -> memref<1x128xf32, #tpu.memory_space<vmem>>
      %dma_start3A_516 = tpu.memref_squeeze %dma_start3A_515 : memref<1x128xf32, #tpu.memory_space<vmem>> -> memref<128xf32, #tpu.memory_space<vmem>>
      %dma_start3A_517 = arith.constant 0 : i32
      %dma_start3A_518 = tpu.memref_slice %arg7[%dma_start3A_513, %dma_start3A_517] : memref<8x128xi32, #tpu.memory_space<vmem>> -> memref<1x128xi32, #tpu.memory_space<vmem>>
      %dma_start3A_519 = tpu.memref_squeeze %dma_start3A_518 : memref<1x128xi32, #tpu.memory_space<vmem>> -> memref<128xi32, #tpu.memory_space<vmem>>
      %dma_start3A_520 = arith.constant 0 : i32
      %dma_start3A_521 = tpu.memref_slice %arg13[%dma_start3A_520] : memref<100352xf32, #tpu.memory_space<vmem_shared>> -> memref<100352xf32, #tpu.memory_space<vmem_shared>>
      tpu.enqueue_indirect_dma source(%dma_start3A_516 : memref<128xf32, #tpu.memory_space<vmem>>) target(%dma_start3A_521 : memref<100352xf32, #tpu.memory_space<vmem_shared>>) offsets(%dma_start3A_519 : memref<128xi32, #tpu.memory_space<vmem>>) semaphore(%arg16 : memref<!tpu.dma_semaphore, #tpu.memory_space<semaphore_mem>>) {add = true}
      %dma_start3A_522 = arith.constant 6 : i32
      %dma_start3A_523 = arith.constant 6 : i32
      %dma_start3A_524 = arith.constant 0 : i32
      %dma_start3A_525 = tpu.memref_slice %arg10[%dma_start3A_522, %dma_start3A_524] : memref<8x128xf32, #tpu.memory_space<vmem>> -> memref<1x128xf32, #tpu.memory_space<vmem>>
      %dma_start3A_526 = tpu.memref_squeeze %dma_start3A_525 : memref<1x128xf32, #tpu.memory_space<vmem>> -> memref<128xf32, #tpu.memory_space<vmem>>
      %dma_start3A_527 = arith.constant 0 : i32
      %dma_start3A_528 = tpu.memref_slice %arg7[%dma_start3A_523, %dma_start3A_527] : memref<8x128xi32, #tpu.memory_space<vmem>> -> memref<1x128xi32, #tpu.memory_space<vmem>>
      %dma_start3A_529 = tpu.memref_squeeze %dma_start3A_528 : memref<1x128xi32, #tpu.memory_space<vmem>> -> memref<128xi32, #tpu.memory_space<vmem>>
      %dma_start3A_530 = arith.constant 0 : i32
      %dma_start3A_531 = tpu.memref_slice %arg13[%dma_start3A_530] : memref<100352xf32, #tpu.memory_space<vmem_shared>> -> memref<100352xf32, #tpu.memory_space<vmem_shared>>
      tpu.enqueue_indirect_dma source(%dma_start3A_526 : memref<128xf32, #tpu.memory_space<vmem>>) target(%dma_start3A_531 : memref<100352xf32, #tpu.memory_space<vmem_shared>>) offsets(%dma_start3A_529 : memref<128xi32, #tpu.memory_space<vmem>>) semaphore(%arg16 : memref<!tpu.dma_semaphore, #tpu.memory_space<semaphore_mem>>) {add = true}
      %dma_start3A_532 = arith.constant 7 : i32
      %dma_start3A_533 = arith.constant 7 : i32
      %dma_start3A_534 = arith.constant 0 : i32
      %dma_start3A_535 = tpu.memref_slice %arg10[%dma_start3A_532, %dma_start3A_534] : memref<8x128xf32, #tpu.memory_space<vmem>> -> memref<1x128xf32, #tpu.memory_space<vmem>>
      %dma_start3A_536 = tpu.memref_squeeze %dma_start3A_535 : memref<1x128xf32, #tpu.memory_space<vmem>> -> memref<128xf32, #tpu.memory_space<vmem>>
      %dma_start3A_537 = arith.constant 0 : i32
      %dma_start3A_538 = tpu.memref_slice %arg7[%dma_start3A_533, %dma_start3A_537] : memref<8x128xi32, #tpu.memory_space<vmem>> -> memref<1x128xi32, #tpu.memory_space<vmem>>
      %dma_start3A_539 = tpu.memref_squeeze %dma_start3A_538 : memref<1x128xi32, #tpu.memory_space<vmem>> -> memref<128xi32, #tpu.memory_space<vmem>>
      %dma_start3A_540 = arith.constant 0 : i32
      %dma_start3A_541 = tpu.memref_slice %arg13[%dma_start3A_540] : memref<100352xf32, #tpu.memory_space<vmem_shared>> -> memref<100352xf32, #tpu.memory_space<vmem_shared>>
      tpu.enqueue_indirect_dma source(%dma_start3A_536 : memref<128xf32, #tpu.memory_space<vmem>>) target(%dma_start3A_541 : memref<100352xf32, #tpu.memory_space<vmem_shared>>) offsets(%dma_start3A_539 : memref<128xi32, #tpu.memory_space<vmem>>) semaphore(%arg16 : memref<!tpu.dma_semaphore, #tpu.memory_space<semaphore_mem>>) {add = true}
      %dma_wait3A_542 = arith.constant 0 : i32
      %dma_wait3A_543 = arith.constant 0 : i32
      %dma_wait3A_544 = arith.constant 0 : i32
      %dma_wait3A_545 = tpu.memref_slice %arg9[%dma_wait3A_542, %dma_wait3A_544] : memref<8x128xf32, #tpu.memory_space<vmem>> -> memref<1x128xf32, #tpu.memory_space<vmem>>
      %dma_wait3A_546 = tpu.memref_squeeze %dma_wait3A_545 : memref<1x128xf32, #tpu.memory_space<vmem>> -> memref<128xf32, #tpu.memory_space<vmem>>
      %dma_wait3A_547 = arith.constant 0 : i32
      %dma_wait3A_548 = tpu.memref_slice %arg7[%dma_wait3A_543, %dma_wait3A_547] : memref<8x128xi32, #tpu.memory_space<vmem>> -> memref<1x128xi32, #tpu.memory_space<vmem>>
      %dma_wait3A_549 = tpu.memref_squeeze %dma_wait3A_548 : memref<1x128xi32, #tpu.memory_space<vmem>> -> memref<128xi32, #tpu.memory_space<vmem>>
      %dma_wait3A_550 = arith.constant 0 : i32
      %dma_wait3A_551 = tpu.memref_slice %arg12[%dma_wait3A_550] : memref<100352xf32, #tpu.memory_space<vmem_shared>> -> memref<100352xf32, #tpu.memory_space<vmem_shared>>
      tpu.wait_indirect_dma semaphore(%arg16 : memref<!tpu.dma_semaphore, #tpu.memory_space<semaphore_mem>>) src(%dma_wait3A_546 : memref<128xf32, #tpu.memory_space<vmem>>) dst(%dma_wait3A_551 : memref<100352xf32, #tpu.memory_space<vmem_shared>>)
      %dma_wait3A_552 = arith.constant 1 : i32
      %dma_wait3A_553 = arith.constant 1 : i32
      %dma_wait3A_554 = arith.constant 0 : i32
      %dma_wait3A_555 = tpu.memref_slice %arg9[%dma_wait3A_552, %dma_wait3A_554] : memref<8x128xf32, #tpu.memory_space<vmem>> -> memref<1x128xf32, #tpu.memory_space<vmem>>
      %dma_wait3A_556 = tpu.memref_squeeze %dma_wait3A_555 : memref<1x128xf32, #tpu.memory_space<vmem>> -> memref<128xf32, #tpu.memory_space<vmem>>
      %dma_wait3A_557 = arith.constant 0 : i32
      %dma_wait3A_558 = tpu.memref_slice %arg7[%dma_wait3A_553, %dma_wait3A_557] : memref<8x128xi32, #tpu.memory_space<vmem>> -> memref<1x128xi32, #tpu.memory_space<vmem>>
      %dma_wait3A_559 = tpu.memref_squeeze %dma_wait3A_558 : memref<1x128xi32, #tpu.memory_space<vmem>> -> memref<128xi32, #tpu.memory_space<vmem>>
      %dma_wait3A_560 = arith.constant 0 : i32
      %dma_wait3A_561 = tpu.memref_slice %arg12[%dma_wait3A_560] : memref<100352xf32, #tpu.memory_space<vmem_shared>> -> memref<100352xf32, #tpu.memory_space<vmem_shared>>
      tpu.wait_indirect_dma semaphore(%arg16 : memref<!tpu.dma_semaphore, #tpu.memory_space<semaphore_mem>>) src(%dma_wait3A_556 : memref<128xf32, #tpu.memory_space<vmem>>) dst(%dma_wait3A_561 : memref<100352xf32, #tpu.memory_space<vmem_shared>>)
      %dma_wait3A_562 = arith.constant 2 : i32
      %dma_wait3A_563 = arith.constant 2 : i32
      %dma_wait3A_564 = arith.constant 0 : i32
      %dma_wait3A_565 = tpu.memref_slice %arg9[%dma_wait3A_562, %dma_wait3A_564] : memref<8x128xf32, #tpu.memory_space<vmem>> -> memref<1x128xf32, #tpu.memory_space<vmem>>
      %dma_wait3A_566 = tpu.memref_squeeze %dma_wait3A_565 : memref<1x128xf32, #tpu.memory_space<vmem>> -> memref<128xf32, #tpu.memory_space<vmem>>
      %dma_wait3A_567 = arith.constant 0 : i32
      %dma_wait3A_568 = tpu.memref_slice %arg7[%dma_wait3A_563, %dma_wait3A_567] : memref<8x128xi32, #tpu.memory_space<vmem>> -> memref<1x128xi32, #tpu.memory_space<vmem>>
      %dma_wait3A_569 = tpu.memref_squeeze %dma_wait3A_568 : memref<1x128xi32, #tpu.memory_space<vmem>> -> memref<128xi32, #tpu.memory_space<vmem>>
      %dma_wait3A_570 = arith.constant 0 : i32
      %dma_wait3A_571 = tpu.memref_slice %arg12[%dma_wait3A_570] : memref<100352xf32, #tpu.memory_space<vmem_shared>> -> memref<100352xf32, #tpu.memory_space<vmem_shared>>
      tpu.wait_indirect_dma semaphore(%arg16 : memref<!tpu.dma_semaphore, #tpu.memory_space<semaphore_mem>>) src(%dma_wait3A_566 : memref<128xf32, #tpu.memory_space<vmem>>) dst(%dma_wait3A_571 : memref<100352xf32, #tpu.memory_space<vmem_shared>>)
      %dma_wait3A_572 = arith.constant 3 : i32
      %dma_wait3A_573 = arith.constant 3 : i32
      %dma_wait3A_574 = arith.constant 0 : i32
      %dma_wait3A_575 = tpu.memref_slice %arg9[%dma_wait3A_572, %dma_wait3A_574] : memref<8x128xf32, #tpu.memory_space<vmem>> -> memref<1x128xf32, #tpu.memory_space<vmem>>
      %dma_wait3A_576 = tpu.memref_squeeze %dma_wait3A_575 : memref<1x128xf32, #tpu.memory_space<vmem>> -> memref<128xf32, #tpu.memory_space<vmem>>
      %dma_wait3A_577 = arith.constant 0 : i32
      %dma_wait3A_578 = tpu.memref_slice %arg7[%dma_wait3A_573, %dma_wait3A_577] : memref<8x128xi32, #tpu.memory_space<vmem>> -> memref<1x128xi32, #tpu.memory_space<vmem>>
      %dma_wait3A_579 = tpu.memref_squeeze %dma_wait3A_578 : memref<1x128xi32, #tpu.memory_space<vmem>> -> memref<128xi32, #tpu.memory_space<vmem>>
      %dma_wait3A_580 = arith.constant 0 : i32
      %dma_wait3A_581 = tpu.memref_slice %arg12[%dma_wait3A_580] : memref<100352xf32, #tpu.memory_space<vmem_shared>> -> memref<100352xf32, #tpu.memory_space<vmem_shared>>
      tpu.wait_indirect_dma semaphore(%arg16 : memref<!tpu.dma_semaphore, #tpu.memory_space<semaphore_mem>>) src(%dma_wait3A_576 : memref<128xf32, #tpu.memory_space<vmem>>) dst(%dma_wait3A_581 : memref<100352xf32, #tpu.memory_space<vmem_shared>>)
      %dma_wait3A_582 = arith.constant 4 : i32
      %dma_wait3A_583 = arith.constant 4 : i32
      %dma_wait3A_584 = arith.constant 0 : i32
      %dma_wait3A_585 = tpu.memref_slice %arg9[%dma_wait3A_582, %dma_wait3A_584] : memref<8x128xf32, #tpu.memory_space<vmem>> -> memref<1x128xf32, #tpu.memory_space<vmem>>
      %dma_wait3A_586 = tpu.memref_squeeze %dma_wait3A_585 : memref<1x128xf32, #tpu.memory_space<vmem>> -> memref<128xf32, #tpu.memory_space<vmem>>
      %dma_wait3A_587 = arith.constant 0 : i32
      %dma_wait3A_588 = tpu.memref_slice %arg7[%dma_wait3A_583, %dma_wait3A_587] : memref<8x128xi32, #tpu.memory_space<vmem>> -> memref<1x128xi32, #tpu.memory_space<vmem>>
      %dma_wait3A_589 = tpu.memref_squeeze %dma_wait3A_588 : memref<1x128xi32, #tpu.memory_space<vmem>> -> memref<128xi32, #tpu.memory_space<vmem>>
      %dma_wait3A_590 = arith.constant 0 : i32
      %dma_wait3A_591 = tpu.memref_slice %arg12[%dma_wait3A_590] : memref<100352xf32, #tpu.memory_space<vmem_shared>> -> memref<100352xf32, #tpu.memory_space<vmem_shared>>
      tpu.wait_indirect_dma semaphore(%arg16 : memref<!tpu.dma_semaphore, #tpu.memory_space<semaphore_mem>>) src(%dma_wait3A_586 : memref<128xf32, #tpu.memory_space<vmem>>) dst(%dma_wait3A_591 : memref<100352xf32, #tpu.memory_space<vmem_shared>>)
      %dma_wait3A_592 = arith.constant 5 : i32
      %dma_wait3A_593 = arith.constant 5 : i32
      %dma_wait3A_594 = arith.constant 0 : i32
      %dma_wait3A_595 = tpu.memref_slice %arg9[%dma_wait3A_592, %dma_wait3A_594] : memref<8x128xf32, #tpu.memory_space<vmem>> -> memref<1x128xf32, #tpu.memory_space<vmem>>
      %dma_wait3A_596 = tpu.memref_squeeze %dma_wait3A_595 : memref<1x128xf32, #tpu.memory_space<vmem>> -> memref<128xf32, #tpu.memory_space<vmem>>
      %dma_wait3A_597 = arith.constant 0 : i32
      %dma_wait3A_598 = tpu.memref_slice %arg7[%dma_wait3A_593, %dma_wait3A_597] : memref<8x128xi32, #tpu.memory_space<vmem>> -> memref<1x128xi32, #tpu.memory_space<vmem>>
      %dma_wait3A_599 = tpu.memref_squeeze %dma_wait3A_598 : memref<1x128xi32, #tpu.memory_space<vmem>> -> memref<128xi32, #tpu.memory_space<vmem>>
      %dma_wait3A_600 = arith.constant 0 : i32
      %dma_wait3A_601 = tpu.memref_slice %arg12[%dma_wait3A_600] : memref<100352xf32, #tpu.memory_space<vmem_shared>> -> memref<100352xf32, #tpu.memory_space<vmem_shared>>
      tpu.wait_indirect_dma semaphore(%arg16 : memref<!tpu.dma_semaphore, #tpu.memory_space<semaphore_mem>>) src(%dma_wait3A_596 : memref<128xf32, #tpu.memory_space<vmem>>) dst(%dma_wait3A_601 : memref<100352xf32, #tpu.memory_space<vmem_shared>>)
      %dma_wait3A_602 = arith.constant 6 : i32
      %dma_wait3A_603 = arith.constant 6 : i32
      %dma_wait3A_604 = arith.constant 0 : i32
      %dma_wait3A_605 = tpu.memref_slice %arg9[%dma_wait3A_602, %dma_wait3A_604] : memref<8x128xf32, #tpu.memory_space<vmem>> -> memref<1x128xf32, #tpu.memory_space<vmem>>
      %dma_wait3A_606 = tpu.memref_squeeze %dma_wait3A_605 : memref<1x128xf32, #tpu.memory_space<vmem>> -> memref<128xf32, #tpu.memory_space<vmem>>
      %dma_wait3A_607 = arith.constant 0 : i32
      %dma_wait3A_608 = tpu.memref_slice %arg7[%dma_wait3A_603, %dma_wait3A_607] : memref<8x128xi32, #tpu.memory_space<vmem>> -> memref<1x128xi32, #tpu.memory_space<vmem>>
      %dma_wait3A_609 = tpu.memref_squeeze %dma_wait3A_608 : memref<1x128xi32, #tpu.memory_space<vmem>> -> memref<128xi32, #tpu.memory_space<vmem>>
      %dma_wait3A_610 = arith.constant 0 : i32
      %dma_wait3A_611 = tpu.memref_slice %arg12[%dma_wait3A_610] : memref<100352xf32, #tpu.memory_space<vmem_shared>> -> memref<100352xf32, #tpu.memory_space<vmem_shared>>
      tpu.wait_indirect_dma semaphore(%arg16 : memref<!tpu.dma_semaphore, #tpu.memory_space<semaphore_mem>>) src(%dma_wait3A_606 : memref<128xf32, #tpu.memory_space<vmem>>) dst(%dma_wait3A_611 : memref<100352xf32, #tpu.memory_space<vmem_shared>>)
      %dma_wait3A_612 = arith.constant 7 : i32
      %dma_wait3A_613 = arith.constant 7 : i32
      %dma_wait3A_614 = arith.constant 0 : i32
      %dma_wait3A_615 = tpu.memref_slice %arg9[%dma_wait3A_612, %dma_wait3A_614] : memref<8x128xf32, #tpu.memory_space<vmem>> -> memref<1x128xf32, #tpu.memory_space<vmem>>
      %dma_wait3A_616 = tpu.memref_squeeze %dma_wait3A_615 : memref<1x128xf32, #tpu.memory_space<vmem>> -> memref<128xf32, #tpu.memory_space<vmem>>
      %dma_wait3A_617 = arith.constant 0 : i32
      %dma_wait3A_618 = tpu.memref_slice %arg7[%dma_wait3A_613, %dma_wait3A_617] : memref<8x128xi32, #tpu.memory_space<vmem>> -> memref<1x128xi32, #tpu.memory_space<vmem>>
      %dma_wait3A_619 = tpu.memref_squeeze %dma_wait3A_618 : memref<1x128xi32, #tpu.memory_space<vmem>> -> memref<128xi32, #tpu.memory_space<vmem>>
      %dma_wait3A_620 = arith.constant 0 : i32
      %dma_wait3A_621 = tpu.memref_slice %arg12[%dma_wait3A_620] : memref<100352xf32, #tpu.memory_space<vmem_shared>> -> memref<100352xf32, #tpu.memory_space<vmem_shared>>
      tpu.wait_indirect_dma semaphore(%arg16 : memref<!tpu.dma_semaphore, #tpu.memory_space<semaphore_mem>>) src(%dma_wait3A_616 : memref<128xf32, #tpu.memory_space<vmem>>) dst(%dma_wait3A_621 : memref<100352xf32, #tpu.memory_space<vmem_shared>>)
      %dma_wait3A_622 = arith.constant 0 : i32
      %dma_wait3A_623 = arith.constant 0 : i32
      %dma_wait3A_624 = arith.constant 0 : i32
      %dma_wait3A_625 = tpu.memref_slice %arg10[%dma_wait3A_622, %dma_wait3A_624] : memref<8x128xf32, #tpu.memory_space<vmem>> -> memref<1x128xf32, #tpu.memory_space<vmem>>
      %dma_wait3A_626 = tpu.memref_squeeze %dma_wait3A_625 : memref<1x128xf32, #tpu.memory_space<vmem>> -> memref<128xf32, #tpu.memory_space<vmem>>
      %dma_wait3A_627 = arith.constant 0 : i32
      %dma_wait3A_628 = tpu.memref_slice %arg7[%dma_wait3A_623, %dma_wait3A_627] : memref<8x128xi32, #tpu.memory_space<vmem>> -> memref<1x128xi32, #tpu.memory_space<vmem>>
      %dma_wait3A_629 = tpu.memref_squeeze %dma_wait3A_628 : memref<1x128xi32, #tpu.memory_space<vmem>> -> memref<128xi32, #tpu.memory_space<vmem>>
      %dma_wait3A_630 = arith.constant 0 : i32
      %dma_wait3A_631 = tpu.memref_slice %arg13[%dma_wait3A_630] : memref<100352xf32, #tpu.memory_space<vmem_shared>> -> memref<100352xf32, #tpu.memory_space<vmem_shared>>
      tpu.wait_indirect_dma semaphore(%arg16 : memref<!tpu.dma_semaphore, #tpu.memory_space<semaphore_mem>>) src(%dma_wait3A_626 : memref<128xf32, #tpu.memory_space<vmem>>) dst(%dma_wait3A_631 : memref<100352xf32, #tpu.memory_space<vmem_shared>>)
      %dma_wait3A_632 = arith.constant 1 : i32
      %dma_wait3A_633 = arith.constant 1 : i32
      %dma_wait3A_634 = arith.constant 0 : i32
      %dma_wait3A_635 = tpu.memref_slice %arg10[%dma_wait3A_632, %dma_wait3A_634] : memref<8x128xf32, #tpu.memory_space<vmem>> -> memref<1x128xf32, #tpu.memory_space<vmem>>
      %dma_wait3A_636 = tpu.memref_squeeze %dma_wait3A_635 : memref<1x128xf32, #tpu.memory_space<vmem>> -> memref<128xf32, #tpu.memory_space<vmem>>
      %dma_wait3A_637 = arith.constant 0 : i32
      %dma_wait3A_638 = tpu.memref_slice %arg7[%dma_wait3A_633, %dma_wait3A_637] : memref<8x128xi32, #tpu.memory_space<vmem>> -> memref<1x128xi32, #tpu.memory_space<vmem>>
      %dma_wait3A_639 = tpu.memref_squeeze %dma_wait3A_638 : memref<1x128xi32, #tpu.memory_space<vmem>> -> memref<128xi32, #tpu.memory_space<vmem>>
      %dma_wait3A_640 = arith.constant 0 : i32
      %dma_wait3A_641 = tpu.memref_slice %arg13[%dma_wait3A_640] : memref<100352xf32, #tpu.memory_space<vmem_shared>> -> memref<100352xf32, #tpu.memory_space<vmem_shared>>
      tpu.wait_indirect_dma semaphore(%arg16 : memref<!tpu.dma_semaphore, #tpu.memory_space<semaphore_mem>>) src(%dma_wait3A_636 : memref<128xf32, #tpu.memory_space<vmem>>) dst(%dma_wait3A_641 : memref<100352xf32, #tpu.memory_space<vmem_shared>>)
      %dma_wait3A_642 = arith.constant 2 : i32
      %dma_wait3A_643 = arith.constant 2 : i32
      %dma_wait3A_644 = arith.constant 0 : i32
      %dma_wait3A_645 = tpu.memref_slice %arg10[%dma_wait3A_642, %dma_wait3A_644] : memref<8x128xf32, #tpu.memory_space<vmem>> -> memref<1x128xf32, #tpu.memory_space<vmem>>
      %dma_wait3A_646 = tpu.memref_squeeze %dma_wait3A_645 : memref<1x128xf32, #tpu.memory_space<vmem>> -> memref<128xf32, #tpu.memory_space<vmem>>
      %dma_wait3A_647 = arith.constant 0 : i32
      %dma_wait3A_648 = tpu.memref_slice %arg7[%dma_wait3A_643, %dma_wait3A_647] : memref<8x128xi32, #tpu.memory_space<vmem>> -> memref<1x128xi32, #tpu.memory_space<vmem>>
      %dma_wait3A_649 = tpu.memref_squeeze %dma_wait3A_648 : memref<1x128xi32, #tpu.memory_space<vmem>> -> memref<128xi32, #tpu.memory_space<vmem>>
      %dma_wait3A_650 = arith.constant 0 : i32
      %dma_wait3A_651 = tpu.memref_slice %arg13[%dma_wait3A_650] : memref<100352xf32, #tpu.memory_space<vmem_shared>> -> memref<100352xf32, #tpu.memory_space<vmem_shared>>
      tpu.wait_indirect_dma semaphore(%arg16 : memref<!tpu.dma_semaphore, #tpu.memory_space<semaphore_mem>>) src(%dma_wait3A_646 : memref<128xf32, #tpu.memory_space<vmem>>) dst(%dma_wait3A_651 : memref<100352xf32, #tpu.memory_space<vmem_shared>>)
      %dma_wait3A_652 = arith.constant 3 : i32
      %dma_wait3A_653 = arith.constant 3 : i32
      %dma_wait3A_654 = arith.constant 0 : i32
      %dma_wait3A_655 = tpu.memref_slice %arg10[%dma_wait3A_652, %dma_wait3A_654] : memref<8x128xf32, #tpu.memory_space<vmem>> -> memref<1x128xf32, #tpu.memory_space<vmem>>
      %dma_wait3A_656 = tpu.memref_squeeze %dma_wait3A_655 : memref<1x128xf32, #tpu.memory_space<vmem>> -> memref<128xf32, #tpu.memory_space<vmem>>
      %dma_wait3A_657 = arith.constant 0 : i32
      %dma_wait3A_658 = tpu.memref_slice %arg7[%dma_wait3A_653, %dma_wait3A_657] : memref<8x128xi32, #tpu.memory_space<vmem>> -> memref<1x128xi32, #tpu.memory_space<vmem>>
      %dma_wait3A_659 = tpu.memref_squeeze %dma_wait3A_658 : memref<1x128xi32, #tpu.memory_space<vmem>> -> memref<128xi32, #tpu.memory_space<vmem>>
      %dma_wait3A_660 = arith.constant 0 : i32
      %dma_wait3A_661 = tpu.memref_slice %arg13[%dma_wait3A_660] : memref<100352xf32, #tpu.memory_space<vmem_shared>> -> memref<100352xf32, #tpu.memory_space<vmem_shared>>
      tpu.wait_indirect_dma semaphore(%arg16 : memref<!tpu.dma_semaphore, #tpu.memory_space<semaphore_mem>>) src(%dma_wait3A_656 : memref<128xf32, #tpu.memory_space<vmem>>) dst(%dma_wait3A_661 : memref<100352xf32, #tpu.memory_space<vmem_shared>>)
      %dma_wait3A_662 = arith.constant 4 : i32
      %dma_wait3A_663 = arith.constant 4 : i32
      %dma_wait3A_664 = arith.constant 0 : i32
      %dma_wait3A_665 = tpu.memref_slice %arg10[%dma_wait3A_662, %dma_wait3A_664] : memref<8x128xf32, #tpu.memory_space<vmem>> -> memref<1x128xf32, #tpu.memory_space<vmem>>
      %dma_wait3A_666 = tpu.memref_squeeze %dma_wait3A_665 : memref<1x128xf32, #tpu.memory_space<vmem>> -> memref<128xf32, #tpu.memory_space<vmem>>
      %dma_wait3A_667 = arith.constant 0 : i32
      %dma_wait3A_668 = tpu.memref_slice %arg7[%dma_wait3A_663, %dma_wait3A_667] : memref<8x128xi32, #tpu.memory_space<vmem>> -> memref<1x128xi32, #tpu.memory_space<vmem>>
      %dma_wait3A_669 = tpu.memref_squeeze %dma_wait3A_668 : memref<1x128xi32, #tpu.memory_space<vmem>> -> memref<128xi32, #tpu.memory_space<vmem>>
      %dma_wait3A_670 = arith.constant 0 : i32
      %dma_wait3A_671 = tpu.memref_slice %arg13[%dma_wait3A_670] : memref<100352xf32, #tpu.memory_space<vmem_shared>> -> memref<100352xf32, #tpu.memory_space<vmem_shared>>
      tpu.wait_indirect_dma semaphore(%arg16 : memref<!tpu.dma_semaphore, #tpu.memory_space<semaphore_mem>>) src(%dma_wait3A_666 : memref<128xf32, #tpu.memory_space<vmem>>) dst(%dma_wait3A_671 : memref<100352xf32, #tpu.memory_space<vmem_shared>>)
      %dma_wait3A_672 = arith.constant 5 : i32
      %dma_wait3A_673 = arith.constant 5 : i32
      %dma_wait3A_674 = arith.constant 0 : i32
      %dma_wait3A_675 = tpu.memref_slice %arg10[%dma_wait3A_672, %dma_wait3A_674] : memref<8x128xf32, #tpu.memory_space<vmem>> -> memref<1x128xf32, #tpu.memory_space<vmem>>
      %dma_wait3A_676 = tpu.memref_squeeze %dma_wait3A_675 : memref<1x128xf32, #tpu.memory_space<vmem>> -> memref<128xf32, #tpu.memory_space<vmem>>
      %dma_wait3A_677 = arith.constant 0 : i32
      %dma_wait3A_678 = tpu.memref_slice %arg7[%dma_wait3A_673, %dma_wait3A_677] : memref<8x128xi32, #tpu.memory_space<vmem>> -> memref<1x128xi32, #tpu.memory_space<vmem>>
      %dma_wait3A_679 = tpu.memref_squeeze %dma_wait3A_678 : memref<1x128xi32, #tpu.memory_space<vmem>> -> memref<128xi32, #tpu.memory_space<vmem>>
      %dma_wait3A_680 = arith.constant 0 : i32
      %dma_wait3A_681 = tpu.memref_slice %arg13[%dma_wait3A_680] : memref<100352xf32, #tpu.memory_space<vmem_shared>> -> memref<100352xf32, #tpu.memory_space<vmem_shared>>
      tpu.wait_indirect_dma semaphore(%arg16 : memref<!tpu.dma_semaphore, #tpu.memory_space<semaphore_mem>>) src(%dma_wait3A_676 : memref<128xf32, #tpu.memory_space<vmem>>) dst(%dma_wait3A_681 : memref<100352xf32, #tpu.memory_space<vmem_shared>>)
      %dma_wait3A_682 = arith.constant 6 : i32
      %dma_wait3A_683 = arith.constant 6 : i32
      %dma_wait3A_684 = arith.constant 0 : i32
      %dma_wait3A_685 = tpu.memref_slice %arg10[%dma_wait3A_682, %dma_wait3A_684] : memref<8x128xf32, #tpu.memory_space<vmem>> -> memref<1x128xf32, #tpu.memory_space<vmem>>
      %dma_wait3A_686 = tpu.memref_squeeze %dma_wait3A_685 : memref<1x128xf32, #tpu.memory_space<vmem>> -> memref<128xf32, #tpu.memory_space<vmem>>
      %dma_wait3A_687 = arith.constant 0 : i32
      %dma_wait3A_688 = tpu.memref_slice %arg7[%dma_wait3A_683, %dma_wait3A_687] : memref<8x128xi32, #tpu.memory_space<vmem>> -> memref<1x128xi32, #tpu.memory_space<vmem>>
      %dma_wait3A_689 = tpu.memref_squeeze %dma_wait3A_688 : memref<1x128xi32, #tpu.memory_space<vmem>> -> memref<128xi32, #tpu.memory_space<vmem>>
      %dma_wait3A_690 = arith.constant 0 : i32
      %dma_wait3A_691 = tpu.memref_slice %arg13[%dma_wait3A_690] : memref<100352xf32, #tpu.memory_space<vmem_shared>> -> memref<100352xf32, #tpu.memory_space<vmem_shared>>
      tpu.wait_indirect_dma semaphore(%arg16 : memref<!tpu.dma_semaphore, #tpu.memory_space<semaphore_mem>>) src(%dma_wait3A_686 : memref<128xf32, #tpu.memory_space<vmem>>) dst(%dma_wait3A_691 : memref<100352xf32, #tpu.memory_space<vmem_shared>>)
      %dma_wait3A_692 = arith.constant 7 : i32
      %dma_wait3A_693 = arith.constant 7 : i32
      %dma_wait3A_694 = arith.constant 0 : i32
      %dma_wait3A_695 = tpu.memref_slice %arg10[%dma_wait3A_692, %dma_wait3A_694] : memref<8x128xf32, #tpu.memory_space<vmem>> -> memref<1x128xf32, #tpu.memory_space<vmem>>
      %dma_wait3A_696 = tpu.memref_squeeze %dma_wait3A_695 : memref<1x128xf32, #tpu.memory_space<vmem>> -> memref<128xf32, #tpu.memory_space<vmem>>
      %dma_wait3A_697 = arith.constant 0 : i32
      %dma_wait3A_698 = tpu.memref_slice %arg7[%dma_wait3A_693, %dma_wait3A_697] : memref<8x128xi32, #tpu.memory_space<vmem>> -> memref<1x128xi32, #tpu.memory_space<vmem>>
      %dma_wait3A_699 = tpu.memref_squeeze %dma_wait3A_698 : memref<1x128xi32, #tpu.memory_space<vmem>> -> memref<128xi32, #tpu.memory_space<vmem>>
      %dma_wait3A_700 = arith.constant 0 : i32
      %dma_wait3A_701 = tpu.memref_slice %arg13[%dma_wait3A_700] : memref<100352xf32, #tpu.memory_space<vmem_shared>> -> memref<100352xf32, #tpu.memory_space<vmem_shared>>
      tpu.wait_indirect_dma semaphore(%arg16 : memref<!tpu.dma_semaphore, #tpu.memory_space<semaphore_mem>>) src(%dma_wait3A_696 : memref<128xf32, #tpu.memory_space<vmem>>) dst(%dma_wait3A_701 : memref<100352xf32, #tpu.memory_space<vmem_shared>>)
      %scan3A_702 = arith.constant 0 : i32
      scf.yield %scan3A_702 : i32
    }
    %scan3A_19 = arith.constant 196 : i32
    %barrier3A_20 = arith.constant 0 : index
    tpu.barrier barrier_id(%barrier3A_20)
    %mul3A_21 = arith.constant 2 : i32
    %mul3A_22 = arith.muli %arg0, %mul3A_21 : i32
    %add3A_23 = arith.constant 0 : i32
    %add3A_24 = arith.addi %mul3A_22, %add3A_23 : i32
    %mul3A_25 = arith.constant 100352 : i32
    %mul3A_26 = arith.muli %add3A_24, %mul3A_25 : i32
    %mul3A_27 = arith.constant 6272 : i32
    %mul3A_28 = arith.muli %arg1, %mul3A_27 : i32
    %add3A_29 = arith.addi %mul3A_26, %mul3A_28 : i32
    %mul3A_30 = arith.constant 6272 : i32
    %mul3A_31 = arith.muli %arg1, %mul3A_30 : i32
    "tpu.region"() ({
      %run_scoped3A = tpu.sem_alloc : memref<!tpu.dma_semaphore, #tpu.memory_space<semaphore_mem>>
      %dma_start3A = tpu.memref_slice %arg6[%add3A_29] : memref<401408xf32, #tpu.memory_space<hbm>> -> memref<6272xf32, #tpu.memory_space<hbm>>
      %dma_start3A_43 = tpu.memref_slice %arg12[%mul3A_31] : memref<100352xf32, #tpu.memory_space<vmem_shared>> -> memref<6272xf32, #tpu.memory_space<vmem_shared>>
      tpu.enqueue_dma source(%dma_start3A_43 : memref<6272xf32, #tpu.memory_space<vmem_shared>>) target(%dma_start3A : memref<6272xf32, #tpu.memory_space<hbm>>) target_semaphore(%run_scoped3A : memref<!tpu.dma_semaphore, #tpu.memory_space<semaphore_mem>>)
      %dma_wait3A = tpu.memref_slice %arg6[%add3A_29] : memref<401408xf32, #tpu.memory_space<hbm>> -> memref<6272xf32, #tpu.memory_space<hbm>>
      %dma_wait3A_44 = tpu.memref_slice %arg12[%mul3A_31] : memref<100352xf32, #tpu.memory_space<vmem_shared>> -> memref<6272xf32, #tpu.memory_space<vmem_shared>>
      tpu.wait_dma2 semaphore(%run_scoped3A : memref<!tpu.dma_semaphore, #tpu.memory_space<semaphore_mem>>) src(%dma_wait3A_44 : memref<6272xf32, #tpu.memory_space<vmem_shared>>) dst(%dma_wait3A : memref<6272xf32, #tpu.memory_space<hbm>>)
      tpu.yield
    }) : () -> ()
    %mul3A_32 = arith.constant 2 : i32
    %mul3A_33 = arith.muli %arg0, %mul3A_32 : i32
    %add3A_34 = arith.constant 1 : i32
    %add3A_35 = arith.addi %mul3A_33, %add3A_34 : i32
    %mul3A_36 = arith.constant 100352 : i32
    %mul3A_37 = arith.muli %add3A_35, %mul3A_36 : i32
    %mul3A_38 = arith.constant 6272 : i32
    %mul3A_39 = arith.muli %arg1, %mul3A_38 : i32
    %add3A_40 = arith.addi %mul3A_37, %mul3A_39 : i32
    %mul3A_41 = arith.constant 6272 : i32
    %mul3A_42 = arith.muli %arg1, %mul3A_41 : i32
    "tpu.region"() ({
      %run_scoped3A = tpu.sem_alloc : memref<!tpu.dma_semaphore, #tpu.memory_space<semaphore_mem>>
      %dma_start3A = tpu.memref_slice %arg6[%add3A_40] : memref<401408xf32, #tpu.memory_space<hbm>> -> memref<6272xf32, #tpu.memory_space<hbm>>
      %dma_start3A_43 = tpu.memref_slice %arg13[%mul3A_42] : memref<100352xf32, #tpu.memory_space<vmem_shared>> -> memref<6272xf32, #tpu.memory_space<vmem_shared>>
      tpu.enqueue_dma source(%dma_start3A_43 : memref<6272xf32, #tpu.memory_space<vmem_shared>>) target(%dma_start3A : memref<6272xf32, #tpu.memory_space<hbm>>) target_semaphore(%run_scoped3A : memref<!tpu.dma_semaphore, #tpu.memory_space<semaphore_mem>>)
      %dma_wait3A = tpu.memref_slice %arg6[%add3A_40] : memref<401408xf32, #tpu.memory_space<hbm>> -> memref<6272xf32, #tpu.memory_space<hbm>>
      %dma_wait3A_44 = tpu.memref_slice %arg13[%mul3A_42] : memref<100352xf32, #tpu.memory_space<vmem_shared>> -> memref<6272xf32, #tpu.memory_space<vmem_shared>>
      tpu.wait_dma2 semaphore(%run_scoped3A : memref<!tpu.dma_semaphore, #tpu.memory_space<semaphore_mem>>) src(%dma_wait3A_44 : memref<6272xf32, #tpu.memory_space<vmem_shared>>) dst(%dma_wait3A : memref<6272xf32, #tpu.memory_space<hbm>>)
      tpu.yield
    }) : () -> ()
    return
  }
}

module attributes {stable_mosaic.version = 14 : i64} {
  func.func @_tc1_body(%arg0: memref<2x1x784x128xf32, #tpu.memory_space<vmem>>, %arg1: memref<3x784x128xf32, #tpu.memory_space<vmem>>, %arg2: memref<784x128xf32, #tpu.memory_space<vmem>>, %arg3: memref<784x128xf32, #tpu.memory_space<vmem>>, %arg4: memref<784x128xf32, #tpu.memory_space<vmem>>, %arg5: memref<784x128xf32, #tpu.memory_space<vmem>>) attributes {dimension_semantics = [], scalar_prefetch = 0 : i64, scratch_operands = 0 : i64, tpu.core_type = #tpu.core_type<tc>} {
    %get3A = arith.constant 0 : index
    %get3A_0 = arith.constant 0 : index
    %get3A_1 = arith.constant 0 : index
    %get3A_2 = arith.constant 0 : index
    %get3A_3 = vector.load %arg0[%get3A, %get3A_0, %get3A_1, %get3A_2] : memref<2x1x784x128xf32, #tpu.memory_space<vmem>>, vector<1x1x784x128xf32>
    %get3A_4 = vector.shape_cast %get3A_3 : vector<1x1x784x128xf32> to vector<784x128xf32>
    %get3A_5 = arith.constant 1 : index
    %get3A_6 = arith.constant 0 : index
    %get3A_7 = arith.constant 0 : index
    %get3A_8 = arith.constant 0 : index
    %get3A_9 = vector.load %arg0[%get3A_5, %get3A_6, %get3A_7, %get3A_8] : memref<2x1x784x128xf32, #tpu.memory_space<vmem>>, vector<1x1x784x128xf32>
    %get3A_10 = vector.shape_cast %get3A_9 : vector<1x1x784x128xf32> to vector<784x128xf32>
    %add3A = arith.addf %get3A_4, %get3A_10 : vector<784x128xf32>
    %add3A_11 = arith.constant 1.000000e+00 : f32
    %add3A_12 = vector.broadcast %add3A_11 : f32 to vector<784x128xf32>
    %add3A_13 = arith.addf %add3A, %add3A_12 : vector<784x128xf32>
    %rsqrt3A = math.rsqrt %add3A_13 : vector<784x128xf32>
    %swap3A = arith.constant 0 : index
    %swap3A_14 = arith.constant 0 : index
    %swap3A_15 = vector.load %arg2[%swap3A, %swap3A_14] : memref<784x128xf32, #tpu.memory_space<vmem>>, vector<784x128xf32>
    tpu.vector_store %arg2[%swap3A, %swap3A_14], %rsqrt3A {strides = array<i32>} : memref<784x128xf32, #tpu.memory_space<vmem>>, vector<784x128xf32>,
    %get3A_16 = arith.constant 0 : index
    %get3A_17 = arith.constant 0 : index
    %get3A_18 = arith.constant 0 : index
    %get3A_19 = vector.load %arg1[%get3A_16, %get3A_17, %get3A_18] : memref<3x784x128xf32, #tpu.memory_space<vmem>>, vector<1x784x128xf32>
    %get3A_20 = vector.shape_cast %get3A_19 : vector<1x784x128xf32> to vector<784x128xf32>
    %mul3A = arith.mulf %get3A_20, %rsqrt3A : vector<784x128xf32>
    %swap3A_21 = arith.constant 0 : index
    %swap3A_22 = arith.constant 0 : index
    %swap3A_23 = vector.load %arg3[%swap3A_21, %swap3A_22] : memref<784x128xf32, #tpu.memory_space<vmem>>, vector<784x128xf32>
    tpu.vector_store %arg3[%swap3A_21, %swap3A_22], %mul3A {strides = array<i32>} : memref<784x128xf32, #tpu.memory_space<vmem>>, vector<784x128xf32>,
    %get3A_24 = arith.constant 1 : index
    %get3A_25 = arith.constant 0 : index
    %get3A_26 = arith.constant 0 : index
    %get3A_27 = vector.load %arg1[%get3A_24, %get3A_25, %get3A_26] : memref<3x784x128xf32, #tpu.memory_space<vmem>>, vector<1x784x128xf32>
    %get3A_28 = vector.shape_cast %get3A_27 : vector<1x784x128xf32> to vector<784x128xf32>
    %mul3A_29 = arith.mulf %get3A_28, %rsqrt3A : vector<784x128xf32>
    %swap3A_30 = arith.constant 0 : index
    %swap3A_31 = arith.constant 0 : index
    %swap3A_32 = vector.load %arg4[%swap3A_30, %swap3A_31] : memref<784x128xf32, #tpu.memory_space<vmem>>, vector<784x128xf32>
    tpu.vector_store %arg4[%swap3A_30, %swap3A_31], %mul3A_29 {strides = array<i32>} : memref<784x128xf32, #tpu.memory_space<vmem>>, vector<784x128xf32>,
    %get3A_33 = arith.constant 2 : index
    %get3A_34 = arith.constant 0 : index
    %get3A_35 = arith.constant 0 : index
    %get3A_36 = vector.load %arg1[%get3A_33, %get3A_34, %get3A_35] : memref<3x784x128xf32, #tpu.memory_space<vmem>>, vector<1x784x128xf32>
    %get3A_37 = vector.shape_cast %get3A_36 : vector<1x784x128xf32> to vector<784x128xf32>
    %mul3A_38 = arith.mulf %get3A_37, %rsqrt3A : vector<784x128xf32>
    %swap3A_39 = arith.constant 0 : index
    %swap3A_40 = arith.constant 0 : index
    %swap3A_41 = vector.load %arg5[%swap3A_39, %swap3A_40] : memref<784x128xf32, #tpu.memory_space<vmem>>, vector<784x128xf32>
    tpu.vector_store %arg5[%swap3A_39, %swap3A_40], %mul3A_38 {strides = array<i32>} : memref<784x128xf32, #tpu.memory_space<vmem>>, vector<784x128xf32>,
    return
  }
}

module attributes {stable_mosaic.version = 14 : i64} {
  func.func @_tc2_body(%arg0: memref<2x3x784x128xf32, #tpu.memory_space<vmem>>, %arg1: memref<784x128xf32, #tpu.memory_space<vmem>>, %arg2: memref<784x128xf32, #tpu.memory_space<vmem>>, %arg3: memref<784x128xf32, #tpu.memory_space<vmem>>, %arg4: memref<784x128xf32, #tpu.memory_space<vmem>>, %arg5: memref<3x8xf32, #tpu.memory_space<smem>>, %arg6: memref<8xf32, #tpu.memory_space<smem>>, %arg7: memref<8x2xf32, #tpu.memory_space<smem>>, %arg8: memref<784x128xf32, #tpu.memory_space<vmem>>, %arg9: memref<784x128xf32, #tpu.memory_space<vmem>>) attributes {dimension_semantics = [], scalar_prefetch = 0 : i64, scratch_operands = 0 : i64, tpu.core_type = #tpu.core_type<tc>} {
    %get3A = arith.constant 0 : index
    %get3A_0 = arith.constant 0 : index
    %get3A_1 = vector.load %arg4[%get3A, %get3A_0] : memref<784x128xf32, #tpu.memory_space<vmem>>, vector<784x128xf32>
    %get3A_2 = arith.constant 0 : index
    %get3A_3 = arith.constant 0 : index
    %get3A_4 = vector.load %arg1[%get3A_2, %get3A_3] : memref<784x128xf32, #tpu.memory_space<vmem>>, vector<784x128xf32>
    %get3A_5 = arith.constant 0 : index
    %get3A_6 = arith.constant 0 : index
    %get3A_7 = vector.load %arg2[%get3A_5, %get3A_6] : memref<784x128xf32, #tpu.memory_space<vmem>>, vector<784x128xf32>
    %get3A_8 = arith.constant 0 : index
    %get3A_9 = arith.constant 0 : index
    %get3A_10 = vector.load %arg3[%get3A_8, %get3A_9] : memref<784x128xf32, #tpu.memory_space<vmem>>, vector<784x128xf32>
    %get3A_11 = arith.constant 0 : index
    %get3A_12 = arith.constant 0 : index
    %get3A_13 = arith.constant 0 : index
    %get3A_14 = arith.constant 0 : index
    %get3A_15 = vector.load %arg0[%get3A_11, %get3A_12, %get3A_13, %get3A_14] : memref<2x3x784x128xf32, #tpu.memory_space<vmem>>, vector<1x1x784x128xf32>
    %get3A_16 = vector.shape_cast %get3A_15 : vector<1x1x784x128xf32> to vector<784x128xf32>
    %get3A_17 = arith.constant 1 : index
    %get3A_18 = arith.constant 0 : index
    %get3A_19 = arith.constant 0 : index
    %get3A_20 = arith.constant 0 : index
    %get3A_21 = vector.load %arg0[%get3A_17, %get3A_18, %get3A_19, %get3A_20] : memref<2x3x784x128xf32, #tpu.memory_space<vmem>>, vector<1x1x784x128xf32>
    %get3A_22 = vector.shape_cast %get3A_21 : vector<1x1x784x128xf32> to vector<784x128xf32>
    %add3A = arith.addf %get3A_16, %get3A_22 : vector<784x128xf32>
    %add3A_23 = arith.addf %add3A, %get3A_4 : vector<784x128xf32>
    %mul3A = arith.mulf %get3A_1, %add3A_23 : vector<784x128xf32>
    %get3A_24 = arith.constant 0 : index
    %get3A_25 = arith.constant 1 : index
    %get3A_26 = arith.constant 0 : index
    %get3A_27 = arith.constant 0 : index
    %get3A_28 = vector.load %arg0[%get3A_24, %get3A_25, %get3A_26, %get3A_27] : memref<2x3x784x128xf32, #tpu.memory_space<vmem>>, vector<1x1x784x128xf32>
    %get3A_29 = vector.shape_cast %get3A_28 : vector<1x1x784x128xf32> to vector<784x128xf32>
    %get3A_30 = arith.constant 1 : index
    %get3A_31 = arith.constant 1 : index
    %get3A_32 = arith.constant 0 : index
    %get3A_33 = arith.constant 0 : index
    %get3A_34 = vector.load %arg0[%get3A_30, %get3A_31, %get3A_32, %get3A_33] : memref<2x3x784x128xf32, #tpu.memory_space<vmem>>, vector<1x1x784x128xf32>
    %get3A_35 = vector.shape_cast %get3A_34 : vector<1x1x784x128xf32> to vector<784x128xf32>
    %add3A_36 = arith.addf %get3A_29, %get3A_35 : vector<784x128xf32>
    %add3A_37 = arith.addf %add3A_36, %get3A_7 : vector<784x128xf32>
    %mul3A_38 = arith.mulf %get3A_1, %add3A_37 : vector<784x128xf32>
    %get3A_39 = arith.constant 0 : index
    %get3A_40 = arith.constant 2 : index
    %get3A_41 = arith.constant 0 : index
    %get3A_42 = arith.constant 0 : index
    %get3A_43 = vector.load %arg0[%get3A_39, %get3A_40, %get3A_41, %get3A_42] : memref<2x3x784x128xf32, #tpu.memory_space<vmem>>, vector<1x1x784x128xf32>
    %get3A_44 = vector.shape_cast %get3A_43 : vector<1x1x784x128xf32> to vector<784x128xf32>
    %get3A_45 = arith.constant 1 : index
    %get3A_46 = arith.constant 2 : index
    %get3A_47 = arith.constant 0 : index
    %get3A_48 = arith.constant 0 : index
    %get3A_49 = vector.load %arg0[%get3A_45, %get3A_46, %get3A_47, %get3A_48] : memref<2x3x784x128xf32, #tpu.memory_space<vmem>>, vector<1x1x784x128xf32>
    %get3A_50 = vector.shape_cast %get3A_49 : vector<1x1x784x128xf32> to vector<784x128xf32>
    %add3A_51 = arith.addf %get3A_44, %get3A_50 : vector<784x128xf32>
    %add3A_52 = arith.addf %add3A_51, %get3A_10 : vector<784x128xf32>
    %mul3A_53 = arith.mulf %get3A_1, %add3A_52 : vector<784x128xf32>
    %get3A_54 = arith.constant 0 : index
    %get3A_55 = arith.constant 0 : index
    %get3A_56 = memref.load %arg5[%get3A_54, %get3A_55] : memref<3x8xf32, #tpu.memory_space<smem>>
    %mul3A_57 = vector.broadcast %get3A_56 : f32 to vector<784x128xf32>
    %mul3A_58 = arith.mulf %mul3A, %mul3A_57 : vector<784x128xf32>
    %get3A_59 = arith.constant 1 : index
    %get3A_60 = arith.constant 0 : index
    %get3A_61 = memref.load %arg5[%get3A_59, %get3A_60] : memref<3x8xf32, #tpu.memory_space<smem>>
    %mul3A_62 = vector.broadcast %get3A_61 : f32 to vector<784x128xf32>
    %mul3A_63 = arith.mulf %mul3A_38, %mul3A_62 : vector<784x128xf32>
    %add3A_64 = arith.addf %mul3A_58, %mul3A_63 : vector<784x128xf32>
    %get3A_65 = arith.constant 2 : index
    %get3A_66 = arith.constant 0 : index
    %get3A_67 = memref.load %arg5[%get3A_65, %get3A_66] : memref<3x8xf32, #tpu.memory_space<smem>>
    %mul3A_68 = vector.broadcast %get3A_67 : f32 to vector<784x128xf32>
    %mul3A_69 = arith.mulf %mul3A_53, %mul3A_68 : vector<784x128xf32>
    %add3A_70 = arith.addf %add3A_64, %mul3A_69 : vector<784x128xf32>
    %get3A_71 = arith.constant 0 : index
    %get3A_72 = memref.load %arg6[%get3A_71] : memref<8xf32, #tpu.memory_space<smem>>
    %add3A_73 = vector.broadcast %get3A_72 : f32 to vector<784x128xf32>
    %add3A_74 = arith.addf %add3A_70, %add3A_73 : vector<784x128xf32>
    %max3A = arith.constant 0.000000e+00 : f32
    %max3A_75 = vector.broadcast %max3A : f32 to vector<784x128xf32>
    %max3A_76 = arith.maximumf %add3A_74, %max3A_75 : vector<784x128xf32>
    %get3A_77 = arith.constant 0 : index
    %get3A_78 = arith.constant 1 : index
    %get3A_79 = memref.load %arg5[%get3A_77, %get3A_78] : memref<3x8xf32, #tpu.memory_space<smem>>
    %mul3A_80 = vector.broadcast %get3A_79 : f32 to vector<784x128xf32>
    %mul3A_81 = arith.mulf %mul3A, %mul3A_80 : vector<784x128xf32>
    %get3A_82 = arith.constant 1 : index
    %get3A_83 = arith.constant 1 : index
    %get3A_84 = memref.load %arg5[%get3A_82, %get3A_83] : memref<3x8xf32, #tpu.memory_space<smem>>
    %mul3A_85 = vector.broadcast %get3A_84 : f32 to vector<784x128xf32>
    %mul3A_86 = arith.mulf %mul3A_38, %mul3A_85 : vector<784x128xf32>
    %add3A_87 = arith.addf %mul3A_81, %mul3A_86 : vector<784x128xf32>
    %get3A_88 = arith.constant 2 : index
    %get3A_89 = arith.constant 1 : index
    %get3A_90 = memref.load %arg5[%get3A_88, %get3A_89] : memref<3x8xf32, #tpu.memory_space<smem>>
    %mul3A_91 = vector.broadcast %get3A_90 : f32 to vector<784x128xf32>
    %mul3A_92 = arith.mulf %mul3A_53, %mul3A_91 : vector<784x128xf32>
    %add3A_93 = arith.addf %add3A_87, %mul3A_92 : vector<784x128xf32>
    %get3A_94 = arith.constant 1 : index
    %get3A_95 = memref.load %arg6[%get3A_94] : memref<8xf32, #tpu.memory_space<smem>>
    %add3A_96 = vector.broadcast %get3A_95 : f32 to vector<784x128xf32>
    %add3A_97 = arith.addf %add3A_93, %add3A_96 : vector<784x128xf32>
    %max3A_98 = arith.constant 0.000000e+00 : f32
    %max3A_99 = vector.broadcast %max3A_98 : f32 to vector<784x128xf32>
    %max3A_100 = arith.maximumf %add3A_97, %max3A_99 : vector<784x128xf32>
    %get3A_101 = arith.constant 0 : index
    %get3A_102 = arith.constant 2 : index
    %get3A_103 = memref.load %arg5[%get3A_101, %get3A_102] : memref<3x8xf32, #tpu.memory_space<smem>>
    %mul3A_104 = vector.broadcast %get3A_103 : f32 to vector<784x128xf32>
    %mul3A_105 = arith.mulf %mul3A, %mul3A_104 : vector<784x128xf32>
    %get3A_106 = arith.constant 1 : index
    %get3A_107 = arith.constant 2 : index
    %get3A_108 = memref.load %arg5[%get3A_106, %get3A_107] : memref<3x8xf32, #tpu.memory_space<smem>>
    %mul3A_109 = vector.broadcast %get3A_108 : f32 to vector<784x128xf32>
    %mul3A_110 = arith.mulf %mul3A_38, %mul3A_109 : vector<784x128xf32>
    %add3A_111 = arith.addf %mul3A_105, %mul3A_110 : vector<784x128xf32>
    %get3A_112 = arith.constant 2 : index
    %get3A_113 = arith.constant 2 : index
    %get3A_114 = memref.load %arg5[%get3A_112, %get3A_113] : memref<3x8xf32, #tpu.memory_space<smem>>
    %mul3A_115 = vector.broadcast %get3A_114 : f32 to vector<784x128xf32>
    %mul3A_116 = arith.mulf %mul3A_53, %mul3A_115 : vector<784x128xf32>
    %add3A_117 = arith.addf %add3A_111, %mul3A_116 : vector<784x128xf32>
    %get3A_118 = arith.constant 2 : index
    %get3A_119 = memref.load %arg6[%get3A_118] : memref<8xf32, #tpu.memory_space<smem>>
    %add3A_120 = vector.broadcast %get3A_119 : f32 to vector<784x128xf32>
    %add3A_121 = arith.addf %add3A_117, %add3A_120 : vector<784x128xf32>
    %max3A_122 = arith.constant 0.000000e+00 : f32
    %max3A_123 = vector.broadcast %max3A_122 : f32 to vector<784x128xf32>
    %max3A_124 = arith.maximumf %add3A_121, %max3A_123 : vector<784x128xf32>
    %get3A_125 = arith.constant 0 : index
    %get3A_126 = arith.constant 3 : index
    %get3A_127 = memref.load %arg5[%get3A_125, %get3A_126] : memref<3x8xf32, #tpu.memory_space<smem>>
    %mul3A_128 = vector.broadcast %get3A_127 : f32 to vector<784x128xf32>
    %mul3A_129 = arith.mulf %mul3A, %mul3A_128 : vector<784x128xf32>
    %get3A_130 = arith.constant 1 : index
    %get3A_131 = arith.constant 3 : index
    %get3A_132 = memref.load %arg5[%get3A_130, %get3A_131] : memref<3x8xf32, #tpu.memory_space<smem>>
    %mul3A_133 = vector.broadcast %get3A_132 : f32 to vector<784x128xf32>
    %mul3A_134 = arith.mulf %mul3A_38, %mul3A_133 : vector<784x128xf32>
    %add3A_135 = arith.addf %mul3A_129, %mul3A_134 : vector<784x128xf32>
    %get3A_136 = arith.constant 2 : index
    %get3A_137 = arith.constant 3 : index
    %get3A_138 = memref.load %arg5[%get3A_136, %get3A_137] : memref<3x8xf32, #tpu.memory_space<smem>>
    %mul3A_139 = vector.broadcast %get3A_138 : f32 to vector<784x128xf32>
    %mul3A_140 = arith.mulf %mul3A_53, %mul3A_139 : vector<784x128xf32>
    %add3A_141 = arith.addf %add3A_135, %mul3A_140 : vector<784x128xf32>
    %get3A_142 = arith.constant 3 : index
    %get3A_143 = memref.load %arg6[%get3A_142] : memref<8xf32, #tpu.memory_space<smem>>
    %add3A_144 = vector.broadcast %get3A_143 : f32 to vector<784x128xf32>
    %add3A_145 = arith.addf %add3A_141, %add3A_144 : vector<784x128xf32>
    %max3A_146 = arith.constant 0.000000e+00 : f32
    %max3A_147 = vector.broadcast %max3A_146 : f32 to vector<784x128xf32>
    %max3A_148 = arith.maximumf %add3A_145, %max3A_147 : vector<784x128xf32>
    %get3A_149 = arith.constant 0 : index
    %get3A_150 = arith.constant 4 : index
    %get3A_151 = memref.load %arg5[%get3A_149, %get3A_150] : memref<3x8xf32, #tpu.memory_space<smem>>
    %mul3A_152 = vector.broadcast %get3A_151 : f32 to vector<784x128xf32>
    %mul3A_153 = arith.mulf %mul3A, %mul3A_152 : vector<784x128xf32>
    %get3A_154 = arith.constant 1 : index
    %get3A_155 = arith.constant 4 : index
    %get3A_156 = memref.load %arg5[%get3A_154, %get3A_155] : memref<3x8xf32, #tpu.memory_space<smem>>
    %mul3A_157 = vector.broadcast %get3A_156 : f32 to vector<784x128xf32>
    %mul3A_158 = arith.mulf %mul3A_38, %mul3A_157 : vector<784x128xf32>
    %add3A_159 = arith.addf %mul3A_153, %mul3A_158 : vector<784x128xf32>
    %get3A_160 = arith.constant 2 : index
    %get3A_161 = arith.constant 4 : index
    %get3A_162 = memref.load %arg5[%get3A_160, %get3A_161] : memref<3x8xf32, #tpu.memory_space<smem>>
    %mul3A_163 = vector.broadcast %get3A_162 : f32 to vector<784x128xf32>
    %mul3A_164 = arith.mulf %mul3A_53, %mul3A_163 : vector<784x128xf32>
    %add3A_165 = arith.addf %add3A_159, %mul3A_164 : vector<784x128xf32>
    %get3A_166 = arith.constant 4 : index
    %get3A_167 = memref.load %arg6[%get3A_166] : memref<8xf32, #tpu.memory_space<smem>>
    %add3A_168 = vector.broadcast %get3A_167 : f32 to vector<784x128xf32>
    %add3A_169 = arith.addf %add3A_165, %add3A_168 : vector<784x128xf32>
    %max3A_170 = arith.constant 0.000000e+00 : f32
    %max3A_171 = vector.broadcast %max3A_170 : f32 to vector<784x128xf32>
    %max3A_172 = arith.maximumf %add3A_169, %max3A_171 : vector<784x128xf32>
    %get3A_173 = arith.constant 0 : index
    %get3A_174 = arith.constant 5 : index
    %get3A_175 = memref.load %arg5[%get3A_173, %get3A_174] : memref<3x8xf32, #tpu.memory_space<smem>>
    %mul3A_176 = vector.broadcast %get3A_175 : f32 to vector<784x128xf32>
    %mul3A_177 = arith.mulf %mul3A, %mul3A_176 : vector<784x128xf32>
    %get3A_178 = arith.constant 1 : index
    %get3A_179 = arith.constant 5 : index
    %get3A_180 = memref.load %arg5[%get3A_178, %get3A_179] : memref<3x8xf32, #tpu.memory_space<smem>>
    %mul3A_181 = vector.broadcast %get3A_180 : f32 to vector<784x128xf32>
    %mul3A_182 = arith.mulf %mul3A_38, %mul3A_181 : vector<784x128xf32>
    %add3A_183 = arith.addf %mul3A_177, %mul3A_182 : vector<784x128xf32>
    %get3A_184 = arith.constant 2 : index
    %get3A_185 = arith.constant 5 : index
    %get3A_186 = memref.load %arg5[%get3A_184, %get3A_185] : memref<3x8xf32, #tpu.memory_space<smem>>
    %mul3A_187 = vector.broadcast %get3A_186 : f32 to vector<784x128xf32>
    %mul3A_188 = arith.mulf %mul3A_53, %mul3A_187 : vector<784x128xf32>
    %add3A_189 = arith.addf %add3A_183, %mul3A_188 : vector<784x128xf32>
    %get3A_190 = arith.constant 5 : index
    %get3A_191 = memref.load %arg6[%get3A_190] : memref<8xf32, #tpu.memory_space<smem>>
    %add3A_192 = vector.broadcast %get3A_191 : f32 to vector<784x128xf32>
    %add3A_193 = arith.addf %add3A_189, %add3A_192 : vector<784x128xf32>
    %max3A_194 = arith.constant 0.000000e+00 : f32
    %max3A_195 = vector.broadcast %max3A_194 : f32 to vector<784x128xf32>
    %max3A_196 = arith.maximumf %add3A_193, %max3A_195 : vector<784x128xf32>
    %get3A_197 = arith.constant 0 : index
    %get3A_198 = arith.constant 6 : index
    %get3A_199 = memref.load %arg5[%get3A_197, %get3A_198] : memref<3x8xf32, #tpu.memory_space<smem>>
    %mul3A_200 = vector.broadcast %get3A_199 : f32 to vector<784x128xf32>
    %mul3A_201 = arith.mulf %mul3A, %mul3A_200 : vector<784x128xf32>
    %get3A_202 = arith.constant 1 : index
    %get3A_203 = arith.constant 6 : index
    %get3A_204 = memref.load %arg5[%get3A_202, %get3A_203] : memref<3x8xf32, #tpu.memory_space<smem>>
    %mul3A_205 = vector.broadcast %get3A_204 : f32 to vector<784x128xf32>
    %mul3A_206 = arith.mulf %mul3A_38, %mul3A_205 : vector<784x128xf32>
    %add3A_207 = arith.addf %mul3A_201, %mul3A_206 : vector<784x128xf32>
    %get3A_208 = arith.constant 2 : index
    %get3A_209 = arith.constant 6 : index
    %get3A_210 = memref.load %arg5[%get3A_208, %get3A_209] : memref<3x8xf32, #tpu.memory_space<smem>>
    %mul3A_211 = vector.broadcast %get3A_210 : f32 to vector<784x128xf32>
    %mul3A_212 = arith.mulf %mul3A_53, %mul3A_211 : vector<784x128xf32>
    %add3A_213 = arith.addf %add3A_207, %mul3A_212 : vector<784x128xf32>
    %get3A_214 = arith.constant 6 : index
    %get3A_215 = memref.load %arg6[%get3A_214] : memref<8xf32, #tpu.memory_space<smem>>
    %add3A_216 = vector.broadcast %get3A_215 : f32 to vector<784x128xf32>
    %add3A_217 = arith.addf %add3A_213, %add3A_216 : vector<784x128xf32>
    %max3A_218 = arith.constant 0.000000e+00 : f32
    %max3A_219 = vector.broadcast %max3A_218 : f32 to vector<784x128xf32>
    %max3A_220 = arith.maximumf %add3A_217, %max3A_219 : vector<784x128xf32>
    %get3A_221 = arith.constant 0 : index
    %get3A_222 = arith.constant 7 : index
    %get3A_223 = memref.load %arg5[%get3A_221, %get3A_222] : memref<3x8xf32, #tpu.memory_space<smem>>
    %mul3A_224 = vector.broadcast %get3A_223 : f32 to vector<784x128xf32>
    %mul3A_225 = arith.mulf %mul3A, %mul3A_224 : vector<784x128xf32>
    %get3A_226 = arith.constant 1 : index
    %get3A_227 = arith.constant 7 : index
    %get3A_228 = memref.load %arg5[%get3A_226, %get3A_227] : memref<3x8xf32, #tpu.memory_space<smem>>
    %mul3A_229 = vector.broadcast %get3A_228 : f32 to vector<784x128xf32>
    %mul3A_230 = arith.mulf %mul3A_38, %mul3A_229 : vector<784x128xf32>
    %add3A_231 = arith.addf %mul3A_225, %mul3A_230 : vector<784x128xf32>
    %get3A_232 = arith.constant 2 : index
    %get3A_233 = arith.constant 7 : index
    %get3A_234 = memref.load %arg5[%get3A_232, %get3A_233] : memref<3x8xf32, #tpu.memory_space<smem>>
    %mul3A_235 = vector.broadcast %get3A_234 : f32 to vector<784x128xf32>
    %mul3A_236 = arith.mulf %mul3A_53, %mul3A_235 : vector<784x128xf32>
    %add3A_237 = arith.addf %add3A_231, %mul3A_236 : vector<784x128xf32>
    %get3A_238 = arith.constant 7 : index
    %get3A_239 = memref.load %arg6[%get3A_238] : memref<8xf32, #tpu.memory_space<smem>>
    %add3A_240 = vector.broadcast %get3A_239 : f32 to vector<784x128xf32>
    %add3A_241 = arith.addf %add3A_237, %add3A_240 : vector<784x128xf32>
    %max3A_242 = arith.constant 0.000000e+00 : f32
    %max3A_243 = vector.broadcast %max3A_242 : f32 to vector<784x128xf32>
    %max3A_244 = arith.maximumf %add3A_241, %max3A_243 : vector<784x128xf32>
    %get3A_245 = arith.constant 0 : index
    %get3A_246 = arith.constant 0 : index
    %get3A_247 = memref.load %arg7[%get3A_245, %get3A_246] : memref<8x2xf32, #tpu.memory_space<smem>>
    %mul3A_248 = vector.broadcast %get3A_247 : f32 to vector<784x128xf32>
    %mul3A_249 = arith.mulf %max3A_76, %mul3A_248 : vector<784x128xf32>
    %get3A_250 = arith.constant 1 : index
    %get3A_251 = arith.constant 0 : index
    %get3A_252 = memref.load %arg7[%get3A_250, %get3A_251] : memref<8x2xf32, #tpu.memory_space<smem>>
    %mul3A_253 = vector.broadcast %get3A_252 : f32 to vector<784x128xf32>
    %mul3A_254 = arith.mulf %max3A_100, %mul3A_253 : vector<784x128xf32>
    %add3A_255 = arith.addf %mul3A_249, %mul3A_254 : vector<784x128xf32>
    %get3A_256 = arith.constant 2 : index
    %get3A_257 = arith.constant 0 : index
    %get3A_258 = memref.load %arg7[%get3A_256, %get3A_257] : memref<8x2xf32, #tpu.memory_space<smem>>
    %mul3A_259 = vector.broadcast %get3A_258 : f32 to vector<784x128xf32>
    %mul3A_260 = arith.mulf %max3A_124, %mul3A_259 : vector<784x128xf32>
    %add3A_261 = arith.addf %add3A_255, %mul3A_260 : vector<784x128xf32>
    %get3A_262 = arith.constant 3 : index
    %get3A_263 = arith.constant 0 : index
    %get3A_264 = memref.load %arg7[%get3A_262, %get3A_263] : memref<8x2xf32, #tpu.memory_space<smem>>
    %mul3A_265 = vector.broadcast %get3A_264 : f32 to vector<784x128xf32>
    %mul3A_266 = arith.mulf %max3A_148, %mul3A_265 : vector<784x128xf32>
    %add3A_267 = arith.addf %add3A_261, %mul3A_266 : vector<784x128xf32>
    %get3A_268 = arith.constant 4 : index
    %get3A_269 = arith.constant 0 : index
    %get3A_270 = memref.load %arg7[%get3A_268, %get3A_269] : memref<8x2xf32, #tpu.memory_space<smem>>
    %mul3A_271 = vector.broadcast %get3A_270 : f32 to vector<784x128xf32>
    %mul3A_272 = arith.mulf %max3A_172, %mul3A_271 : vector<784x128xf32>
    %add3A_273 = arith.addf %add3A_267, %mul3A_272 : vector<784x128xf32>
    %get3A_274 = arith.constant 5 : index
    %get3A_275 = arith.constant 0 : index
    %get3A_276 = memref.load %arg7[%get3A_274, %get3A_275] : memref<8x2xf32, #tpu.memory_space<smem>>
    %mul3A_277 = vector.broadcast %get3A_276 : f32 to vector<784x128xf32>
    %mul3A_278 = arith.mulf %max3A_196, %mul3A_277 : vector<784x128xf32>
    %add3A_279 = arith.addf %add3A_273, %mul3A_278 : vector<784x128xf32>
    %get3A_280 = arith.constant 6 : index
    %get3A_281 = arith.constant 0 : index
    %get3A_282 = memref.load %arg7[%get3A_280, %get3A_281] : memref<8x2xf32, #tpu.memory_space<smem>>
    %mul3A_283 = vector.broadcast %get3A_282 : f32 to vector<784x128xf32>
    %mul3A_284 = arith.mulf %max3A_220, %mul3A_283 : vector<784x128xf32>
    %add3A_285 = arith.addf %add3A_279, %mul3A_284 : vector<784x128xf32>
    %get3A_286 = arith.constant 7 : index
    %get3A_287 = arith.constant 0 : index
    %get3A_288 = memref.load %arg7[%get3A_286, %get3A_287] : memref<8x2xf32, #tpu.memory_space<smem>>
    %mul3A_289 = vector.broadcast %get3A_288 : f32 to vector<784x128xf32>
    %mul3A_290 = arith.mulf %max3A_244, %mul3A_289 : vector<784x128xf32>
    %add3A_291 = arith.addf %add3A_285, %mul3A_290 : vector<784x128xf32>
    %mul3A_292 = arith.mulf %add3A_291, %get3A_1 : vector<784x128xf32>
    %swap3A = arith.constant 0 : index
    %swap3A_293 = arith.constant 0 : index
    %swap3A_294 = vector.load %arg8[%swap3A, %swap3A_293] : memref<784x128xf32, #tpu.memory_space<vmem>>, vector<784x128xf32>
    tpu.vector_store %arg8[%swap3A, %swap3A_293], %mul3A_292 {strides = array<i32>} : memref<784x128xf32, #tpu.memory_space<vmem>>, vector<784x128xf32>,
    %get3A_295 = arith.constant 0 : index
    %get3A_296 = arith.constant 1 : index
    %get3A_297 = memref.load %arg7[%get3A_295, %get3A_296] : memref<8x2xf32, #tpu.memory_space<smem>>
    %mul3A_298 = vector.broadcast %get3A_297 : f32 to vector<784x128xf32>
    %mul3A_299 = arith.mulf %max3A_76, %mul3A_298 : vector<784x128xf32>
    %get3A_300 = arith.constant 1 : index
    %get3A_301 = arith.constant 1 : index
    %get3A_302 = memref.load %arg7[%get3A_300, %get3A_301] : memref<8x2xf32, #tpu.memory_space<smem>>
    %mul3A_303 = vector.broadcast %get3A_302 : f32 to vector<784x128xf32>
    %mul3A_304 = arith.mulf %max3A_100, %mul3A_303 : vector<784x128xf32>
    %add3A_305 = arith.addf %mul3A_299, %mul3A_304 : vector<784x128xf32>
    %get3A_306 = arith.constant 2 : index
    %get3A_307 = arith.constant 1 : index
    %get3A_308 = memref.load %arg7[%get3A_306, %get3A_307] : memref<8x2xf32, #tpu.memory_space<smem>>
    %mul3A_309 = vector.broadcast %get3A_308 : f32 to vector<784x128xf32>
    %mul3A_310 = arith.mulf %max3A_124, %mul3A_309 : vector<784x128xf32>
    %add3A_311 = arith.addf %add3A_305, %mul3A_310 : vector<784x128xf32>
    %get3A_312 = arith.constant 3 : index
    %get3A_313 = arith.constant 1 : index
    %get3A_314 = memref.load %arg7[%get3A_312, %get3A_313] : memref<8x2xf32, #tpu.memory_space<smem>>
    %mul3A_315 = vector.broadcast %get3A_314 : f32 to vector<784x128xf32>
    %mul3A_316 = arith.mulf %max3A_148, %mul3A_315 : vector<784x128xf32>
    %add3A_317 = arith.addf %add3A_311, %mul3A_316 : vector<784x128xf32>
    %get3A_318 = arith.constant 4 : index
    %get3A_319 = arith.constant 1 : index
    %get3A_320 = memref.load %arg7[%get3A_318, %get3A_319] : memref<8x2xf32, #tpu.memory_space<smem>>
    %mul3A_321 = vector.broadcast %get3A_320 : f32 to vector<784x128xf32>
    %mul3A_322 = arith.mulf %max3A_172, %mul3A_321 : vector<784x128xf32>
    %add3A_323 = arith.addf %add3A_317, %mul3A_322 : vector<784x128xf32>
    %get3A_324 = arith.constant 5 : index
    %get3A_325 = arith.constant 1 : index
    %get3A_326 = memref.load %arg7[%get3A_324, %get3A_325] : memref<8x2xf32, #tpu.memory_space<smem>>
    %mul3A_327 = vector.broadcast %get3A_326 : f32 to vector<784x128xf32>
    %mul3A_328 = arith.mulf %max3A_196, %mul3A_327 : vector<784x128xf32>
    %add3A_329 = arith.addf %add3A_323, %mul3A_328 : vector<784x128xf32>
    %get3A_330 = arith.constant 6 : index
    %get3A_331 = arith.constant 1 : index
    %get3A_332 = memref.load %arg7[%get3A_330, %get3A_331] : memref<8x2xf32, #tpu.memory_space<smem>>
    %mul3A_333 = vector.broadcast %get3A_332 : f32 to vector<784x128xf32>
    %mul3A_334 = arith.mulf %max3A_220, %mul3A_333 : vector<784x128xf32>
    %add3A_335 = arith.addf %add3A_329, %mul3A_334 : vector<784x128xf32>
    %get3A_336 = arith.constant 7 : index
    %get3A_337 = arith.constant 1 : index
    %get3A_338 = memref.load %arg7[%get3A_336, %get3A_337] : memref<8x2xf32, #tpu.memory_space<smem>>
    %mul3A_339 = vector.broadcast %get3A_338 : f32 to vector<784x128xf32>
    %mul3A_340 = arith.mulf %max3A_244, %mul3A_339 : vector<784x128xf32>
    %add3A_341 = arith.addf %add3A_335, %mul3A_340 : vector<784x128xf32>
    %mul3A_342 = arith.mulf %add3A_341, %get3A_1 : vector<784x128xf32>
    %swap3A_343 = arith.constant 0 : index
    %swap3A_344 = arith.constant 0 : index
    %swap3A_345 = vector.load %arg9[%swap3A_343, %swap3A_344] : memref<784x128xf32, #tpu.memory_space<vmem>>, vector<784x128xf32>
    tpu.vector_store %arg9[%swap3A_343, %swap3A_344], %mul3A_342 {strides = array<i32>} : memref<784x128xf32, #tpu.memory_space<vmem>>, vector<784x128xf32>,
    return
  }
}

module attributes {stable_mosaic.version = 14 : i64} {
  func.func @_tc3_body(%arg0: memref<2x2x784x128xf32, #tpu.memory_space<vmem>>, %arg1: memref<784x128xf32, #tpu.memory_space<vmem>>, %arg2: memref<784x128xf32, #tpu.memory_space<vmem>>, %arg3: memref<784x128xf32, #tpu.memory_space<vmem>>, %arg4: memref<2xf32, #tpu.memory_space<smem>>, %arg5: memref<2x784x128xf32, #tpu.memory_space<vmem>>) attributes {dimension_semantics = [], scalar_prefetch = 0 : i64, scratch_operands = 0 : i64, tpu.core_type = #tpu.core_type<tc>} {
    %get3A = arith.constant 0 : index
    %get3A_0 = arith.constant 0 : index
    %get3A_1 = vector.load %arg3[%get3A, %get3A_0] : memref<784x128xf32, #tpu.memory_space<vmem>>, vector<784x128xf32>
    %get3A_2 = arith.constant 0 : index
    %get3A_3 = arith.constant 0 : index
    %get3A_4 = vector.load %arg1[%get3A_2, %get3A_3] : memref<784x128xf32, #tpu.memory_space<vmem>>, vector<784x128xf32>
    %get3A_5 = arith.constant 0 : index
    %get3A_6 = arith.constant 0 : index
    %get3A_7 = vector.load %arg2[%get3A_5, %get3A_6] : memref<784x128xf32, #tpu.memory_space<vmem>>, vector<784x128xf32>
    %get3A_8 = arith.constant 0 : index
    %get3A_9 = arith.constant 0 : index
    %get3A_10 = arith.constant 0 : index
    %get3A_11 = arith.constant 0 : index
    %get3A_12 = vector.load %arg0[%get3A_8, %get3A_9, %get3A_10, %get3A_11] : memref<2x2x784x128xf32, #tpu.memory_space<vmem>>, vector<1x1x784x128xf32>
    %get3A_13 = vector.shape_cast %get3A_12 : vector<1x1x784x128xf32> to vector<784x128xf32>
    %get3A_14 = arith.constant 1 : index
    %get3A_15 = arith.constant 0 : index
    %get3A_16 = arith.constant 0 : index
    %get3A_17 = arith.constant 0 : index
    %get3A_18 = vector.load %arg0[%get3A_14, %get3A_15, %get3A_16, %get3A_17] : memref<2x2x784x128xf32, #tpu.memory_space<vmem>>, vector<1x1x784x128xf32>
    %get3A_19 = vector.shape_cast %get3A_18 : vector<1x1x784x128xf32> to vector<784x128xf32>
    %add3A = arith.addf %get3A_13, %get3A_19 : vector<784x128xf32>
    %add3A_20 = arith.addf %add3A, %get3A_4 : vector<784x128xf32>
    %mul3A = arith.mulf %get3A_1, %add3A_20 : vector<784x128xf32>
    %get3A_21 = arith.constant 0 : index
    %get3A_22 = memref.load %arg4[%get3A_21] : memref<2xf32, #tpu.memory_space<smem>>
    %add3A_23 = vector.broadcast %get3A_22 : f32 to vector<784x128xf32>
    %add3A_24 = arith.addf %mul3A, %add3A_23 : vector<784x128xf32>
    %swap3A = arith.constant 0 : index
    %swap3A_25 = arith.constant 0 : index
    %swap3A_26 = arith.constant 0 : index
    %swap3A_27 = vector.load %arg5[%swap3A, %swap3A_25, %swap3A_26] : memref<2x784x128xf32, #tpu.memory_space<vmem>>, vector<1x784x128xf32>
    %swap3A_28 = vector.shape_cast %swap3A_27 : vector<1x784x128xf32> to vector<784x128xf32>
    %swap3A_29 = vector.shape_cast %add3A_24 : vector<784x128xf32> to vector<1x784x128xf32>
    tpu.vector_store %arg5[%swap3A, %swap3A_25, %swap3A_26], %swap3A_29 {strides = array<i32>} : memref<2x784x128xf32, #tpu.memory_space<vmem>>, vector<1x784x128xf32>,
    %get3A_30 = arith.constant 0 : index
    %get3A_31 = arith.constant 1 : index
    %get3A_32 = arith.constant 0 : index
    %get3A_33 = arith.constant 0 : index
    %get3A_34 = vector.load %arg0[%get3A_30, %get3A_31, %get3A_32, %get3A_33] : memref<2x2x784x128xf32, #tpu.memory_space<vmem>>, vector<1x1x784x128xf32>
    %get3A_35 = vector.shape_cast %get3A_34 : vector<1x1x784x128xf32> to vector<784x128xf32>
    %get3A_36 = arith.constant 1 : index
    %get3A_37 = arith.constant 1 : index
    %get3A_38 = arith.constant 0 : index
    %get3A_39 = arith.constant 0 : index
    %get3A_40 = vector.load %arg0[%get3A_36, %get3A_37, %get3A_38, %get3A_39] : memref<2x2x784x128xf32, #tpu.memory_space<vmem>>, vector<1x1x784x128xf32>
    %get3A_41 = vector.shape_cast %get3A_40 : vector<1x1x784x128xf32> to vector<784x128xf32>
    %add3A_42 = arith.addf %get3A_35, %get3A_41 : vector<784x128xf32>
    %add3A_43 = arith.addf %add3A_42, %get3A_7 : vector<784x128xf32>
    %mul3A_44 = arith.mulf %get3A_1, %add3A_43 : vector<784x128xf32>
    %get3A_45 = arith.constant 1 : index
    %get3A_46 = memref.load %arg4[%get3A_45] : memref<2xf32, #tpu.memory_space<smem>>
    %add3A_47 = vector.broadcast %get3A_46 : f32 to vector<784x128xf32>
    %add3A_48 = arith.addf %mul3A_44, %add3A_47 : vector<784x128xf32>
    %swap3A_49 = arith.constant 1 : index
    %swap3A_50 = arith.constant 0 : index
    %swap3A_51 = arith.constant 0 : index
    %swap3A_52 = vector.load %arg5[%swap3A_49, %swap3A_50, %swap3A_51] : memref<2x784x128xf32, #tpu.memory_space<vmem>>, vector<1x784x128xf32>
    %swap3A_53 = vector.shape_cast %swap3A_52 : vector<1x784x128xf32> to vector<784x128xf32>
    %swap3A_54 = vector.shape_cast %add3A_48 : vector<784x128xf32> to vector<1x784x128xf32>
    tpu.vector_store %arg5[%swap3A_49, %swap3A_50, %swap3A_51], %swap3A_54 {strides = array<i32>} : memref<2x784x128xf32, #tpu.memory_space<vmem>>, vector<1x784x128xf32>,
    return
  }
}

</mosaic_0001>

<sc_bundles>
// kernel: kernel.11.cloned.1.call-start
scs
__scs_entry_jumppad:
0x0: {  	(pc) =	sbr.rel $0x88, $3  }
0x1: {  	(tag) =	ssettag $0x0;
	lr =	simm.s32 $0x1  }
0x2: {  	[smem:$0x3F9B] =	sst lr;
	_ =	strace $0xD0000000  }
0x3: {  	_ = 	snop  }
0x4: {  	_ = 	snop  }
0x5: {  	_ = 	snop  }
0x6: {  	_ = 	snop  }
0x7: {  	_ = 	snop  }
__scs_overlays_trampoline_lowered:
0x8: {  	[smem:$0x3FAA] =	sst s0  }
0x9: {  	[smem:$0x3FAB] =	sst s1  }
0xa: {  	[smem:$0x3FAC] =	sst s2  }
0xb: {  	[smem:$0x3FAD] =	sst s3  }
0xc: {  	[smem:$0x3FAE] =	sst s4  }
0xd: {  	[smem:$0x3FAF] =	sst s5  }
0xe: {  	[smem:$0x3FB0] =	sst s6  }
0xf: {  	[smem:$0x3FB1] =	sst s7  }
0x10: {  	[smem:$0x3FB2] =	sst s8  }
0x11: {  	[smem:$0x3FB3] =	sst s9;
	s0 =	simm.s32 @!p0 $0x0  }
0x12: {  	s1 =	sld [smem:$0x3F99];
	s0 =	simm.s32 @p0 $0x1  }
0x13: {  	[smem:$0x3FB4] =	sst s0;
	s0 =	simm.s32 @!p1 $0x0  }
0x14: {  	s2 =	sld [smem:$0x3F98];
	s0 =	simm.s32 @p1 $0x1  }
0x15: {  	[smem:$0x3FB5] =	sst s0;
	s0 =	simm.s32 @!p2 $0x0  }
0x16: {  	s3 =	sld [smem:$0x3FDB];
	s0 =	simm.s32 @p2 $0x1  }
0x17: {  	s4 =	simm.s32 $0x1BF5;
	[smem:$0x3FB7] =	sst s0  }
0x18: {  	s0 =	sld [smem:$0x3F9A];
	_ =	swait.ge [sflag:s4], $0x0  }
0x19: {  	s7 =	sld [smem:$0x3F9B]  }
0x1a: {  	s8 =	sadd.s32 $0xFFFFE003, lr  }
0x1b: {  	s9 =	sadd.s32 $0xFFFFFEF7, lr;
	s5 =	simm.s32 $0xFFFFFFFF;
	p2 =	slt.u32 s8, $0xFFFFF086  }
0x1c: {  	p1 =	slt.u32 s9, $0xF7A;
	s5 =	simm.s32 @!p2 $0x0  }
0x1d: {  	s5 =	simm.s32 @p1 $0x1;
	p0 =	seq.s32 s7, s2  }
0x1e: {  	s7 =	smul.u32 @!p0 $0xF7A, s2;
	p2 =	seq.s32 @!p0 s5, $0x0  }
0x1f: {  	s9 =	smul.u32 $0xF7A, s1;
	s8 =	simm.s32 @!p0 $0x1BF5;
	p2 =	por !p2, p0  }
0x20: {  	[sflag:s8] =	ssyncset.s32 @!p0 $0xFFFFF086;
	s6 =	sadd.s32 @!p0 s3, s7;
	s7 =	simm.s32 @!p0 $0x108  }
0x21: {  	s3 =	sadd.s32 s3, s9;
	s6 =	sadd.s32 @!p0 $0x88, s6;
	s7 =	simm.s32 @p2 $0x1082  }
0x22: {  	[simem:s7], [sflag:s8] =	dma.local @!p0 [hbm:s6], $0xF7A  }
0x23: {  	s9 =	sor.u32 $0xD0000000, s2;
	s6 =	simm.s32 $0x108;
	_ =	swait.ge @!p0 [sflag:s8], $0x0  }
0x24: {  	s3 =	sadd.s32 $0x88, s3;
	s6 =	simm.s32 @!p1 $0x1082;
	[sflag:s4] =	ssyncset.s32 $0xFFFFF086  }
0x25: {  	[simem:s6], [sflag:s4] =	dma.local [hbm:s3], $0xF7A  }
0x26: {  	[smem:$0x3F9B] =	sst s1;
	(tag) =	ssettag s2;
	_ =	strace s9  }
0x27: {  	s1 =	sld [smem:$0x3FAB]  }
0x28: {  	s2 =	sld [smem:$0x3FAC]  }
0x29: {  	s4 =	sld [smem:$0x3FAE]  }
0x2a: {  	p0 =	seq.s32 s5, $0x0;
	s5 =	sld [smem:$0x3FAF]  }
0x2b: {  	s6 =	sld [smem:$0x3FB0]  }
0x2c: {  	s7 =	sld [smem:$0x3FB1]  }
0x2d: {  	s3 =	simm.s32 $0x108;
	s8 =	sld [smem:$0x3FB2]  }
0x2e: {  	s3 =	simm.s32 @!p0 $0x1082;
	s9 =	sld [smem:$0x3FB3]  }
0x2f: {  	lr =	sadd.s32 s0, s3;
	s0 =	sld [smem:$0x3FAA]  }
0x30: {  	s3 =	sld [smem:$0x3FAD]  }
0x31: {  	[smem:$0x3FB6] =	sst s10  }
0x32: {  	s10 =	sld [smem:$0x3FB4];
	_ =	sdelay $0x3  }
0x33: {  	p0 =	seq.s32 s10, $0x1;
	s10 =	sld [smem:$0x3FB6];
	_ =	sdelay $0x3  }
0x34: {  	[smem:$0x3FB6] =	sst s10  }
0x35: {  	s10 =	sld [smem:$0x3FB5];
	_ =	sdelay $0x3  }
0x36: {  	p1 =	seq.s32 s10, $0x1;
	s10 =	sld [smem:$0x3FB6];
	_ =	sdelay $0x3  }
0x37: {  	[smem:$0x3FB6] =	sst s10  }
0x38: {  	s10 =	sld [smem:$0x3FB7]  }
0x39: {  	_ = 	snop;
	(pc) =	sbr.ind lr, $3  }
0x3a: {  	_ = 	snop  }
0x3b: {  	_ = 	snop  }
0x3c: {  	p2 =	seq.s32 s10, $0x1;
	s10 =	sld [smem:$0x3FB6]  }
0x3d: {  	_ =	shalt  }
0x3e: {  	_ =	shalt  }
0x3f: {  	_ =	shalt  }
0x40: {  	_ =	shalt  }
0x41: {  	_ =	shalt  }
0x42: {  	_ =	shalt  }
0x43: {  	_ =	shalt  }
0x44: {  	_ =	shalt  }
0x45: {  	_ =	shalt  }
0x46: {  	_ =	shalt  }
0x47: {  	_ =	shalt  }
0x48: {  	_ =	shalt  }
0x49: {  	_ =	shalt  }
0x4a: {  	_ =	shalt  }
0x4b: {  	_ =	shalt  }
0x4c: {  	_ =	shalt  }
0x4d: {  	_ =	shalt  }
0x4e: {  	_ =	shalt  }
0x4f: {  	_ =	shalt  }
0x50: {  	_ =	shalt  }
0x51: {  	_ =	shalt  }
0x52: {  	_ =	shalt  }
0x53: {  	_ =	shalt  }
0x54: {  	_ =	shalt  }
0x55: {  	_ =	shalt  }
0x56: {  	_ =	shalt  }
0x57: {  	_ =	shalt  }
0x58: {  	_ =	shalt  }
0x59: {  	_ =	shalt  }
0x5a: {  	_ =	shalt  }
0x5b: {  	_ =	shalt  }
0x5c: {  	_ =	shalt  }
0x5d: {  	_ =	shalt  }
0x5e: {  	_ =	shalt  }
0x5f: {  	_ =	shalt  }
0x60: {  	_ =	shalt  }
0x61: {  	_ =	shalt  }
0x62: {  	_ =	shalt  }
0x63: {  	_ =	shalt  }
0x64: {  	_ =	shalt  }
0x65: {  	_ =	shalt  }
0x66: {  	_ =	shalt  }
0x67: {  	_ =	shalt  }
0x68: {  	_ =	shalt  }
0x69: {  	_ =	shalt  }
0x6a: {  	_ =	shalt  }
0x6b: {  	_ =	shalt  }
0x6c: {  	_ =	shalt  }
0x6d: {  	_ =	shalt  }
0x6e: {  	_ =	shalt  }
0x6f: {  	_ =	shalt  }
0x70: {  	_ =	shalt  }
0x71: {  	_ =	shalt  }
0x72: {  	_ =	shalt  }
0x73: {  	_ =	shalt  }
0x74: {  	_ =	shalt  }
0x75: {  	_ =	shalt  }
0x76: {  	_ =	shalt  }
0x77: {  	_ =	shalt  }
0x78: {  	_ =	shalt  }
0x79: {  	_ =	shalt  }
0x7a: {  	_ =	shalt  }
0x7b: {  	_ =	shalt  }
0x7c: {  	_ =	shalt  }
0x7d: {  	_ =	shalt  }
0x7e: {  	_ =	shalt  }
0x7f: {  	_ =	shalt  }
0x80: {  	_ =	shalt  }
0x81: {  	_ =	shalt  }
0x82: {  	_ =	shalt  }
0x83: {  	_ =	shalt  }
0x84: {  	_ =	shalt  }
0x85: {  	_ =	shalt  }
0x86: {  	_ =	shalt  }
0x87: {  	_ =	shalt  }
.Lfunc_end0:
.L_simem_size_0:
called_computation.1_lowered:
.L_overlay_start_0:
0x88: {  	s2 =	sld [smem:$0x3FD9]  }
0x89: {  	s3 =	sld [smem:$0x3FFE];
	_ =	sdelay $0x1  }
0x8a: {  	s1 =	srdreg.scid  }
0x8b: {  	s0 =	sand.u32 $0x1, s1  }
0x8c: {  	s17 =	sshll.u32 s0, $0xA;
	s2 =	sadd.s32 s3, s2  }
0x8d: {  	s2 =	sadd.s32 s2, s17  }
0x8e: {  	[smem:$0x3FC2] =	sst s2  }
0x8f: {  	_ = 	snop  }
0x90: {  	s2 =	sld [smem:$0x3FD0];
	(tm) =	ssettm $0x1  }
0x91: {  	s18 =	sld [smem:$0x3FFB];
	_ =	sdelay $0x3  }
0x92: {  	_ =	strace s18  }
0x93: {  	s3 =	sld [smem:$0x3FFC];
	_ =	sdelay $0x3  }
0x94: {  	_ =	strace s3  }
0x95: {  	s3 =	sld [smem:$0x3FFD];
	_ =	sdelay $0x3  }
0x96: {  	_ =	strace s3  }
0x97: {  	_ =	strace $0x8FFFFFFF  }
0x98: {  	s19 =	sld [smem:$0x3FDB];
	_ =	sdelay $0x1  }
0x99: {  	s4 =	simm.s32 $_scs_section_size  }
0x9a: {  	s5 =	simm.s32 $_size__tile_overlayer_lowered;
	s6 =	simm.s32 $_tile_overlayer_lowered  }
0x9b: {  	s22 =	simm.s32 $0x1BFF;
	s21 =	sshll.u32 s6, $0x1;
	s3 =	sadd.s32 s4, s19  }
0x9c: {  	s7 =	simm.s32 $0x0;
	s20 =	sshll.u32 s5, $0x1;
	s5 =	sadd.s32 s21, s3  }
0x9d: {  	[timem:s7], [sflag:s22] =	dma.local [hbm:s5], s20  }
0x9e: {  	_ =	swait.ge [sflag:s22], s20  }
0x9f: {  	s4 =	ssub.s32 $0x0, s20;
	[sflag:s22] =	ssyncset.done $0x0  }
0xa0: {  	[sflag:s22] =	ssyncadd.s32 s4;
	_ =	sdelay $0x1  }
0xa1: {  	s23 =	simm.s32 $0x1B8B  }
0xa2: {  	_ =	swait.ge [sflag:s23], $0x1  }
0xa3: {  	[sflag:s23] =	ssyncset.done $0x0  }
0xa4: {  	s25 =	simm.s32 $0x1B8E;
	s24 =	sld [smem:$0x3FFE];
	[sflag:s23] =	ssyncadd.s32 $0xFFFFFFFF  }
0xa5: {  	s26 =	simm.s32 $execute0_lowered;
	[smem:$0x3FD2] =	sst s25  }
0xa6: {  	s5 =	sshll.u32 s26, $0x1;
	_ =	strace $0x80000049;
	[dreg:$0x1] =	wrdreg $0xFFFFFFFF  }
0xa7: {  	s28 =	simm.s32 $_size_execute0_lowered;
	s3 =	sadd.s32 s3, s5;
	[dreg:$0x0] =	wrdreg $0x0  }
0xa8: {  	s5 =	sshll.u32 s28, $0x1;
	[dreg:$0x2] =	wrdreg s3  }
0xa9: {  	[dreg:$0x3] =	wrdreg s5  }
0xaa: {  	[dreg:$0x4] =	wrdreg $0xC0  }
0xab: {  	_ =	task [dreg:s7], $0x5FFFF  }
0xac: {  	[dreg:$0x1] =	wrdreg $0xFFFFFFFF  }
0xad: {  	[dreg:$0x0] =	wrdreg $0x60  }
0xae: {  	[dreg:$0x2] =	wrdreg s24  }
0xaf: {  	[dreg:$0x3] =	wrdreg s2  }
0xb0: {  	[dreg:$0x4] =	wrdreg $0x2C800  }
0xb1: {  	[dreg:$0x5] =	wrdreg $0x45000  }
0xb2: {  	[dreg:$0x6] =	wrdreg $0x5D800  }
0xb3: {  	[dreg:$0x7] =	wrdreg $0x9  }
0xb4: {  	_ =	task.clear_ibuf [dreg:s7], $0x8FFFF;
	_ =	strace $0x90000049  }
0xb5: {  	s29 =	simm.s32 $0x9;
	_ =	strace $0x8000004B  }
0xb6: {  	_ =	swait.ge [sflag:s29], $0x1  }
0xb7: {  	[sflag:s29] =	ssyncadd.s32 $0xFFFFFFFF  }
0xb8: {  	_ =	strace $0x9000004B  }
0xb9: {  	_ =	sfence  }
0xba: {  	s30 =	sld [smem:$0x0];
	_ =	sdelay $0x2  }
0xbb: {  	s31 =	sshll.u32 s1, $0xD;
	s1 =	sshrl.u32 s1, $0x2  }
0xbc: {  	s3 =	sand.u32 $0x4000, s31;
	s1 =	sadd.s32 s1, s30  }
0xbd: {  	s0 =	sor.u32 s3, s0;
	s1 =	sshll.u32 s1, $0x11  }
0xbe: {  	s0 =	sor.u32 s1, s0  }
0xbf: {  	s0 =	sadd.s32 $0x8F2B, s0  }
0xc0: {  	[sflag:s0] =	ssyncadd.remote.s32 $0x1  }
0xc1: {  	_ =	sfence.sel $0xFFFF  }
0xc2: {  	[dreg:$0x0] =	wrdreg $0xFFFFFFFF;
	(pc) =	sbr.abs _section_cstart, $3  }
0xc3: {  	[dreg:$0x1] =	wrdreg $0xFFFFFFFF  }
0xc4: {  	_ =	task.clear_ibuf [dreg:s7], $0x2FFFF;
	_ =	strace $0x9FFFFFFF  }
0xc5: {  	(tm) =	ssettm $0x7FFFFFFF  }
tec
execute0_lowered:
.L_overlay_start_1:
0x0: {  	(tag) =	ssettag $0x1  }
0x1: {  	s0 =	rddreg [dreg:$0x0]  }
0x2: {  	s4 =	rddreg [dreg:$0x2]  }
0x3: {  	s1 =	rddreg [dreg:$0x3]  }
0x4: {  	s3 =	rddreg [dreg:$0x4]  }
0x5: {  	s9 =	stileid.u32;
	s7 =	srdreg.scid;
	s31 =	simm.s32 $0x0  }
0x6: {  	s19 =	simm.s32 $0x1;
	s28 =	simm.s32 $0x3;
	s2 =	smul.u32 $0xC400, s9  }
0x7: {  	s8 =	sand.u32 $0x1, s7;
	s9 =	smul.u32 $0x1880, s9;
	[smem:$0x7FF] =	sst s31  }
0x8: {  	s13 =	sadd.s32 $0x3800, s0;
	s6 =	smul.u32 $0x49800, s8;
	_ =	strace $0x8000004A  }
0x9: {  	s11 =	ssub.s32 $0x2, s8;
	s21 =	smul.u32 $0x6200, s8;
	s8 =	sadd.s32 $0x6A00, s0  }
0xa: {  	s5 =	sadd.s32 s2, s0;
	s12 =	sshrl.u32 s11, $0x1;
	s7 =	sadd.s32 s9, s4  }
0xb: {  	s10 =	sadd.s32 s9, s1;
	s30 =	sadd.s32 s9, s3;
	[dreg:$0x8] =	wrdreg s7  }
0xc: {  	s20 =	sadd.s32 s9, s6;
	s23 =	sadd.s32 s21, s5;
	[dreg:$0x9] =	wrdreg s10  }
0xd: {  	s22 =	ssub.s32 s11, s12;
	[dreg:$0xa] =	wrdreg s30;
	s25 =	sadd.s32 $0xC6E00, s23  }
0xe: {  	s2 =	sshrl.u32 s20, $0x3;
	s29 =	smax.u32 s22, $0x1;
	[dreg:$0x6] =	wrdreg s25  }
0xf: {  	s1 =	sadd.s32 $0x18AE00, s23;
	s0 =	sadd.s32 s2, s0;
	[dreg:$0xe] =	wrdreg s29  }
0x10: {  	s9 =	simm.s32 $0x2;
	[dreg:$0x7] =	wrdreg s1;
	s24 =	sadd.s32 $0x9C00, s0  }
0x11: {  	s12 =	simm.s32 $0x0;
	s26 =	sadd.s32 $0xCD00, s0;
	[dreg:$0xb] =	wrdreg s24  }
0x12: {  	s20 =	simm.s32 $0x80;
	s0 =	sadd.s32 $0xFE00, s0;
	[dreg:$0xc] =	wrdreg s26  }
0x13: {  	v0 =	vimm.f32 $0.0e+00;
	s22 =	simm.s32 $0x480;
	[dreg:$0xd] =	wrdreg s0;
	s26 =	simm.s32 $0x580  }
.LBB2_1:
0x14: {  	[dreg:$0xf] =	wrdreg s12;
	s0 =	simm.s32 $0x40;
	s12 =	simm.s32 $0x0  }
.LBB2_2:
0x15: {  	p0 =	sne.s32 s0, $0x61C0;
	[tilespmem:s12+$0x1400] =	vst v0;
	s12 =	smov.u32 s0;
	s0 =	sadd.s32 $0x40, s0  }
.Ltmp0:
0x16: {  	(pc) =	sbr.rel @p0 .LBB2_2-.Ltmp0, $2  }
0x17: {  	_ =	sdelay $0x2  }
0x18: {  	s12 =	sshra.s32 s12, $0x2  }
0x19: {  	[tilespmem:s12+$0x1400] =	vst v0;
	s0 =	simm.s32 $0x1400;
	s16 =	simm.s32 $0x4  }
0x1a: {  	[spmem:s7] =	stream.linear.scatter [tilespmem:s0], [sflag:$0x4], $0x1880, $0x38;
	[tilespmem:$0x7600] =	vst v63  }
0x1b: {  	_ =	swait.ge [sflag:s16], $0x1880  }
0x1c: {  	[sflag:s16] =	ssyncset.done $0x0  }
0x1d: {  	[sflag:s16] =	ssyncadd.s32 $0xFFFFE780  }
0x1e: {  	[spmem:s10] =	stream.linear.scatter [tilespmem:s0], [sflag:$0x4], $0x1880, $0x38;
	[tilespmem:$0x7600] =	vst v63  }
0x1f: {  	_ =	swait.ge [sflag:s16], $0x1880  }
0x20: {  	[sflag:s16] =	ssyncset.done $0x0  }
0x21: {  	[sflag:s16] =	ssyncadd.s32 $0xFFFFE780  }
0x22: {  	[spmem:s30] =	stream.linear.scatter [tilespmem:s0], [sflag:$0x4], $0x1880, $0x38;
	[tilespmem:$0x7600] =	vst v63  }
0x23: {  	_ =	swait.ge [sflag:s16], $0x1880  }
0x24: {  	[sflag:s16] =	ssyncset.done $0x0  }
0x25: {  	[sflag:s16] =	ssyncadd.s32 $0xFFFFE780  }
0x26: {  	[bflag:$0x0] =	sbarrier.arrive $0xFFFF  }
0x27: {  	s17 =	rddreg [dreg:$0x7]  }
0x28: {  	s18 =	rddreg [dreg:$0x6];
	s0 =	sadd.s32 $0x0, s17  }
0x29: {  	[tilespmem:s31], [sflag:$0x1] =	stream.linear.gather [hbm4b:s0+s31], $0x400, $0x38;
	[tilespmem:$0x7600] =	vst v63  }
0x2a: {  	s1 =	simm.s32 $0x400;
	s21 =	sadd.s32 $0x0, s18  }
0x2b: {  	[tilespmem:s1], [sflag:$0x1] =	stream.linear.gather [hbm4b:s21+s31], $0x400, $0x38;
	[tilespmem:$0x7600] =	vst v63  }
0x2c: {  	_ =	swait.ge [sflag:s19], $0x400  }
0x2d: {  	[sflag:s19] =	ssyncset.done $0x0  }
0x2e: {  	[sflag:s19] =	ssyncadd.s32 $0xFFFFFC00  }
0x2f: {  	_ =	swait.ge [sflag:s19], $0x400  }
0x30: {  	[sflag:s19] =	ssyncset.done $0x0  }
0x31: {  	[sflag:s19] =	ssyncadd.s32 $0xFFFFFC00  }
0x32: {  	s5 =	simm.s32 $0x800;
	s6 =	rddreg [dreg:$0x1]  }
0x33: {  	[tilespmem:s5], [sflag:$0x2] =	stream.indirect.gather [hbm4b:s6+s20], $0x1, s1, s20, $0xb8;
	[tilespmem:$0x7600] =	vst v63  }
0x34: {  	s12 =	simm.s32 $0x880  }
0x35: {  	[tilespmem:s12], [sflag:$0x2] =	stream.indirect.gather [hbm4b:s6+s20], $0x1, s22, s20, $0xb8;
	[tilespmem:$0x7600] =	vst v63  }
0x36: {  	s24 =	simm.s32 $0x500;
	s16 =	simm.s32 $0x900  }
0x37: {  	[tilespmem:s16], [sflag:$0x2] =	stream.indirect.gather [hbm4b:s6+s20], $0x1, s24, s20, $0xb8;
	[tilespmem:$0x7600] =	vst v63  }
0x38: {  	s14 =	simm.s32 $0x980  }
0x39: {  	[tilespmem:s14], [sflag:$0x2] =	stream.indirect.gather [hbm4b:s6+s20], $0x1, s26, s20, $0xb8;
	[tilespmem:$0x7600] =	vst v63  }
0x3a: {  	s15 =	simm.s32 $0xA00;
	s2 =	simm.s32 $0x600  }
0x3b: {  	[tilespmem:s15], [sflag:$0x2] =	stream.indirect.gather [hbm4b:s6+s20], $0x1, s2, s20, $0xb8;
	[tilespmem:$0x7600] =	vst v63  }
0x3c: {  	s29 =	simm.s32 $0xA80;
	s7 =	simm.s32 $0x680  }
0x3d: {  	[tilespmem:s29], [sflag:$0x2] =	stream.indirect.gather [hbm4b:s6+s20], $0x1, s7, s20, $0xb8;
	[tilespmem:$0x7600] =	vst v63  }
0x3e: {  	s25 =	simm.s32 $0xB00;
	s0 =	simm.s32 $0x700  }
0x3f: {  	[tilespmem:s25], [sflag:$0x2] =	stream.indirect.gather [hbm4b:s6+s20], $0x1, s0, s20, $0xb8;
	[tilespmem:$0x7600] =	vst v63  }
0x40: {  	s23 =	simm.s32 $0xB80;
	s3 =	simm.s32 $0x780  }
0x41: {  	[tilespmem:s23], [sflag:$0x2] =	stream.indirect.gather [hbm4b:s6+s20], $0x1, s3, s20, $0xb8;
	[tilespmem:$0x7600] =	vst v63  }
0x42: {  	s11 =	simm.s32 $0xC00  }
0x43: {  	[tilespmem:s11], [sflag:$0x2] =	stream.indirect.gather [hbm4b:s13+s20], $0x1, s1, s20, $0xb8;
	[tilespmem:$0x7600] =	vst v63  }
0x44: {  	s11 =	simm.s32 $0xC80  }
0x45: {  	[tilespmem:s11], [sflag:$0x2] =	stream.indirect.gather [hbm4b:s13+s20], $0x1, s22, s20, $0xb8;
	[tilespmem:$0x7600] =	vst v63  }
0x46: {  	s17 =	simm.s32 $0xD00  }
0x47: {  	[tilespmem:s17], [sflag:$0x2] =	stream.indirect.gather [hbm4b:s13+s20], $0x1, s24, s20, $0xb8;
	[tilespmem:$0x7600] =	vst v63  }
0x48: {  	s17 =	simm.s32 $0xD80  }
0x49: {  	[tilespmem:s17], [sflag:$0x2] =	stream.indirect.gather [hbm4b:s13+s20], $0x1, s26, s20, $0xb8;
	[tilespmem:$0x7600] =	vst v63  }
0x4a: {  	s21 =	simm.s32 $0xE00  }
0x4b: {  	[tilespmem:s21], [sflag:$0x2] =	stream.indirect.gather [hbm4b:s13+s20], $0x1, s2, s20, $0xb8;
	[tilespmem:$0x7600] =	vst v63  }
0x4c: {  	s23 =	simm.s32 $0xE80  }
0x4d: {  	[tilespmem:s23], [sflag:$0x2] =	stream.indirect.gather [hbm4b:s13+s20], $0x1, s7, s20, $0xb8;
	[tilespmem:$0x7600] =	vst v63  }
0x4e: {  	s30 =	simm.s32 $0xF00  }
0x4f: {  	[tilespmem:s30], [sflag:$0x2] =	stream.indirect.gather [hbm4b:s13+s20], $0x1, s0, s20, $0xb8;
	[tilespmem:$0x7600] =	vst v63  }
0x50: {  	s18 =	simm.s32 $0xF80  }
0x51: {  	[tilespmem:s18], [sflag:$0x2] =	stream.indirect.gather [hbm4b:s13+s20], $0x1, s3, s20, $0xb8;
	[tilespmem:$0x7600] =	vst v63  }
0x52: {  	s18 =	simm.s32 $0x1000  }
0x53: {  	[tilespmem:s18], [sflag:$0x2] =	stream.indirect.gather [hbm4b:s8+s20], $0x1, s1, s20, $0xb8;
	[tilespmem:$0x7600] =	vst v63  }
0x54: {  	s10 =	simm.s32 $0x1080  }
0x55: {  	[tilespmem:s10], [sflag:$0x2] =	stream.indirect.gather [hbm4b:s8+s20], $0x1, s22, s20, $0xb8;
	[tilespmem:$0x7600] =	vst v63  }
0x56: {  	s6 =	simm.s32 $0x1100  }
0x57: {  	[tilespmem:s6], [sflag:$0x2] =	stream.indirect.gather [hbm4b:s8+s20], $0x1, s24, s20, $0xb8;
	[tilespmem:$0x7600] =	vst v63  }
0x58: {  	s24 =	simm.s32 $0x1180  }
0x59: {  	[tilespmem:s24], [sflag:$0x2] =	stream.indirect.gather [hbm4b:s8+s20], $0x1, s26, s20, $0xb8;
	[tilespmem:$0x7600] =	vst v63  }
0x5a: {  	s26 =	simm.s32 $0x1200  }
0x5b: {  	[tilespmem:s26], [sflag:$0x2] =	stream.indirect.gather [hbm4b:s8+s20], $0x1, s2, s20, $0xb8;
	[tilespmem:$0x7600] =	vst v63  }
0x5c: {  	s10 =	simm.s32 $0x1280  }
0x5d: {  	[tilespmem:s10], [sflag:$0x2] =	stream.indirect.gather [hbm4b:s8+s20], $0x1, s7, s20, $0xb8;
	[tilespmem:$0x7600] =	vst v63  }
0x5e: {  	s7 =	simm.s32 $0x1300  }
0x5f: {  	[tilespmem:s7], [sflag:$0x2] =	stream.indirect.gather [hbm4b:s8+s20], $0x1, s0, s20, $0xb8;
	[tilespmem:$0x7600] =	vst v63  }
0x60: {  	s2 =	simm.s32 $0x1380  }
0x61: {  	[tilespmem:s2], [sflag:$0x2] =	stream.indirect.gather [hbm4b:s8+s20], $0x1, s3, s20, $0xb8;
	[tilespmem:$0x7600] =	vst v63  }
0x62: {  	_ =	swait.ge [sflag:s9], $0x80  }
0x63: {  	[sflag:s9] =	ssyncset.done $0x0  }
0x64: {  	[sflag:s9] =	ssyncadd.s32 $0xFFFFFF80  }
0x65: {  	_ =	swait.ge [sflag:s9], $0x80  }
0x66: {  	[sflag:s9] =	ssyncset.done $0x0  }
0x67: {  	[sflag:s9] =	ssyncadd.s32 $0xFFFFFF80  }
0x68: {  	_ =	swait.ge [sflag:s9], $0x80  }
0x69: {  	[sflag:s9] =	ssyncset.done $0x0  }
0x6a: {  	[sflag:s9] =	ssyncadd.s32 $0xFFFFFF80  }
0x6b: {  	_ =	swait.ge [sflag:s9], $0x80  }
0x6c: {  	[sflag:s9] =	ssyncset.done $0x0  }
0x6d: {  	[sflag:s9] =	ssyncadd.s32 $0xFFFFFF80  }
0x6e: {  	_ =	swait.ge [sflag:s9], $0x80  }
0x6f: {  	[sflag:s9] =	ssyncset.done $0x0  }
0x70: {  	[sflag:s9] =	ssyncadd.s32 $0xFFFFFF80  }
0x71: {  	_ =	swait.ge [sflag:s9], $0x80  }
0x72: {  	[sflag:s9] =	ssyncset.done $0x0  }
0x73: {  	[sflag:s9] =	ssyncadd.s32 $0xFFFFFF80  }
0x74: {  	_ =	swait.ge [sflag:s9], $0x80  }
0x75: {  	[sflag:s9] =	ssyncset.done $0x0  }
0x76: {  	[sflag:s9] =	ssyncadd.s32 $0xFFFFFF80  }
0x77: {  	_ =	swait.ge [sflag:s9], $0x80  }
0x78: {  	[sflag:s9] =	ssyncset.done $0x0  }
0x79: {  	[sflag:s9] =	ssyncadd.s32 $0xFFFFFF80  }
0x7a: {  	_ =	swait.ge [sflag:s9], $0x80  }
0x7b: {  	[sflag:s9] =	ssyncset.done $0x0  }
0x7c: {  	[sflag:s9] =	ssyncadd.s32 $0xFFFFFF80  }
0x7d: {  	_ =	swait.ge [sflag:s9], $0x80  }
0x7e: {  	[sflag:s9] =	ssyncset.done $0x0  }
0x7f: {  	[sflag:s9] =	ssyncadd.s32 $0xFFFFFF80  }
0x80: {  	_ =	swait.ge [sflag:s9], $0x80  }
0x81: {  	[sflag:s9] =	ssyncset.done $0x0  }
0x82: {  	[sflag:s9] =	ssyncadd.s32 $0xFFFFFF80  }
0x83: {  	_ =	swait.ge [sflag:s9], $0x80  }
0x84: {  	[sflag:s9] =	ssyncset.done $0x0  }
0x85: {  	[sflag:s9] =	ssyncadd.s32 $0xFFFFFF80  }
0x86: {  	_ =	swait.ge [sflag:s9], $0x80  }
0x87: {  	[sflag:s9] =	ssyncset.done $0x0  }
0x88: {  	[sflag:s9] =	ssyncadd.s32 $0xFFFFFF80  }
0x89: {  	_ =	swait.ge [sflag:s9], $0x80  }
0x8a: {  	[sflag:s9] =	ssyncset.done $0x0  }
0x8b: {  	[sflag:s9] =	ssyncadd.s32 $0xFFFFFF80  }
0x8c: {  	_ =	swait.ge [sflag:s9], $0x80  }
0x8d: {  	[sflag:s9] =	ssyncset.done $0x0  }
0x8e: {  	[sflag:s9] =	ssyncadd.s32 $0xFFFFFF80  }
0x8f: {  	_ =	swait.ge [sflag:s9], $0x80  }
0x90: {  	[sflag:s9] =	ssyncset.done $0x0  }
0x91: {  	[sflag:s9] =	ssyncadd.s32 $0xFFFFFF80  }
0x92: {  	_ =	swait.ge [sflag:s9], $0x80  }
0x93: {  	[sflag:s9] =	ssyncset.done $0x0  }
0x94: {  	[sflag:s9] =	ssyncadd.s32 $0xFFFFFF80  }
0x95: {  	_ =	swait.ge [sflag:s9], $0x80  }
0x96: {  	[sflag:s9] =	ssyncset.done $0x0  }
0x97: {  	[sflag:s9] =	ssyncadd.s32 $0xFFFFFF80  }
0x98: {  	_ =	swait.ge [sflag:s9], $0x80  }
0x99: {  	[sflag:s9] =	ssyncset.done $0x0  }
0x9a: {  	[sflag:s9] =	ssyncadd.s32 $0xFFFFFF80  }
0x9b: {  	_ =	swait.ge [sflag:s9], $0x80  }
0x9c: {  	[sflag:s9] =	ssyncset.done $0x0  }
0x9d: {  	[sflag:s9] =	ssyncadd.s32 $0xFFFFFF80  }
0x9e: {  	_ =	swait.ge [sflag:s9], $0x80  }
0x9f: {  	[sflag:s9] =	ssyncset.done $0x0  }
0xa0: {  	[sflag:s9] =	ssyncadd.s32 $0xFFFFFF80  }
0xa1: {  	_ =	swait.ge [sflag:s9], $0x80  }
0xa2: {  	[sflag:s9] =	ssyncset.done $0x0  }
0xa3: {  	[sflag:s9] =	ssyncadd.s32 $0xFFFFFF80  }
0xa4: {  	_ =	swait.ge [sflag:s9], $0x80  }
0xa5: {  	[sflag:s9] =	ssyncset.done $0x0  }
0xa6: {  	[sflag:s9] =	ssyncadd.s32 $0xFFFFFF80  }
0xa7: {  	_ =	swait.ge [sflag:s9], $0x80  }
0xa8: {  	[sflag:s9] =	ssyncset.done $0x0  }
0xa9: {  	[sflag:s9] =	ssyncadd.s32 $0xFFFFFF80  }
0xaa: {  	[spmem:s4] =	stream.indirect.scatter.add.f32 [tilespmem:s5], [sflag:$0x3], $0x1, s31, s20, $0xb8;
	[tilespmem:$0x7600] =	vst v63  }
0xab: {  	_ = 	snop  }
0xac: {  	[spmem:s4] =	stream.indirect.scatter.add.f32 [tilespmem:s12], [sflag:$0x3], $0x1, s20, s20, $0xb8;
	[tilespmem:$0x7600] =	vst v63  }
0xad: {  	s0 =	simm.s32 $0x100  }
0xae: {  	[spmem:s4] =	stream.indirect.scatter.add.f32 [tilespmem:s16], [sflag:$0x3], $0x1, s0, s20, $0xb8;
	[tilespmem:$0x7600] =	vst v63  }
0xaf: {  	s16 =	simm.s32 $0x180  }
0xb0: {  	[spmem:s4] =	stream.indirect.scatter.add.f32 [tilespmem:s14], [sflag:$0x3], $0x1, s16, s20, $0xb8;
	[tilespmem:$0x7600] =	vst v63  }
0xb1: {  	s1 =	simm.s32 $0x200  }
0xb2: {  	[spmem:s4] =	stream.indirect.scatter.add.f32 [tilespmem:s15], [sflag:$0x3], $0x1, s1, s20, $0xb8;
	[tilespmem:$0x7600] =	vst v63  }
0xb3: {  	s15 =	simm.s32 $0x280  }
0xb4: {  	[spmem:s4] =	stream.indirect.scatter.add.f32 [tilespmem:s29], [sflag:$0x3], $0x1, s15, s20, $0xb8;
	[tilespmem:$0x7600] =	vst v63  }
0xb5: {  	s12 =	simm.s32 $0x300  }
0xb6: {  	[spmem:s4] =	stream.indirect.scatter.add.f32 [tilespmem:s25], [sflag:$0x3], $0x1, s12, s20, $0xb8;
	[tilespmem:$0x7600] =	vst v63  }
0xb7: {  	s14 =	simm.s32 $0x380;
	s25 =	simm.s32 $0xB80  }
0xb8: {  	[spmem:s4] =	stream.indirect.scatter.add.f32 [tilespmem:s25], [sflag:$0x3], $0x1, s14, s20, $0xb8;
	[tilespmem:$0x7600] =	vst v63  }
0xb9: {  	s5 =	rddreg [dreg:$0x3];
	s29 =	simm.s32 $0xC00  }
0xba: {  	[spmem:s5] =	stream.indirect.scatter.add.f32 [tilespmem:s29], [sflag:$0x3], $0x1, s31, s20, $0xb8;
	[tilespmem:$0x7600] =	vst v63  }
0xbb: {  	_ = 	snop  }
0xbc: {  	[spmem:s5] =	stream.indirect.scatter.add.f32 [tilespmem:s11], [sflag:$0x3], $0x1, s20, s20, $0xb8;
	[tilespmem:$0x7600] =	vst v63  }
0xbd: {  	s11 =	simm.s32 $0xD00  }
0xbe: {  	[spmem:s5] =	stream.indirect.scatter.add.f32 [tilespmem:s11], [sflag:$0x3], $0x1, s0, s20, $0xb8;
	[tilespmem:$0x7600] =	vst v63  }
0xbf: {  	_ = 	snop  }
0xc0: {  	[spmem:s5] =	stream.indirect.scatter.add.f32 [tilespmem:s17], [sflag:$0x3], $0x1, s16, s20, $0xb8;
	[tilespmem:$0x7600] =	vst v63  }
0xc1: {  	_ = 	snop  }
0xc2: {  	[spmem:s5] =	stream.indirect.scatter.add.f32 [tilespmem:s21], [sflag:$0x3], $0x1, s1, s20, $0xb8;
	[tilespmem:$0x7600] =	vst v63  }
0xc3: {  	_ = 	snop  }
0xc4: {  	[spmem:s5] =	stream.indirect.scatter.add.f32 [tilespmem:s23], [sflag:$0x3], $0x1, s15, s20, $0xb8;
	[tilespmem:$0x7600] =	vst v63  }
0xc5: {  	_ = 	snop  }
0xc6: {  	[spmem:s5] =	stream.indirect.scatter.add.f32 [tilespmem:s30], [sflag:$0x3], $0x1, s12, s20, $0xb8;
	[tilespmem:$0x7600] =	vst v63  }
0xc7: {  	s25 =	simm.s32 $0xF80  }
0xc8: {  	[spmem:s5] =	stream.indirect.scatter.add.f32 [tilespmem:s25], [sflag:$0x3], $0x1, s14, s20, $0xb8;
	[tilespmem:$0x7600] =	vst v63  }
0xc9: {  	s3 =	rddreg [dreg:$0x4]  }
0xca: {  	[spmem:s3] =	stream.indirect.scatter.add.f32 [tilespmem:s18], [sflag:$0x3], $0x1, s31, s20, $0xb8;
	[tilespmem:$0x7600] =	vst v63  }
0xcb: {  	s29 =	simm.s32 $0x1080  }
0xcc: {  	[spmem:s3] =	stream.indirect.scatter.add.f32 [tilespmem:s29], [sflag:$0x3], $0x1, s20, s20, $0xb8;
	[tilespmem:$0x7600] =	vst v63  }
0xcd: {  	_ = 	snop  }
0xce: {  	[spmem:s3] =	stream.indirect.scatter.add.f32 [tilespmem:s6], [sflag:$0x3], $0x1, s0, s20, $0xb8;
	[tilespmem:$0x7600] =	vst v63  }
0xcf: {  	_ = 	snop  }
0xd0: {  	[spmem:s3] =	stream.indirect.scatter.add.f32 [tilespmem:s24], [sflag:$0x3], $0x1, s16, s20, $0xb8;
	[tilespmem:$0x7600] =	vst v63  }
0xd1: {  	_ = 	snop  }
0xd2: {  	[spmem:s3] =	stream.indirect.scatter.add.f32 [tilespmem:s26], [sflag:$0x3], $0x1, s1, s20, $0xb8;
	[tilespmem:$0x7600] =	vst v63  }
0xd3: {  	_ = 	snop  }
0xd4: {  	[spmem:s3] =	stream.indirect.scatter.add.f32 [tilespmem:s10], [sflag:$0x3], $0x1, s15, s20, $0xb8;
	[tilespmem:$0x7600] =	vst v63  }
0xd5: {  	_ = 	snop  }
0xd6: {  	[spmem:s3] =	stream.indirect.scatter.add.f32 [tilespmem:s7], [sflag:$0x3], $0x1, s12, s20, $0xb8;
	[tilespmem:$0x7600] =	vst v63  }
0xd7: {  	_ = 	snop  }
0xd8: {  	[spmem:s3] =	stream.indirect.scatter.add.f32 [tilespmem:s2], [sflag:$0x3], $0x1, s14, s20, $0xb8;
	[tilespmem:$0x7600] =	vst v63  }
0xd9: {  	_ =	swait.ge [sflag:s28], $0x80  }
0xda: {  	[sflag:s28] =	ssyncset.done $0x0  }
0xdb: {  	[sflag:s28] =	ssyncadd.s32 $0xFFFFFF80  }
0xdc: {  	_ =	swait.ge [sflag:s28], $0x80  }
0xdd: {  	[sflag:s28] =	ssyncset.done $0x0  }
0xde: {  	[sflag:s28] =	ssyncadd.s32 $0xFFFFFF80  }
0xdf: {  	_ =	swait.ge [sflag:s28], $0x80  }
0xe0: {  	[sflag:s28] =	ssyncset.done $0x0  }
0xe1: {  	[sflag:s28] =	ssyncadd.s32 $0xFFFFFF80  }
0xe2: {  	_ =	swait.ge [sflag:s28], $0x80  }
0xe3: {  	[sflag:s28] =	ssyncset.done $0x0  }
0xe4: {  	[sflag:s28] =	ssyncadd.s32 $0xFFFFFF80  }
0xe5: {  	_ =	swait.ge [sflag:s28], $0x80  }
0xe6: {  	[sflag:s28] =	ssyncset.done $0x0  }
0xe7: {  	[sflag:s28] =	ssyncadd.s32 $0xFFFFFF80  }
0xe8: {  	_ =	swait.ge [sflag:s28], $0x80  }
0xe9: {  	[sflag:s28] =	ssyncset.done $0x0  }
0xea: {  	[sflag:s28] =	ssyncadd.s32 $0xFFFFFF80  }
0xeb: {  	_ =	swait.ge [sflag:s28], $0x80  }
0xec: {  	[sflag:s28] =	ssyncset.done $0x0  }
0xed: {  	[sflag:s28] =	ssyncadd.s32 $0xFFFFFF80  }
0xee: {  	_ =	swait.ge [sflag:s28], $0x80  }
0xef: {  	[sflag:s28] =	ssyncset.done $0x0  }
0xf0: {  	[sflag:s28] =	ssyncadd.s32 $0xFFFFFF80  }
0xf1: {  	_ =	swait.ge [sflag:s28], $0x80  }
0xf2: {  	[sflag:s28] =	ssyncset.done $0x0  }
0xf3: {  	[sflag:s28] =	ssyncadd.s32 $0xFFFFFF80  }
0xf4: {  	_ =	swait.ge [sflag:s28], $0x80  }
0xf5: {  	[sflag:s28] =	ssyncset.done $0x0  }
0xf6: {  	[sflag:s28] =	ssyncadd.s32 $0xFFFFFF80  }
0xf7: {  	_ =	swait.ge [sflag:s28], $0x80  }
0xf8: {  	[sflag:s28] =	ssyncset.done $0x0  }
0xf9: {  	[sflag:s28] =	ssyncadd.s32 $0xFFFFFF80  }
0xfa: {  	_ =	swait.ge [sflag:s28], $0x80  }
0xfb: {  	[sflag:s28] =	ssyncset.done $0x0  }
0xfc: {  	[sflag:s28] =	ssyncadd.s32 $0xFFFFFF80  }
0xfd: {  	_ =	swait.ge [sflag:s28], $0x80  }
0xfe: {  	[sflag:s28] =	ssyncset.done $0x0  }
0xff: {  	[sflag:s28] =	ssyncadd.s32 $0xFFFFFF80  }
0x100: {  	_ =	swait.ge [sflag:s28], $0x80  }
0x101: {  	[sflag:s28] =	ssyncset.done $0x0  }
0x102: {  	[sflag:s28] =	ssyncadd.s32 $0xFFFFFF80  }
0x103: {  	_ =	swait.ge [sflag:s28], $0x80  }
0x104: {  	[sflag:s28] =	ssyncset.done $0x0  }
0x105: {  	[sflag:s28] =	ssyncadd.s32 $0xFFFFFF80  }
0x106: {  	_ =	swait.ge [sflag:s28], $0x80  }
0x107: {  	[sflag:s28] =	ssyncset.done $0x0  }
0x108: {  	[sflag:s28] =	ssyncadd.s32 $0xFFFFFF80  }
0x109: {  	_ =	swait.ge [sflag:s28], $0x80  }
0x10a: {  	[sflag:s28] =	ssyncset.done $0x0  }
0x10b: {  	[sflag:s28] =	ssyncadd.s32 $0xFFFFFF80  }
0x10c: {  	_ =	swait.ge [sflag:s28], $0x80  }
0x10d: {  	[sflag:s28] =	ssyncset.done $0x0  }
0x10e: {  	[sflag:s28] =	ssyncadd.s32 $0xFFFFFF80  }
0x10f: {  	_ =	swait.ge [sflag:s28], $0x80  }
0x110: {  	[sflag:s28] =	ssyncset.done $0x0  }
0x111: {  	[sflag:s28] =	ssyncadd.s32 $0xFFFFFF80  }
0x112: {  	_ =	swait.ge [sflag:s28], $0x80  }
0x113: {  	[sflag:s28] =	ssyncset.done $0x0  }
0x114: {  	[sflag:s28] =	ssyncadd.s32 $0xFFFFFF80  }
0x115: {  	_ =	swait.ge [sflag:s28], $0x80  }
0x116: {  	[sflag:s28] =	ssyncset.done $0x0  }
0x117: {  	[sflag:s28] =	ssyncadd.s32 $0xFFFFFF80  }
0x118: {  	_ =	swait.ge [sflag:s28], $0x80  }
0x119: {  	[sflag:s28] =	ssyncset.done $0x0  }
0x11a: {  	[sflag:s28] =	ssyncadd.s32 $0xFFFFFF80  }
0x11b: {  	_ =	swait.ge [sflag:s28], $0x80  }
0x11c: {  	[sflag:s28] =	ssyncset.done $0x0  }
0x11d: {  	[sflag:s28] =	ssyncadd.s32 $0xFFFFFF80  }
0x11e: {  	s30 =	simm.s32 $0x80;
	_ =	swait.ge [sflag:s28], $0x80  }
0x11f: {  	s0 =	simm.s32 $0x100;
	s12 =	rddreg [dreg:$0x7];
	[sflag:s28] =	ssyncset.done $0x0  }
.LBB2_4:
0x120: {  	[sflag:s28] =	ssyncadd.s32 $0xFFFFFF80;
	s15 =	rddreg [dreg:$0x6];
	s12 =	sadd.s32 s30, s12  }
0x121: {  	[tilespmem:s31], [sflag:$0x1] =	stream.linear.gather [hbm4b:s12+s31], $0x400, $0x38;
	[tilespmem:$0x7600] =	vst v63  }
0x122: {  	s1 =	simm.s32 $0x400;
	s11 =	sadd.s32 s30, s15  }
0x123: {  	[tilespmem:s1], [sflag:$0x1] =	stream.linear.gather [hbm4b:s11+s31], $0x400, $0x38;
	[tilespmem:$0x7600] =	vst v63  }
0x124: {  	_ =	swait.ge [sflag:s19], $0x400  }
0x125: {  	[sflag:s19] =	ssyncset.done $0x0  }
0x126: {  	[sflag:s19] =	ssyncadd.s32 $0xFFFFFC00  }
0x127: {  	_ =	swait.ge [sflag:s19], $0x400  }
0x128: {  	[sflag:s19] =	ssyncset.done $0x0  }
0x129: {  	[sflag:s19] =	ssyncadd.s32 $0xFFFFFC00  }
0x12a: {  	s7 =	simm.s32 $0x800;
	s11 =	rddreg [dreg:$0x1]  }
0x12b: {  	[tilespmem:s7], [sflag:$0x2] =	stream.indirect.gather [hbm4b:s11+s20], $0x1, s1, s20, $0xb8;
	[tilespmem:$0x7600] =	vst v63  }
0x12c: {  	s6 =	simm.s32 $0x880  }
0x12d: {  	[tilespmem:s6], [sflag:$0x2] =	stream.indirect.gather [hbm4b:s11+s20], $0x1, s22, s20, $0xb8;
	[tilespmem:$0x7600] =	vst v63  }
0x12e: {  	s26 =	simm.s32 $0x500;
	s22 =	simm.s32 $0x900  }
0x12f: {  	[tilespmem:s22], [sflag:$0x2] =	stream.indirect.gather [hbm4b:s11+s20], $0x1, s26, s20, $0xb8;
	[tilespmem:$0x7600] =	vst v63  }
0x130: {  	s16 =	simm.s32 $0x580;
	s12 =	simm.s32 $0x980  }
0x131: {  	[tilespmem:s12], [sflag:$0x2] =	stream.indirect.gather [hbm4b:s11+s20], $0x1, s16, s20, $0xb8;
	[tilespmem:$0x7600] =	vst v63  }
0x132: {  	s7 =	simm.s32 $0x600;
	s16 =	simm.s32 $0xA00  }
0x133: {  	[tilespmem:s16], [sflag:$0x2] =	stream.indirect.gather [hbm4b:s11+s20], $0x1, s7, s20, $0xb8;
	[tilespmem:$0x7600] =	vst v63  }
0x134: {  	s29 =	simm.s32 $0xA80;
	s2 =	simm.s32 $0x680  }
0x135: {  	[tilespmem:s29], [sflag:$0x2] =	stream.indirect.gather [hbm4b:s11+s20], $0x1, s2, s20, $0xb8;
	[tilespmem:$0x7600] =	vst v63  }
0x136: {  	s25 =	simm.s32 $0xB00;
	s6 =	simm.s32 $0x700  }
0x137: {  	[tilespmem:s25], [sflag:$0x2] =	stream.indirect.gather [hbm4b:s11+s20], $0x1, s6, s20, $0xb8;
	[tilespmem:$0x7600] =	vst v63  }
0x138: {  	s10 =	simm.s32 $0x780;
	s15 =	simm.s32 $0xB80  }
0x139: {  	[tilespmem:s15], [sflag:$0x2] =	stream.indirect.gather [hbm4b:s11+s20], $0x1, s10, s20, $0xb8;
	[tilespmem:$0x7600] =	vst v63  }
0x13a: {  	s17 =	simm.s32 $0xC00  }
0x13b: {  	[tilespmem:s17], [sflag:$0x2] =	stream.indirect.gather [hbm4b:s13+s20], $0x1, s1, s20, $0xb8;
	[tilespmem:$0x7600] =	vst v63  }
0x13c: {  	s24 =	simm.s32 $0x480;
	s11 =	simm.s32 $0xC80  }
0x13d: {  	[tilespmem:s11], [sflag:$0x2] =	stream.indirect.gather [hbm4b:s13+s20], $0x1, s24, s20, $0xb8;
	[tilespmem:$0x7600] =	vst v63  }
0x13e: {  	s18 =	simm.s32 $0xD00  }
0x13f: {  	[tilespmem:s18], [sflag:$0x2] =	stream.indirect.gather [hbm4b:s13+s20], $0x1, s26, s20, $0xb8;
	[tilespmem:$0x7600] =	vst v63  }
0x140: {  	s17 =	simm.s32 $0xD80;
	s26 =	simm.s32 $0x580  }
0x141: {  	[tilespmem:s17], [sflag:$0x2] =	stream.indirect.gather [hbm4b:s13+s20], $0x1, s26, s20, $0xb8;
	[tilespmem:$0x7600] =	vst v63  }
0x142: {  	s21 =	simm.s32 $0xE00  }
0x143: {  	[tilespmem:s21], [sflag:$0x2] =	stream.indirect.gather [hbm4b:s13+s20], $0x1, s7, s20, $0xb8;
	[tilespmem:$0x7600] =	vst v63  }
0x144: {  	s23 =	simm.s32 $0xE80  }
0x145: {  	[tilespmem:s23], [sflag:$0x2] =	stream.indirect.gather [hbm4b:s13+s20], $0x1, s2, s20, $0xb8;
	[tilespmem:$0x7600] =	vst v63  }
0x146: {  	s31 =	simm.s32 $0xF00  }
0x147: {  	[tilespmem:s31], [sflag:$0x2] =	stream.indirect.gather [hbm4b:s13+s20], $0x1, s6, s20, $0xb8;
	[tilespmem:$0x7600] =	vst v63  }
0x148: {  	s19 =	simm.s32 $0xF80  }
0x149: {  	[tilespmem:s19], [sflag:$0x2] =	stream.indirect.gather [hbm4b:s13+s20], $0x1, s10, s20, $0xb8;
	[tilespmem:$0x7600] =	vst v63  }
0x14a: {  	s19 =	simm.s32 $0x1000  }
0x14b: {  	[tilespmem:s19], [sflag:$0x2] =	stream.indirect.gather [hbm4b:s8+s20], $0x1, s1, s20, $0xb8;
	[tilespmem:$0x7600] =	vst v63  }
0x14c: {  	s1 =	simm.s32 $0x1080  }
0x14d: {  	[tilespmem:s1], [sflag:$0x2] =	stream.indirect.gather [hbm4b:s8+s20], $0x1, s24, s20, $0xb8;
	[tilespmem:$0x7600] =	vst v63  }
0x14e: {  	s14 =	smov.u32 s0;
	s15 =	simm.s32 $0x1100;
	s24 =	simm.s32 $0x500  }
0x14f: {  	[tilespmem:s15], [sflag:$0x2] =	stream.indirect.gather [hbm4b:s8+s20], $0x1, s24, s20, $0xb8;
	[tilespmem:$0x7600] =	vst v63  }
0x150: {  	s30 =	smov.u32 s14;
	s14 =	simm.s32 $0x1180  }
0x151: {  	[tilespmem:s14], [sflag:$0x2] =	stream.indirect.gather [hbm4b:s8+s20], $0x1, s26, s20, $0xb8;
	[tilespmem:$0x7600] =	vst v63  }
0x152: {  	s24 =	simm.s32 $0x1200  }
0x153: {  	[tilespmem:s24], [sflag:$0x2] =	stream.indirect.gather [hbm4b:s8+s20], $0x1, s7, s20, $0xb8;
	[tilespmem:$0x7600] =	vst v63  }
0x154: {  	s7 =	simm.s32 $0x1280  }
0x155: {  	[tilespmem:s7], [sflag:$0x2] =	stream.indirect.gather [hbm4b:s8+s20], $0x1, s2, s20, $0xb8;
	[tilespmem:$0x7600] =	vst v63  }
0x156: {  	s7 =	simm.s32 $0x1300  }
0x157: {  	[tilespmem:s7], [sflag:$0x2] =	stream.indirect.gather [hbm4b:s8+s20], $0x1, s6, s20, $0xb8;
	[tilespmem:$0x7600] =	vst v63  }
0x158: {  	s6 =	simm.s32 $0x1380  }
0x159: {  	[tilespmem:s6], [sflag:$0x2] =	stream.indirect.gather [hbm4b:s8+s20], $0x1, s10, s20, $0xb8;
	[tilespmem:$0x7600] =	vst v63  }
0x15a: {  	_ =	swait.ge [sflag:s9], $0x80  }
0x15b: {  	[sflag:s9] =	ssyncset.done $0x0  }
0x15c: {  	[sflag:s9] =	ssyncadd.s32 $0xFFFFFF80  }
0x15d: {  	_ =	swait.ge [sflag:s9], $0x80  }
0x15e: {  	[sflag:s9] =	ssyncset.done $0x0  }
0x15f: {  	[sflag:s9] =	ssyncadd.s32 $0xFFFFFF80  }
0x160: {  	_ =	swait.ge [sflag:s9], $0x80  }
0x161: {  	[sflag:s9] =	ssyncset.done $0x0  }
0x162: {  	[sflag:s9] =	ssyncadd.s32 $0xFFFFFF80  }
0x163: {  	_ =	swait.ge [sflag:s9], $0x80  }
0x164: {  	[sflag:s9] =	ssyncset.done $0x0  }
0x165: {  	[sflag:s9] =	ssyncadd.s32 $0xFFFFFF80  }
0x166: {  	_ =	swait.ge [sflag:s9], $0x80  }
0x167: {  	[sflag:s9] =	ssyncset.done $0x0  }
0x168: {  	[sflag:s9] =	ssyncadd.s32 $0xFFFFFF80  }
0x169: {  	_ =	swait.ge [sflag:s9], $0x80  }
0x16a: {  	[sflag:s9] =	ssyncset.done $0x0  }
0x16b: {  	[sflag:s9] =	ssyncadd.s32 $0xFFFFFF80  }
0x16c: {  	_ =	swait.ge [sflag:s9], $0x80  }
0x16d: {  	[sflag:s9] =	ssyncset.done $0x0  }
0x16e: {  	[sflag:s9] =	ssyncadd.s32 $0xFFFFFF80  }
0x16f: {  	_ =	swait.ge [sflag:s9], $0x80  }
0x170: {  	[sflag:s9] =	ssyncset.done $0x0  }
0x171: {  	[sflag:s9] =	ssyncadd.s32 $0xFFFFFF80  }
0x172: {  	_ =	swait.ge [sflag:s9], $0x80  }
0x173: {  	[sflag:s9] =	ssyncset.done $0x0  }
0x174: {  	[sflag:s9] =	ssyncadd.s32 $0xFFFFFF80  }
0x175: {  	_ =	swait.ge [sflag:s9], $0x80  }
0x176: {  	[sflag:s9] =	ssyncset.done $0x0  }
0x177: {  	[sflag:s9] =	ssyncadd.s32 $0xFFFFFF80  }
0x178: {  	_ =	swait.ge [sflag:s9], $0x80  }
0x179: {  	[sflag:s9] =	ssyncset.done $0x0  }
0x17a: {  	[sflag:s9] =	ssyncadd.s32 $0xFFFFFF80  }
0x17b: {  	_ =	swait.ge [sflag:s9], $0x80  }
0x17c: {  	[sflag:s9] =	ssyncset.done $0x0  }
0x17d: {  	[sflag:s9] =	ssyncadd.s32 $0xFFFFFF80  }
0x17e: {  	_ =	swait.ge [sflag:s9], $0x80  }
0x17f: {  	[sflag:s9] =	ssyncset.done $0x0  }
0x180: {  	[sflag:s9] =	ssyncadd.s32 $0xFFFFFF80  }
0x181: {  	_ =	swait.ge [sflag:s9], $0x80  }
0x182: {  	[sflag:s9] =	ssyncset.done $0x0  }
0x183: {  	[sflag:s9] =	ssyncadd.s32 $0xFFFFFF80  }
0x184: {  	_ =	swait.ge [sflag:s9], $0x80  }
0x185: {  	[sflag:s9] =	ssyncset.done $0x0  }
0x186: {  	[sflag:s9] =	ssyncadd.s32 $0xFFFFFF80  }
0x187: {  	_ =	swait.ge [sflag:s9], $0x80  }
0x188: {  	[sflag:s9] =	ssyncset.done $0x0  }
0x189: {  	[sflag:s9] =	ssyncadd.s32 $0xFFFFFF80  }
0x18a: {  	_ =	swait.ge [sflag:s9], $0x80  }
0x18b: {  	[sflag:s9] =	ssyncset.done $0x0  }
0x18c: {  	[sflag:s9] =	ssyncadd.s32 $0xFFFFFF80  }
0x18d: {  	_ =	swait.ge [sflag:s9], $0x80  }
0x18e: {  	[sflag:s9] =	ssyncset.done $0x0  }
0x18f: {  	[sflag:s9] =	ssyncadd.s32 $0xFFFFFF80  }
0x190: {  	_ =	swait.ge [sflag:s9], $0x80  }
0x191: {  	[sflag:s9] =	ssyncset.done $0x0  }
0x192: {  	[sflag:s9] =	ssyncadd.s32 $0xFFFFFF80  }
0x193: {  	_ =	swait.ge [sflag:s9], $0x80  }
0x194: {  	[sflag:s9] =	ssyncset.done $0x0  }
0x195: {  	[sflag:s9] =	ssyncadd.s32 $0xFFFFFF80  }
0x196: {  	_ =	swait.ge [sflag:s9], $0x80  }
0x197: {  	[sflag:s9] =	ssyncset.done $0x0  }
0x198: {  	[sflag:s9] =	ssyncadd.s32 $0xFFFFFF80  }
0x199: {  	_ =	swait.ge [sflag:s9], $0x80  }
0x19a: {  	[sflag:s9] =	ssyncset.done $0x0  }
0x19b: {  	[sflag:s9] =	ssyncadd.s32 $0xFFFFFF80  }
0x19c: {  	_ =	swait.ge [sflag:s9], $0x80  }
0x19d: {  	[sflag:s9] =	ssyncset.done $0x0  }
0x19e: {  	[sflag:s9] =	ssyncadd.s32 $0xFFFFFF80  }
0x19f: {  	_ =	swait.ge [sflag:s9], $0x80  }
0x1a0: {  	[sflag:s9] =	ssyncset.done $0x0  }
0x1a1: {  	s18 =	simm.s32 $0x0;
	s7 =	simm.s32 $0x800;
	[sflag:s9] =	ssyncadd.s32 $0xFFFFFF80  }
0x1a2: {  	[spmem:s4] =	stream.indirect.scatter.add.f32 [tilespmem:s7], [sflag:$0x3], $0x1, s18, s20, $0xb8;
	[tilespmem:$0x7600] =	vst v63  }
0x1a3: {  	s10 =	simm.s32 $0x880  }
0x1a4: {  	[spmem:s4] =	stream.indirect.scatter.add.f32 [tilespmem:s10], [sflag:$0x3], $0x1, s20, s20, $0xb8;
	[tilespmem:$0x7600] =	vst v63  }
0x1a5: {  	s2 =	simm.s32 $0x100  }
0x1a6: {  	[spmem:s4] =	stream.indirect.scatter.add.f32 [tilespmem:s22], [sflag:$0x3], $0x1, s2, s20, $0xb8;
	[tilespmem:$0x7600] =	vst v63  }
0x1a7: {  	s6 =	simm.s32 $0x180  }
0x1a8: {  	[spmem:s4] =	stream.indirect.scatter.add.f32 [tilespmem:s12], [sflag:$0x3], $0x1, s6, s20, $0xb8;
	[tilespmem:$0x7600] =	vst v63  }
0x1a9: {  	s7 =	simm.s32 $0x200  }
0x1aa: {  	[spmem:s4] =	stream.indirect.scatter.add.f32 [tilespmem:s16], [sflag:$0x3], $0x1, s7, s20, $0xb8;
	[tilespmem:$0x7600] =	vst v63  }
0x1ab: {  	s10 =	simm.s32 $0x280  }
0x1ac: {  	[spmem:s4] =	stream.indirect.scatter.add.f32 [tilespmem:s29], [sflag:$0x3], $0x1, s10, s20, $0xb8;
	[tilespmem:$0x7600] =	vst v63  }
0x1ad: {  	s12 =	simm.s32 $0x300  }
0x1ae: {  	[spmem:s4] =	stream.indirect.scatter.add.f32 [tilespmem:s25], [sflag:$0x3], $0x1, s12, s20, $0xb8;
	[tilespmem:$0x7600] =	vst v63  }
0x1af: {  	s16 =	simm.s32 $0x380;
	s29 =	simm.s32 $0xB80  }
0x1b0: {  	[spmem:s4] =	stream.indirect.scatter.add.f32 [tilespmem:s29], [sflag:$0x3], $0x1, s16, s20, $0xb8;
	[tilespmem:$0x7600] =	vst v63  }
0x1b1: {  	s29 =	simm.s32 $0xC00  }
0x1b2: {  	[spmem:s5] =	stream.indirect.scatter.add.f32 [tilespmem:s29], [sflag:$0x3], $0x1, s18, s20, $0xb8;
	[tilespmem:$0x7600] =	vst v63  }
0x1b3: {  	_ = 	snop  }
0x1b4: {  	[spmem:s5] =	stream.indirect.scatter.add.f32 [tilespmem:s11], [sflag:$0x3], $0x1, s20, s20, $0xb8;
	[tilespmem:$0x7600] =	vst v63  }
0x1b5: {  	s18 =	simm.s32 $0xD00  }
0x1b6: {  	[spmem:s5] =	stream.indirect.scatter.add.f32 [tilespmem:s18], [sflag:$0x3], $0x1, s2, s20, $0xb8;
	[tilespmem:$0x7600] =	vst v63  }
0x1b7: {  	_ = 	snop  }
0x1b8: {  	[spmem:s5] =	stream.indirect.scatter.add.f32 [tilespmem:s17], [sflag:$0x3], $0x1, s6, s20, $0xb8;
	[tilespmem:$0x7600] =	vst v63  }
0x1b9: {  	_ = 	snop  }
0x1ba: {  	[spmem:s5] =	stream.indirect.scatter.add.f32 [tilespmem:s21], [sflag:$0x3], $0x1, s7, s20, $0xb8;
	[tilespmem:$0x7600] =	vst v63  }
0x1bb: {  	_ = 	snop  }
0x1bc: {  	[spmem:s5] =	stream.indirect.scatter.add.f32 [tilespmem:s23], [sflag:$0x3], $0x1, s10, s20, $0xb8;
	[tilespmem:$0x7600] =	vst v63  }
0x1bd: {  	_ = 	snop  }
0x1be: {  	[spmem:s5] =	stream.indirect.scatter.add.f32 [tilespmem:s31], [sflag:$0x3], $0x1, s12, s20, $0xb8;
	[tilespmem:$0x7600] =	vst v63  }
0x1bf: {  	s23 =	simm.s32 $0xF80  }
0x1c0: {  	[spmem:s5] =	stream.indirect.scatter.add.f32 [tilespmem:s23], [sflag:$0x3], $0x1, s16, s20, $0xb8;
	[tilespmem:$0x7600] =	vst v63  }
0x1c1: {  	s31 =	simm.s32 $0x0  }
0x1c2: {  	[spmem:s3] =	stream.indirect.scatter.add.f32 [tilespmem:s19], [sflag:$0x3], $0x1, s31, s20, $0xb8;
	[tilespmem:$0x7600] =	vst v63  }
0x1c3: {  	_ = 	snop  }
0x1c4: {  	[spmem:s3] =	stream.indirect.scatter.add.f32 [tilespmem:s1], [sflag:$0x3], $0x1, s20, s20, $0xb8;
	[tilespmem:$0x7600] =	vst v63  }
0x1c5: {  	_ = 	snop  }
0x1c6: {  	[spmem:s3] =	stream.indirect.scatter.add.f32 [tilespmem:s15], [sflag:$0x3], $0x1, s2, s20, $0xb8;
	[tilespmem:$0x7600] =	vst v63  }
0x1c7: {  	_ = 	snop  }
0x1c8: {  	[spmem:s3] =	stream.indirect.scatter.add.f32 [tilespmem:s14], [sflag:$0x3], $0x1, s6, s20, $0xb8;
	[tilespmem:$0x7600] =	vst v63  }
0x1c9: {  	_ = 	snop  }
0x1ca: {  	[spmem:s3] =	stream.indirect.scatter.add.f32 [tilespmem:s24], [sflag:$0x3], $0x1, s7, s20, $0xb8;
	[tilespmem:$0x7600] =	vst v63  }
0x1cb: {  	s24 =	simm.s32 $0x1280  }
0x1cc: {  	[spmem:s3] =	stream.indirect.scatter.add.f32 [tilespmem:s24], [sflag:$0x3], $0x1, s10, s20, $0xb8;
	[tilespmem:$0x7600] =	vst v63  }
0x1cd: {  	s25 =	simm.s32 $0x1300  }
0x1ce: {  	[spmem:s3] =	stream.indirect.scatter.add.f32 [tilespmem:s25], [sflag:$0x3], $0x1, s12, s20, $0xb8;
	[tilespmem:$0x7600] =	vst v63  }
0x1cf: {  	s29 =	simm.s32 $0x1380  }
0x1d0: {  	[spmem:s3] =	stream.indirect.scatter.add.f32 [tilespmem:s29], [sflag:$0x3], $0x1, s16, s20, $0xb8;
	[tilespmem:$0x7600] =	vst v63  }
0x1d1: {  	_ =	swait.ge [sflag:s28], $0x80  }
0x1d2: {  	[sflag:s28] =	ssyncset.done $0x0  }
0x1d3: {  	[sflag:s28] =	ssyncadd.s32 $0xFFFFFF80  }
0x1d4: {  	_ =	swait.ge [sflag:s28], $0x80  }
0x1d5: {  	[sflag:s28] =	ssyncset.done $0x0  }
0x1d6: {  	[sflag:s28] =	ssyncadd.s32 $0xFFFFFF80  }
0x1d7: {  	_ =	swait.ge [sflag:s28], $0x80  }
0x1d8: {  	[sflag:s28] =	ssyncset.done $0x0  }
0x1d9: {  	[sflag:s28] =	ssyncadd.s32 $0xFFFFFF80  }
0x1da: {  	_ =	swait.ge [sflag:s28], $0x80  }
0x1db: {  	[sflag:s28] =	ssyncset.done $0x0  }
0x1dc: {  	[sflag:s28] =	ssyncadd.s32 $0xFFFFFF80  }
0x1dd: {  	_ =	swait.ge [sflag:s28], $0x80  }
0x1de: {  	[sflag:s28] =	ssyncset.done $0x0  }
0x1df: {  	[sflag:s28] =	ssyncadd.s32 $0xFFFFFF80  }
0x1e0: {  	_ =	swait.ge [sflag:s28], $0x80  }
0x1e1: {  	[sflag:s28] =	ssyncset.done $0x0  }
0x1e2: {  	[sflag:s28] =	ssyncadd.s32 $0xFFFFFF80  }
0x1e3: {  	_ =	swait.ge [sflag:s28], $0x80  }
0x1e4: {  	[sflag:s28] =	ssyncset.done $0x0  }
0x1e5: {  	[sflag:s28] =	ssyncadd.s32 $0xFFFFFF80  }
0x1e6: {  	_ =	swait.ge [sflag:s28], $0x80  }
0x1e7: {  	[sflag:s28] =	ssyncset.done $0x0  }
0x1e8: {  	[sflag:s28] =	ssyncadd.s32 $0xFFFFFF80  }
0x1e9: {  	_ =	swait.ge [sflag:s28], $0x80  }
0x1ea: {  	[sflag:s28] =	ssyncset.done $0x0  }
0x1eb: {  	[sflag:s28] =	ssyncadd.s32 $0xFFFFFF80  }
0x1ec: {  	_ =	swait.ge [sflag:s28], $0x80  }
0x1ed: {  	[sflag:s28] =	ssyncset.done $0x0  }
0x1ee: {  	[sflag:s28] =	ssyncadd.s32 $0xFFFFFF80  }
0x1ef: {  	_ =	swait.ge [sflag:s28], $0x80  }
0x1f0: {  	[sflag:s28] =	ssyncset.done $0x0  }
0x1f1: {  	[sflag:s28] =	ssyncadd.s32 $0xFFFFFF80  }
0x1f2: {  	_ =	swait.ge [sflag:s28], $0x80  }
0x1f3: {  	[sflag:s28] =	ssyncset.done $0x0  }
0x1f4: {  	[sflag:s28] =	ssyncadd.s32 $0xFFFFFF80  }
0x1f5: {  	_ =	swait.ge [sflag:s28], $0x80  }
0x1f6: {  	[sflag:s28] =	ssyncset.done $0x0  }
0x1f7: {  	[sflag:s28] =	ssyncadd.s32 $0xFFFFFF80  }
0x1f8: {  	_ =	swait.ge [sflag:s28], $0x80  }
0x1f9: {  	[sflag:s28] =	ssyncset.done $0x0  }
0x1fa: {  	[sflag:s28] =	ssyncadd.s32 $0xFFFFFF80  }
0x1fb: {  	_ =	swait.ge [sflag:s28], $0x80  }
0x1fc: {  	[sflag:s28] =	ssyncset.done $0x0  }
0x1fd: {  	[sflag:s28] =	ssyncadd.s32 $0xFFFFFF80  }
0x1fe: {  	_ =	swait.ge [sflag:s28], $0x80  }
0x1ff: {  	[sflag:s28] =	ssyncset.done $0x0  }
0x200: {  	[sflag:s28] =	ssyncadd.s32 $0xFFFFFF80  }
0x201: {  	_ =	swait.ge [sflag:s28], $0x80  }
0x202: {  	[sflag:s28] =	ssyncset.done $0x0  }
0x203: {  	[sflag:s28] =	ssyncadd.s32 $0xFFFFFF80  }
0x204: {  	_ =	swait.ge [sflag:s28], $0x80  }
0x205: {  	[sflag:s28] =	ssyncset.done $0x0  }
0x206: {  	[sflag:s28] =	ssyncadd.s32 $0xFFFFFF80  }
0x207: {  	_ =	swait.ge [sflag:s28], $0x80  }
0x208: {  	[sflag:s28] =	ssyncset.done $0x0  }
0x209: {  	[sflag:s28] =	ssyncadd.s32 $0xFFFFFF80  }
0x20a: {  	_ =	swait.ge [sflag:s28], $0x80  }
0x20b: {  	[sflag:s28] =	ssyncset.done $0x0  }
0x20c: {  	[sflag:s28] =	ssyncadd.s32 $0xFFFFFF80  }
0x20d: {  	_ =	swait.ge [sflag:s28], $0x80  }
0x20e: {  	[sflag:s28] =	ssyncset.done $0x0  }
0x20f: {  	[sflag:s28] =	ssyncadd.s32 $0xFFFFFF80  }
0x210: {  	_ =	swait.ge [sflag:s28], $0x80  }
0x211: {  	[sflag:s28] =	ssyncset.done $0x0  }
0x212: {  	p0 =	sne.s32 s0, $0x6180;
	[sflag:s28] =	ssyncadd.s32 $0xFFFFFF80  }
.Ltmp1:
0x213: {  	_ =	swait.ge [sflag:s28], $0x80;
	(pc) =	sbr.rel @p0 .LBB2_4-.Ltmp1, $4  }
0x214: {  	[sflag:s28] =	ssyncset.done $0x0  }
0x215: {  	[sflag:s28] =	ssyncadd.s32 $0xFFFFFF80  }
0x216: {  	s0 =	sadd.s32 $0x80, s0;
	s22 =	simm.s32 $0x480;
	_ =	swait.ge [sflag:s28], $0x80  }
0x217: {  	s19 =	simm.s32 $0x1;
	s12 =	rddreg [dreg:$0x7];
	[sflag:s28] =	ssyncset.done $0x0  }
0x218: {  	s0 =	rddreg [dreg:$0x6];
	[sflag:s28] =	ssyncadd.s32 $0xFFFFFF80;
	s12 =	sadd.s32 s30, s12  }
0x219: {  	[tilespmem:s31], [sflag:$0x1] =	stream.linear.gather [hbm4b:s12+s31], $0x400, $0x38;
	[tilespmem:$0x7600] =	vst v63  }
0x21a: {  	s1 =	simm.s32 $0x400;
	s0 =	sadd.s32 s30, s0  }
0x21b: {  	[tilespmem:s1], [sflag:$0x1] =	stream.linear.gather [hbm4b:s0+s31], $0x400, $0x38;
	[tilespmem:$0x7600] =	vst v63  }
0x21c: {  	_ =	swait.ge [sflag:s19], $0x400  }
0x21d: {  	[sflag:s19] =	ssyncset.done $0x0  }
0x21e: {  	[sflag:s19] =	ssyncadd.s32 $0xFFFFFC00  }
0x21f: {  	_ =	swait.ge [sflag:s19], $0x400  }
0x220: {  	[sflag:s19] =	ssyncset.done $0x0  }
0x221: {  	[sflag:s19] =	ssyncadd.s32 $0xFFFFFC00  }
0x222: {  	s11 =	simm.s32 $0x800;
	s10 =	rddreg [dreg:$0x1]  }
0x223: {  	[tilespmem:s11], [sflag:$0x2] =	stream.indirect.gather [hbm4b:s10+s20], $0x1, s1, s20, $0xb8;
	[tilespmem:$0x7600] =	vst v63  }
0x224: {  	s17 =	simm.s32 $0x880  }
0x225: {  	[tilespmem:s17], [sflag:$0x2] =	stream.indirect.gather [hbm4b:s10+s20], $0x1, s22, s20, $0xb8;
	[tilespmem:$0x7600] =	vst v63  }
0x226: {  	s16 =	simm.s32 $0x900;
	s14 =	simm.s32 $0x500  }
0x227: {  	[tilespmem:s16], [sflag:$0x2] =	stream.indirect.gather [hbm4b:s10+s20], $0x1, s14, s20, $0xb8;
	[tilespmem:$0x7600] =	vst v63  }
0x228: {  	s18 =	simm.s32 $0x980  }
0x229: {  	[tilespmem:s18], [sflag:$0x2] =	stream.indirect.gather [hbm4b:s10+s20], $0x1, s26, s20, $0xb8;
	[tilespmem:$0x7600] =	vst v63  }
0x22a: {  	s12 =	simm.s32 $0xA00;
	s0 =	simm.s32 $0x600  }
0x22b: {  	[tilespmem:s12], [sflag:$0x2] =	stream.indirect.gather [hbm4b:s10+s20], $0x1, s0, s20, $0xb8;
	[tilespmem:$0x7600] =	vst v63  }
0x22c: {  	s29 =	simm.s32 $0xA80;
	s2 =	simm.s32 $0x680  }
0x22d: {  	[tilespmem:s29], [sflag:$0x2] =	stream.indirect.gather [hbm4b:s10+s20], $0x1, s2, s20, $0xb8;
	[tilespmem:$0x7600] =	vst v63  }
0x22e: {  	s25 =	simm.s32 $0xB00;
	s6 =	simm.s32 $0x700  }
0x22f: {  	[tilespmem:s25], [sflag:$0x2] =	stream.indirect.gather [hbm4b:s10+s20], $0x1, s6, s20, $0xb8;
	[tilespmem:$0x7600] =	vst v63  }
0x230: {  	s15 =	simm.s32 $0xB80;
	s7 =	simm.s32 $0x780  }
0x231: {  	[tilespmem:s15], [sflag:$0x2] =	stream.indirect.gather [hbm4b:s10+s20], $0x1, s7, s20, $0xb8;
	[tilespmem:$0x7600] =	vst v63  }
0x232: {  	s21 =	simm.s32 $0xC00  }
0x233: {  	[tilespmem:s21], [sflag:$0x2] =	stream.indirect.gather [hbm4b:s13+s20], $0x1, s1, s20, $0xb8;
	[tilespmem:$0x7600] =	vst v63  }
0x234: {  	s23 =	simm.s32 $0xC80  }
0x235: {  	[tilespmem:s23], [sflag:$0x2] =	stream.indirect.gather [hbm4b:s13+s20], $0x1, s22, s20, $0xb8;
	[tilespmem:$0x7600] =	vst v63  }
0x236: {  	s10 =	simm.s32 $0xD00  }
0x237: {  	[tilespmem:s10], [sflag:$0x2] =	stream.indirect.gather [hbm4b:s13+s20], $0x1, s14, s20, $0xb8;
	[tilespmem:$0x7600] =	vst v63  }
0x238: {  	s17 =	simm.s32 $0xD80  }
0x239: {  	[tilespmem:s17], [sflag:$0x2] =	stream.indirect.gather [hbm4b:s13+s20], $0x1, s26, s20, $0xb8;
	[tilespmem:$0x7600] =	vst v63  }
0x23a: {  	s21 =	simm.s32 $0xE00  }
0x23b: {  	[tilespmem:s21], [sflag:$0x2] =	stream.indirect.gather [hbm4b:s13+s20], $0x1, s0, s20, $0xb8;
	[tilespmem:$0x7600] =	vst v63  }
0x23c: {  	s23 =	simm.s32 $0xE80  }
0x23d: {  	[tilespmem:s23], [sflag:$0x2] =	stream.indirect.gather [hbm4b:s13+s20], $0x1, s2, s20, $0xb8;
	[tilespmem:$0x7600] =	vst v63  }
0x23e: {  	s30 =	simm.s32 $0xF00  }
0x23f: {  	[tilespmem:s30], [sflag:$0x2] =	stream.indirect.gather [hbm4b:s13+s20], $0x1, s6, s20, $0xb8;
	[tilespmem:$0x7600] =	vst v63  }
0x240: {  	s24 =	simm.s32 $0xF80  }
0x241: {  	[tilespmem:s24], [sflag:$0x2] =	stream.indirect.gather [hbm4b:s13+s20], $0x1, s7, s20, $0xb8;
	[tilespmem:$0x7600] =	vst v63  }
0x242: {  	s18 =	simm.s32 $0x1000  }
0x243: {  	[tilespmem:s18], [sflag:$0x2] =	stream.indirect.gather [hbm4b:s8+s20], $0x1, s1, s20, $0xb8;
	[tilespmem:$0x7600] =	vst v63  }
0x244: {  	s1 =	simm.s32 $0x1080  }
0x245: {  	[tilespmem:s1], [sflag:$0x2] =	stream.indirect.gather [hbm4b:s8+s20], $0x1, s22, s20, $0xb8;
	[tilespmem:$0x7600] =	vst v63  }
0x246: {  	s15 =	simm.s32 $0x1100  }
0x247: {  	[tilespmem:s15], [sflag:$0x2] =	stream.indirect.gather [hbm4b:s8+s20], $0x1, s14, s20, $0xb8;
	[tilespmem:$0x7600] =	vst v63  }
0x248: {  	s14 =	simm.s32 $0x1180  }
0x249: {  	[tilespmem:s14], [sflag:$0x2] =	stream.indirect.gather [hbm4b:s8+s20], $0x1, s26, s20, $0xb8;
	[tilespmem:$0x7600] =	vst v63  }
0x24a: {  	s24 =	simm.s32 $0x1200  }
0x24b: {  	[tilespmem:s24], [sflag:$0x2] =	stream.indirect.gather [hbm4b:s8+s20], $0x1, s0, s20, $0xb8;
	[tilespmem:$0x7600] =	vst v63  }
0x24c: {  	s0 =	simm.s32 $0x1280  }
0x24d: {  	[tilespmem:s0], [sflag:$0x2] =	stream.indirect.gather [hbm4b:s8+s20], $0x1, s2, s20, $0xb8;
	[tilespmem:$0x7600] =	vst v63  }
0x24e: {  	s2 =	simm.s32 $0x1300  }
0x24f: {  	[tilespmem:s2], [sflag:$0x2] =	stream.indirect.gather [hbm4b:s8+s20], $0x1, s6, s20, $0xb8;
	[tilespmem:$0x7600] =	vst v63  }
0x250: {  	s6 =	simm.s32 $0x1380  }
0x251: {  	[tilespmem:s6], [sflag:$0x2] =	stream.indirect.gather [hbm4b:s8+s20], $0x1, s7, s20, $0xb8;
	[tilespmem:$0x7600] =	vst v63  }
0x252: {  	_ =	swait.ge [sflag:s9], $0x80  }
0x253: {  	[sflag:s9] =	ssyncset.done $0x0  }
0x254: {  	[sflag:s9] =	ssyncadd.s32 $0xFFFFFF80  }
0x255: {  	_ =	swait.ge [sflag:s9], $0x80  }
0x256: {  	[sflag:s9] =	ssyncset.done $0x0  }
0x257: {  	[sflag:s9] =	ssyncadd.s32 $0xFFFFFF80  }
0x258: {  	_ =	swait.ge [sflag:s9], $0x80  }
0x259: {  	[sflag:s9] =	ssyncset.done $0x0  }
0x25a: {  	[sflag:s9] =	ssyncadd.s32 $0xFFFFFF80  }
0x25b: {  	_ =	swait.ge [sflag:s9], $0x80  }
0x25c: {  	[sflag:s9] =	ssyncset.done $0x0  }
0x25d: {  	[sflag:s9] =	ssyncadd.s32 $0xFFFFFF80  }
0x25e: {  	_ =	swait.ge [sflag:s9], $0x80  }
0x25f: {  	[sflag:s9] =	ssyncset.done $0x0  }
0x260: {  	[sflag:s9] =	ssyncadd.s32 $0xFFFFFF80  }
0x261: {  	_ =	swait.ge [sflag:s9], $0x80  }
0x262: {  	[sflag:s9] =	ssyncset.done $0x0  }
0x263: {  	[sflag:s9] =	ssyncadd.s32 $0xFFFFFF80  }
0x264: {  	_ =	swait.ge [sflag:s9], $0x80  }
0x265: {  	[sflag:s9] =	ssyncset.done $0x0  }
0x266: {  	[sflag:s9] =	ssyncadd.s32 $0xFFFFFF80  }
0x267: {  	_ =	swait.ge [sflag:s9], $0x80  }
0x268: {  	[sflag:s9] =	ssyncset.done $0x0  }
0x269: {  	[sflag:s9] =	ssyncadd.s32 $0xFFFFFF80  }
0x26a: {  	_ =	swait.ge [sflag:s9], $0x80  }
0x26b: {  	[sflag:s9] =	ssyncset.done $0x0  }
0x26c: {  	[sflag:s9] =	ssyncadd.s32 $0xFFFFFF80  }
0x26d: {  	_ =	swait.ge [sflag:s9], $0x80  }
0x26e: {  	[sflag:s9] =	ssyncset.done $0x0  }
0x26f: {  	[sflag:s9] =	ssyncadd.s32 $0xFFFFFF80  }
0x270: {  	_ =	swait.ge [sflag:s9], $0x80  }
0x271: {  	[sflag:s9] =	ssyncset.done $0x0  }
0x272: {  	[sflag:s9] =	ssyncadd.s32 $0xFFFFFF80  }
0x273: {  	_ =	swait.ge [sflag:s9], $0x80  }
0x274: {  	[sflag:s9] =	ssyncset.done $0x0  }
0x275: {  	[sflag:s9] =	ssyncadd.s32 $0xFFFFFF80  }
0x276: {  	_ =	swait.ge [sflag:s9], $0x80  }
0x277: {  	[sflag:s9] =	ssyncset.done $0x0  }
0x278: {  	[sflag:s9] =	ssyncadd.s32 $0xFFFFFF80  }
0x279: {  	_ =	swait.ge [sflag:s9], $0x80  }
0x27a: {  	[sflag:s9] =	ssyncset.done $0x0  }
0x27b: {  	[sflag:s9] =	ssyncadd.s32 $0xFFFFFF80  }
0x27c: {  	_ =	swait.ge [sflag:s9], $0x80  }
0x27d: {  	[sflag:s9] =	ssyncset.done $0x0  }
0x27e: {  	[sflag:s9] =	ssyncadd.s32 $0xFFFFFF80  }
0x27f: {  	_ =	swait.ge [sflag:s9], $0x80  }
0x280: {  	[sflag:s9] =	ssyncset.done $0x0  }
0x281: {  	[sflag:s9] =	ssyncadd.s32 $0xFFFFFF80  }
0x282: {  	_ =	swait.ge [sflag:s9], $0x80  }
0x283: {  	[sflag:s9] =	ssyncset.done $0x0  }
0x284: {  	[sflag:s9] =	ssyncadd.s32 $0xFFFFFF80  }
0x285: {  	_ =	swait.ge [sflag:s9], $0x80  }
0x286: {  	[sflag:s9] =	ssyncset.done $0x0  }
0x287: {  	[sflag:s9] =	ssyncadd.s32 $0xFFFFFF80  }
0x288: {  	_ =	swait.ge [sflag:s9], $0x80  }
0x289: {  	[sflag:s9] =	ssyncset.done $0x0  }
0x28a: {  	[sflag:s9] =	ssyncadd.s32 $0xFFFFFF80  }
0x28b: {  	_ =	swait.ge [sflag:s9], $0x80  }
0x28c: {  	[sflag:s9] =	ssyncset.done $0x0  }
0x28d: {  	[sflag:s9] =	ssyncadd.s32 $0xFFFFFF80  }
0x28e: {  	_ =	swait.ge [sflag:s9], $0x80  }
0x28f: {  	[sflag:s9] =	ssyncset.done $0x0  }
0x290: {  	[sflag:s9] =	ssyncadd.s32 $0xFFFFFF80  }
0x291: {  	_ =	swait.ge [sflag:s9], $0x80  }
0x292: {  	[sflag:s9] =	ssyncset.done $0x0  }
0x293: {  	[sflag:s9] =	ssyncadd.s32 $0xFFFFFF80  }
0x294: {  	_ =	swait.ge [sflag:s9], $0x80  }
0x295: {  	[sflag:s9] =	ssyncset.done $0x0  }
0x296: {  	[sflag:s9] =	ssyncadd.s32 $0xFFFFFF80  }
0x297: {  	_ =	swait.ge [sflag:s9], $0x80  }
0x298: {  	[sflag:s9] =	ssyncset.done $0x0  }
0x299: {  	[sflag:s9] =	ssyncadd.s32 $0xFFFFFF80  }
0x29a: {  	[spmem:s4] =	stream.indirect.scatter.add.f32 [tilespmem:s11], [sflag:$0x3], $0x1, s31, s20, $0xb8;
	[tilespmem:$0x7600] =	vst v63  }
0x29b: {  	s11 =	simm.s32 $0x880  }
0x29c: {  	[spmem:s4] =	stream.indirect.scatter.add.f32 [tilespmem:s11], [sflag:$0x3], $0x1, s20, s20, $0xb8;
	[tilespmem:$0x7600] =	vst v63  }
0x29d: {  	s2 =	simm.s32 $0x100  }
0x29e: {  	[spmem:s4] =	stream.indirect.scatter.add.f32 [tilespmem:s16], [sflag:$0x3], $0x1, s2, s20, $0xb8;
	[tilespmem:$0x7600] =	vst v63  }
0x29f: {  	s6 =	simm.s32 $0x180;
	s16 =	simm.s32 $0x980  }
0x2a0: {  	[spmem:s4] =	stream.indirect.scatter.add.f32 [tilespmem:s16], [sflag:$0x3], $0x1, s6, s20, $0xb8;
	[tilespmem:$0x7600] =	vst v63  }
0x2a1: {  	s7 =	simm.s32 $0x200  }
0x2a2: {  	[spmem:s4] =	stream.indirect.scatter.add.f32 [tilespmem:s12], [sflag:$0x3], $0x1, s7, s20, $0xb8;
	[tilespmem:$0x7600] =	vst v63  }
0x2a3: {  	s16 =	simm.s32 $0x280  }
0x2a4: {  	[spmem:s4] =	stream.indirect.scatter.add.f32 [tilespmem:s29], [sflag:$0x3], $0x1, s16, s20, $0xb8;
	[tilespmem:$0x7600] =	vst v63  }
0x2a5: {  	s0 =	simm.s32 $0x300  }
0x2a6: {  	[spmem:s4] =	stream.indirect.scatter.add.f32 [tilespmem:s25], [sflag:$0x3], $0x1, s0, s20, $0xb8;
	[tilespmem:$0x7600] =	vst v63  }
0x2a7: {  	s12 =	simm.s32 $0x380;
	s25 =	simm.s32 $0xB80  }
0x2a8: {  	[spmem:s4] =	stream.indirect.scatter.add.f32 [tilespmem:s25], [sflag:$0x3], $0x1, s12, s20, $0xb8;
	[tilespmem:$0x7600] =	vst v63  }
0x2a9: {  	s29 =	simm.s32 $0xC00  }
0x2aa: {  	[spmem:s5] =	stream.indirect.scatter.add.f32 [tilespmem:s29], [sflag:$0x3], $0x1, s31, s20, $0xb8;
	[tilespmem:$0x7600] =	vst v63  }
0x2ab: {  	s25 =	simm.s32 $0xC80  }
0x2ac: {  	[spmem:s5] =	stream.indirect.scatter.add.f32 [tilespmem:s25], [sflag:$0x3], $0x1, s20, s20, $0xb8;
	[tilespmem:$0x7600] =	vst v63  }
0x2ad: {  	_ = 	snop  }
0x2ae: {  	[spmem:s5] =	stream.indirect.scatter.add.f32 [tilespmem:s10], [sflag:$0x3], $0x1, s2, s20, $0xb8;
	[tilespmem:$0x7600] =	vst v63  }
0x2af: {  	_ = 	snop  }
0x2b0: {  	[spmem:s5] =	stream.indirect.scatter.add.f32 [tilespmem:s17], [sflag:$0x3], $0x1, s6, s20, $0xb8;
	[tilespmem:$0x7600] =	vst v63  }
0x2b1: {  	_ = 	snop  }
0x2b2: {  	[spmem:s5] =	stream.indirect.scatter.add.f32 [tilespmem:s21], [sflag:$0x3], $0x1, s7, s20, $0xb8;
	[tilespmem:$0x7600] =	vst v63  }
0x2b3: {  	_ = 	snop  }
0x2b4: {  	[spmem:s5] =	stream.indirect.scatter.add.f32 [tilespmem:s23], [sflag:$0x3], $0x1, s16, s20, $0xb8;
	[tilespmem:$0x7600] =	vst v63  }
0x2b5: {  	_ = 	snop  }
0x2b6: {  	[spmem:s5] =	stream.indirect.scatter.add.f32 [tilespmem:s30], [sflag:$0x3], $0x1, s0, s20, $0xb8;
	[tilespmem:$0x7600] =	vst v63  }
0x2b7: {  	s29 =	simm.s32 $0xF80  }
0x2b8: {  	[spmem:s5] =	stream.indirect.scatter.add.f32 [tilespmem:s29], [sflag:$0x3], $0x1, s12, s20, $0xb8;
	[tilespmem:$0x7600] =	vst v63  }
0x2b9: {  	_ = 	snop  }
0x2ba: {  	[spmem:s3] =	stream.indirect.scatter.add.f32 [tilespmem:s18], [sflag:$0x3], $0x1, s31, s20, $0xb8;
	[tilespmem:$0x7600] =	vst v63  }
0x2bb: {  	_ = 	snop  }
0x2bc: {  	[spmem:s3] =	stream.indirect.scatter.add.f32 [tilespmem:s1], [sflag:$0x3], $0x1, s20, s20, $0xb8;
	[tilespmem:$0x7600] =	vst v63  }
0x2bd: {  	_ = 	snop  }
0x2be: {  	[spmem:s3] =	stream.indirect.scatter.add.f32 [tilespmem:s15], [sflag:$0x3], $0x1, s2, s20, $0xb8;
	[tilespmem:$0x7600] =	vst v63  }
0x2bf: {  	_ = 	snop  }
0x2c0: {  	[spmem:s3] =	stream.indirect.scatter.add.f32 [tilespmem:s14], [sflag:$0x3], $0x1, s6, s20, $0xb8;
	[tilespmem:$0x7600] =	vst v63  }
0x2c1: {  	_ = 	snop  }
0x2c2: {  	[spmem:s3] =	stream.indirect.scatter.add.f32 [tilespmem:s24], [sflag:$0x3], $0x1, s7, s20, $0xb8;
	[tilespmem:$0x7600] =	vst v63  }
0x2c3: {  	s10 =	simm.s32 $0x1280  }
0x2c4: {  	[spmem:s3] =	stream.indirect.scatter.add.f32 [tilespmem:s10], [sflag:$0x3], $0x1, s16, s20, $0xb8;
	[tilespmem:$0x7600] =	vst v63  }
0x2c5: {  	s11 =	simm.s32 $0x1300  }
0x2c6: {  	[spmem:s3] =	stream.indirect.scatter.add.f32 [tilespmem:s11], [sflag:$0x3], $0x1, s0, s20, $0xb8;
	[tilespmem:$0x7600] =	vst v63  }
0x2c7: {  	s14 =	simm.s32 $0x1380  }
0x2c8: {  	[spmem:s3] =	stream.indirect.scatter.add.f32 [tilespmem:s14], [sflag:$0x3], $0x1, s12, s20, $0xb8;
	[tilespmem:$0x7600] =	vst v63  }
0x2c9: {  	_ =	swait.ge [sflag:s28], $0x80  }
0x2ca: {  	[sflag:s28] =	ssyncset.done $0x0  }
0x2cb: {  	[sflag:s28] =	ssyncadd.s32 $0xFFFFFF80  }
0x2cc: {  	_ =	swait.ge [sflag:s28], $0x80  }
0x2cd: {  	[sflag:s28] =	ssyncset.done $0x0  }
0x2ce: {  	[sflag:s28] =	ssyncadd.s32 $0xFFFFFF80  }
0x2cf: {  	_ =	swait.ge [sflag:s28], $0x80  }
0x2d0: {  	[sflag:s28] =	ssyncset.done $0x0  }
0x2d1: {  	[sflag:s28] =	ssyncadd.s32 $0xFFFFFF80  }
0x2d2: {  	_ =	swait.ge [sflag:s28], $0x80  }
0x2d3: {  	[sflag:s28] =	ssyncset.done $0x0  }
0x2d4: {  	[sflag:s28] =	ssyncadd.s32 $0xFFFFFF80  }
0x2d5: {  	_ =	swait.ge [sflag:s28], $0x80  }
0x2d6: {  	[sflag:s28] =	ssyncset.done $0x0  }
0x2d7: {  	[sflag:s28] =	ssyncadd.s32 $0xFFFFFF80  }
0x2d8: {  	_ =	swait.ge [sflag:s28], $0x80  }
0x2d9: {  	[sflag:s28] =	ssyncset.done $0x0  }
0x2da: {  	[sflag:s28] =	ssyncadd.s32 $0xFFFFFF80  }
0x2db: {  	_ =	swait.ge [sflag:s28], $0x80  }
0x2dc: {  	[sflag:s28] =	ssyncset.done $0x0  }
0x2dd: {  	[sflag:s28] =	ssyncadd.s32 $0xFFFFFF80  }
0x2de: {  	_ =	swait.ge [sflag:s28], $0x80  }
0x2df: {  	[sflag:s28] =	ssyncset.done $0x0  }
0x2e0: {  	[sflag:s28] =	ssyncadd.s32 $0xFFFFFF80  }
0x2e1: {  	_ =	swait.ge [sflag:s28], $0x80  }
0x2e2: {  	[sflag:s28] =	ssyncset.done $0x0  }
0x2e3: {  	[sflag:s28] =	ssyncadd.s32 $0xFFFFFF80  }
0x2e4: {  	_ =	swait.ge [sflag:s28], $0x80  }
0x2e5: {  	[sflag:s28] =	ssyncset.done $0x0  }
0x2e6: {  	[sflag:s28] =	ssyncadd.s32 $0xFFFFFF80  }
0x2e7: {  	_ =	swait.ge [sflag:s28], $0x80  }
0x2e8: {  	[sflag:s28] =	ssyncset.done $0x0  }
0x2e9: {  	[sflag:s28] =	ssyncadd.s32 $0xFFFFFF80  }
0x2ea: {  	_ =	swait.ge [sflag:s28], $0x80  }
0x2eb: {  	[sflag:s28] =	ssyncset.done $0x0  }
0x2ec: {  	[sflag:s28] =	ssyncadd.s32 $0xFFFFFF80  }
0x2ed: {  	_ =	swait.ge [sflag:s28], $0x80  }
0x2ee: {  	[sflag:s28] =	ssyncset.done $0x0  }
0x2ef: {  	[sflag:s28] =	ssyncadd.s32 $0xFFFFFF80  }
0x2f0: {  	_ =	swait.ge [sflag:s28], $0x80  }
0x2f1: {  	[sflag:s28] =	ssyncset.done $0x0  }
0x2f2: {  	[sflag:s28] =	ssyncadd.s32 $0xFFFFFF80  }
0x2f3: {  	_ =	swait.ge [sflag:s28], $0x80  }
0x2f4: {  	[sflag:s28] =	ssyncset.done $0x0  }
0x2f5: {  	[sflag:s28] =	ssyncadd.s32 $0xFFFFFF80  }
0x2f6: {  	_ =	swait.ge [sflag:s28], $0x80  }
0x2f7: {  	[sflag:s28] =	ssyncset.done $0x0  }
0x2f8: {  	[sflag:s28] =	ssyncadd.s32 $0xFFFFFF80  }
0x2f9: {  	_ =	swait.ge [sflag:s28], $0x80  }
0x2fa: {  	[sflag:s28] =	ssyncset.done $0x0  }
0x2fb: {  	[sflag:s28] =	ssyncadd.s32 $0xFFFFFF80  }
0x2fc: {  	_ =	swait.ge [sflag:s28], $0x80  }
0x2fd: {  	[sflag:s28] =	ssyncset.done $0x0  }
0x2fe: {  	[sflag:s28] =	ssyncadd.s32 $0xFFFFFF80  }
0x2ff: {  	_ =	swait.ge [sflag:s28], $0x80  }
0x300: {  	[sflag:s28] =	ssyncset.done $0x0  }
0x301: {  	[sflag:s28] =	ssyncadd.s32 $0xFFFFFF80  }
0x302: {  	_ =	swait.ge [sflag:s28], $0x80  }
0x303: {  	[sflag:s28] =	ssyncset.done $0x0  }
0x304: {  	[sflag:s28] =	ssyncadd.s32 $0xFFFFFF80  }
0x305: {  	_ =	swait.ge [sflag:s28], $0x80  }
0x306: {  	[sflag:s28] =	ssyncset.done $0x0  }
0x307: {  	[sflag:s28] =	ssyncadd.s32 $0xFFFFFF80  }
0x308: {  	_ =	swait.ge [sflag:s28], $0x80  }
0x309: {  	[sflag:s28] =	ssyncset.done $0x0  }
0x30a: {  	[sflag:s28] =	ssyncadd.s32 $0xFFFFFF80  }
0x30b: {  	_ =	swait.ge [sflag:s28], $0x80  }
0x30c: {  	[sflag:s28] =	ssyncset.done $0x0  }
0x30d: {  	[sflag:s28] =	ssyncadd.s32 $0xFFFFFF80  }
0x30e: {  	_ =	swait.ge [sflag:s28], $0x80  }
0x30f: {  	[sflag:s28] =	ssyncset.done $0x0  }
0x310: {  	[sflag:s28] =	ssyncadd.s32 $0xFFFFFF80  }
0x311: {  	s15 =	stileid.u32;
	[bflag:$0x0] =	sbarrier.arrive $0xFFFF  }
0x312: {  	s18 =	simm.s32 $0x4;
	s0 =	sshll.u32 s15, $0x6;
	s7 =	rddreg [dreg:$0x8]  }
0x313: {  	s0 =	sor.u32 $0x1C04, s0;
	s17 =	rddreg [dreg:$0xb];
	s16 =	sshrl.u32 s7, $0x3  }
0x314: {  	[hbm:s17], [sflag:s0] =	dma.local [spmem:s16], $0x310  }
0x315: {  	_ =	swait.ge [sflag:s18], $0x310  }
0x316: {  	[sflag:s18] =	ssyncset.done $0x0;
	s10 =	rddreg [dreg:$0x9]  }
0x317: {  	s30 =	rddreg [dreg:$0xc];
	[sflag:s18] =	ssyncadd.s32 $0xFFFFFCF0;
	s21 =	sshrl.u32 s10, $0x3  }
0x318: {  	[hbm:s30], [sflag:s0] =	dma.local [spmem:s21], $0x310  }
0x319: {  	_ =	swait.ge [sflag:s18], $0x310  }
0x31a: {  	[sflag:s18] =	ssyncset.done $0x0;
	s30 =	rddreg [dreg:$0xa]  }
0x31b: {  	s24 =	rddreg [dreg:$0xd];
	[sflag:s18] =	ssyncadd.s32 $0xFFFFFCF0;
	s23 =	sshrl.u32 s30, $0x3  }
0x31c: {  	[hbm:s24], [sflag:s0] =	dma.local [spmem:s23], $0x310  }
0x31d: {  	_ =	swait.ge [sflag:s18], $0x310  }
0x31e: {  	s25 =	rddreg [dreg:$0xf]  }
0x31f: {  	s29 =	rddreg [dreg:$0xe];
	s12 =	sadd.s32 $0x1, s25  }
0x320: {  	p0 =	sne.s32 s12, s29  }
.Ltmp2:
0x321: {  	_ = 	snop;
	(pc) =	sbr.rel @p0 .LBB2_1-.Ltmp2, $3  }
0x322: {  	_ =	sdelay $0x1  }
0x323: {  	[sflag:s18] =	ssyncset.done $0x0  }
0x324: {  	[sflag:s18] =	ssyncadd.s32 $0xFFFFFCF0  }
0x325: {  	_ =	sfence.sel $0x180000  }
0x326: {  	[bflag:$0x0] =	sbarrier.arrive $0xFFFF  }
0x327: {  	_ =	strace $0x9000004A  }
0x328: {  	s0 =	stileid.u32;
	[bflag:$0x2] =	sbarrier.arrive $0xFFFF  }
0x329: {  	p0 =	sne.s32 s0, $0x0;
	s0 =	rddreg [dreg:$0x5]  }
0x32a: {  	s0 =	sadd.s32 @!p0 $0x100000, s0  }
0x32b: {  	[sflag:s0] =	ssyncadd.tile.s32 @!p0 $0x1;
	_ =	shalt  }
.Lfunc_end2:
_tile_overlayer_lowered:
.L_overlay_start_2:
0x32c: {  	(tag) =	ssettag $0x2  }
0x32d: {  	s0 =	rddreg [dreg:$0x0];
	s2 =	stileid.u32  }
0x32e: {  	s1 =	rddreg [dreg:$0x1];
	p0 =	sne.s32 s2, $0x0  }
0x32f: {  	s3 =	rddreg [dreg:$0x2];
	[bflag:$0x3] =	sbarrier.arrive $0xFFFF;
	s2 =	simm.s32 @!p0 $0x1C04  }
0x330: {  	[timem:s3], [sflag:s2] =	dma.local @!p0 [hbm:s0], s1  }
0x331: {  	s0 =	simm.s32 @!p0 $0x4  }
0x332: {  	_ =	swait.ge @!p0 [sflag:s0], s1  }
0x333: {  	s1 =	ssub.s32 @!p0 $0x0, s1;
	[sflag:s0] =	ssyncset.done @!p0 $0x0  }
0x334: {  	[sflag:s0] =	ssyncadd.s32 @!p0 s1  }
0x335: {  	[bflag:$0x3] =	sbarrier.arrive $0xFFFF  }
0x336: {  	_ =	shalt  }

// kernel: kernel.14.cloned.1.call-start
scs
__scs_entry_jumppad:
0x0: {  	(pc) =	sbr.rel $0x88, $3  }
0x1: {  	(tag) =	ssettag $0x0;
	lr =	simm.s32 $0x1  }
0x2: {  	[smem:$0x3F9B] =	sst lr;
	_ =	strace $0xD0000000  }
0x3: {  	_ = 	snop  }
0x4: {  	_ = 	snop  }
0x5: {  	_ = 	snop  }
0x6: {  	_ = 	snop  }
0x7: {  	_ = 	snop  }
__scs_overlays_trampoline_lowered:
0x8: {  	[smem:$0x3FAA] =	sst s0  }
0x9: {  	[smem:$0x3FAB] =	sst s1  }
0xa: {  	[smem:$0x3FAC] =	sst s2  }
0xb: {  	[smem:$0x3FAD] =	sst s3  }
0xc: {  	[smem:$0x3FAE] =	sst s4  }
0xd: {  	[smem:$0x3FAF] =	sst s5  }
0xe: {  	[smem:$0x3FB0] =	sst s6  }
0xf: {  	[smem:$0x3FB1] =	sst s7  }
0x10: {  	[smem:$0x3FB2] =	sst s8  }
0x11: {  	[smem:$0x3FB3] =	sst s9;
	s0 =	simm.s32 @!p0 $0x0  }
0x12: {  	s1 =	sld [smem:$0x3F99];
	s0 =	simm.s32 @p0 $0x1  }
0x13: {  	[smem:$0x3FB4] =	sst s0;
	s0 =	simm.s32 @!p1 $0x0  }
0x14: {  	s2 =	sld [smem:$0x3F98];
	s0 =	simm.s32 @p1 $0x1  }
0x15: {  	[smem:$0x3FB5] =	sst s0;
	s0 =	simm.s32 @!p2 $0x0  }
0x16: {  	s3 =	sld [smem:$0x3FDB];
	s0 =	simm.s32 @p2 $0x1  }
0x17: {  	s4 =	simm.s32 $0x1BF5;
	[smem:$0x3FB7] =	sst s0  }
0x18: {  	s0 =	sld [smem:$0x3F9A];
	_ =	swait.ge [sflag:s4], $0x0  }
0x19: {  	s7 =	sld [smem:$0x3F9B]  }
0x1a: {  	s8 =	sadd.s32 $0xFFFFE003, lr  }
0x1b: {  	s9 =	sadd.s32 $0xFFFFFEF7, lr;
	s5 =	simm.s32 $0xFFFFFFFF;
	p2 =	slt.u32 s8, $0xFFFFF086  }
0x1c: {  	p1 =	slt.u32 s9, $0xF7A;
	s5 =	simm.s32 @!p2 $0x0  }
0x1d: {  	s5 =	simm.s32 @p1 $0x1;
	p0 =	seq.s32 s7, s2  }
0x1e: {  	s7 =	smul.u32 @!p0 $0xF7A, s2;
	p2 =	seq.s32 @!p0 s5, $0x0  }
0x1f: {  	s9 =	smul.u32 $0xF7A, s1;
	s8 =	simm.s32 @!p0 $0x1BF5;
	p2 =	por !p2, p0  }
0x20: {  	[sflag:s8] =	ssyncset.s32 @!p0 $0xFFFFF086;
	s6 =	sadd.s32 @!p0 s3, s7;
	s7 =	simm.s32 @!p0 $0x108  }
0x21: {  	s3 =	sadd.s32 s3, s9;
	s6 =	sadd.s32 @!p0 $0x88, s6;
	s7 =	simm.s32 @p2 $0x1082  }
0x22: {  	[simem:s7], [sflag:s8] =	dma.local @!p0 [hbm:s6], $0xF7A  }
0x23: {  	s9 =	sor.u32 $0xD0000000, s2;
	s6 =	simm.s32 $0x108;
	_ =	swait.ge @!p0 [sflag:s8], $0x0  }
0x24: {  	s3 =	sadd.s32 $0x88, s3;
	s6 =	simm.s32 @!p1 $0x1082;
	[sflag:s4] =	ssyncset.s32 $0xFFFFF086  }
0x25: {  	[simem:s6], [sflag:s4] =	dma.local [hbm:s3], $0xF7A  }
0x26: {  	[smem:$0x3F9B] =	sst s1;
	(tag) =	ssettag s2;
	_ =	strace s9  }
0x27: {  	s1 =	sld [smem:$0x3FAB]  }
0x28: {  	s2 =	sld [smem:$0x3FAC]  }
0x29: {  	s4 =	sld [smem:$0x3FAE]  }
0x2a: {  	p0 =	seq.s32 s5, $0x0;
	s5 =	sld [smem:$0x3FAF]  }
0x2b: {  	s6 =	sld [smem:$0x3FB0]  }
0x2c: {  	s7 =	sld [smem:$0x3FB1]  }
0x2d: {  	s3 =	simm.s32 $0x108;
	s8 =	sld [smem:$0x3FB2]  }
0x2e: {  	s3 =	simm.s32 @!p0 $0x1082;
	s9 =	sld [smem:$0x3FB3]  }
0x2f: {  	lr =	sadd.s32 s0, s3;
	s0 =	sld [smem:$0x3FAA]  }
0x30: {  	s3 =	sld [smem:$0x3FAD]  }
0x31: {  	[smem:$0x3FB6] =	sst s10  }
0x32: {  	s10 =	sld [smem:$0x3FB4];
	_ =	sdelay $0x3  }
0x33: {  	p0 =	seq.s32 s10, $0x1;
	s10 =	sld [smem:$0x3FB6];
	_ =	sdelay $0x3  }
0x34: {  	[smem:$0x3FB6] =	sst s10  }
0x35: {  	s10 =	sld [smem:$0x3FB5];
	_ =	sdelay $0x3  }
0x36: {  	p1 =	seq.s32 s10, $0x1;
	s10 =	sld [smem:$0x3FB6];
	_ =	sdelay $0x3  }
0x37: {  	[smem:$0x3FB6] =	sst s10  }
0x38: {  	s10 =	sld [smem:$0x3FB7]  }
0x39: {  	_ = 	snop;
	(pc) =	sbr.ind lr, $3  }
0x3a: {  	_ = 	snop  }
0x3b: {  	_ = 	snop  }
0x3c: {  	p2 =	seq.s32 s10, $0x1;
	s10 =	sld [smem:$0x3FB6]  }
0x3d: {  	_ =	shalt  }
0x3e: {  	_ =	shalt  }
0x3f: {  	_ =	shalt  }
0x40: {  	_ =	shalt  }
0x41: {  	_ =	shalt  }
0x42: {  	_ =	shalt  }
0x43: {  	_ =	shalt  }
0x44: {  	_ =	shalt  }
0x45: {  	_ =	shalt  }
0x46: {  	_ =	shalt  }
0x47: {  	_ =	shalt  }
0x48: {  	_ =	shalt  }
0x49: {  	_ =	shalt  }
0x4a: {  	_ =	shalt  }
0x4b: {  	_ =	shalt  }
0x4c: {  	_ =	shalt  }
0x4d: {  	_ =	shalt  }
0x4e: {  	_ =	shalt  }
0x4f: {  	_ =	shalt  }
0x50: {  	_ =	shalt  }
0x51: {  	_ =	shalt  }
0x52: {  	_ =	shalt  }
0x53: {  	_ =	shalt  }
0x54: {  	_ =	shalt  }
0x55: {  	_ =	shalt  }
0x56: {  	_ =	shalt  }
0x57: {  	_ =	shalt  }
0x58: {  	_ =	shalt  }
0x59: {  	_ =	shalt  }
0x5a: {  	_ =	shalt  }
0x5b: {  	_ =	shalt  }
0x5c: {  	_ =	shalt  }
0x5d: {  	_ =	shalt  }
0x5e: {  	_ =	shalt  }
0x5f: {  	_ =	shalt  }
0x60: {  	_ =	shalt  }
0x61: {  	_ =	shalt  }
0x62: {  	_ =	shalt  }
0x63: {  	_ =	shalt  }
0x64: {  	_ =	shalt  }
0x65: {  	_ =	shalt  }
0x66: {  	_ =	shalt  }
0x67: {  	_ =	shalt  }
0x68: {  	_ =	shalt  }
0x69: {  	_ =	shalt  }
0x6a: {  	_ =	shalt  }
0x6b: {  	_ =	shalt  }
0x6c: {  	_ =	shalt  }
0x6d: {  	_ =	shalt  }
0x6e: {  	_ =	shalt  }
0x6f: {  	_ =	shalt  }
0x70: {  	_ =	shalt  }
0x71: {  	_ =	shalt  }
0x72: {  	_ =	shalt  }
0x73: {  	_ =	shalt  }
0x74: {  	_ =	shalt  }
0x75: {  	_ =	shalt  }
0x76: {  	_ =	shalt  }
0x77: {  	_ =	shalt  }
0x78: {  	_ =	shalt  }
0x79: {  	_ =	shalt  }
0x7a: {  	_ =	shalt  }
0x7b: {  	_ =	shalt  }
0x7c: {  	_ =	shalt  }
0x7d: {  	_ =	shalt  }
0x7e: {  	_ =	shalt  }
0x7f: {  	_ =	shalt  }
0x80: {  	_ =	shalt  }
0x81: {  	_ =	shalt  }
0x82: {  	_ =	shalt  }
0x83: {  	_ =	shalt  }
0x84: {  	_ =	shalt  }
0x85: {  	_ =	shalt  }
0x86: {  	_ =	shalt  }
0x87: {  	_ =	shalt  }
.Lfunc_end0:
.L_simem_size_0:
called_computation.2_lowered:
.L_overlay_start_0:
0x88: {  	s2 =	sld [smem:$0x3FD9]  }
0x89: {  	s3 =	sld [smem:$0x3FFE];
	_ =	sdelay $0x1  }
0x8a: {  	s1 =	srdreg.scid  }
0x8b: {  	s0 =	sand.u32 $0x1, s1  }
0x8c: {  	s17 =	sshll.u32 s0, $0xA;
	s2 =	sadd.s32 s3, s2  }
0x8d: {  	s2 =	sadd.s32 s2, s17  }
0x8e: {  	[smem:$0x3FC2] =	sst s2  }
0x8f: {  	_ = 	snop  }
0x90: {  	s2 =	sld [smem:$0x3FD0];
	(tm) =	ssettm $0x1  }
0x91: {  	s18 =	sld [smem:$0x3FFB];
	_ =	sdelay $0x3  }
0x92: {  	_ =	strace s18  }
0x93: {  	s3 =	sld [smem:$0x3FFC];
	_ =	sdelay $0x3  }
0x94: {  	_ =	strace s3  }
0x95: {  	s3 =	sld [smem:$0x3FFD];
	_ =	sdelay $0x3  }
0x96: {  	_ =	strace s3  }
0x97: {  	_ =	strace $0x8FFFFFFF  }
0x98: {  	s19 =	sld [smem:$0x3FDB];
	_ =	sdelay $0x1  }
0x99: {  	s4 =	simm.s32 $_scs_section_size  }
0x9a: {  	s5 =	simm.s32 $_size__tile_overlayer_lowered;
	s6 =	simm.s32 $_tile_overlayer_lowered  }
0x9b: {  	s22 =	simm.s32 $0x1BFF;
	s21 =	sshll.u32 s6, $0x1;
	s3 =	sadd.s32 s4, s19  }
0x9c: {  	s7 =	simm.s32 $0x0;
	s20 =	sshll.u32 s5, $0x1;
	s5 =	sadd.s32 s21, s3  }
0x9d: {  	[timem:s7], [sflag:s22] =	dma.local [hbm:s5], s20  }
0x9e: {  	_ =	swait.ge [sflag:s22], s20  }
0x9f: {  	s4 =	ssub.s32 $0x0, s20;
	[sflag:s22] =	ssyncset.done $0x0  }
0xa0: {  	[sflag:s22] =	ssyncadd.s32 s4;
	_ =	sdelay $0x1  }
0xa1: {  	s23 =	simm.s32 $0x1B8B  }
0xa2: {  	_ =	swait.ge [sflag:s23], $0x1  }
0xa3: {  	[sflag:s23] =	ssyncset.done $0x0  }
0xa4: {  	s25 =	simm.s32 $0x1B8E;
	s24 =	sld [smem:$0x3FFE];
	[sflag:s23] =	ssyncadd.s32 $0xFFFFFFFF  }
0xa5: {  	s26 =	simm.s32 $execute0_lowered;
	[smem:$0x3FD2] =	sst s25  }
0xa6: {  	s5 =	sshll.u32 s26, $0x1;
	_ =	strace $0x8000004C;
	[dreg:$0x1] =	wrdreg $0xFFFFFFFF  }
0xa7: {  	s28 =	simm.s32 $_size_execute0_lowered;
	s3 =	sadd.s32 s3, s5;
	[dreg:$0x0] =	wrdreg $0x0  }
0xa8: {  	s5 =	sshll.u32 s28, $0x1;
	[dreg:$0x2] =	wrdreg s3  }
0xa9: {  	[dreg:$0x3] =	wrdreg s5  }
0xaa: {  	[dreg:$0x4] =	wrdreg $0xC0  }
0xab: {  	_ =	task [dreg:s7], $0x5FFFF  }
0xac: {  	[dreg:$0x1] =	wrdreg $0xFFFFFFFF  }
0xad: {  	[dreg:$0x0] =	wrdreg $0x60  }
0xae: {  	[dreg:$0x2] =	wrdreg s24  }
0xaf: {  	[dreg:$0x3] =	wrdreg s2  }
0xb0: {  	[dreg:$0x4] =	wrdreg $0x28800  }
0xb1: {  	[dreg:$0x5] =	wrdreg $0x41000  }
0xb2: {  	[dreg:$0x6] =	wrdreg $0x9  }
0xb3: {  	_ =	task.clear_ibuf [dreg:s7], $0x7FFFF;
	_ =	strace $0x9000004C  }
0xb4: {  	s29 =	simm.s32 $0x9;
	_ =	strace $0x8000004E  }
0xb5: {  	_ =	swait.ge [sflag:s29], $0x1  }
0xb6: {  	[sflag:s29] =	ssyncadd.s32 $0xFFFFFFFF  }
0xb7: {  	_ =	strace $0x9000004E  }
0xb8: {  	_ =	sfence  }
0xb9: {  	s30 =	sld [smem:$0x0];
	_ =	sdelay $0x2  }
0xba: {  	s31 =	sshll.u32 s1, $0xD;
	s1 =	sshrl.u32 s1, $0x2  }
0xbb: {  	s3 =	sand.u32 $0x4000, s31;
	s1 =	sadd.s32 s1, s30  }
0xbc: {  	s0 =	sor.u32 s3, s0;
	s1 =	sshll.u32 s1, $0x11  }
0xbd: {  	s0 =	sor.u32 s1, s0  }
0xbe: {  	s0 =	sadd.s32 $0x8F2B, s0  }
0xbf: {  	[sflag:s0] =	ssyncadd.remote.s32 $0x1  }
0xc0: {  	_ =	sfence.sel $0xFFFF  }
0xc1: {  	[dreg:$0x0] =	wrdreg $0xFFFFFFFF;
	(pc) =	sbr.abs _section_cstart, $3  }
0xc2: {  	[dreg:$0x1] =	wrdreg $0xFFFFFFFF  }
0xc3: {  	_ =	task.clear_ibuf [dreg:s7], $0x2FFFF;
	_ =	strace $0x9FFFFFFF  }
0xc4: {  	(tm) =	ssettm $0x7FFFFFFF  }
0xc5: {  	_ =	shalt  }
tec
execute0_lowered:
.L_overlay_start_1:
0x0: {  	(tag) =	ssettag $0x1  }
0x1: {  	s0 =	rddreg [dreg:$0x0]  }
0x2: {  	s1 =	rddreg [dreg:$0x1]  }
0x3: {  	s2 =	rddreg [dreg:$0x2]  }
0x4: {  	s7 =	stileid.u32;
	s5 =	srdreg.scid  }
0x5: {  	s4 =	rddreg [dreg:$0x3];
	s3 =	smul.u32 $0xC400, s7  }
0x6: {  	s6 =	sand.u32 $0x1, s5;
	s7 =	smul.u32 $0x1880, s7;
	s5 =	simm.s32 $0x0  }
0x7: {  	s31 =	simm.s32 $0x400;
	s8 =	smul.u32 $0x31000, s6;
	[smem:$0x7FF] =	sst s5  }
0x8: {  	s9 =	ssub.s32 $0x2, s6;
	s10 =	smul.u32 $0x6200, s6;
	s6 =	sadd.s32 $0x3800, s0  }
0x9: {  	_ =	strace $0x8000004D;
	s3 =	sadd.s32 s3, s0;
	s24 =	sshrl.u32 s9, $0x1  }
0xa: {  	s29 =	sadd.s32 s7, s4;
	s8 =	sadd.s32 s7, s8;
	s3 =	sadd.s32 s10, s3  }
0xb: {  	[dreg:$0x8] =	wrdreg s29;
	s8 =	sshrl.u32 s8, $0x3;
	s26 =	sadd.s32 $0xC6E00, s3  }
0xc: {  	s28 =	sadd.s32 $0x18AE00, s3;
	s0 =	sadd.s32 s8, s0;
	[dreg:$0x5] =	wrdreg s26  }
0xd: {  	s8 =	ssub.s32 s9, s24;
	s9 =	sadd.s32 s7, s2;
	[dreg:$0x6] =	wrdreg s28  }
0xe: {  	s15 =	simm.s32 $0x1;
	s25 =	sadd.s32 $0x6A00, s0;
	[dreg:$0x7] =	wrdreg s9  }
0xf: {  	s16 =	simm.s32 $0x80;
	s0 =	sadd.s32 $0x9B00, s0;
	[dreg:$0x9] =	wrdreg s25  }
0x10: {  	s17 =	simm.s32 $0x2;
	s30 =	smax.u32 s8, $0x1;
	[dreg:$0xa] =	wrdreg s0  }
0x11: {  	v0 =	vimm.f32 $0.0e+00;
	s24 =	simm.s32 $0x3;
	[dreg:$0xb] =	wrdreg s30;
	s0 =	simm.s32 $0x0  }
.LBB2_1:
0x12: {  	[dreg:$0xc] =	wrdreg s0;
	s25 =	simm.s32 $0x40;
	s26 =	simm.s32 $0x0  }
.LBB2_2:
0x13: {  	p0 =	sne.s32 s25, $0x61C0;
	[tilespmem:s26+$0x1000] =	vst v0;
	s26 =	smov.u32 s25;
	s25 =	sadd.s32 $0x40, s25  }
.Ltmp0:
0x14: {  	(pc) =	sbr.rel @p0 .LBB2_2-.Ltmp0, $2  }
0x15: {  	_ =	sdelay $0x2  }
0x16: {  	s26 =	sshra.s32 s26, $0x2  }
0x17: {  	[tilespmem:s26+$0x1000] =	vst v0;
	s25 =	simm.s32 $0x1000;
	s0 =	simm.s32 $0x4  }
0x18: {  	[spmem:s9] =	stream.linear.scatter [tilespmem:s25], [sflag:$0x4], $0x1880, $0x38;
	[tilespmem:$0x5980] =	vst v63  }
0x19: {  	_ =	swait.ge [sflag:s0], $0x1880  }
0x1a: {  	[sflag:s0] =	ssyncset.done $0x0  }
0x1b: {  	[sflag:s0] =	ssyncadd.s32 $0xFFFFE780  }
0x1c: {  	[spmem:s29] =	stream.linear.scatter [tilespmem:s25], [sflag:$0x4], $0x1880, $0x38;
	[tilespmem:$0x5980] =	vst v63  }
0x1d: {  	_ =	swait.ge [sflag:s0], $0x1880  }
0x1e: {  	[sflag:s0] =	ssyncset.done $0x0  }
0x1f: {  	[sflag:s0] =	ssyncadd.s32 $0xFFFFE780  }
0x20: {  	[bflag:$0x0] =	sbarrier.arrive $0xFFFF  }
0x21: {  	s3 =	rddreg [dreg:$0x6]  }
0x22: {  	s7 =	rddreg [dreg:$0x5];
	s25 =	sadd.s32 $0x0, s3  }
0x23: {  	[tilespmem:s5], [sflag:$0x1] =	stream.linear.gather [hbm4b:s25+s5], $0x400, $0x38;
	[tilespmem:$0x5980] =	vst v63  }
0x24: {  	s8 =	sadd.s32 $0x0, s7  }
0x25: {  	[tilespmem:s31], [sflag:$0x1] =	stream.linear.gather [hbm4b:s8+s5], $0x400, $0x38;
	[tilespmem:$0x5980] =	vst v63  }
0x26: {  	_ =	swait.ge [sflag:s15], $0x400  }
0x27: {  	[sflag:s15] =	ssyncset.done $0x0  }
0x28: {  	[sflag:s15] =	ssyncadd.s32 $0xFFFFFC00  }
0x29: {  	_ =	swait.ge [sflag:s15], $0x400  }
0x2a: {  	[sflag:s15] =	ssyncset.done $0x0  }
0x2b: {  	s9 =	simm.s32 $0x800;
	[sflag:s15] =	ssyncadd.s32 $0xFFFFFC00  }
0x2c: {  	[tilespmem:s9], [sflag:$0x2] =	stream.indirect.gather [hbm4b:s1+s16], $0x1, s31, s16, $0xb8;
	[tilespmem:$0x5980] =	vst v63  }
0x2d: {  	s20 =	simm.s32 $0x480;
	s8 =	simm.s32 $0x880  }
0x2e: {  	[tilespmem:s8], [sflag:$0x2] =	stream.indirect.gather [hbm4b:s1+s16], $0x1, s20, s16, $0xb8;
	[tilespmem:$0x5980] =	vst v63  }
0x2f: {  	s30 =	simm.s32 $0x900;
	s0 =	simm.s32 $0x500  }
0x30: {  	[tilespmem:s30], [sflag:$0x2] =	stream.indirect.gather [hbm4b:s1+s16], $0x1, s0, s16, $0xb8;
	[tilespmem:$0x5980] =	vst v63  }
0x31: {  	s10 =	simm.s32 $0x980;
	s3 =	simm.s32 $0x580  }
0x32: {  	[tilespmem:s10], [sflag:$0x2] =	stream.indirect.gather [hbm4b:s1+s16], $0x1, s3, s16, $0xb8;
	[tilespmem:$0x5980] =	vst v63  }
0x33: {  	s12 =	simm.s32 $0xA00;
	s7 =	simm.s32 $0x600  }
0x34: {  	[tilespmem:s12], [sflag:$0x2] =	stream.indirect.gather [hbm4b:s1+s16], $0x1, s7, s16, $0xb8;
	[tilespmem:$0x5980] =	vst v63  }
0x35: {  	s22 =	simm.s32 $0x680;
	s13 =	simm.s32 $0xA80  }
0x36: {  	[tilespmem:s13], [sflag:$0x2] =	stream.indirect.gather [hbm4b:s1+s16], $0x1, s22, s16, $0xb8;
	[tilespmem:$0x5980] =	vst v63  }
0x37: {  	s23 =	simm.s32 $0x700;
	s19 =	simm.s32 $0xB00  }
0x38: {  	[tilespmem:s19], [sflag:$0x2] =	stream.indirect.gather [hbm4b:s1+s16], $0x1, s23, s16, $0xb8;
	[tilespmem:$0x5980] =	vst v63  }
0x39: {  	s14 =	simm.s32 $0x780;
	s21 =	simm.s32 $0xB80  }
0x3a: {  	[tilespmem:s21], [sflag:$0x2] =	stream.indirect.gather [hbm4b:s1+s16], $0x1, s14, s16, $0xb8;
	[tilespmem:$0x5980] =	vst v63  }
0x3b: {  	s28 =	simm.s32 $0xC00  }
0x3c: {  	[tilespmem:s28], [sflag:$0x2] =	stream.indirect.gather [hbm4b:s6+s16], $0x1, s31, s16, $0xb8;
	[tilespmem:$0x5980] =	vst v63  }
0x3d: {  	s11 =	simm.s32 $0xC80  }
0x3e: {  	[tilespmem:s11], [sflag:$0x2] =	stream.indirect.gather [hbm4b:s6+s16], $0x1, s20, s16, $0xb8;
	[tilespmem:$0x5980] =	vst v63  }
0x3f: {  	s18 =	simm.s32 $0xD00  }
0x40: {  	[tilespmem:s18], [sflag:$0x2] =	stream.indirect.gather [hbm4b:s6+s16], $0x1, s0, s16, $0xb8;
	[tilespmem:$0x5980] =	vst v63  }
0x41: {  	s20 =	simm.s32 $0xD80  }
0x42: {  	[tilespmem:s20], [sflag:$0x2] =	stream.indirect.gather [hbm4b:s6+s16], $0x1, s3, s16, $0xb8;
	[tilespmem:$0x5980] =	vst v63  }
0x43: {  	s26 =	simm.s32 $0xE00  }
0x44: {  	[tilespmem:s26], [sflag:$0x2] =	stream.indirect.gather [hbm4b:s6+s16], $0x1, s7, s16, $0xb8;
	[tilespmem:$0x5980] =	vst v63  }
0x45: {  	s0 =	simm.s32 $0xE80  }
0x46: {  	[tilespmem:s0], [sflag:$0x2] =	stream.indirect.gather [hbm4b:s6+s16], $0x1, s22, s16, $0xb8;
	[tilespmem:$0x5980] =	vst v63  }
0x47: {  	s3 =	simm.s32 $0xF00  }
0x48: {  	[tilespmem:s3], [sflag:$0x2] =	stream.indirect.gather [hbm4b:s6+s16], $0x1, s23, s16, $0xb8;
	[tilespmem:$0x5980] =	vst v63  }
0x49: {  	s7 =	simm.s32 $0xF80  }
0x4a: {  	[tilespmem:s7], [sflag:$0x2] =	stream.indirect.gather [hbm4b:s6+s16], $0x1, s14, s16, $0xb8;
	[tilespmem:$0x5980] =	vst v63  }
0x4b: {  	_ =	swait.ge [sflag:s17], $0x80  }
0x4c: {  	[sflag:s17] =	ssyncset.done $0x0  }
0x4d: {  	[sflag:s17] =	ssyncadd.s32 $0xFFFFFF80  }
0x4e: {  	_ =	swait.ge [sflag:s17], $0x80  }
0x4f: {  	[sflag:s17] =	ssyncset.done $0x0  }
0x50: {  	[sflag:s17] =	ssyncadd.s32 $0xFFFFFF80  }
0x51: {  	_ =	swait.ge [sflag:s17], $0x80  }
0x52: {  	[sflag:s17] =	ssyncset.done $0x0  }
0x53: {  	[sflag:s17] =	ssyncadd.s32 $0xFFFFFF80  }
0x54: {  	_ =	swait.ge [sflag:s17], $0x80  }
0x55: {  	[sflag:s17] =	ssyncset.done $0x0  }
0x56: {  	[sflag:s17] =	ssyncadd.s32 $0xFFFFFF80  }
0x57: {  	_ =	swait.ge [sflag:s17], $0x80  }
0x58: {  	[sflag:s17] =	ssyncset.done $0x0  }
0x59: {  	[sflag:s17] =	ssyncadd.s32 $0xFFFFFF80  }
0x5a: {  	_ =	swait.ge [sflag:s17], $0x80  }
0x5b: {  	[sflag:s17] =	ssyncset.done $0x0  }
0x5c: {  	[sflag:s17] =	ssyncadd.s32 $0xFFFFFF80  }
0x5d: {  	_ =	swait.ge [sflag:s17], $0x80  }
0x5e: {  	[sflag:s17] =	ssyncset.done $0x0  }
0x5f: {  	[sflag:s17] =	ssyncadd.s32 $0xFFFFFF80  }
0x60: {  	_ =	swait.ge [sflag:s17], $0x80  }
0x61: {  	[sflag:s17] =	ssyncset.done $0x0  }
0x62: {  	[sflag:s17] =	ssyncadd.s32 $0xFFFFFF80  }
0x63: {  	_ =	swait.ge [sflag:s17], $0x80  }
0x64: {  	[sflag:s17] =	ssyncset.done $0x0  }
0x65: {  	[sflag:s17] =	ssyncadd.s32 $0xFFFFFF80  }
0x66: {  	_ =	swait.ge [sflag:s17], $0x80  }
0x67: {  	[sflag:s17] =	ssyncset.done $0x0  }
0x68: {  	[sflag:s17] =	ssyncadd.s32 $0xFFFFFF80  }
0x69: {  	_ =	swait.ge [sflag:s17], $0x80  }
0x6a: {  	[sflag:s17] =	ssyncset.done $0x0  }
0x6b: {  	[sflag:s17] =	ssyncadd.s32 $0xFFFFFF80  }
0x6c: {  	_ =	swait.ge [sflag:s17], $0x80  }
0x6d: {  	[sflag:s17] =	ssyncset.done $0x0  }
0x6e: {  	[sflag:s17] =	ssyncadd.s32 $0xFFFFFF80  }
0x6f: {  	_ =	swait.ge [sflag:s17], $0x80  }
0x70: {  	[sflag:s17] =	ssyncset.done $0x0  }
0x71: {  	[sflag:s17] =	ssyncadd.s32 $0xFFFFFF80  }
0x72: {  	_ =	swait.ge [sflag:s17], $0x80  }
0x73: {  	[sflag:s17] =	ssyncset.done $0x0  }
0x74: {  	[sflag:s17] =	ssyncadd.s32 $0xFFFFFF80  }
0x75: {  	_ =	swait.ge [sflag:s17], $0x80  }
0x76: {  	[sflag:s17] =	ssyncset.done $0x0  }
0x77: {  	[sflag:s17] =	ssyncadd.s32 $0xFFFFFF80  }
0x78: {  	_ =	swait.ge [sflag:s17], $0x80  }
0x79: {  	[sflag:s17] =	ssyncset.done $0x0  }
0x7a: {  	[sflag:s17] =	ssyncadd.s32 $0xFFFFFF80  }
0x7b: {  	[spmem:s2] =	stream.indirect.scatter.add.f32 [tilespmem:s9], [sflag:$0x3], $0x1, s5, s16, $0xb8;
	[tilespmem:$0x5980] =	vst v63  }
0x7c: {  	_ = 	snop  }
0x7d: {  	[spmem:s2] =	stream.indirect.scatter.add.f32 [tilespmem:s8], [sflag:$0x3], $0x1, s16, s16, $0xb8;
	[tilespmem:$0x5980] =	vst v63  }
0x7e: {  	s22 =	simm.s32 $0x100  }
0x7f: {  	[spmem:s2] =	stream.indirect.scatter.add.f32 [tilespmem:s30], [sflag:$0x3], $0x1, s22, s16, $0xb8;
	[tilespmem:$0x5980] =	vst v63  }
0x80: {  	s23 =	simm.s32 $0x180  }
0x81: {  	[spmem:s2] =	stream.indirect.scatter.add.f32 [tilespmem:s10], [sflag:$0x3], $0x1, s23, s16, $0xb8;
	[tilespmem:$0x5980] =	vst v63  }
0x82: {  	s25 =	simm.s32 $0x200  }
0x83: {  	[spmem:s2] =	stream.indirect.scatter.add.f32 [tilespmem:s12], [sflag:$0x3], $0x1, s25, s16, $0xb8;
	[tilespmem:$0x5980] =	vst v63  }
0x84: {  	s29 =	simm.s32 $0x280  }
0x85: {  	[spmem:s2] =	stream.indirect.scatter.add.f32 [tilespmem:s13], [sflag:$0x3], $0x1, s29, s16, $0xb8;
	[tilespmem:$0x5980] =	vst v63  }
0x86: {  	s30 =	simm.s32 $0x300  }
0x87: {  	[spmem:s2] =	stream.indirect.scatter.add.f32 [tilespmem:s19], [sflag:$0x3], $0x1, s30, s16, $0xb8;
	[tilespmem:$0x5980] =	vst v63  }
0x88: {  	s14 =	simm.s32 $0x380  }
0x89: {  	[spmem:s2] =	stream.indirect.scatter.add.f32 [tilespmem:s21], [sflag:$0x3], $0x1, s14, s16, $0xb8;
	[tilespmem:$0x5980] =	vst v63  }
0x8a: {  	_ = 	snop  }
0x8b: {  	[spmem:s4] =	stream.indirect.scatter.add.f32 [tilespmem:s28], [sflag:$0x3], $0x1, s5, s16, $0xb8;
	[tilespmem:$0x5980] =	vst v63  }
0x8c: {  	_ = 	snop  }
0x8d: {  	[spmem:s4] =	stream.indirect.scatter.add.f32 [tilespmem:s11], [sflag:$0x3], $0x1, s16, s16, $0xb8;
	[tilespmem:$0x5980] =	vst v63  }
0x8e: {  	_ = 	snop  }
0x8f: {  	[spmem:s4] =	stream.indirect.scatter.add.f32 [tilespmem:s18], [sflag:$0x3], $0x1, s22, s16, $0xb8;
	[tilespmem:$0x5980] =	vst v63  }
0x90: {  	_ = 	snop  }
0x91: {  	[spmem:s4] =	stream.indirect.scatter.add.f32 [tilespmem:s20], [sflag:$0x3], $0x1, s23, s16, $0xb8;
	[tilespmem:$0x5980] =	vst v63  }
0x92: {  	_ = 	snop  }
0x93: {  	[spmem:s4] =	stream.indirect.scatter.add.f32 [tilespmem:s26], [sflag:$0x3], $0x1, s25, s16, $0xb8;
	[tilespmem:$0x5980] =	vst v63  }
0x94: {  	_ = 	snop  }
0x95: {  	[spmem:s4] =	stream.indirect.scatter.add.f32 [tilespmem:s0], [sflag:$0x3], $0x1, s29, s16, $0xb8;
	[tilespmem:$0x5980] =	vst v63  }
0x96: {  	_ = 	snop  }
0x97: {  	[spmem:s4] =	stream.indirect.scatter.add.f32 [tilespmem:s3], [sflag:$0x3], $0x1, s30, s16, $0xb8;
	[tilespmem:$0x5980] =	vst v63  }
0x98: {  	_ = 	snop  }
0x99: {  	[spmem:s4] =	stream.indirect.scatter.add.f32 [tilespmem:s7], [sflag:$0x3], $0x1, s14, s16, $0xb8;
	[tilespmem:$0x5980] =	vst v63  }
0x9a: {  	_ =	swait.ge [sflag:s24], $0x80  }
0x9b: {  	[sflag:s24] =	ssyncset.done $0x0  }
0x9c: {  	[sflag:s24] =	ssyncadd.s32 $0xFFFFFF80  }
0x9d: {  	_ =	swait.ge [sflag:s24], $0x80  }
0x9e: {  	[sflag:s24] =	ssyncset.done $0x0  }
0x9f: {  	[sflag:s24] =	ssyncadd.s32 $0xFFFFFF80  }
0xa0: {  	_ =	swait.ge [sflag:s24], $0x80  }
0xa1: {  	[sflag:s24] =	ssyncset.done $0x0  }
0xa2: {  	[sflag:s24] =	ssyncadd.s32 $0xFFFFFF80  }
0xa3: {  	_ =	swait.ge [sflag:s24], $0x80  }
0xa4: {  	[sflag:s24] =	ssyncset.done $0x0  }
0xa5: {  	[sflag:s24] =	ssyncadd.s32 $0xFFFFFF80  }
0xa6: {  	_ =	swait.ge [sflag:s24], $0x80  }
0xa7: {  	[sflag:s24] =	ssyncset.done $0x0  }
0xa8: {  	[sflag:s24] =	ssyncadd.s32 $0xFFFFFF80  }
0xa9: {  	_ =	swait.ge [sflag:s24], $0x80  }
0xaa: {  	[sflag:s24] =	ssyncset.done $0x0  }
0xab: {  	[sflag:s24] =	ssyncadd.s32 $0xFFFFFF80  }
0xac: {  	_ =	swait.ge [sflag:s24], $0x80  }
0xad: {  	[sflag:s24] =	ssyncset.done $0x0  }
0xae: {  	[sflag:s24] =	ssyncadd.s32 $0xFFFFFF80  }
0xaf: {  	_ =	swait.ge [sflag:s24], $0x80  }
0xb0: {  	[sflag:s24] =	ssyncset.done $0x0  }
0xb1: {  	[sflag:s24] =	ssyncadd.s32 $0xFFFFFF80  }
0xb2: {  	_ =	swait.ge [sflag:s24], $0x80  }
0xb3: {  	[sflag:s24] =	ssyncset.done $0x0  }
0xb4: {  	[sflag:s24] =	ssyncadd.s32 $0xFFFFFF80  }
0xb5: {  	_ =	swait.ge [sflag:s24], $0x80  }
0xb6: {  	[sflag:s24] =	ssyncset.done $0x0  }
0xb7: {  	[sflag:s24] =	ssyncadd.s32 $0xFFFFFF80  }
0xb8: {  	_ =	swait.ge [sflag:s24], $0x80  }
0xb9: {  	[sflag:s24] =	ssyncset.done $0x0  }
0xba: {  	[sflag:s24] =	ssyncadd.s32 $0xFFFFFF80  }
0xbb: {  	_ =	swait.ge [sflag:s24], $0x80  }
0xbc: {  	[sflag:s24] =	ssyncset.done $0x0  }
0xbd: {  	[sflag:s24] =	ssyncadd.s32 $0xFFFFFF80  }
0xbe: {  	_ =	swait.ge [sflag:s24], $0x80  }
0xbf: {  	[sflag:s24] =	ssyncset.done $0x0  }
0xc0: {  	[sflag:s24] =	ssyncadd.s32 $0xFFFFFF80  }
0xc1: {  	_ =	swait.ge [sflag:s24], $0x80  }
0xc2: {  	[sflag:s24] =	ssyncset.done $0x0  }
0xc3: {  	[sflag:s24] =	ssyncadd.s32 $0xFFFFFF80  }
0xc4: {  	_ =	swait.ge [sflag:s24], $0x80  }
0xc5: {  	[sflag:s24] =	ssyncset.done $0x0  }
0xc6: {  	[sflag:s24] =	ssyncadd.s32 $0xFFFFFF80  }
0xc7: {  	s25 =	simm.s32 $0x80;
	_ =	swait.ge [sflag:s24], $0x80  }
0xc8: {  	s26 =	simm.s32 $0x100;
	s28 =	rddreg [dreg:$0x6];
	[sflag:s24] =	ssyncset.done $0x0  }
.LBB2_4:
0xc9: {  	[sflag:s24] =	ssyncadd.s32 $0xFFFFFF80;
	s30 =	rddreg [dreg:$0x5];
	s28 =	sadd.s32 s25, s28  }
0xca: {  	[tilespmem:s5], [sflag:$0x1] =	stream.linear.gather [hbm4b:s28+s5], $0x400, $0x38;
	[tilespmem:$0x5980] =	vst v63  }
0xcb: {  	s28 =	sadd.s32 s25, s30  }
0xcc: {  	[tilespmem:s31], [sflag:$0x1] =	stream.linear.gather [hbm4b:s28+s5], $0x400, $0x38;
	[tilespmem:$0x5980] =	vst v63  }
0xcd: {  	_ =	swait.ge [sflag:s15], $0x400  }
0xce: {  	[sflag:s15] =	ssyncset.done $0x0  }
0xcf: {  	[sflag:s15] =	ssyncadd.s32 $0xFFFFFC00  }
0xd0: {  	_ =	swait.ge [sflag:s15], $0x400  }
0xd1: {  	s29 =	smov.u32 s26;
	[sflag:s15] =	ssyncset.done $0x0  }
0xd2: {  	s25 =	smov.u32 s29;
	s29 =	simm.s32 $0x800;
	[sflag:s15] =	ssyncadd.s32 $0xFFFFFC00  }
0xd3: {  	[tilespmem:s29], [sflag:$0x2] =	stream.indirect.gather [hbm4b:s1+s16], $0x1, s31, s16, $0xb8;
	[tilespmem:$0x5980] =	vst v63  }
0xd4: {  	s8 =	simm.s32 $0x880;
	s30 =	simm.s32 $0x480  }
0xd5: {  	[tilespmem:s8], [sflag:$0x2] =	stream.indirect.gather [hbm4b:s1+s16], $0x1, s30, s16, $0xb8;
	[tilespmem:$0x5980] =	vst v63  }
0xd6: {  	s9 =	simm.s32 $0x900;
	s0 =	simm.s32 $0x500  }
0xd7: {  	[tilespmem:s9], [sflag:$0x2] =	stream.indirect.gather [hbm4b:s1+s16], $0x1, s0, s16, $0xb8;
	[tilespmem:$0x5980] =	vst v63  }
0xd8: {  	s10 =	simm.s32 $0x980;
	s3 =	simm.s32 $0x580  }
0xd9: {  	[tilespmem:s10], [sflag:$0x2] =	stream.indirect.gather [hbm4b:s1+s16], $0x1, s3, s16, $0xb8;
	[tilespmem:$0x5980] =	vst v63  }
0xda: {  	s12 =	simm.s32 $0xA00;
	s7 =	simm.s32 $0x600  }
0xdb: {  	[tilespmem:s12], [sflag:$0x2] =	stream.indirect.gather [hbm4b:s1+s16], $0x1, s7, s16, $0xb8;
	[tilespmem:$0x5980] =	vst v63  }
0xdc: {  	s13 =	simm.s32 $0xA80;
	s22 =	simm.s32 $0x680  }
0xdd: {  	[tilespmem:s13], [sflag:$0x2] =	stream.indirect.gather [hbm4b:s1+s16], $0x1, s22, s16, $0xb8;
	[tilespmem:$0x5980] =	vst v63  }
0xde: {  	s19 =	simm.s32 $0xB00;
	s23 =	simm.s32 $0x700  }
0xdf: {  	[tilespmem:s19], [sflag:$0x2] =	stream.indirect.gather [hbm4b:s1+s16], $0x1, s23, s16, $0xb8;
	[tilespmem:$0x5980] =	vst v63  }
0xe0: {  	s21 =	simm.s32 $0xB80;
	s14 =	simm.s32 $0x780  }
0xe1: {  	[tilespmem:s21], [sflag:$0x2] =	stream.indirect.gather [hbm4b:s1+s16], $0x1, s14, s16, $0xb8;
	[tilespmem:$0x5980] =	vst v63  }
0xe2: {  	s28 =	simm.s32 $0xC00  }
0xe3: {  	[tilespmem:s28], [sflag:$0x2] =	stream.indirect.gather [hbm4b:s6+s16], $0x1, s31, s16, $0xb8;
	[tilespmem:$0x5980] =	vst v63  }
0xe4: {  	s11 =	simm.s32 $0xC80  }
0xe5: {  	[tilespmem:s11], [sflag:$0x2] =	stream.indirect.gather [hbm4b:s6+s16], $0x1, s30, s16, $0xb8;
	[tilespmem:$0x5980] =	vst v63  }
0xe6: {  	s18 =	simm.s32 $0xD00  }
0xe7: {  	[tilespmem:s18], [sflag:$0x2] =	stream.indirect.gather [hbm4b:s6+s16], $0x1, s0, s16, $0xb8;
	[tilespmem:$0x5980] =	vst v63  }
0xe8: {  	s20 =	simm.s32 $0xD80  }
0xe9: {  	[tilespmem:s20], [sflag:$0x2] =	stream.indirect.gather [hbm4b:s6+s16], $0x1, s3, s16, $0xb8;
	[tilespmem:$0x5980] =	vst v63  }
0xea: {  	s31 =	simm.s32 $0xE00  }
0xeb: {  	[tilespmem:s31], [sflag:$0x2] =	stream.indirect.gather [hbm4b:s6+s16], $0x1, s7, s16, $0xb8;
	[tilespmem:$0x5980] =	vst v63  }
0xec: {  	s0 =	simm.s32 $0xE80  }
0xed: {  	[tilespmem:s0], [sflag:$0x2] =	stream.indirect.gather [hbm4b:s6+s16], $0x1, s22, s16, $0xb8;
	[tilespmem:$0x5980] =	vst v63  }
0xee: {  	s3 =	simm.s32 $0xF00  }
0xef: {  	[tilespmem:s3], [sflag:$0x2] =	stream.indirect.gather [hbm4b:s6+s16], $0x1, s23, s16, $0xb8;
	[tilespmem:$0x5980] =	vst v63  }
0xf0: {  	s7 =	simm.s32 $0xF80  }
0xf1: {  	[tilespmem:s7], [sflag:$0x2] =	stream.indirect.gather [hbm4b:s6+s16], $0x1, s14, s16, $0xb8;
	[tilespmem:$0x5980] =	vst v63  }
0xf2: {  	_ =	swait.ge [sflag:s17], $0x80  }
0xf3: {  	[sflag:s17] =	ssyncset.done $0x0  }
0xf4: {  	[sflag:s17] =	ssyncadd.s32 $0xFFFFFF80  }
0xf5: {  	_ =	swait.ge [sflag:s17], $0x80  }
0xf6: {  	[sflag:s17] =	ssyncset.done $0x0  }
0xf7: {  	[sflag:s17] =	ssyncadd.s32 $0xFFFFFF80  }
0xf8: {  	_ =	swait.ge [sflag:s17], $0x80  }
0xf9: {  	[sflag:s17] =	ssyncset.done $0x0  }
0xfa: {  	[sflag:s17] =	ssyncadd.s32 $0xFFFFFF80  }
0xfb: {  	_ =	swait.ge [sflag:s17], $0x80  }
0xfc: {  	[sflag:s17] =	ssyncset.done $0x0  }
0xfd: {  	[sflag:s17] =	ssyncadd.s32 $0xFFFFFF80  }
0xfe: {  	_ =	swait.ge [sflag:s17], $0x80  }
0xff: {  	[sflag:s17] =	ssyncset.done $0x0  }
0x100: {  	[sflag:s17] =	ssyncadd.s32 $0xFFFFFF80  }
0x101: {  	_ =	swait.ge [sflag:s17], $0x80  }
0x102: {  	[sflag:s17] =	ssyncset.done $0x0  }
0x103: {  	[sflag:s17] =	ssyncadd.s32 $0xFFFFFF80  }
0x104: {  	_ =	swait.ge [sflag:s17], $0x80  }
0x105: {  	[sflag:s17] =	ssyncset.done $0x0  }
0x106: {  	[sflag:s17] =	ssyncadd.s32 $0xFFFFFF80  }
0x107: {  	_ =	swait.ge [sflag:s17], $0x80  }
0x108: {  	[sflag:s17] =	ssyncset.done $0x0  }
0x109: {  	[sflag:s17] =	ssyncadd.s32 $0xFFFFFF80  }
0x10a: {  	_ =	swait.ge [sflag:s17], $0x80  }
0x10b: {  	[sflag:s17] =	ssyncset.done $0x0  }
0x10c: {  	[sflag:s17] =	ssyncadd.s32 $0xFFFFFF80  }
0x10d: {  	_ =	swait.ge [sflag:s17], $0x80  }
0x10e: {  	[sflag:s17] =	ssyncset.done $0x0  }
0x10f: {  	[sflag:s17] =	ssyncadd.s32 $0xFFFFFF80  }
0x110: {  	_ =	swait.ge [sflag:s17], $0x80  }
0x111: {  	[sflag:s17] =	ssyncset.done $0x0  }
0x112: {  	[sflag:s17] =	ssyncadd.s32 $0xFFFFFF80  }
0x113: {  	_ =	swait.ge [sflag:s17], $0x80  }
0x114: {  	[sflag:s17] =	ssyncset.done $0x0  }
0x115: {  	[sflag:s17] =	ssyncadd.s32 $0xFFFFFF80  }
0x116: {  	_ =	swait.ge [sflag:s17], $0x80  }
0x117: {  	[sflag:s17] =	ssyncset.done $0x0  }
0x118: {  	[sflag:s17] =	ssyncadd.s32 $0xFFFFFF80  }
0x119: {  	_ =	swait.ge [sflag:s17], $0x80  }
0x11a: {  	[sflag:s17] =	ssyncset.done $0x0  }
0x11b: {  	[sflag:s17] =	ssyncadd.s32 $0xFFFFFF80  }
0x11c: {  	_ =	swait.ge [sflag:s17], $0x80  }
0x11d: {  	[sflag:s17] =	ssyncset.done $0x0  }
0x11e: {  	[sflag:s17] =	ssyncadd.s32 $0xFFFFFF80  }
0x11f: {  	_ =	swait.ge [sflag:s17], $0x80  }
0x120: {  	[sflag:s17] =	ssyncset.done $0x0  }
0x121: {  	[sflag:s17] =	ssyncadd.s32 $0xFFFFFF80  }
0x122: {  	[spmem:s2] =	stream.indirect.scatter.add.f32 [tilespmem:s29], [sflag:$0x3], $0x1, s5, s16, $0xb8;
	[tilespmem:$0x5980] =	vst v63  }
0x123: {  	_ = 	snop  }
0x124: {  	[spmem:s2] =	stream.indirect.scatter.add.f32 [tilespmem:s8], [sflag:$0x3], $0x1, s16, s16, $0xb8;
	[tilespmem:$0x5980] =	vst v63  }
0x125: {  	s8 =	simm.s32 $0x100  }
0x126: {  	[spmem:s2] =	stream.indirect.scatter.add.f32 [tilespmem:s9], [sflag:$0x3], $0x1, s8, s16, $0xb8;
	[tilespmem:$0x5980] =	vst v63  }
0x127: {  	s9 =	simm.s32 $0x180  }
0x128: {  	[spmem:s2] =	stream.indirect.scatter.add.f32 [tilespmem:s10], [sflag:$0x3], $0x1, s9, s16, $0xb8;
	[tilespmem:$0x5980] =	vst v63  }
0x129: {  	s10 =	simm.s32 $0x200  }
0x12a: {  	[spmem:s2] =	stream.indirect.scatter.add.f32 [tilespmem:s12], [sflag:$0x3], $0x1, s10, s16, $0xb8;
	[tilespmem:$0x5980] =	vst v63  }
0x12b: {  	s14 =	simm.s32 $0x280  }
0x12c: {  	[spmem:s2] =	stream.indirect.scatter.add.f32 [tilespmem:s13], [sflag:$0x3], $0x1, s14, s16, $0xb8;
	[tilespmem:$0x5980] =	vst v63  }
0x12d: {  	s22 =	simm.s32 $0x300  }
0x12e: {  	[spmem:s2] =	stream.indirect.scatter.add.f32 [tilespmem:s19], [sflag:$0x3], $0x1, s22, s16, $0xb8;
	[tilespmem:$0x5980] =	vst v63  }
0x12f: {  	s23 =	simm.s32 $0x380  }
0x130: {  	[spmem:s2] =	stream.indirect.scatter.add.f32 [tilespmem:s21], [sflag:$0x3], $0x1, s23, s16, $0xb8;
	[tilespmem:$0x5980] =	vst v63  }
0x131: {  	_ = 	snop  }
0x132: {  	[spmem:s4] =	stream.indirect.scatter.add.f32 [tilespmem:s28], [sflag:$0x3], $0x1, s5, s16, $0xb8;
	[tilespmem:$0x5980] =	vst v63  }
0x133: {  	_ = 	snop  }
0x134: {  	[spmem:s4] =	stream.indirect.scatter.add.f32 [tilespmem:s11], [sflag:$0x3], $0x1, s16, s16, $0xb8;
	[tilespmem:$0x5980] =	vst v63  }
0x135: {  	_ = 	snop  }
0x136: {  	[spmem:s4] =	stream.indirect.scatter.add.f32 [tilespmem:s18], [sflag:$0x3], $0x1, s8, s16, $0xb8;
	[tilespmem:$0x5980] =	vst v63  }
0x137: {  	_ = 	snop  }
0x138: {  	[spmem:s4] =	stream.indirect.scatter.add.f32 [tilespmem:s20], [sflag:$0x3], $0x1, s9, s16, $0xb8;
	[tilespmem:$0x5980] =	vst v63  }
0x139: {  	_ = 	snop  }
0x13a: {  	[spmem:s4] =	stream.indirect.scatter.add.f32 [tilespmem:s31], [sflag:$0x3], $0x1, s10, s16, $0xb8;
	[tilespmem:$0x5980] =	vst v63  }
0x13b: {  	_ = 	snop  }
0x13c: {  	[spmem:s4] =	stream.indirect.scatter.add.f32 [tilespmem:s0], [sflag:$0x3], $0x1, s14, s16, $0xb8;
	[tilespmem:$0x5980] =	vst v63  }
0x13d: {  	_ = 	snop  }
0x13e: {  	[spmem:s4] =	stream.indirect.scatter.add.f32 [tilespmem:s3], [sflag:$0x3], $0x1, s22, s16, $0xb8;
	[tilespmem:$0x5980] =	vst v63  }
0x13f: {  	_ = 	snop  }
0x140: {  	[spmem:s4] =	stream.indirect.scatter.add.f32 [tilespmem:s7], [sflag:$0x3], $0x1, s23, s16, $0xb8;
	[tilespmem:$0x5980] =	vst v63  }
0x141: {  	_ =	swait.ge [sflag:s24], $0x80  }
0x142: {  	[sflag:s24] =	ssyncset.done $0x0  }
0x143: {  	[sflag:s24] =	ssyncadd.s32 $0xFFFFFF80  }
0x144: {  	_ =	swait.ge [sflag:s24], $0x80  }
0x145: {  	[sflag:s24] =	ssyncset.done $0x0  }
0x146: {  	[sflag:s24] =	ssyncadd.s32 $0xFFFFFF80  }
0x147: {  	_ =	swait.ge [sflag:s24], $0x80  }
0x148: {  	[sflag:s24] =	ssyncset.done $0x0  }
0x149: {  	[sflag:s24] =	ssyncadd.s32 $0xFFFFFF80  }
0x14a: {  	_ =	swait.ge [sflag:s24], $0x80  }
0x14b: {  	[sflag:s24] =	ssyncset.done $0x0  }
0x14c: {  	[sflag:s24] =	ssyncadd.s32 $0xFFFFFF80  }
0x14d: {  	_ =	swait.ge [sflag:s24], $0x80  }
0x14e: {  	[sflag:s24] =	ssyncset.done $0x0  }
0x14f: {  	[sflag:s24] =	ssyncadd.s32 $0xFFFFFF80  }
0x150: {  	_ =	swait.ge [sflag:s24], $0x80  }
0x151: {  	[sflag:s24] =	ssyncset.done $0x0  }
0x152: {  	[sflag:s24] =	ssyncadd.s32 $0xFFFFFF80  }
0x153: {  	_ =	swait.ge [sflag:s24], $0x80  }
0x154: {  	[sflag:s24] =	ssyncset.done $0x0  }
0x155: {  	[sflag:s24] =	ssyncadd.s32 $0xFFFFFF80  }
0x156: {  	_ =	swait.ge [sflag:s24], $0x80  }
0x157: {  	[sflag:s24] =	ssyncset.done $0x0  }
0x158: {  	[sflag:s24] =	ssyncadd.s32 $0xFFFFFF80  }
0x159: {  	_ =	swait.ge [sflag:s24], $0x80  }
0x15a: {  	[sflag:s24] =	ssyncset.done $0x0  }
0x15b: {  	[sflag:s24] =	ssyncadd.s32 $0xFFFFFF80  }
0x15c: {  	_ =	swait.ge [sflag:s24], $0x80  }
0x15d: {  	[sflag:s24] =	ssyncset.done $0x0  }
0x15e: {  	[sflag:s24] =	ssyncadd.s32 $0xFFFFFF80  }
0x15f: {  	_ =	swait.ge [sflag:s24], $0x80  }
0x160: {  	[sflag:s24] =	ssyncset.done $0x0  }
0x161: {  	[sflag:s24] =	ssyncadd.s32 $0xFFFFFF80  }
0x162: {  	_ =	swait.ge [sflag:s24], $0x80  }
0x163: {  	[sflag:s24] =	ssyncset.done $0x0  }
0x164: {  	[sflag:s24] =	ssyncadd.s32 $0xFFFFFF80  }
0x165: {  	_ =	swait.ge [sflag:s24], $0x80  }
0x166: {  	[sflag:s24] =	ssyncset.done $0x0  }
0x167: {  	[sflag:s24] =	ssyncadd.s32 $0xFFFFFF80  }
0x168: {  	_ =	swait.ge [sflag:s24], $0x80  }
0x169: {  	[sflag:s24] =	ssyncset.done $0x0  }
0x16a: {  	p0 =	sne.s32 s26, $0x6180;
	[sflag:s24] =	ssyncadd.s32 $0xFFFFFF80  }
.Ltmp1:
0x16b: {  	_ =	swait.ge [sflag:s24], $0x80;
	(pc) =	sbr.rel @p0 .LBB2_4-.Ltmp1, $4  }
0x16c: {  	[sflag:s24] =	ssyncset.done $0x0  }
0x16d: {  	[sflag:s24] =	ssyncadd.s32 $0xFFFFFF80  }
0x16e: {  	s26 =	sadd.s32 $0x80, s26;
	_ =	swait.ge [sflag:s24], $0x80  }
0x16f: {  	s31 =	simm.s32 $0x400;
	s28 =	rddreg [dreg:$0x6];
	[sflag:s24] =	ssyncset.done $0x0  }
0x170: {  	s26 =	rddreg [dreg:$0x5];
	[sflag:s24] =	ssyncadd.s32 $0xFFFFFF80;
	s28 =	sadd.s32 s25, s28  }
0x171: {  	[tilespmem:s5], [sflag:$0x1] =	stream.linear.gather [hbm4b:s28+s5], $0x400, $0x38;
	[tilespmem:$0x5980] =	vst v63  }
0x172: {  	s26 =	sadd.s32 s25, s26  }
0x173: {  	[tilespmem:s31], [sflag:$0x1] =	stream.linear.gather [hbm4b:s26+s5], $0x400, $0x38;
	[tilespmem:$0x5980] =	vst v63  }
0x174: {  	_ =	swait.ge [sflag:s15], $0x400  }
0x175: {  	[sflag:s15] =	ssyncset.done $0x0  }
0x176: {  	[sflag:s15] =	ssyncadd.s32 $0xFFFFFC00  }
0x177: {  	_ =	swait.ge [sflag:s15], $0x400  }
0x178: {  	[sflag:s15] =	ssyncset.done $0x0  }
0x179: {  	[sflag:s15] =	ssyncadd.s32 $0xFFFFFC00  }
0x17a: {  	[tilespmem:s29], [sflag:$0x2] =	stream.indirect.gather [hbm4b:s1+s16], $0x1, s31, s16, $0xb8;
	[tilespmem:$0x5980] =	vst v63  }
0x17b: {  	s8 =	simm.s32 $0x880  }
0x17c: {  	[tilespmem:s8], [sflag:$0x2] =	stream.indirect.gather [hbm4b:s1+s16], $0x1, s30, s16, $0xb8;
	[tilespmem:$0x5980] =	vst v63  }
0x17d: {  	s9 =	simm.s32 $0x900;
	s0 =	simm.s32 $0x500  }
0x17e: {  	[tilespmem:s9], [sflag:$0x2] =	stream.indirect.gather [hbm4b:s1+s16], $0x1, s0, s16, $0xb8;
	[tilespmem:$0x5980] =	vst v63  }
0x17f: {  	s20 =	simm.s32 $0x980;
	s7 =	simm.s32 $0x580  }
0x180: {  	[tilespmem:s20], [sflag:$0x2] =	stream.indirect.gather [hbm4b:s1+s16], $0x1, s7, s16, $0xb8;
	[tilespmem:$0x5980] =	vst v63  }
0x181: {  	s10 =	simm.s32 $0x600;
	s28 =	simm.s32 $0xA00  }
0x182: {  	[tilespmem:s28], [sflag:$0x2] =	stream.indirect.gather [hbm4b:s1+s16], $0x1, s10, s16, $0xb8;
	[tilespmem:$0x5980] =	vst v63  }
0x183: {  	s13 =	simm.s32 $0xA80;
	s22 =	simm.s32 $0x680  }
0x184: {  	[tilespmem:s13], [sflag:$0x2] =	stream.indirect.gather [hbm4b:s1+s16], $0x1, s22, s16, $0xb8;
	[tilespmem:$0x5980] =	vst v63  }
0x185: {  	s19 =	simm.s32 $0xB00;
	s23 =	simm.s32 $0x700  }
0x186: {  	[tilespmem:s19], [sflag:$0x2] =	stream.indirect.gather [hbm4b:s1+s16], $0x1, s23, s16, $0xb8;
	[tilespmem:$0x5980] =	vst v63  }
0x187: {  	s21 =	simm.s32 $0xB80;
	s14 =	simm.s32 $0x780  }
0x188: {  	[tilespmem:s21], [sflag:$0x2] =	stream.indirect.gather [hbm4b:s1+s16], $0x1, s14, s16, $0xb8;
	[tilespmem:$0x5980] =	vst v63  }
0x189: {  	s25 =	simm.s32 $0xC00  }
0x18a: {  	[tilespmem:s25], [sflag:$0x2] =	stream.indirect.gather [hbm4b:s6+s16], $0x1, s31, s16, $0xb8;
	[tilespmem:$0x5980] =	vst v63  }
0x18b: {  	s11 =	simm.s32 $0xC80  }
0x18c: {  	[tilespmem:s11], [sflag:$0x2] =	stream.indirect.gather [hbm4b:s6+s16], $0x1, s30, s16, $0xb8;
	[tilespmem:$0x5980] =	vst v63  }
0x18d: {  	s18 =	simm.s32 $0xD00  }
0x18e: {  	[tilespmem:s18], [sflag:$0x2] =	stream.indirect.gather [hbm4b:s6+s16], $0x1, s0, s16, $0xb8;
	[tilespmem:$0x5980] =	vst v63  }
0x18f: {  	s3 =	simm.s32 $0xD80  }
0x190: {  	[tilespmem:s3], [sflag:$0x2] =	stream.indirect.gather [hbm4b:s6+s16], $0x1, s7, s16, $0xb8;
	[tilespmem:$0x5980] =	vst v63  }
0x191: {  	s12 =	simm.s32 $0xE00  }
0x192: {  	[tilespmem:s12], [sflag:$0x2] =	stream.indirect.gather [hbm4b:s6+s16], $0x1, s10, s16, $0xb8;
	[tilespmem:$0x5980] =	vst v63  }
0x193: {  	s0 =	simm.s32 $0xE80  }
0x194: {  	[tilespmem:s0], [sflag:$0x2] =	stream.indirect.gather [hbm4b:s6+s16], $0x1, s22, s16, $0xb8;
	[tilespmem:$0x5980] =	vst v63  }
0x195: {  	s7 =	simm.s32 $0xF00  }
0x196: {  	[tilespmem:s7], [sflag:$0x2] =	stream.indirect.gather [hbm4b:s6+s16], $0x1, s23, s16, $0xb8;
	[tilespmem:$0x5980] =	vst v63  }
0x197: {  	s10 =	simm.s32 $0xF80  }
0x198: {  	[tilespmem:s10], [sflag:$0x2] =	stream.indirect.gather [hbm4b:s6+s16], $0x1, s14, s16, $0xb8;
	[tilespmem:$0x5980] =	vst v63  }
0x199: {  	_ =	swait.ge [sflag:s17], $0x80  }
0x19a: {  	[sflag:s17] =	ssyncset.done $0x0  }
0x19b: {  	[sflag:s17] =	ssyncadd.s32 $0xFFFFFF80  }
0x19c: {  	_ =	swait.ge [sflag:s17], $0x80  }
0x19d: {  	[sflag:s17] =	ssyncset.done $0x0  }
0x19e: {  	[sflag:s17] =	ssyncadd.s32 $0xFFFFFF80  }
0x19f: {  	_ =	swait.ge [sflag:s17], $0x80  }
0x1a0: {  	[sflag:s17] =	ssyncset.done $0x0  }
0x1a1: {  	[sflag:s17] =	ssyncadd.s32 $0xFFFFFF80  }
0x1a2: {  	_ =	swait.ge [sflag:s17], $0x80  }
0x1a3: {  	[sflag:s17] =	ssyncset.done $0x0  }
0x1a4: {  	[sflag:s17] =	ssyncadd.s32 $0xFFFFFF80  }
0x1a5: {  	_ =	swait.ge [sflag:s17], $0x80  }
0x1a6: {  	[sflag:s17] =	ssyncset.done $0x0  }
0x1a7: {  	[sflag:s17] =	ssyncadd.s32 $0xFFFFFF80  }
0x1a8: {  	_ =	swait.ge [sflag:s17], $0x80  }
0x1a9: {  	[sflag:s17] =	ssyncset.done $0x0  }
0x1aa: {  	[sflag:s17] =	ssyncadd.s32 $0xFFFFFF80  }
0x1ab: {  	_ =	swait.ge [sflag:s17], $0x80  }
0x1ac: {  	[sflag:s17] =	ssyncset.done $0x0  }
0x1ad: {  	[sflag:s17] =	ssyncadd.s32 $0xFFFFFF80  }
0x1ae: {  	_ =	swait.ge [sflag:s17], $0x80  }
0x1af: {  	[sflag:s17] =	ssyncset.done $0x0  }
0x1b0: {  	[sflag:s17] =	ssyncadd.s32 $0xFFFFFF80  }
0x1b1: {  	_ =	swait.ge [sflag:s17], $0x80  }
0x1b2: {  	[sflag:s17] =	ssyncset.done $0x0  }
0x1b3: {  	[sflag:s17] =	ssyncadd.s32 $0xFFFFFF80  }
0x1b4: {  	_ =	swait.ge [sflag:s17], $0x80  }
0x1b5: {  	[sflag:s17] =	ssyncset.done $0x0  }
0x1b6: {  	[sflag:s17] =	ssyncadd.s32 $0xFFFFFF80  }
0x1b7: {  	_ =	swait.ge [sflag:s17], $0x80  }
0x1b8: {  	[sflag:s17] =	ssyncset.done $0x0  }
0x1b9: {  	[sflag:s17] =	ssyncadd.s32 $0xFFFFFF80  }
0x1ba: {  	_ =	swait.ge [sflag:s17], $0x80  }
0x1bb: {  	[sflag:s17] =	ssyncset.done $0x0  }
0x1bc: {  	[sflag:s17] =	ssyncadd.s32 $0xFFFFFF80  }
0x1bd: {  	_ =	swait.ge [sflag:s17], $0x80  }
0x1be: {  	[sflag:s17] =	ssyncset.done $0x0  }
0x1bf: {  	[sflag:s17] =	ssyncadd.s32 $0xFFFFFF80  }
0x1c0: {  	_ =	swait.ge [sflag:s17], $0x80  }
0x1c1: {  	[sflag:s17] =	ssyncset.done $0x0  }
0x1c2: {  	[sflag:s17] =	ssyncadd.s32 $0xFFFFFF80  }
0x1c3: {  	_ =	swait.ge [sflag:s17], $0x80  }
0x1c4: {  	[sflag:s17] =	ssyncset.done $0x0  }
0x1c5: {  	[sflag:s17] =	ssyncadd.s32 $0xFFFFFF80  }
0x1c6: {  	_ =	swait.ge [sflag:s17], $0x80  }
0x1c7: {  	[sflag:s17] =	ssyncset.done $0x0  }
0x1c8: {  	[sflag:s17] =	ssyncadd.s32 $0xFFFFFF80  }
0x1c9: {  	[spmem:s2] =	stream.indirect.scatter.add.f32 [tilespmem:s29], [sflag:$0x3], $0x1, s5, s16, $0xb8;
	[tilespmem:$0x5980] =	vst v63  }
0x1ca: {  	_ = 	snop  }
0x1cb: {  	[spmem:s2] =	stream.indirect.scatter.add.f32 [tilespmem:s8], [sflag:$0x3], $0x1, s16, s16, $0xb8;
	[tilespmem:$0x5980] =	vst v63  }
0x1cc: {  	s14 =	simm.s32 $0x100  }
0x1cd: {  	[spmem:s2] =	stream.indirect.scatter.add.f32 [tilespmem:s9], [sflag:$0x3], $0x1, s14, s16, $0xb8;
	[tilespmem:$0x5980] =	vst v63  }
0x1ce: {  	s22 =	simm.s32 $0x180  }
0x1cf: {  	[spmem:s2] =	stream.indirect.scatter.add.f32 [tilespmem:s20], [sflag:$0x3], $0x1, s22, s16, $0xb8;
	[tilespmem:$0x5980] =	vst v63  }
0x1d0: {  	s23 =	simm.s32 $0x200  }
0x1d1: {  	[spmem:s2] =	stream.indirect.scatter.add.f32 [tilespmem:s28], [sflag:$0x3], $0x1, s23, s16, $0xb8;
	[tilespmem:$0x5980] =	vst v63  }
0x1d2: {  	s26 =	simm.s32 $0x280  }
0x1d3: {  	[spmem:s2] =	stream.indirect.scatter.add.f32 [tilespmem:s13], [sflag:$0x3], $0x1, s26, s16, $0xb8;
	[tilespmem:$0x5980] =	vst v63  }
0x1d4: {  	s28 =	simm.s32 $0x300  }
0x1d5: {  	[spmem:s2] =	stream.indirect.scatter.add.f32 [tilespmem:s19], [sflag:$0x3], $0x1, s28, s16, $0xb8;
	[tilespmem:$0x5980] =	vst v63  }
0x1d6: {  	s30 =	simm.s32 $0x380  }
0x1d7: {  	[spmem:s2] =	stream.indirect.scatter.add.f32 [tilespmem:s21], [sflag:$0x3], $0x1, s30, s16, $0xb8;
	[tilespmem:$0x5980] =	vst v63  }
0x1d8: {  	_ = 	snop  }
0x1d9: {  	[spmem:s4] =	stream.indirect.scatter.add.f32 [tilespmem:s25], [sflag:$0x3], $0x1, s5, s16, $0xb8;
	[tilespmem:$0x5980] =	vst v63  }
0x1da: {  	_ = 	snop  }
0x1db: {  	[spmem:s4] =	stream.indirect.scatter.add.f32 [tilespmem:s11], [sflag:$0x3], $0x1, s16, s16, $0xb8;
	[tilespmem:$0x5980] =	vst v63  }
0x1dc: {  	_ = 	snop  }
0x1dd: {  	[spmem:s4] =	stream.indirect.scatter.add.f32 [tilespmem:s18], [sflag:$0x3], $0x1, s14, s16, $0xb8;
	[tilespmem:$0x5980] =	vst v63  }
0x1de: {  	_ = 	snop  }
0x1df: {  	[spmem:s4] =	stream.indirect.scatter.add.f32 [tilespmem:s3], [sflag:$0x3], $0x1, s22, s16, $0xb8;
	[tilespmem:$0x5980] =	vst v63  }
0x1e0: {  	_ = 	snop  }
0x1e1: {  	[spmem:s4] =	stream.indirect.scatter.add.f32 [tilespmem:s12], [sflag:$0x3], $0x1, s23, s16, $0xb8;
	[tilespmem:$0x5980] =	vst v63  }
0x1e2: {  	_ = 	snop  }
0x1e3: {  	[spmem:s4] =	stream.indirect.scatter.add.f32 [tilespmem:s0], [sflag:$0x3], $0x1, s26, s16, $0xb8;
	[tilespmem:$0x5980] =	vst v63  }
0x1e4: {  	_ = 	snop  }
0x1e5: {  	[spmem:s4] =	stream.indirect.scatter.add.f32 [tilespmem:s7], [sflag:$0x3], $0x1, s28, s16, $0xb8;
	[tilespmem:$0x5980] =	vst v63  }
0x1e6: {  	_ = 	snop  }
0x1e7: {  	[spmem:s4] =	stream.indirect.scatter.add.f32 [tilespmem:s10], [sflag:$0x3], $0x1, s30, s16, $0xb8;
	[tilespmem:$0x5980] =	vst v63  }
0x1e8: {  	_ =	swait.ge [sflag:s24], $0x80  }
0x1e9: {  	[sflag:s24] =	ssyncset.done $0x0  }
0x1ea: {  	[sflag:s24] =	ssyncadd.s32 $0xFFFFFF80  }
0x1eb: {  	_ =	swait.ge [sflag:s24], $0x80  }
0x1ec: {  	[sflag:s24] =	ssyncset.done $0x0  }
0x1ed: {  	[sflag:s24] =	ssyncadd.s32 $0xFFFFFF80  }
0x1ee: {  	_ =	swait.ge [sflag:s24], $0x80  }
0x1ef: {  	[sflag:s24] =	ssyncset.done $0x0  }
0x1f0: {  	[sflag:s24] =	ssyncadd.s32 $0xFFFFFF80  }
0x1f1: {  	_ =	swait.ge [sflag:s24], $0x80  }
0x1f2: {  	[sflag:s24] =	ssyncset.done $0x0  }
0x1f3: {  	[sflag:s24] =	ssyncadd.s32 $0xFFFFFF80  }
0x1f4: {  	_ =	swait.ge [sflag:s24], $0x80  }
0x1f5: {  	[sflag:s24] =	ssyncset.done $0x0  }
0x1f6: {  	[sflag:s24] =	ssyncadd.s32 $0xFFFFFF80  }
0x1f7: {  	_ =	swait.ge [sflag:s24], $0x80  }
0x1f8: {  	[sflag:s24] =	ssyncset.done $0x0  }
0x1f9: {  	[sflag:s24] =	ssyncadd.s32 $0xFFFFFF80  }
0x1fa: {  	_ =	swait.ge [sflag:s24], $0x80  }
0x1fb: {  	[sflag:s24] =	ssyncset.done $0x0  }
0x1fc: {  	[sflag:s24] =	ssyncadd.s32 $0xFFFFFF80  }
0x1fd: {  	_ =	swait.ge [sflag:s24], $0x80  }
0x1fe: {  	[sflag:s24] =	ssyncset.done $0x0  }
0x1ff: {  	[sflag:s24] =	ssyncadd.s32 $0xFFFFFF80  }
0x200: {  	_ =	swait.ge [sflag:s24], $0x80  }
0x201: {  	[sflag:s24] =	ssyncset.done $0x0  }
0x202: {  	[sflag:s24] =	ssyncadd.s32 $0xFFFFFF80  }
0x203: {  	_ =	swait.ge [sflag:s24], $0x80  }
0x204: {  	[sflag:s24] =	ssyncset.done $0x0  }
0x205: {  	[sflag:s24] =	ssyncadd.s32 $0xFFFFFF80  }
0x206: {  	_ =	swait.ge [sflag:s24], $0x80  }
0x207: {  	[sflag:s24] =	ssyncset.done $0x0  }
0x208: {  	[sflag:s24] =	ssyncadd.s32 $0xFFFFFF80  }
0x209: {  	_ =	swait.ge [sflag:s24], $0x80  }
0x20a: {  	[sflag:s24] =	ssyncset.done $0x0  }
0x20b: {  	[sflag:s24] =	ssyncadd.s32 $0xFFFFFF80  }
0x20c: {  	_ =	swait.ge [sflag:s24], $0x80  }
0x20d: {  	[sflag:s24] =	ssyncset.done $0x0  }
0x20e: {  	[sflag:s24] =	ssyncadd.s32 $0xFFFFFF80  }
0x20f: {  	_ =	swait.ge [sflag:s24], $0x80  }
0x210: {  	[sflag:s24] =	ssyncset.done $0x0  }
0x211: {  	[sflag:s24] =	ssyncadd.s32 $0xFFFFFF80  }
0x212: {  	_ =	swait.ge [sflag:s24], $0x80  }
0x213: {  	[sflag:s24] =	ssyncset.done $0x0  }
0x214: {  	[sflag:s24] =	ssyncadd.s32 $0xFFFFFF80  }
0x215: {  	_ =	swait.ge [sflag:s24], $0x80  }
0x216: {  	[sflag:s24] =	ssyncset.done $0x0  }
0x217: {  	[sflag:s24] =	ssyncadd.s32 $0xFFFFFF80  }
0x218: {  	s19 =	stileid.u32;
	[bflag:$0x0] =	sbarrier.arrive $0xFFFF  }
0x219: {  	s21 =	simm.s32 $0x4;
	s25 =	sshll.u32 s19, $0x6;
	s9 =	rddreg [dreg:$0x7]  }
0x21a: {  	s25 =	sor.u32 $0x1C04, s25;
	s29 =	rddreg [dreg:$0x9];
	s20 =	sshrl.u32 s9, $0x3  }
0x21b: {  	[hbm:s29], [sflag:s25] =	dma.local [spmem:s20], $0x310  }
0x21c: {  	_ =	swait.ge [sflag:s21], $0x310  }
0x21d: {  	[sflag:s21] =	ssyncset.done $0x0;
	s29 =	rddreg [dreg:$0x8]  }
0x21e: {  	s23 =	rddreg [dreg:$0xa];
	[sflag:s21] =	ssyncadd.s32 $0xFFFFFCF0;
	s22 =	sshrl.u32 s29, $0x3  }
0x21f: {  	[hbm:s23], [sflag:s25] =	dma.local [spmem:s22], $0x310  }
0x220: {  	_ =	swait.ge [sflag:s21], $0x310  }
0x221: {  	s26 =	rddreg [dreg:$0xc]  }
0x222: {  	s30 =	rddreg [dreg:$0xb];
	s0 =	sadd.s32 $0x1, s26  }
0x223: {  	p0 =	sne.s32 s0, s30  }
.Ltmp2:
0x224: {  	_ = 	snop;
	(pc) =	sbr.rel @p0 .LBB2_1-.Ltmp2, $3  }
0x225: {  	_ =	sdelay $0x1  }
0x226: {  	[sflag:s21] =	ssyncset.done $0x0  }
0x227: {  	[sflag:s21] =	ssyncadd.s32 $0xFFFFFCF0  }
0x228: {  	_ =	sfence.sel $0x180000  }
0x229: {  	[bflag:$0x0] =	sbarrier.arrive $0xFFFF  }
0x22a: {  	_ =	strace $0x9000004D  }
0x22b: {  	s0 =	stileid.u32;
	[bflag:$0x2] =	sbarrier.arrive $0xFFFF  }
0x22c: {  	p0 =	sne.s32 s0, $0x0;
	s0 =	rddreg [dreg:$0x4]  }
0x22d: {  	s0 =	sadd.s32 @!p0 $0x100000, s0  }
0x22e: {  	[sflag:s0] =	ssyncadd.tile.s32 @!p0 $0x1;
	_ =	shalt  }
.Lfunc_end2:
_tile_overlayer_lowered:
.L_overlay_start_2:
0x22f: {  	(tag) =	ssettag $0x2  }
0x230: {  	s0 =	rddreg [dreg:$0x0];
	s2 =	stileid.u32  }
0x231: {  	s1 =	rddreg [dreg:$0x1];
	p0 =	sne.s32 s2, $0x0  }
0x232: {  	s3 =	rddreg [dreg:$0x2];
	[bflag:$0x3] =	sbarrier.arrive $0xFFFF;
	s2 =	simm.s32 @!p0 $0x1C04  }
0x233: {  	[timem:s3], [sflag:s2] =	dma.local @!p0 [hbm:s0], s1  }
0x234: {  	s0 =	simm.s32 @!p0 $0x4  }
0x235: {  	_ =	swait.ge @!p0 [sflag:s0], s1  }
0x236: {  	s1 =	ssub.s32 @!p0 $0x0, s1;
	[sflag:s0] =	ssyncset.done @!p0 $0x0  }
0x237: {  	[sflag:s0] =	ssyncadd.s32 @!p0 s1  }
0x238: {  	[bflag:$0x3] =	sbarrier.arrive $0xFFFF  }
0x239: {  	_ =	shalt  }

// kernel: kernel.8.cloned.1.call-start
scs
__scs_entry_jumppad:
0x0: {  	(pc) =	sbr.rel $0x88, $3  }
0x1: {  	(tag) =	ssettag $0x0;
	lr =	simm.s32 $0x1  }
0x2: {  	[smem:$0x3F9B] =	sst lr;
	_ =	strace $0xD0000000  }
0x3: {  	_ = 	snop  }
0x4: {  	_ = 	snop  }
0x5: {  	_ = 	snop  }
0x6: {  	_ = 	snop  }
0x7: {  	_ = 	snop  }
__scs_overlays_trampoline_lowered:
0x8: {  	[smem:$0x3FAA] =	sst s0  }
0x9: {  	[smem:$0x3FAB] =	sst s1  }
0xa: {  	[smem:$0x3FAC] =	sst s2  }
0xb: {  	[smem:$0x3FAD] =	sst s3  }
0xc: {  	[smem:$0x3FAE] =	sst s4  }
0xd: {  	[smem:$0x3FAF] =	sst s5  }
0xe: {  	[smem:$0x3FB0] =	sst s6  }
0xf: {  	[smem:$0x3FB1] =	sst s7  }
0x10: {  	[smem:$0x3FB2] =	sst s8  }
0x11: {  	[smem:$0x3FB3] =	sst s9;
	s0 =	simm.s32 @!p0 $0x0  }
0x12: {  	s1 =	sld [smem:$0x3F99];
	s0 =	simm.s32 @p0 $0x1  }
0x13: {  	[smem:$0x3FB4] =	sst s0;
	s0 =	simm.s32 @!p1 $0x0  }
0x14: {  	s2 =	sld [smem:$0x3F98];
	s0 =	simm.s32 @p1 $0x1  }
0x15: {  	[smem:$0x3FB5] =	sst s0;
	s0 =	simm.s32 @!p2 $0x0  }
0x16: {  	s3 =	sld [smem:$0x3FDB];
	s0 =	simm.s32 @p2 $0x1  }
0x17: {  	s4 =	simm.s32 $0x1BF5;
	[smem:$0x3FB7] =	sst s0  }
0x18: {  	s0 =	sld [smem:$0x3F9A];
	_ =	swait.ge [sflag:s4], $0x0  }
0x19: {  	s7 =	sld [smem:$0x3F9B]  }
0x1a: {  	s8 =	sadd.s32 $0xFFFFE003, lr  }
0x1b: {  	s9 =	sadd.s32 $0xFFFFFEF7, lr;
	s5 =	simm.s32 $0xFFFFFFFF;
	p2 =	slt.u32 s8, $0xFFFFF086  }
0x1c: {  	p1 =	slt.u32 s9, $0xF7A;
	s5 =	simm.s32 @!p2 $0x0  }
0x1d: {  	s5 =	simm.s32 @p1 $0x1;
	p0 =	seq.s32 s7, s2  }
0x1e: {  	s7 =	smul.u32 @!p0 $0xF7A, s2;
	p2 =	seq.s32 @!p0 s5, $0x0  }
0x1f: {  	s9 =	smul.u32 $0xF7A, s1;
	s8 =	simm.s32 @!p0 $0x1BF5;
	p2 =	por !p2, p0  }
0x20: {  	[sflag:s8] =	ssyncset.s32 @!p0 $0xFFFFF086;
	s6 =	sadd.s32 @!p0 s3, s7;
	s7 =	simm.s32 @!p0 $0x108  }
0x21: {  	s3 =	sadd.s32 s3, s9;
	s6 =	sadd.s32 @!p0 $0x88, s6;
	s7 =	simm.s32 @p2 $0x1082  }
0x22: {  	[simem:s7], [sflag:s8] =	dma.local @!p0 [hbm:s6], $0xF7A  }
0x23: {  	s9 =	sor.u32 $0xD0000000, s2;
	s6 =	simm.s32 $0x108;
	_ =	swait.ge @!p0 [sflag:s8], $0x0  }
0x24: {  	s3 =	sadd.s32 $0x88, s3;
	s6 =	simm.s32 @!p1 $0x1082;
	[sflag:s4] =	ssyncset.s32 $0xFFFFF086  }
0x25: {  	[simem:s6], [sflag:s4] =	dma.local [hbm:s3], $0xF7A  }
0x26: {  	[smem:$0x3F9B] =	sst s1;
	(tag) =	ssettag s2;
	_ =	strace s9  }
0x27: {  	s1 =	sld [smem:$0x3FAB]  }
0x28: {  	s2 =	sld [smem:$0x3FAC]  }
0x29: {  	s4 =	sld [smem:$0x3FAE]  }
0x2a: {  	p0 =	seq.s32 s5, $0x0;
	s5 =	sld [smem:$0x3FAF]  }
0x2b: {  	s6 =	sld [smem:$0x3FB0]  }
0x2c: {  	s7 =	sld [smem:$0x3FB1]  }
0x2d: {  	s3 =	simm.s32 $0x108;
	s8 =	sld [smem:$0x3FB2]  }
0x2e: {  	s3 =	simm.s32 @!p0 $0x1082;
	s9 =	sld [smem:$0x3FB3]  }
0x2f: {  	lr =	sadd.s32 s0, s3;
	s0 =	sld [smem:$0x3FAA]  }
0x30: {  	s3 =	sld [smem:$0x3FAD]  }
0x31: {  	[smem:$0x3FB6] =	sst s10  }
0x32: {  	s10 =	sld [smem:$0x3FB4];
	_ =	sdelay $0x3  }
0x33: {  	p0 =	seq.s32 s10, $0x1;
	s10 =	sld [smem:$0x3FB6];
	_ =	sdelay $0x3  }
0x34: {  	[smem:$0x3FB6] =	sst s10  }
0x35: {  	s10 =	sld [smem:$0x3FB5];
	_ =	sdelay $0x3  }
0x36: {  	p1 =	seq.s32 s10, $0x1;
	s10 =	sld [smem:$0x3FB6];
	_ =	sdelay $0x3  }
0x37: {  	[smem:$0x3FB6] =	sst s10  }
0x38: {  	s10 =	sld [smem:$0x3FB7]  }
0x39: {  	_ = 	snop;
	(pc) =	sbr.ind lr, $3  }
0x3a: {  	_ = 	snop  }
0x3b: {  	_ = 	snop  }
0x3c: {  	p2 =	seq.s32 s10, $0x1;
	s10 =	sld [smem:$0x3FB6]  }
0x3d: {  	_ =	shalt  }
0x3e: {  	_ =	shalt  }
0x3f: {  	_ =	shalt  }
0x40: {  	_ =	shalt  }
0x41: {  	_ =	shalt  }
0x42: {  	_ =	shalt  }
0x43: {  	_ =	shalt  }
0x44: {  	_ =	shalt  }
0x45: {  	_ =	shalt  }
0x46: {  	_ =	shalt  }
0x47: {  	_ =	shalt  }
0x48: {  	_ =	shalt  }
0x49: {  	_ =	shalt  }
0x4a: {  	_ =	shalt  }
0x4b: {  	_ =	shalt  }
0x4c: {  	_ =	shalt  }
0x4d: {  	_ =	shalt  }
0x4e: {  	_ =	shalt  }
0x4f: {  	_ =	shalt  }
0x50: {  	_ =	shalt  }
0x51: {  	_ =	shalt  }
0x52: {  	_ =	shalt  }
0x53: {  	_ =	shalt  }
0x54: {  	_ =	shalt  }
0x55: {  	_ =	shalt  }
0x56: {  	_ =	shalt  }
0x57: {  	_ =	shalt  }
0x58: {  	_ =	shalt  }
0x59: {  	_ =	shalt  }
0x5a: {  	_ =	shalt  }
0x5b: {  	_ =	shalt  }
0x5c: {  	_ =	shalt  }
0x5d: {  	_ =	shalt  }
0x5e: {  	_ =	shalt  }
0x5f: {  	_ =	shalt  }
0x60: {  	_ =	shalt  }
0x61: {  	_ =	shalt  }
0x62: {  	_ =	shalt  }
0x63: {  	_ =	shalt  }
0x64: {  	_ =	shalt  }
0x65: {  	_ =	shalt  }
0x66: {  	_ =	shalt  }
0x67: {  	_ =	shalt  }
0x68: {  	_ =	shalt  }
0x69: {  	_ =	shalt  }
0x6a: {  	_ =	shalt  }
0x6b: {  	_ =	shalt  }
0x6c: {  	_ =	shalt  }
0x6d: {  	_ =	shalt  }
0x6e: {  	_ =	shalt  }
0x6f: {  	_ =	shalt  }
0x70: {  	_ =	shalt  }
0x71: {  	_ =	shalt  }
0x72: {  	_ =	shalt  }
0x73: {  	_ =	shalt  }
0x74: {  	_ =	shalt  }
0x75: {  	_ =	shalt  }
0x76: {  	_ =	shalt  }
0x77: {  	_ =	shalt  }
0x78: {  	_ =	shalt  }
0x79: {  	_ =	shalt  }
0x7a: {  	_ =	shalt  }
0x7b: {  	_ =	shalt  }
0x7c: {  	_ =	shalt  }
0x7d: {  	_ =	shalt  }
0x7e: {  	_ =	shalt  }
0x7f: {  	_ =	shalt  }
0x80: {  	_ =	shalt  }
0x81: {  	_ =	shalt  }
0x82: {  	_ =	shalt  }
0x83: {  	_ =	shalt  }
0x84: {  	_ =	shalt  }
0x85: {  	_ =	shalt  }
0x86: {  	_ =	shalt  }
0x87: {  	_ =	shalt  }
.Lfunc_end0:
.L_simem_size_0:
called_computation_lowered:
.L_overlay_start_0:
0x88: {  	s2 =	sld [smem:$0x3FD9]  }
0x89: {  	s3 =	sld [smem:$0x3FFE];
	_ =	sdelay $0x1  }
0x8a: {  	s1 =	srdreg.scid  }
0x8b: {  	s0 =	sand.u32 $0x1, s1  }
0x8c: {  	s16 =	sshll.u32 s0, $0xA;
	s2 =	sadd.s32 s3, s2  }
0x8d: {  	s2 =	sadd.s32 s2, s16  }
0x8e: {  	[smem:$0x3FC2] =	sst s2  }
0x8f: {  	_ = 	snop  }
0x90: {  	(tm) =	ssettm $0x1  }
0x91: {  	s17 =	sld [smem:$0x3FFB];
	_ =	sdelay $0x3  }
0x92: {  	_ =	strace s17  }
0x93: {  	s2 =	sld [smem:$0x3FFC];
	_ =	sdelay $0x3  }
0x94: {  	_ =	strace s2  }
0x95: {  	s2 =	sld [smem:$0x3FFD];
	_ =	sdelay $0x3  }
0x96: {  	_ =	strace s2  }
0x97: {  	_ =	strace $0x8FFFFFFF  }
0x98: {  	s18 =	sld [smem:$0x3FDB];
	_ =	sdelay $0x1  }
0x99: {  	s19 =	simm.s32 $_scs_section_size  }
0x9a: {  	s4 =	simm.s32 $_size__tile_overlayer_lowered;
	s5 =	simm.s32 $_tile_overlayer_lowered  }
0x9b: {  	s22 =	simm.s32 $0x1BFF;
	s21 =	sshll.u32 s5, $0x1;
	s2 =	sadd.s32 s19, s18  }
0x9c: {  	s6 =	simm.s32 $0x0;
	s20 =	sshll.u32 s4, $0x1;
	s4 =	sadd.s32 s21, s2  }
0x9d: {  	[timem:s6], [sflag:s22] =	dma.local [hbm:s4], s20  }
0x9e: {  	_ =	swait.ge [sflag:s22], s20  }
0x9f: {  	s3 =	ssub.s32 $0x0, s20;
	[sflag:s22] =	ssyncset.done $0x0  }
0xa0: {  	[sflag:s22] =	ssyncadd.s32 s3;
	_ =	sdelay $0x1  }
0xa1: {  	s23 =	simm.s32 $0x1B8B  }
0xa2: {  	_ =	swait.ge [sflag:s23], $0x1  }
0xa3: {  	[sflag:s23] =	ssyncset.done $0x0  }
0xa4: {  	s25 =	simm.s32 $0x1B8E;
	s24 =	sld [smem:$0x3FFE];
	[sflag:s23] =	ssyncadd.s32 $0xFFFFFFFF  }
0xa5: {  	s26 =	simm.s32 $execute0_lowered;
	[smem:$0x3FD2] =	sst s25  }
0xa6: {  	s4 =	sshll.u32 s26, $0x1;
	_ =	strace $0x80000046;
	[dreg:$0x1] =	wrdreg $0xFFFFFFFF  }
0xa7: {  	s28 =	simm.s32 $_size_execute0_lowered;
	s2 =	sadd.s32 s2, s4;
	[dreg:$0x0] =	wrdreg $0x0  }
0xa8: {  	s4 =	sshll.u32 s28, $0x1;
	[dreg:$0x2] =	wrdreg s2  }
0xa9: {  	[dreg:$0x3] =	wrdreg s4  }
0xaa: {  	[dreg:$0x4] =	wrdreg $0xC0  }
0xab: {  	_ =	task [dreg:s6], $0x5FFFF  }
0xac: {  	[dreg:$0x1] =	wrdreg $0xFFFFFFFF  }
0xad: {  	[dreg:$0x0] =	wrdreg $0x60  }
0xae: {  	[dreg:$0x2] =	wrdreg s24  }
0xaf: {  	[dreg:$0x3] =	wrdreg $0x1D000  }
0xb0: {  	[dreg:$0x4] =	wrdreg $0x9  }
0xb1: {  	_ =	task.clear_ibuf [dreg:s6], $0x5FFFF;
	_ =	strace $0x90000046  }
0xb2: {  	s29 =	simm.s32 $0x9;
	_ =	strace $0x80000048  }
0xb3: {  	_ =	swait.ge [sflag:s29], $0x1  }
0xb4: {  	[sflag:s29] =	ssyncadd.s32 $0xFFFFFFFF  }
0xb5: {  	_ =	strace $0x90000048  }
0xb6: {  	_ =	sfence  }
0xb7: {  	s30 =	sld [smem:$0x0];
	_ =	sdelay $0x2  }
0xb8: {  	s31 =	sshll.u32 s1, $0xD;
	s1 =	sshrl.u32 s1, $0x2  }
0xb9: {  	s3 =	sand.u32 $0x4000, s31;
	s1 =	sadd.s32 s1, s30  }
0xba: {  	s0 =	sor.u32 s3, s0;
	s1 =	sshll.u32 s1, $0x11  }
0xbb: {  	s0 =	sor.u32 s1, s0  }
0xbc: {  	s0 =	sadd.s32 $0x8F2B, s0  }
0xbd: {  	[sflag:s0] =	ssyncadd.remote.s32 $0x1  }
0xbe: {  	_ =	sfence.sel $0xFFFF  }
0xbf: {  	[dreg:$0x0] =	wrdreg $0xFFFFFFFF;
	(pc) =	sbr.abs _section_cstart, $3  }
0xc0: {  	[dreg:$0x1] =	wrdreg $0xFFFFFFFF  }
0xc1: {  	_ =	task.clear_ibuf [dreg:s6], $0x2FFFF;
	_ =	strace $0x9FFFFFFF  }
0xc2: {  	(tm) =	ssettm $0x7FFFFFFF  }
0xc3: {  	_ =	shalt  }
tec
execute0_lowered:
.L_overlay_start_1:
0x0: {  	(tag) =	ssettag $0x1  }
0x1: {  	s4 =	rddreg [dreg:$0x0]  }
0x2: {  	s2 =	rddreg [dreg:$0x1]  }
0x3: {  	s0 =	rddreg [dreg:$0x2]  }
0x4: {  	s1 =	stileid.u32;
	s5 =	srdreg.scid  }
0x5: {  	s3 =	simm.s32 $0x0;
	s12 =	simm.s32 $0x400;
	s13 =	simm.s32 $0x100  }
0x6: {  	s14 =	simm.s32 $0x180;
	s15 =	simm.s32 $0x200;
	s16 =	simm.s32 $0x280  }
0x7: {  	s17 =	simm.s32 $0x300;
	s18 =	simm.s32 $0x380;
	s19 =	simm.s32 $0x2  }
0x8: {  	s22 =	simm.s32 $0x0;
	s5 =	sand.u32 $0x1, s5;
	s6 =	smul.u32 $0x1880, s1  }
0x9: {  	[smem:$0x7FF] =	sst s3;
	s8 =	smul.u32 $0xC400, s1;
	s20 =	sshll.u32 s1, $0x6  }
0xa: {  	s7 =	smul.u32 $0x18800, s5;
	_ =	strace $0x80000047;
	s9 =	ssub.s32 $0x2, s5  }
0xb: {  	s11 =	smul.u32 $0x6200, s5;
	s20 =	sor.u32 $0x1C03, s20;
	s10 =	sshrl.u32 s9, $0x1  }
0xc: {  	s8 =	sadd.s32 s8, s4;
	s7 =	sadd.s32 s6, s7;
	s31 =	ssub.s32 s9, s10  }
0xd: {  	s8 =	sadd.s32 s11, s8;
	s9 =	simm.s32 $0x3;
	s7 =	sshrl.u32 s7, $0x3  }
0xe: {  	s10 =	simm.s32 $0x1;
	s11 =	simm.s32 $0x80;
	s30 =	sadd.s32 s7, s4  }
0xf: {  	s4 =	sadd.s32 s6, s2;
	s6 =	smax.u32 s31, $0x1;
	s7 =	sadd.s32 $0x18AE00, s8  }
0x10: {  	v0 =	vimm.f32 $0.0e+00;
	v1 =	vimm.f32 $1.000000000e+00;
	s8 =	simm.s32 $0x480;
	s5 =	sadd.s32 $0x3800, s30;
	s21 =	sshrl.u32 s4, $0x3  }
.LBB2_1:
0x11: {  	s23 =	simm.s32 $0x40;
	s24 =	simm.s32 $0x0  }
.LBB2_2:
0x12: {  	p0 =	sne.s32 s23, $0x61C0;
	[tilespmem:s24+$0x480] =	vst v0;
	s24 =	smov.u32 s23;
	s23 =	sadd.s32 $0x40, s23  }
.Ltmp0:
0x13: {  	(pc) =	sbr.rel @p0 .LBB2_2-.Ltmp0, $2  }
0x14: {  	_ =	sdelay $0x2  }
0x15: {  	s24 =	sshra.s32 s24, $0x2  }
0x16: {  	[tilespmem:s24+$0x480] =	vst v0  }
0x17: {  	[tilespmem:$0x400] =	vst v1  }
0x18: {  	[tilespmem:$0x410] =	vst v1  }
0x19: {  	[tilespmem:$0x420] =	vst v1  }
0x1a: {  	[tilespmem:$0x430] =	vst v1  }
0x1b: {  	[tilespmem:$0x440] =	vst v1  }
0x1c: {  	[tilespmem:$0x450] =	vst v1  }
0x1d: {  	[tilespmem:$0x460] =	vst v1  }
0x1e: {  	[tilespmem:$0x470] =	vst v1  }
0x1f: {  	[spmem:s4] =	stream.linear.scatter [tilespmem:s8], [sflag:$0x3], $0x1880, $0x38;
	[tilespmem:$0x3580] =	vst v63  }
0x20: {  	_ =	swait.ge [sflag:s9], $0x1880  }
0x21: {  	[sflag:s9] =	ssyncset.done $0x0  }
0x22: {  	[sflag:s9] =	ssyncadd.s32 $0xFFFFE780  }
0x23: {  	s23 =	sadd.s32 $0x0, s7;
	[bflag:$0x0] =	sbarrier.arrive $0xFFFF  }
0x24: {  	[tilespmem:s3], [sflag:$0x1] =	stream.linear.gather [hbm4b:s23+s3], $0x400, $0x38;
	[tilespmem:$0x3580] =	vst v63  }
0x25: {  	_ =	swait.ge [sflag:s10], $0x400  }
0x26: {  	[sflag:s10] =	ssyncset.done $0x0  }
0x27: {  	[sflag:s10] =	ssyncadd.s32 $0xFFFFFC00  }
0x28: {  	[spmem:s2] =	stream.indirect.scatter.add.f32 [tilespmem:s12], [sflag:$0x2], $0x1, s3, s11, $0xb8;
	[tilespmem:$0x3580] =	vst v63  }
0x29: {  	_ = 	snop  }
0x2a: {  	[spmem:s2] =	stream.indirect.scatter.add.f32 [tilespmem:s12], [sflag:$0x2], $0x1, s11, s11, $0xb8;
	[tilespmem:$0x3580] =	vst v63  }
0x2b: {  	_ = 	snop  }
0x2c: {  	[spmem:s2] =	stream.indirect.scatter.add.f32 [tilespmem:s12], [sflag:$0x2], $0x1, s13, s11, $0xb8;
	[tilespmem:$0x3580] =	vst v63  }
0x2d: {  	_ = 	snop  }
0x2e: {  	[spmem:s2] =	stream.indirect.scatter.add.f32 [tilespmem:s12], [sflag:$0x2], $0x1, s14, s11, $0xb8;
	[tilespmem:$0x3580] =	vst v63  }
0x2f: {  	_ = 	snop  }
0x30: {  	[spmem:s2] =	stream.indirect.scatter.add.f32 [tilespmem:s12], [sflag:$0x2], $0x1, s15, s11, $0xb8;
	[tilespmem:$0x3580] =	vst v63  }
0x31: {  	_ = 	snop  }
0x32: {  	[spmem:s2] =	stream.indirect.scatter.add.f32 [tilespmem:s12], [sflag:$0x2], $0x1, s16, s11, $0xb8;
	[tilespmem:$0x3580] =	vst v63  }
0x33: {  	_ = 	snop  }
0x34: {  	[spmem:s2] =	stream.indirect.scatter.add.f32 [tilespmem:s12], [sflag:$0x2], $0x1, s17, s11, $0xb8;
	[tilespmem:$0x3580] =	vst v63  }
0x35: {  	_ = 	snop  }
0x36: {  	[spmem:s2] =	stream.indirect.scatter.add.f32 [tilespmem:s12], [sflag:$0x2], $0x1, s18, s11, $0xb8;
	[tilespmem:$0x3580] =	vst v63  }
0x37: {  	_ =	swait.ge [sflag:s19], $0x80  }
0x38: {  	[sflag:s19] =	ssyncset.done $0x0  }
0x39: {  	[sflag:s19] =	ssyncadd.s32 $0xFFFFFF80  }
0x3a: {  	_ =	swait.ge [sflag:s19], $0x80  }
0x3b: {  	[sflag:s19] =	ssyncset.done $0x0  }
0x3c: {  	[sflag:s19] =	ssyncadd.s32 $0xFFFFFF80  }
0x3d: {  	_ =	swait.ge [sflag:s19], $0x80  }
0x3e: {  	[sflag:s19] =	ssyncset.done $0x0  }
0x3f: {  	[sflag:s19] =	ssyncadd.s32 $0xFFFFFF80  }
0x40: {  	_ =	swait.ge [sflag:s19], $0x80  }
0x41: {  	[sflag:s19] =	ssyncset.done $0x0  }
0x42: {  	[sflag:s19] =	ssyncadd.s32 $0xFFFFFF80  }
0x43: {  	_ =	swait.ge [sflag:s19], $0x80  }
0x44: {  	[sflag:s19] =	ssyncset.done $0x0  }
0x45: {  	[sflag:s19] =	ssyncadd.s32 $0xFFFFFF80  }
0x46: {  	_ =	swait.ge [sflag:s19], $0x80  }
0x47: {  	[sflag:s19] =	ssyncset.done $0x0  }
0x48: {  	[sflag:s19] =	ssyncadd.s32 $0xFFFFFF80  }
0x49: {  	_ =	swait.ge [sflag:s19], $0x80  }
0x4a: {  	[sflag:s19] =	ssyncset.done $0x0  }
0x4b: {  	[sflag:s19] =	ssyncadd.s32 $0xFFFFFF80  }
0x4c: {  	_ =	swait.ge [sflag:s19], $0x80  }
0x4d: {  	s25 =	simm.s32 $0x100;
	s23 =	simm.s32 $0x80;
	[sflag:s19] =	ssyncset.done $0x0  }
.LBB2_4:
0x4e: {  	s26 =	sadd.s32 s23, s7  }
0x4f: {  	[sflag:s19] =	ssyncadd.s32 $0xFFFFFF80;
	s23 =	smov.u32 s25;
	s24 =	sadd.s32 $0x80, s25  }
0x50: {  	[tilespmem:s3], [sflag:$0x1] =	stream.linear.gather [hbm4b:s26+s3], $0x400, $0x38;
	[tilespmem:$0x3580] =	vst v63  }
0x51: {  	p0 =	sne.s32 s25, $0x6180;
	_ =	swait.ge [sflag:s10], $0x400  }
0x52: {  	[sflag:s10] =	ssyncset.done $0x0  }
0x53: {  	[sflag:s10] =	ssyncadd.s32 $0xFFFFFC00  }
0x54: {  	[spmem:s2] =	stream.indirect.scatter.add.f32 [tilespmem:s12], [sflag:$0x2], $0x1, s3, s11, $0xb8;
	[tilespmem:$0x3580] =	vst v63  }
0x55: {  	_ = 	snop  }
0x56: {  	[spmem:s2] =	stream.indirect.scatter.add.f32 [tilespmem:s12], [sflag:$0x2], $0x1, s11, s11, $0xb8;
	[tilespmem:$0x3580] =	vst v63  }
0x57: {  	_ = 	snop  }
0x58: {  	[spmem:s2] =	stream.indirect.scatter.add.f32 [tilespmem:s12], [sflag:$0x2], $0x1, s13, s11, $0xb8;
	[tilespmem:$0x3580] =	vst v63  }
0x59: {  	_ = 	snop  }
0x5a: {  	[spmem:s2] =	stream.indirect.scatter.add.f32 [tilespmem:s12], [sflag:$0x2], $0x1, s14, s11, $0xb8;
	[tilespmem:$0x3580] =	vst v63  }
0x5b: {  	_ = 	snop  }
0x5c: {  	[spmem:s2] =	stream.indirect.scatter.add.f32 [tilespmem:s12], [sflag:$0x2], $0x1, s15, s11, $0xb8;
	[tilespmem:$0x3580] =	vst v63  }
0x5d: {  	_ = 	snop  }
0x5e: {  	[spmem:s2] =	stream.indirect.scatter.add.f32 [tilespmem:s12], [sflag:$0x2], $0x1, s16, s11, $0xb8;
	[tilespmem:$0x3580] =	vst v63  }
0x5f: {  	_ = 	snop  }
0x60: {  	[spmem:s2] =	stream.indirect.scatter.add.f32 [tilespmem:s12], [sflag:$0x2], $0x1, s17, s11, $0xb8;
	[tilespmem:$0x3580] =	vst v63  }
0x61: {  	_ = 	snop  }
0x62: {  	[spmem:s2] =	stream.indirect.scatter.add.f32 [tilespmem:s12], [sflag:$0x2], $0x1, s18, s11, $0xb8;
	[tilespmem:$0x3580] =	vst v63  }
0x63: {  	_ =	swait.ge [sflag:s19], $0x80  }
0x64: {  	[sflag:s19] =	ssyncset.done $0x0  }
0x65: {  	[sflag:s19] =	ssyncadd.s32 $0xFFFFFF80  }
0x66: {  	_ =	swait.ge [sflag:s19], $0x80  }
0x67: {  	[sflag:s19] =	ssyncset.done $0x0  }
0x68: {  	[sflag:s19] =	ssyncadd.s32 $0xFFFFFF80  }
0x69: {  	_ =	swait.ge [sflag:s19], $0x80  }
0x6a: {  	[sflag:s19] =	ssyncset.done $0x0  }
0x6b: {  	[sflag:s19] =	ssyncadd.s32 $0xFFFFFF80  }
0x6c: {  	_ =	swait.ge [sflag:s19], $0x80  }
0x6d: {  	[sflag:s19] =	ssyncset.done $0x0  }
0x6e: {  	[sflag:s19] =	ssyncadd.s32 $0xFFFFFF80  }
0x6f: {  	_ =	swait.ge [sflag:s19], $0x80  }
0x70: {  	[sflag:s19] =	ssyncset.done $0x0  }
0x71: {  	[sflag:s19] =	ssyncadd.s32 $0xFFFFFF80  }
0x72: {  	_ =	swait.ge [sflag:s19], $0x80  }
0x73: {  	[sflag:s19] =	ssyncset.done $0x0  }
0x74: {  	[sflag:s19] =	ssyncadd.s32 $0xFFFFFF80  }
.Ltmp1:
0x75: {  	_ =	swait.ge [sflag:s19], $0x80;
	(pc) =	sbr.rel @p0 .LBB2_4-.Ltmp1, $4  }
0x76: {  	[sflag:s19] =	ssyncset.done $0x0  }
0x77: {  	[sflag:s19] =	ssyncadd.s32 $0xFFFFFF80  }
0x78: {  	_ =	swait.ge [sflag:s19], $0x80  }
0x79: {  	s25 =	smov.u32 s24;
	[sflag:s19] =	ssyncset.done $0x0  }
0x7a: {  	s23 =	sadd.s32 s23, s7;
	[sflag:s19] =	ssyncadd.s32 $0xFFFFFF80  }
0x7b: {  	[tilespmem:s3], [sflag:$0x1] =	stream.linear.gather [hbm4b:s23+s3], $0x400, $0x38;
	[tilespmem:$0x3580] =	vst v63  }
0x7c: {  	_ =	swait.ge [sflag:s10], $0x400  }
0x7d: {  	[sflag:s10] =	ssyncset.done $0x0  }
0x7e: {  	[sflag:s10] =	ssyncadd.s32 $0xFFFFFC00  }
0x7f: {  	[spmem:s2] =	stream.indirect.scatter.add.f32 [tilespmem:s12], [sflag:$0x2], $0x1, s3, s11, $0xb8;
	[tilespmem:$0x3580] =	vst v63  }
0x80: {  	_ = 	snop  }
0x81: {  	[spmem:s2] =	stream.indirect.scatter.add.f32 [tilespmem:s12], [sflag:$0x2], $0x1, s11, s11, $0xb8;
	[tilespmem:$0x3580] =	vst v63  }
0x82: {  	_ = 	snop  }
0x83: {  	[spmem:s2] =	stream.indirect.scatter.add.f32 [tilespmem:s12], [sflag:$0x2], $0x1, s13, s11, $0xb8;
	[tilespmem:$0x3580] =	vst v63  }
0x84: {  	_ = 	snop  }
0x85: {  	[spmem:s2] =	stream.indirect.scatter.add.f32 [tilespmem:s12], [sflag:$0x2], $0x1, s14, s11, $0xb8;
	[tilespmem:$0x3580] =	vst v63  }
0x86: {  	_ = 	snop  }
0x87: {  	[spmem:s2] =	stream.indirect.scatter.add.f32 [tilespmem:s12], [sflag:$0x2], $0x1, s15, s11, $0xb8;
	[tilespmem:$0x3580] =	vst v63  }
0x88: {  	_ = 	snop  }
0x89: {  	[spmem:s2] =	stream.indirect.scatter.add.f32 [tilespmem:s12], [sflag:$0x2], $0x1, s16, s11, $0xb8;
	[tilespmem:$0x3580] =	vst v63  }
0x8a: {  	_ = 	snop  }
0x8b: {  	[spmem:s2] =	stream.indirect.scatter.add.f32 [tilespmem:s12], [sflag:$0x2], $0x1, s17, s11, $0xb8;
	[tilespmem:$0x3580] =	vst v63  }
0x8c: {  	_ = 	snop  }
0x8d: {  	[spmem:s2] =	stream.indirect.scatter.add.f32 [tilespmem:s12], [sflag:$0x2], $0x1, s18, s11, $0xb8;
	[tilespmem:$0x3580] =	vst v63  }
0x8e: {  	_ =	swait.ge [sflag:s19], $0x80  }
0x8f: {  	[sflag:s19] =	ssyncset.done $0x0  }
0x90: {  	[sflag:s19] =	ssyncadd.s32 $0xFFFFFF80  }
0x91: {  	_ =	swait.ge [sflag:s19], $0x80  }
0x92: {  	[sflag:s19] =	ssyncset.done $0x0  }
0x93: {  	[sflag:s19] =	ssyncadd.s32 $0xFFFFFF80  }
0x94: {  	_ =	swait.ge [sflag:s19], $0x80  }
0x95: {  	[sflag:s19] =	ssyncset.done $0x0  }
0x96: {  	[sflag:s19] =	ssyncadd.s32 $0xFFFFFF80  }
0x97: {  	_ =	swait.ge [sflag:s19], $0x80  }
0x98: {  	[sflag:s19] =	ssyncset.done $0x0  }
0x99: {  	[sflag:s19] =	ssyncadd.s32 $0xFFFFFF80  }
0x9a: {  	_ =	swait.ge [sflag:s19], $0x80  }
0x9b: {  	[sflag:s19] =	ssyncset.done $0x0  }
0x9c: {  	[sflag:s19] =	ssyncadd.s32 $0xFFFFFF80  }
0x9d: {  	_ =	swait.ge [sflag:s19], $0x80  }
0x9e: {  	[sflag:s19] =	ssyncset.done $0x0  }
0x9f: {  	[sflag:s19] =	ssyncadd.s32 $0xFFFFFF80  }
0xa0: {  	_ =	swait.ge [sflag:s19], $0x80  }
0xa1: {  	[sflag:s19] =	ssyncset.done $0x0  }
0xa2: {  	[sflag:s19] =	ssyncadd.s32 $0xFFFFFF80  }
0xa3: {  	_ =	swait.ge [sflag:s19], $0x80  }
0xa4: {  	s22 =	sadd.s32 $0x1, s22;
	[sflag:s19] =	ssyncset.done $0x0  }
0xa5: {  	p0 =	sne.s32 s22, s6;
	[sflag:s19] =	ssyncadd.s32 $0xFFFFFF80  }
.Ltmp2:
0xa6: {  	[bflag:$0x0] =	sbarrier.arrive $0xFFFF;
	(pc) =	sbr.rel @p0 .LBB2_1-.Ltmp2, $4  }
0xa7: {  	[hbm:s5], [sflag:s20] =	dma.local [spmem:s21], $0x310  }
0xa8: {  	_ =	swait.ge [sflag:s9], $0x310  }
0xa9: {  	[sflag:s9] =	ssyncset.done $0x0  }
0xaa: {  	[sflag:s9] =	ssyncadd.s32 $0xFFFFFCF0  }
0xab: {  	_ =	sfence.sel $0x180000  }
0xac: {  	[bflag:$0x0] =	sbarrier.arrive $0xFFFF  }
0xad: {  	p0 =	sne.s32 s1, $0x0;
	_ =	strace $0x90000047  }
0xae: {  	s0 =	sadd.s32 @!p0 $0x100000, s0;
	[bflag:$0x2] =	sbarrier.arrive $0xFFFF  }
0xaf: {  	[sflag:s0] =	ssyncadd.tile.s32 @!p0 $0x1;
	_ =	shalt  }
.Lfunc_end2:
_tile_overlayer_lowered:
.L_overlay_start_2:
0xb0: {  	(tag) =	ssettag $0x2  }
0xb1: {  	s0 =	rddreg [dreg:$0x0];
	s2 =	stileid.u32  }
0xb2: {  	s1 =	rddreg [dreg:$0x1];
	p0 =	sne.s32 s2, $0x0  }
0xb3: {  	s3 =	rddreg [dreg:$0x2];
	[bflag:$0x3] =	sbarrier.arrive $0xFFFF;
	s2 =	simm.s32 @!p0 $0x1C03  }
0xb4: {  	[timem:s3], [sflag:s2] =	dma.local @!p0 [hbm:s0], s1  }
0xb5: {  	s0 =	simm.s32 @!p0 $0x3  }
0xb6: {  	_ =	swait.ge @!p0 [sflag:s0], s1  }
0xb7: {  	s1 =	ssub.s32 @!p0 $0x0, s1;
	[sflag:s0] =	ssyncset.done @!p0 $0x0  }
0xb8: {  	[sflag:s0] =	ssyncadd.s32 @!p0 s1  }
0xb9: {  	[bflag:$0x3] =	sbarrier.arrive $0xFFFF  }
0xba: {  	_ =	shalt  }

</sc_bundles>
